<compile_context>
chip_gen: v7x
topology: tpu7x:2x2x1
jax: 0.10.2.dev20260603
libtpu: 0.0.44.dev20260713+nightly
codegen_flags: <defaults>
</compile_context>

<pallas_src>
import dataclasses
import functools

import jax
import jax.numpy as jnp
from jax import lax
from jax.experimental import pallas as pl
from jax.experimental.pallas import tpu as pltpu
from jax.experimental.pallas import tpu_sc as plsc

N = 10000
E = 320000
CIN = 128
HID = 128
NCLS = 40

NC = 2
NS = 16
NW = NC * NS
CHUNK = 128
EP = 327680
EPW = EP // NW
NCH = EPW // CHUNK
NP = 10240
RPT = NP // NS
DUMP = 10200

_MESH = plsc.VectorSubcoreMesh(core_axis_name="c", subcore_axis_name="s")
_F32 = jnp.float32

_CP = pltpu.CompilerParams()
if "needs_layout_passes" in pltpu.CompilerParams.__dataclass_fields__:
    _CP = dataclasses.replace(_CP, needs_layout_passes=False)


def _deg_kernel(col_hbm):
    out = jax.ShapeDtypeStruct((NW * NP,), _F32)

    @functools.partial(
        pl.kernel,
        out_type=out,
        mesh=_MESH,
        compiler_params=_CP,
        scratch_types=[
            pltpu.VMEM((NP,), _F32),
            pltpu.VMEM((NCH, CHUNK), jnp.int32),
        ],
    )
    def deg(col_ref, out_ref, hist, colv):
        sid = lax.axis_index("s")
        cid = lax.axis_index("c")
        wid = sid * NC + cid
        pltpu.sync_copy(col_ref.at[wid], colv)

        @pl.loop(0, NP // 16)
        def _(i):
            hist[pl.ds(i * 16, 16)] = jnp.zeros((16,), _F32)

        @pl.loop(0, NCH)
        def _(j):
            @pl.loop(0, CHUNK // 16)
            def _(c):
                idx = colv[j, pl.ds(c * 16, 16)]
                plsc.addupdate_scatter(hist, [idx], jnp.ones((16,), _F32))

        pltpu.sync_copy(hist, out_ref.at[pl.ds(wid * NP, NP)])

    return deg(col_hbm)


GLEN = 16
NG0 = 9
NG1 = 1
C0 = NG0 * GLEN
C1 = NG1 * GLEN


def _agg_kernel(y_hbm, row_hbm, col_hbm):
    out = jax.ShapeDtypeStruct((NC * NP, HID), _F32)

    @functools.partial(
        pl.kernel,
        out_type=out,
        mesh=_MESH,
        scratch_types=[
            pltpu.VMEM_SHARED((NP, HID), _F32),
            pltpu.VMEM((GLEN, CHUNK), jnp.int32),
            pltpu.VMEM((GLEN, CHUNK), jnp.int32),
            pltpu.VMEM((CHUNK, HID), _F32),
            pltpu.VMEM((CHUNK, HID), _F32),
            pltpu.SemaphoreType.DMA,
            pltpu.SemaphoreType.DMA,
            pltpu.SemaphoreType.DMA,
            pltpu.SemaphoreType.DMA,
        ],
    )
    def agg(y_ref, row_ref, col_ref, out_ref,
            acc, rowv, colv, gbuf0, gbuf1, sem0, sem1, ssem0, ssem1):
        sid = lax.axis_index("s")
        cid = lax.axis_index("c")
        ngrp = NG0 - cid * (NG0 - NG1)
        cbase = cid * NS * C0 + sid * (C0 - cid * (C0 - C1))

        @pl.loop(0, CHUNK * HID // 16)
        def _(i):
            r = i // (HID // 16)
            c = (i % (HID // 16)) * 16
            gbuf0[r, pl.ds(c, 16)] = jnp.zeros((16,), _F32)

        @pl.loop(0, RPT // CHUNK)
        def _(k):
            pltpu.sync_copy(gbuf0, acc.at[pl.ds(sid * RPT + k * CHUNK, CHUNK)])

        plsc.subcore_barrier()

        bufs = (gbuf0, gbuf1)
        sems = (sem0, sem1)
        ssems = (ssem0, ssem1)

        @pl.loop(0, ngrp)
        def _(g):
            base = cbase + g * GLEN
            pltpu.sync_copy(row_ref.at[pl.ds(base, GLEN)], rowv)
            pltpu.sync_copy(col_ref.at[pl.ds(base, GLEN)], colv)
            gd = [None, None]
            sd = [None, None]
            gd[0] = pltpu.async_copy(y_ref.at[rowv.at[0]], bufs[0], sems[0])
            for t in range(GLEN):
                cur = t % 2
                gd[cur].wait()
                sd[cur] = pltpu.async_copy(bufs[cur], acc.at[colv.at[t]],
                                           ssems[cur], add=True)
                if t + 1 < GLEN:
                    if sd[1 - cur] is not None:
                        sd[1 - cur].wait()
                    gd[1 - cur] = pltpu.async_copy(y_ref.at[rowv.at[t + 1]],
                                                   bufs[1 - cur], sems[1 - cur])
            sd[1].wait()

        plsc.subcore_barrier()
        pltpu.sync_copy(acc.at[pl.ds(sid * RPT, RPT)],
                        out_ref.at[pl.ds(cid * NP + sid * RPT, RPT)])

    return agg(y_hbm, row_hbm, col_hbm)



BLK = 1000


def _mm1_body(x_ref, w_ref, o_ref):
    o_ref[...] = jnp.dot(x_ref[...], w_ref[...],
                         preferred_element_type=_F32,
                         precision=lax.Precision.HIGHEST)


def _matmul1(x, w):
    return pl.pallas_call(
        _mm1_body,
        grid=(N // BLK,),
        in_specs=[
            pl.BlockSpec((BLK, CIN), lambda i: (i, 0)),
            pl.BlockSpec((CIN, HID), lambda i: (0, 0)),
        ],
        out_specs=pl.BlockSpec((BLK, HID), lambda i: (i, 0)),
        out_shape=jax.ShapeDtypeStruct((N, HID), _F32),
    )(x, w)


def _scale_body(xw_ref, deg_ref, y_ref):
    y_ref[...] = xw_ref[...] * lax.rsqrt(deg_ref[...])


def _scale(xw, deg):
    return pl.pallas_call(
        _scale_body,
        grid=(N // BLK,),
        in_specs=[
            pl.BlockSpec((BLK, HID), lambda i: (i, 0)),
            pl.BlockSpec((BLK, 1), lambda i: (i, 0)),
        ],
        out_specs=pl.BlockSpec((BLK, HID), lambda i: (i, 0)),
        out_shape=jax.ShapeDtypeStruct((N, HID), _F32),
    )(xw, deg)


def _mid_body(s0_ref, s1_ref, y1_ref, deg_ref, b1_ref, w2_ref, y2_ref):
    dinv = lax.rsqrt(deg_ref[...])
    h = (s0_ref[...] + s1_ref[...] + y1_ref[...]) * dinv + b1_ref[...]
    h = jnp.maximum(h, 0.0)
    y2_ref[...] = jnp.dot(h, w2_ref[...],
                          preferred_element_type=_F32,
                          precision=lax.Precision.HIGHEST) * dinv


def _mid(s0, s1, y1, deg, b1, w2p):
    return pl.pallas_call(
        _mid_body,
        grid=(N // BLK,),
        in_specs=[
            pl.BlockSpec((BLK, HID), lambda i: (i, 0)),
            pl.BlockSpec((BLK, HID), lambda i: (i, 0)),
            pl.BlockSpec((BLK, HID), lambda i: (i, 0)),
            pl.BlockSpec((BLK, 1), lambda i: (i, 0)),
            pl.BlockSpec((1, HID), lambda i: (0, 0)),
            pl.BlockSpec((HID, HID), lambda i: (0, 0)),
        ],
        out_specs=pl.BlockSpec((BLK, HID), lambda i: (i, 0)),
        out_shape=jax.ShapeDtypeStruct((N, HID), _F32),
    )(s0, s1, y1, deg, b1, w2p)


def _fin_body(s0_ref, s1_ref, y2_ref, deg_ref, b2_ref, o_ref):
    dinv = lax.rsqrt(deg_ref[...])
    t = (s0_ref[...] + s1_ref[...] + y2_ref[...]) * dinv
    o_ref[...] = t[:, :NCLS] + b2_ref[...]


def _fin(s0, s1, y2, deg, b2):
    return pl.pallas_call(
        _fin_body,
        grid=(N // BLK,),
        in_specs=[
            pl.BlockSpec((BLK, HID), lambda i: (i, 0)),
            pl.BlockSpec((BLK, HID), lambda i: (i, 0)),
            pl.BlockSpec((BLK, HID), lambda i: (i, 0)),
            pl.BlockSpec((BLK, 1), lambda i: (i, 0)),
            pl.BlockSpec((1, NCLS), lambda i: (0, 0)),
        ],
        out_specs=pl.BlockSpec((BLK, NCLS), lambda i: (i, 0)),
        out_shape=jax.ShapeDtypeStruct((N, NCLS), _F32),
    )(s0, s1, y2, deg, b2)


def kernel(x, edge_index, W1, b1, W2, b2):
    ei = edge_index.astype(jnp.int32)
    rowp = jnp.concatenate([ei[0], jnp.zeros((EP - E,), jnp.int32)])
    colp = jnp.concatenate([ei[1], jnp.full((EP - E,), DUMP, jnp.int32)])
    row3 = rowp.reshape(NW, NCH, CHUNK)
    col3 = colp.reshape(NW, NCH, CHUNK)
    row2 = rowp.reshape(NW * NCH, CHUNK)
    col2 = colp.reshape(NW * NCH, CHUNK)
    b1r = b1.reshape(1, HID)
    b2r = b2.reshape(1, NCLS)
    w2p = jnp.concatenate([W2, jnp.zeros((HID, HID - NCLS), _F32)], axis=1)

    hist = _deg_kernel(col3)
    xw = _matmul1(x, W1)
    deg = (hist.reshape(NW, NP).sum(axis=0)[:N] + 1.0).reshape(N, 1)
    y1 = _scale(xw, deg)
    s1 = _agg_kernel(y1, row2, col2)
    y2 = _mid(s1[:N], s1[NP:NP + N], y1, deg, b1r, w2p)
    s2 = _agg_kernel(y2, row2, col2)
    return _fin(s2[:N], s2[NP:NP + N], y2, deg, b2r)

# --- scband reference (transcript-rebuilt; emitter-appended) ---
"""Pipeline reference for scband-gcn-94489280548 (READ-ONLY COPY).

The authoritative reference and input builder live on the scoring server;
editing this copy changes nothing except your own understanding.
"""

import jax, jax.numpy as jnp
import numpy as np

N_NODES = 10000
N_EDGES = 320000
IN_CH = 128
HIDDEN = 128
NUM_CLASSES = 40


def setup_inputs(seed: int = 0) -> dict:
    key = jax.random.key(seed)
    k1, k2, k3, k4, k5, k6 = jax.random.split(key, 6)
    x = jax.random.normal(k1, (N_NODES, IN_CH), dtype=jnp.float32)
    edge_index = jax.random.randint(k2, (2, N_EDGES), 0, N_NODES, dtype=jnp.int64)
    # GCNConv params (glorot-style weights, zero bias like PyG defaults)
    W1 = jax.random.normal(k3, (IN_CH, HIDDEN), dtype=jnp.float32) * (1.0 / np.sqrt(IN_CH))
    b1 = jnp.zeros((HIDDEN,), dtype=jnp.float32)
    W2 = jax.random.normal(k4, (HIDDEN, NUM_CLASSES), dtype=jnp.float32) * (1.0 / np.sqrt(HIDDEN))
    b2 = jnp.zeros((NUM_CLASSES,), dtype=jnp.float32)
    return {"x": x, "edge_index": edge_index, "W1": W1, "b1": b1, "W2": W2, "b2": b2}


def gcn_conv(x, edge_index, W, b, num_nodes):
    # Linear transform first (PyG GCNConv order)
    x = x @ W
    row = edge_index[0]
    col = edge_index[1]
    # add self-loops
    loop = jnp.arange(num_nodes, dtype=edge_index.dtype)
    row = jnp.concatenate([row, loop])
    col = jnp.concatenate([col, loop])
    # symmetric normalization: deg computed on destination (col)
    deg = jnp.zeros((num_nodes,), dtype=x.dtype).at[col].add(1.0)
    deg_inv_sqrt = jnp.where(deg > 0, 1.0 / jnp.sqrt(deg), 0.0)
    norm = deg_inv_sqrt[row] * deg_inv_sqrt[col]
    # gather messages from source, scale, scatter-add to destination
    msg = x[row] * norm[:, None]
    out = jnp.zeros((num_nodes, x.shape[1]), dtype=x.dtype).at[col].add(msg)
    return out + b


def reference(x, edge_index, W1, b1, W2, b2):
    # layer 1
    h = gcn_conv(x, edge_index, W1, b1, N_NODES)
    h = jax.nn.relu(h)
    # dropout is identity in eval mode
    # layer 2 (final, no activation)
    out = gcn_conv(h, edge_index, W2, b2, N_NODES)
    return out

if __name__ == "__main__":
    import jax
    _d = setup_inputs()
    print(jax.jit(kernel)(*tuple(_d.values())))

</pallas_src>

<mosaic_0001>
#map = affine_map<(d0, d1) -> (0, 0)>
module attributes {stable_mosaic.version = 14 : i64} {
  func.func @agg(%arg0: i32, %arg1: i32, %arg2: memref<10000x128xf32, #tpu.memory_space<hbm>>, %arg3: memref<2560x128xi32, #tpu.memory_space<hbm>>, %arg4: memref<2560x128xi32, #tpu.memory_space<hbm>>, %arg5: memref<20480x128xf32, #tpu.memory_space<hbm>>, %arg6: memref<10240x128xf32, #tpu.memory_space<vmem_shared>>, %arg7: memref<16x128xi32, #tpu.memory_space<vmem>>, %arg8: memref<16x128xi32, #tpu.memory_space<vmem>>, %arg9: memref<128x128xf32, #tpu.memory_space<vmem>>, %arg10: memref<128x128xf32, #tpu.memory_space<vmem>>, %arg11: memref<!tpu.dma_semaphore, #tpu.memory_space<semaphore_mem>>, %arg12: memref<!tpu.dma_semaphore, #tpu.memory_space<semaphore_mem>>, %arg13: memref<!tpu.dma_semaphore, #tpu.memory_space<semaphore_mem>>, %arg14: memref<!tpu.dma_semaphore, #tpu.memory_space<semaphore_mem>>) attributes {dimension_semantics = [#tpu.dimension_semantics<core_parallel>, #tpu.dimension_semantics<subcore_parallel>], iteration_bounds = array<i64: 2, 16>, scalar_prefetch = 0 : i64, scratch_operands = 9 : i64, tpu.core_type = #tpu.core_type<sc_vector_subcore>, window_params = [{transform_indices = #map}, {transform_indices = #map}, {transform_indices = #map}, {transform_indices = #map}]} {
    %mul3A = arith.constant 8 : i32
    %mul3A_0 = arith.muli %arg0, %mul3A : i32
    %sub3A = arith.constant 9 : i32
    %sub3A_1 = arith.subi %sub3A, %mul3A_0 : i32
    %mul3A_2 = arith.constant 16 : i32
    %mul3A_3 = arith.muli %arg0, %mul3A_2 : i32
    %mul3A_4 = arith.constant 144 : i32
    %mul3A_5 = arith.muli %mul3A_3, %mul3A_4 : i32
    %mul3A_6 = arith.constant 128 : i32
    %mul3A_7 = arith.muli %arg0, %mul3A_6 : i32
    %sub3A_8 = arith.constant 144 : i32
    %sub3A_9 = arith.subi %sub3A_8, %mul3A_7 : i32
    %mul3A_10 = arith.muli %arg1, %sub3A_9 : i32
    %add3A = arith.addi %mul3A_5, %mul3A_10 : i32
    %scan3A = arith.constant 0 : i32
    %scan3A_11 = arith.constant 1024 : i32
    %scan3A_12 = arith.addi %scan3A, %scan3A_11 : i32
    %scan3A_13 = arith.constant 1 : i32
    scf.for %scan3A_45 = %scan3A to %scan3A_12 step %scan3A_13  : i32 {
      %mul3A_46 = arith.constant 1 : i32
      %mul3A_47 = arith.muli %scan3A_45, %mul3A_46 : i32
      %add3A_48 = arith.constant 0 : i32
      %add3A_49 = arith.addi %add3A_48, %mul3A_47 : i32
      %jit3A = arith.constant 8 : i32
      %div3A_50 = arith.divsi %add3A_49, %jit3A : i32
      %sign3A = arith.constant 0 : i32
      %sign3A_51 = arith.cmpi sgt, %add3A_49, %sign3A : i32
      %sign3A_52 = arith.extui %sign3A_51 : i1 to i32
      %sign3A_53 = arith.constant 0 : i32
      %sign3A_54 = arith.cmpi slt, %add3A_49, %sign3A_53 : i32
      %sign3A_55 = arith.extui %sign3A_54 : i1 to i32
      %sign3A_56 = arith.subi %sign3A_52, %sign3A_55 : i32
      %sign3A_57 = arith.constant 0 : i32
      %sign3A_58 = arith.cmpi sgt, %jit3A, %sign3A_57 : i32
      %sign3A_59 = arith.extui %sign3A_58 : i1 to i32
      %sign3A_60 = arith.constant 0 : i32
      %sign3A_61 = arith.cmpi slt, %jit3A, %sign3A_60 : i32
      %sign3A_62 = arith.extui %sign3A_61 : i1 to i32
      %sign3A_63 = arith.subi %sign3A_59, %sign3A_62 : i32
      %ne3A = arith.cmpi ne, %sign3A_56, %sign3A_63 : i32
      %rem3A = arith.remsi %add3A_49, %jit3A : i32
      %ne3A_64 = arith.constant 0 : i32
      %ne3A_65 = arith.cmpi ne, %rem3A, %ne3A_64 : i32
      %and3A = arith.andi %ne3A, %ne3A_65 : i1
      %sub3A_66 = arith.constant 1 : i32
      %sub3A_67 = arith.subi %div3A_50, %sub3A_66 : i32
      %select_n3A = arith.select %and3A, %sub3A_67, %div3A_50 : i32
      %jit3A_68 = arith.constant 8 : i32
      %eq3A = arith.constant 0 : i32
      %eq3A_69 = arith.cmpi eq, %jit3A_68, %eq3A : i32
      %jit3A_70 = arith.constant 1 : i32
      %select_n3A_71 = arith.select %eq3A_69, %jit3A_70, %jit3A_68 : i32
      %rem3A_72 = arith.remsi %add3A_49, %select_n3A_71 : i32
      %ne3A_73 = arith.constant 0 : i32
      %ne3A_74 = arith.cmpi ne, %rem3A_72, %ne3A_73 : i32
      %lt3A = arith.constant 0 : i32
      %lt3A_75 = arith.cmpi slt, %rem3A_72, %lt3A : i32
      %lt3A_76 = arith.constant 0 : i32
      %lt3A_77 = arith.cmpi slt, %select_n3A_71, %lt3A_76 : i32
      %ne3A_78 = arith.xori %lt3A_75, %lt3A_77 : i1
      %and3A_79 = arith.andi %ne3A_78, %ne3A_74 : i1
      %add3A_80 = arith.addi %rem3A_72, %select_n3A_71 : i32
      %select_n3A_81 = arith.select %and3A_79, %add3A_80, %rem3A_72 : i32
      %mul3A_82 = arith.constant 16 : i32
      %mul3A_83 = arith.muli %select_n3A_81, %mul3A_82 : i32
      %broadcast_in_dim3A = arith.constant 0.000000e+00 : f32
      %broadcast_in_dim3A_84 = vector.broadcast %broadcast_in_dim3A : f32 to vector<16xf32>
      %swap3A = arith.index_cast %select_n3A : i32 to index
      %swap3A_85 = arith.index_cast %mul3A_83 : i32 to index
      %swap3A_86 = tpu.vector_load %arg9[%swap3A, %swap3A_85] {strides = array<i32>} : memref<128x128xf32, #tpu.memory_space<vmem>>, vector<1x16xf32>,
      %swap3A_87 = vector.shape_cast %swap3A_86 : vector<1x16xf32> to vector<16xf32>
      %swap3A_88 = vector.shape_cast %broadcast_in_dim3A_84 : vector<16xf32> to vector<1x16xf32>
      tpu.vector_store %arg9[%swap3A, %swap3A_85], %swap3A_88 {strides = array<i32>} : memref<128x128xf32, #tpu.memory_space<vmem>>, vector<1x16xf32>,
    }
    %scan3A_14 = arith.constant 1024 : i32
    %scan3A_15 = arith.constant 0 : i32
    %scan3A_16 = arith.constant 5 : i32
    %scan3A_17 = arith.addi %scan3A_15, %scan3A_16 : i32
    %scan3A_18 = arith.constant 1 : i32
    scf.for %scan3A_45 = %scan3A_15 to %scan3A_17 step %scan3A_18  : i32 {
      %mul3A_46 = arith.constant 1 : i32
      %mul3A_47 = arith.muli %scan3A_45, %mul3A_46 : i32
      %add3A_48 = arith.constant 0 : i32
      %add3A_49 = arith.addi %add3A_48, %mul3A_47 : i32
      %mul3A_50 = arith.constant 640 : i32
      %mul3A_51 = arith.muli %arg1, %mul3A_50 : i32
      %mul3A_52 = arith.constant 128 : i32
      %mul3A_53 = arith.muli %add3A_49, %mul3A_52 : i32
      %add3A_54 = arith.addi %mul3A_51, %mul3A_53 : i32
      "tpu.region"() ({
        %run_scoped3A = tpu.sem_alloc : memref<!tpu.dma_semaphore, #tpu.memory_space<semaphore_mem>>
        %dma_start3A = arith.constant 0 : i32
        %dma_start3A_55 = tpu.memref_slice %arg6[%add3A_54, %dma_start3A] : memref<10240x128xf32, #tpu.memory_space<vmem_shared>> -> memref<128x128xf32, #tpu.memory_space<vmem_shared>>
        %dma_start3A_56 = arith.constant 0 : i32
        %dma_start3A_57 = tpu.memref_slice %arg6[%add3A_54, %dma_start3A_56] : memref<10240x128xf32, #tpu.memory_space<vmem_shared>> -> memref<128x128xf32, #tpu.memory_space<vmem_shared>>
        tpu.enqueue_dma source(%arg9 : memref<128x128xf32, #tpu.memory_space<vmem>>) target(%dma_start3A_57 : memref<128x128xf32, #tpu.memory_space<vmem_shared>>) target_semaphore(%run_scoped3A : memref<!tpu.dma_semaphore, #tpu.memory_space<semaphore_mem>>)
        %dma_wait3A = arith.constant 0 : i32
        %dma_wait3A_58 = tpu.memref_slice %arg6[%add3A_54, %dma_wait3A] : memref<10240x128xf32, #tpu.memory_space<vmem_shared>> -> memref<128x128xf32, #tpu.memory_space<vmem_shared>>
        %dma_wait3A_59 = arith.constant 0 : i32
        %dma_wait3A_60 = tpu.memref_slice %arg6[%add3A_54, %dma_wait3A_59] : memref<10240x128xf32, #tpu.memory_space<vmem_shared>> -> memref<128x128xf32, #tpu.memory_space<vmem_shared>>
        tpu.wait_dma2 semaphore(%run_scoped3A : memref<!tpu.dma_semaphore, #tpu.memory_space<semaphore_mem>>) src(%arg9 : memref<128x128xf32, #tpu.memory_space<vmem>>) dst(%dma_wait3A_60 : memref<128x128xf32, #tpu.memory_space<vmem_shared>>)
        tpu.yield
      }) : () -> ()
    }
    %scan3A_19 = arith.constant 5 : i32
    %barrier3A = arith.constant 0 : index
    tpu.barrier barrier_id(%barrier3A)
    %sub3A_20 = arith.constant 0 : i32
    %sub3A_21 = arith.subi %sub3A_1, %sub3A_20 : i32
    %sub3A_22 = arith.constant 1 : i32
    %sub3A_23 = arith.constant 1 : i32
    %sub3A_24 = arith.subi %sub3A_22, %sub3A_23 : i32
    %add3A_25 = arith.addi %sub3A_21, %sub3A_24 : i32
    %div3A = arith.constant 1 : i32
    %div3A_26 = arith.divsi %add3A_25, %div3A : i32
    %while3A = arith.constant 1 : i32
    %while3A_27 = arith.constant 0 : i32
    %while3A_28 = arith.constant 0 : i32
    %while3A_29 = arith.subi %div3A_26, %while3A_28 : i32
    %while3A_30 = arith.addi %while3A_28, %while3A_29 : i32
    %while3A_31 = arith.constant 1 : i32
    %while3A_32 = arith.divsi %while3A_29, %while3A_31 : i32
    %while3A_33 = arith.muli %while3A_32, %while3A_31 : i32
    %while3A_34 = arith.addi %while3A_28, %while3A_33 : i32
    %while3A_35 = arith.constant 1 : i32
    scf.for %while3A_45 = %while3A_28 to %while3A_34 step %while3A_35  : i32 {
      %mul3A_46 = arith.muli %while3A_45, %while3A : i32
      %add3A_47 = arith.addi %while3A_27, %mul3A_46 : i32
      %mul3A_48 = arith.constant 16 : i32
      %mul3A_49 = arith.muli %add3A_47, %mul3A_48 : i32
      %add3A_50 = arith.addi %add3A, %mul3A_49 : i32
      "tpu.region"() ({
        %run_scoped3A = tpu.sem_alloc : memref<!tpu.dma_semaphore, #tpu.memory_space<semaphore_mem>>
        %dma_start3A_490 = arith.constant 0 : i32
        %dma_start3A_491 = tpu.memref_slice %arg3[%add3A_50, %dma_start3A_490] : memref<2560x128xi32, #tpu.memory_space<hbm>> -> memref<16x128xi32, #tpu.memory_space<hbm>>
        %dma_start3A_492 = arith.constant 0 : i32
        %dma_start3A_493 = tpu.memref_slice %arg3[%add3A_50, %dma_start3A_492] : memref<2560x128xi32, #tpu.memory_space<hbm>> -> memref<16x128xi32, #tpu.memory_space<hbm>>
        tpu.enqueue_dma source(%dma_start3A_493 : memref<16x128xi32, #tpu.memory_space<hbm>>) target(%arg7 : memref<16x128xi32, #tpu.memory_space<vmem>>) target_semaphore(%run_scoped3A : memref<!tpu.dma_semaphore, #tpu.memory_space<semaphore_mem>>)
        %dma_wait3A_494 = arith.constant 0 : i32
        %dma_wait3A_495 = tpu.memref_slice %arg3[%add3A_50, %dma_wait3A_494] : memref<2560x128xi32, #tpu.memory_space<hbm>> -> memref<16x128xi32, #tpu.memory_space<hbm>>
        %dma_wait3A_496 = arith.constant 0 : i32
        %dma_wait3A_497 = tpu.memref_slice %arg3[%add3A_50, %dma_wait3A_496] : memref<2560x128xi32, #tpu.memory_space<hbm>> -> memref<16x128xi32, #tpu.memory_space<hbm>>
        tpu.wait_dma2 semaphore(%run_scoped3A : memref<!tpu.dma_semaphore, #tpu.memory_space<semaphore_mem>>) src(%dma_wait3A_497 : memref<16x128xi32, #tpu.memory_space<hbm>>) dst(%arg7 : memref<16x128xi32, #tpu.memory_space<vmem>>)
        tpu.yield
      }) : () -> ()
      "tpu.region"() ({
        %run_scoped3A = tpu.sem_alloc : memref<!tpu.dma_semaphore, #tpu.memory_space<semaphore_mem>>
        %dma_start3A_490 = arith.constant 0 : i32
        %dma_start3A_491 = tpu.memref_slice %arg4[%add3A_50, %dma_start3A_490] : memref<2560x128xi32, #tpu.memory_space<hbm>> -> memref<16x128xi32, #tpu.memory_space<hbm>>
        %dma_start3A_492 = arith.constant 0 : i32
        %dma_start3A_493 = tpu.memref_slice %arg4[%add3A_50, %dma_start3A_492] : memref<2560x128xi32, #tpu.memory_space<hbm>> -> memref<16x128xi32, #tpu.memory_space<hbm>>
        tpu.enqueue_dma source(%dma_start3A_493 : memref<16x128xi32, #tpu.memory_space<hbm>>) target(%arg8 : memref<16x128xi32, #tpu.memory_space<vmem>>) target_semaphore(%run_scoped3A : memref<!tpu.dma_semaphore, #tpu.memory_space<semaphore_mem>>)
        %dma_wait3A_494 = arith.constant 0 : i32
        %dma_wait3A_495 = tpu.memref_slice %arg4[%add3A_50, %dma_wait3A_494] : memref<2560x128xi32, #tpu.memory_space<hbm>> -> memref<16x128xi32, #tpu.memory_space<hbm>>
        %dma_wait3A_496 = arith.constant 0 : i32
        %dma_wait3A_497 = tpu.memref_slice %arg4[%add3A_50, %dma_wait3A_496] : memref<2560x128xi32, #tpu.memory_space<hbm>> -> memref<16x128xi32, #tpu.memory_space<hbm>>
        tpu.wait_dma2 semaphore(%run_scoped3A : memref<!tpu.dma_semaphore, #tpu.memory_space<semaphore_mem>>) src(%dma_wait3A_497 : memref<16x128xi32, #tpu.memory_space<hbm>>) dst(%arg8 : memref<16x128xi32, #tpu.memory_space<vmem>>)
        tpu.yield
      }) : () -> ()
      %dma_start3A = arith.constant 0 : i32
      %dma_start3A_51 = arith.constant 0 : i32
      %dma_start3A_52 = tpu.memref_slice %arg7[%dma_start3A, %dma_start3A_51] : memref<16x128xi32, #tpu.memory_space<vmem>> -> memref<1x128xi32, #tpu.memory_space<vmem>>
      %dma_start3A_53 = tpu.memref_squeeze %dma_start3A_52 : memref<1x128xi32, #tpu.memory_space<vmem>> -> memref<128xi32, #tpu.memory_space<vmem>>
      %dma_start3A_54 = arith.constant 0 : i32
      %dma_start3A_55 = arith.constant 0 : i32
      %dma_start3A_56 = tpu.memref_slice %arg2[%dma_start3A_54, %dma_start3A_55] : memref<10000x128xf32, #tpu.memory_space<hbm>> -> memref<10000x128xf32, #tpu.memory_space<hbm>>
      tpu.enqueue_indirect_dma source(%dma_start3A_56 : memref<10000x128xf32, #tpu.memory_space<hbm>>) target(%arg9 : memref<128x128xf32, #tpu.memory_space<vmem>>) offsets(%dma_start3A_53 : memref<128xi32, #tpu.memory_space<vmem>>) semaphore(%arg11 : memref<!tpu.dma_semaphore, #tpu.memory_space<semaphore_mem>>)
      %dma_wait3A = arith.constant 0 : i32
      %dma_wait3A_57 = arith.constant 0 : i32
      %dma_wait3A_58 = tpu.memref_slice %arg7[%dma_wait3A, %dma_wait3A_57] : memref<16x128xi32, #tpu.memory_space<vmem>> -> memref<1x128xi32, #tpu.memory_space<vmem>>
      %dma_wait3A_59 = tpu.memref_squeeze %dma_wait3A_58 : memref<1x128xi32, #tpu.memory_space<vmem>> -> memref<128xi32, #tpu.memory_space<vmem>>
      %dma_wait3A_60 = arith.constant 0 : i32
      %dma_wait3A_61 = arith.constant 0 : i32
      %dma_wait3A_62 = tpu.memref_slice %arg2[%dma_wait3A_60, %dma_wait3A_61] : memref<10000x128xf32, #tpu.memory_space<hbm>> -> memref<10000x128xf32, #tpu.memory_space<hbm>>
      tpu.wait_indirect_dma semaphore(%arg11 : memref<!tpu.dma_semaphore, #tpu.memory_space<semaphore_mem>>) src(%dma_wait3A_62 : memref<10000x128xf32, #tpu.memory_space<hbm>>) dst(%arg9 : memref<128x128xf32, #tpu.memory_space<vmem>>)
      %dma_start3A_63 = arith.constant 0 : i32
      %dma_start3A_64 = arith.constant 0 : i32
      %dma_start3A_65 = tpu.memref_slice %arg8[%dma_start3A_63, %dma_start3A_64] : memref<16x128xi32, #tpu.memory_space<vmem>> -> memref<1x128xi32, #tpu.memory_space<vmem>>
      %dma_start3A_66 = tpu.memref_squeeze %dma_start3A_65 : memref<1x128xi32, #tpu.memory_space<vmem>> -> memref<128xi32, #tpu.memory_space<vmem>>
      %dma_start3A_67 = arith.constant 0 : i32
      %dma_start3A_68 = arith.constant 0 : i32
      %dma_start3A_69 = tpu.memref_slice %arg6[%dma_start3A_67, %dma_start3A_68] : memref<10240x128xf32, #tpu.memory_space<vmem_shared>> -> memref<10240x128xf32, #tpu.memory_space<vmem_shared>>
      tpu.enqueue_indirect_dma source(%arg9 : memref<128x128xf32, #tpu.memory_space<vmem>>) target(%dma_start3A_69 : memref<10240x128xf32, #tpu.memory_space<vmem_shared>>) offsets(%dma_start3A_66 : memref<128xi32, #tpu.memory_space<vmem>>) semaphore(%arg13 : memref<!tpu.dma_semaphore, #tpu.memory_space<semaphore_mem>>) {add = true}
      %dma_start3A_70 = arith.constant 1 : i32
      %dma_start3A_71 = arith.constant 0 : i32
      %dma_start3A_72 = tpu.memref_slice %arg7[%dma_start3A_70, %dma_start3A_71] : memref<16x128xi32, #tpu.memory_space<vmem>> -> memref<1x128xi32, #tpu.memory_space<vmem>>
      %dma_start3A_73 = tpu.memref_squeeze %dma_start3A_72 : memref<1x128xi32, #tpu.memory_space<vmem>> -> memref<128xi32, #tpu.memory_space<vmem>>
      %dma_start3A_74 = arith.constant 0 : i32
      %dma_start3A_75 = arith.constant 0 : i32
      %dma_start3A_76 = tpu.memref_slice %arg2[%dma_start3A_74, %dma_start3A_75] : memref<10000x128xf32, #tpu.memory_space<hbm>> -> memref<10000x128xf32, #tpu.memory_space<hbm>>
      tpu.enqueue_indirect_dma source(%dma_start3A_76 : memref<10000x128xf32, #tpu.memory_space<hbm>>) target(%arg10 : memref<128x128xf32, #tpu.memory_space<vmem>>) offsets(%dma_start3A_73 : memref<128xi32, #tpu.memory_space<vmem>>) semaphore(%arg12 : memref<!tpu.dma_semaphore, #tpu.memory_space<semaphore_mem>>)
      %dma_wait3A_77 = arith.constant 1 : i32
      %dma_wait3A_78 = arith.constant 0 : i32
      %dma_wait3A_79 = tpu.memref_slice %arg7[%dma_wait3A_77, %dma_wait3A_78] : memref<16x128xi32, #tpu.memory_space<vmem>> -> memref<1x128xi32, #tpu.memory_space<vmem>>
      %dma_wait3A_80 = tpu.memref_squeeze %dma_wait3A_79 : memref<1x128xi32, #tpu.memory_space<vmem>> -> memref<128xi32, #tpu.memory_space<vmem>>
      %dma_wait3A_81 = arith.constant 0 : i32
      %dma_wait3A_82 = arith.constant 0 : i32
      %dma_wait3A_83 = tpu.memref_slice %arg2[%dma_wait3A_81, %dma_wait3A_82] : memref<10000x128xf32, #tpu.memory_space<hbm>> -> memref<10000x128xf32, #tpu.memory_space<hbm>>
      tpu.wait_indirect_dma semaphore(%arg12 : memref<!tpu.dma_semaphore, #tpu.memory_space<semaphore_mem>>) src(%dma_wait3A_83 : memref<10000x128xf32, #tpu.memory_space<hbm>>) dst(%arg10 : memref<128x128xf32, #tpu.memory_space<vmem>>)
      %dma_start3A_84 = arith.constant 1 : i32
      %dma_start3A_85 = arith.constant 0 : i32
      %dma_start3A_86 = tpu.memref_slice %arg8[%dma_start3A_84, %dma_start3A_85] : memref<16x128xi32, #tpu.memory_space<vmem>> -> memref<1x128xi32, #tpu.memory_space<vmem>>
      %dma_start3A_87 = tpu.memref_squeeze %dma_start3A_86 : memref<1x128xi32, #tpu.memory_space<vmem>> -> memref<128xi32, #tpu.memory_space<vmem>>
      %dma_start3A_88 = arith.constant 0 : i32
      %dma_start3A_89 = arith.constant 0 : i32
      %dma_start3A_90 = tpu.memref_slice %arg6[%dma_start3A_88, %dma_start3A_89] : memref<10240x128xf32, #tpu.memory_space<vmem_shared>> -> memref<10240x128xf32, #tpu.memory_space<vmem_shared>>
      tpu.enqueue_indirect_dma source(%arg10 : memref<128x128xf32, #tpu.memory_space<vmem>>) target(%dma_start3A_90 : memref<10240x128xf32, #tpu.memory_space<vmem_shared>>) offsets(%dma_start3A_87 : memref<128xi32, #tpu.memory_space<vmem>>) semaphore(%arg14 : memref<!tpu.dma_semaphore, #tpu.memory_space<semaphore_mem>>) {add = true}
      %dma_wait3A_91 = arith.constant 0 : i32
      %dma_wait3A_92 = arith.constant 0 : i32
      %dma_wait3A_93 = tpu.memref_slice %arg8[%dma_wait3A_91, %dma_wait3A_92] : memref<16x128xi32, #tpu.memory_space<vmem>> -> memref<1x128xi32, #tpu.memory_space<vmem>>
      %dma_wait3A_94 = tpu.memref_squeeze %dma_wait3A_93 : memref<1x128xi32, #tpu.memory_space<vmem>> -> memref<128xi32, #tpu.memory_space<vmem>>
      %dma_wait3A_95 = arith.constant 0 : i32
      %dma_wait3A_96 = arith.constant 0 : i32
      %dma_wait3A_97 = tpu.memref_slice %arg6[%dma_wait3A_95, %dma_wait3A_96] : memref<10240x128xf32, #tpu.memory_space<vmem_shared>> -> memref<10240x128xf32, #tpu.memory_space<vmem_shared>>
      tpu.wait_indirect_dma semaphore(%arg13 : memref<!tpu.dma_semaphore, #tpu.memory_space<semaphore_mem>>) src(%arg9 : memref<128x128xf32, #tpu.memory_space<vmem>>) dst(%dma_wait3A_97 : memref<10240x128xf32, #tpu.memory_space<vmem_shared>>)
      %dma_start3A_98 = arith.constant 2 : i32
      %dma_start3A_99 = arith.constant 0 : i32
      %dma_start3A_100 = tpu.memref_slice %arg7[%dma_start3A_98, %dma_start3A_99] : memref<16x128xi32, #tpu.memory_space<vmem>> -> memref<1x128xi32, #tpu.memory_space<vmem>>
      %dma_start3A_101 = tpu.memref_squeeze %dma_start3A_100 : memref<1x128xi32, #tpu.memory_space<vmem>> -> memref<128xi32, #tpu.memory_space<vmem>>
      %dma_start3A_102 = arith.constant 0 : i32
      %dma_start3A_103 = arith.constant 0 : i32
      %dma_start3A_104 = tpu.memref_slice %arg2[%dma_start3A_102, %dma_start3A_103] : memref<10000x128xf32, #tpu.memory_space<hbm>> -> memref<10000x128xf32, #tpu.memory_space<hbm>>
      tpu.enqueue_indirect_dma source(%dma_start3A_104 : memref<10000x128xf32, #tpu.memory_space<hbm>>) target(%arg9 : memref<128x128xf32, #tpu.memory_space<vmem>>) offsets(%dma_start3A_101 : memref<128xi32, #tpu.memory_space<vmem>>) semaphore(%arg11 : memref<!tpu.dma_semaphore, #tpu.memory_space<semaphore_mem>>)
      %dma_wait3A_105 = arith.constant 2 : i32
      %dma_wait3A_106 = arith.constant 0 : i32
      %dma_wait3A_107 = tpu.memref_slice %arg7[%dma_wait3A_105, %dma_wait3A_106] : memref<16x128xi32, #tpu.memory_space<vmem>> -> memref<1x128xi32, #tpu.memory_space<vmem>>
      %dma_wait3A_108 = tpu.memref_squeeze %dma_wait3A_107 : memref<1x128xi32, #tpu.memory_space<vmem>> -> memref<128xi32, #tpu.memory_space<vmem>>
      %dma_wait3A_109 = arith.constant 0 : i32
      %dma_wait3A_110 = arith.constant 0 : i32
      %dma_wait3A_111 = tpu.memref_slice %arg2[%dma_wait3A_109, %dma_wait3A_110] : memref<10000x128xf32, #tpu.memory_space<hbm>> -> memref<10000x128xf32, #tpu.memory_space<hbm>>
      tpu.wait_indirect_dma semaphore(%arg11 : memref<!tpu.dma_semaphore, #tpu.memory_space<semaphore_mem>>) src(%dma_wait3A_111 : memref<10000x128xf32, #tpu.memory_space<hbm>>) dst(%arg9 : memref<128x128xf32, #tpu.memory_space<vmem>>)
      %dma_start3A_112 = arith.constant 2 : i32
      %dma_start3A_113 = arith.constant 0 : i32
      %dma_start3A_114 = tpu.memref_slice %arg8[%dma_start3A_112, %dma_start3A_113] : memref<16x128xi32, #tpu.memory_space<vmem>> -> memref<1x128xi32, #tpu.memory_space<vmem>>
      %dma_start3A_115 = tpu.memref_squeeze %dma_start3A_114 : memref<1x128xi32, #tpu.memory_space<vmem>> -> memref<128xi32, #tpu.memory_space<vmem>>
      %dma_start3A_116 = arith.constant 0 : i32
      %dma_start3A_117 = arith.constant 0 : i32
      %dma_start3A_118 = tpu.memref_slice %arg6[%dma_start3A_116, %dma_start3A_117] : memref<10240x128xf32, #tpu.memory_space<vmem_shared>> -> memref<10240x128xf32, #tpu.memory_space<vmem_shared>>
      tpu.enqueue_indirect_dma source(%arg9 : memref<128x128xf32, #tpu.memory_space<vmem>>) target(%dma_start3A_118 : memref<10240x128xf32, #tpu.memory_space<vmem_shared>>) offsets(%dma_start3A_115 : memref<128xi32, #tpu.memory_space<vmem>>) semaphore(%arg13 : memref<!tpu.dma_semaphore, #tpu.memory_space<semaphore_mem>>) {add = true}
      %dma_wait3A_119 = arith.constant 1 : i32
      %dma_wait3A_120 = arith.constant 0 : i32
      %dma_wait3A_121 = tpu.memref_slice %arg8[%dma_wait3A_119, %dma_wait3A_120] : memref<16x128xi32, #tpu.memory_space<vmem>> -> memref<1x128xi32, #tpu.memory_space<vmem>>
      %dma_wait3A_122 = tpu.memref_squeeze %dma_wait3A_121 : memref<1x128xi32, #tpu.memory_space<vmem>> -> memref<128xi32, #tpu.memory_space<vmem>>
      %dma_wait3A_123 = arith.constant 0 : i32
      %dma_wait3A_124 = arith.constant 0 : i32
      %dma_wait3A_125 = tpu.memref_slice %arg6[%dma_wait3A_123, %dma_wait3A_124] : memref<10240x128xf32, #tpu.memory_space<vmem_shared>> -> memref<10240x128xf32, #tpu.memory_space<vmem_shared>>
      tpu.wait_indirect_dma semaphore(%arg14 : memref<!tpu.dma_semaphore, #tpu.memory_space<semaphore_mem>>) src(%arg10 : memref<128x128xf32, #tpu.memory_space<vmem>>) dst(%dma_wait3A_125 : memref<10240x128xf32, #tpu.memory_space<vmem_shared>>)
      %dma_start3A_126 = arith.constant 3 : i32
      %dma_start3A_127 = arith.constant 0 : i32
      %dma_start3A_128 = tpu.memref_slice %arg7[%dma_start3A_126, %dma_start3A_127] : memref<16x128xi32, #tpu.memory_space<vmem>> -> memref<1x128xi32, #tpu.memory_space<vmem>>
      %dma_start3A_129 = tpu.memref_squeeze %dma_start3A_128 : memref<1x128xi32, #tpu.memory_space<vmem>> -> memref<128xi32, #tpu.memory_space<vmem>>
      %dma_start3A_130 = arith.constant 0 : i32
      %dma_start3A_131 = arith.constant 0 : i32
      %dma_start3A_132 = tpu.memref_slice %arg2[%dma_start3A_130, %dma_start3A_131] : memref<10000x128xf32, #tpu.memory_space<hbm>> -> memref<10000x128xf32, #tpu.memory_space<hbm>>
      tpu.enqueue_indirect_dma source(%dma_start3A_132 : memref<10000x128xf32, #tpu.memory_space<hbm>>) target(%arg10 : memref<128x128xf32, #tpu.memory_space<vmem>>) offsets(%dma_start3A_129 : memref<128xi32, #tpu.memory_space<vmem>>) semaphore(%arg12 : memref<!tpu.dma_semaphore, #tpu.memory_space<semaphore_mem>>)
      %dma_wait3A_133 = arith.constant 3 : i32
      %dma_wait3A_134 = arith.constant 0 : i32
      %dma_wait3A_135 = tpu.memref_slice %arg7[%dma_wait3A_133, %dma_wait3A_134] : memref<16x128xi32, #tpu.memory_space<vmem>> -> memref<1x128xi32, #tpu.memory_space<vmem>>
      %dma_wait3A_136 = tpu.memref_squeeze %dma_wait3A_135 : memref<1x128xi32, #tpu.memory_space<vmem>> -> memref<128xi32, #tpu.memory_space<vmem>>
      %dma_wait3A_137 = arith.constant 0 : i32
      %dma_wait3A_138 = arith.constant 0 : i32
      %dma_wait3A_139 = tpu.memref_slice %arg2[%dma_wait3A_137, %dma_wait3A_138] : memref<10000x128xf32, #tpu.memory_space<hbm>> -> memref<10000x128xf32, #tpu.memory_space<hbm>>
      tpu.wait_indirect_dma semaphore(%arg12 : memref<!tpu.dma_semaphore, #tpu.memory_space<semaphore_mem>>) src(%dma_wait3A_139 : memref<10000x128xf32, #tpu.memory_space<hbm>>) dst(%arg10 : memref<128x128xf32, #tpu.memory_space<vmem>>)
      %dma_start3A_140 = arith.constant 3 : i32
      %dma_start3A_141 = arith.constant 0 : i32
      %dma_start3A_142 = tpu.memref_slice %arg8[%dma_start3A_140, %dma_start3A_141] : memref<16x128xi32, #tpu.memory_space<vmem>> -> memref<1x128xi32, #tpu.memory_space<vmem>>
      %dma_start3A_143 = tpu.memref_squeeze %dma_start3A_142 : memref<1x128xi32, #tpu.memory_space<vmem>> -> memref<128xi32, #tpu.memory_space<vmem>>
      %dma_start3A_144 = arith.constant 0 : i32
      %dma_start3A_145 = arith.constant 0 : i32
      %dma_start3A_146 = tpu.memref_slice %arg6[%dma_start3A_144, %dma_start3A_145] : memref<10240x128xf32, #tpu.memory_space<vmem_shared>> -> memref<10240x128xf32, #tpu.memory_space<vmem_shared>>
      tpu.enqueue_indirect_dma source(%arg10 : memref<128x128xf32, #tpu.memory_space<vmem>>) target(%dma_start3A_146 : memref<10240x128xf32, #tpu.memory_space<vmem_shared>>) offsets(%dma_start3A_143 : memref<128xi32, #tpu.memory_space<vmem>>) semaphore(%arg14 : memref<!tpu.dma_semaphore, #tpu.memory_space<semaphore_mem>>) {add = true}
      %dma_wait3A_147 = arith.constant 2 : i32
      %dma_wait3A_148 = arith.constant 0 : i32
      %dma_wait3A_149 = tpu.memref_slice %arg8[%dma_wait3A_147, %dma_wait3A_148] : memref<16x128xi32, #tpu.memory_space<vmem>> -> memref<1x128xi32, #tpu.memory_space<vmem>>
      %dma_wait3A_150 = tpu.memref_squeeze %dma_wait3A_149 : memref<1x128xi32, #tpu.memory_space<vmem>> -> memref<128xi32, #tpu.memory_space<vmem>>
      %dma_wait3A_151 = arith.constant 0 : i32
      %dma_wait3A_152 = arith.constant 0 : i32
      %dma_wait3A_153 = tpu.memref_slice %arg6[%dma_wait3A_151, %dma_wait3A_152] : memref<10240x128xf32, #tpu.memory_space<vmem_shared>> -> memref<10240x128xf32, #tpu.memory_space<vmem_shared>>
      tpu.wait_indirect_dma semaphore(%arg13 : memref<!tpu.dma_semaphore, #tpu.memory_space<semaphore_mem>>) src(%arg9 : memref<128x128xf32, #tpu.memory_space<vmem>>) dst(%dma_wait3A_153 : memref<10240x128xf32, #tpu.memory_space<vmem_shared>>)
      %dma_start3A_154 = arith.constant 4 : i32
      %dma_start3A_155 = arith.constant 0 : i32
      %dma_start3A_156 = tpu.memref_slice %arg7[%dma_start3A_154, %dma_start3A_155] : memref<16x128xi32, #tpu.memory_space<vmem>> -> memref<1x128xi32, #tpu.memory_space<vmem>>
      %dma_start3A_157 = tpu.memref_squeeze %dma_start3A_156 : memref<1x128xi32, #tpu.memory_space<vmem>> -> memref<128xi32, #tpu.memory_space<vmem>>
      %dma_start3A_158 = arith.constant 0 : i32
      %dma_start3A_159 = arith.constant 0 : i32
      %dma_start3A_160 = tpu.memref_slice %arg2[%dma_start3A_158, %dma_start3A_159] : memref<10000x128xf32, #tpu.memory_space<hbm>> -> memref<10000x128xf32, #tpu.memory_space<hbm>>
      tpu.enqueue_indirect_dma source(%dma_start3A_160 : memref<10000x128xf32, #tpu.memory_space<hbm>>) target(%arg9 : memref<128x128xf32, #tpu.memory_space<vmem>>) offsets(%dma_start3A_157 : memref<128xi32, #tpu.memory_space<vmem>>) semaphore(%arg11 : memref<!tpu.dma_semaphore, #tpu.memory_space<semaphore_mem>>)
      %dma_wait3A_161 = arith.constant 4 : i32
      %dma_wait3A_162 = arith.constant 0 : i32
      %dma_wait3A_163 = tpu.memref_slice %arg7[%dma_wait3A_161, %dma_wait3A_162] : memref<16x128xi32, #tpu.memory_space<vmem>> -> memref<1x128xi32, #tpu.memory_space<vmem>>
      %dma_wait3A_164 = tpu.memref_squeeze %dma_wait3A_163 : memref<1x128xi32, #tpu.memory_space<vmem>> -> memref<128xi32, #tpu.memory_space<vmem>>
      %dma_wait3A_165 = arith.constant 0 : i32
      %dma_wait3A_166 = arith.constant 0 : i32
      %dma_wait3A_167 = tpu.memref_slice %arg2[%dma_wait3A_165, %dma_wait3A_166] : memref<10000x128xf32, #tpu.memory_space<hbm>> -> memref<10000x128xf32, #tpu.memory_space<hbm>>
      tpu.wait_indirect_dma semaphore(%arg11 : memref<!tpu.dma_semaphore, #tpu.memory_space<semaphore_mem>>) src(%dma_wait3A_167 : memref<10000x128xf32, #tpu.memory_space<hbm>>) dst(%arg9 : memref<128x128xf32, #tpu.memory_space<vmem>>)
      %dma_start3A_168 = arith.constant 4 : i32
      %dma_start3A_169 = arith.constant 0 : i32
      %dma_start3A_170 = tpu.memref_slice %arg8[%dma_start3A_168, %dma_start3A_169] : memref<16x128xi32, #tpu.memory_space<vmem>> -> memref<1x128xi32, #tpu.memory_space<vmem>>
      %dma_start3A_171 = tpu.memref_squeeze %dma_start3A_170 : memref<1x128xi32, #tpu.memory_space<vmem>> -> memref<128xi32, #tpu.memory_space<vmem>>
      %dma_start3A_172 = arith.constant 0 : i32
      %dma_start3A_173 = arith.constant 0 : i32
      %dma_start3A_174 = tpu.memref_slice %arg6[%dma_start3A_172, %dma_start3A_173] : memref<10240x128xf32, #tpu.memory_space<vmem_shared>> -> memref<10240x128xf32, #tpu.memory_space<vmem_shared>>
      tpu.enqueue_indirect_dma source(%arg9 : memref<128x128xf32, #tpu.memory_space<vmem>>) target(%dma_start3A_174 : memref<10240x128xf32, #tpu.memory_space<vmem_shared>>) offsets(%dma_start3A_171 : memref<128xi32, #tpu.memory_space<vmem>>) semaphore(%arg13 : memref<!tpu.dma_semaphore, #tpu.memory_space<semaphore_mem>>) {add = true}
      %dma_wait3A_175 = arith.constant 3 : i32
      %dma_wait3A_176 = arith.constant 0 : i32
      %dma_wait3A_177 = tpu.memref_slice %arg8[%dma_wait3A_175, %dma_wait3A_176] : memref<16x128xi32, #tpu.memory_space<vmem>> -> memref<1x128xi32, #tpu.memory_space<vmem>>
      %dma_wait3A_178 = tpu.memref_squeeze %dma_wait3A_177 : memref<1x128xi32, #tpu.memory_space<vmem>> -> memref<128xi32, #tpu.memory_space<vmem>>
      %dma_wait3A_179 = arith.constant 0 : i32
      %dma_wait3A_180 = arith.constant 0 : i32
      %dma_wait3A_181 = tpu.memref_slice %arg6[%dma_wait3A_179, %dma_wait3A_180] : memref<10240x128xf32, #tpu.memory_space<vmem_shared>> -> memref<10240x128xf32, #tpu.memory_space<vmem_shared>>
      tpu.wait_indirect_dma semaphore(%arg14 : memref<!tpu.dma_semaphore, #tpu.memory_space<semaphore_mem>>) src(%arg10 : memref<128x128xf32, #tpu.memory_space<vmem>>) dst(%dma_wait3A_181 : memref<10240x128xf32, #tpu.memory_space<vmem_shared>>)
      %dma_start3A_182 = arith.constant 5 : i32
      %dma_start3A_183 = arith.constant 0 : i32
      %dma_start3A_184 = tpu.memref_slice %arg7[%dma_start3A_182, %dma_start3A_183] : memref<16x128xi32, #tpu.memory_space<vmem>> -> memref<1x128xi32, #tpu.memory_space<vmem>>
      %dma_start3A_185 = tpu.memref_squeeze %dma_start3A_184 : memref<1x128xi32, #tpu.memory_space<vmem>> -> memref<128xi32, #tpu.memory_space<vmem>>
      %dma_start3A_186 = arith.constant 0 : i32
      %dma_start3A_187 = arith.constant 0 : i32
      %dma_start3A_188 = tpu.memref_slice %arg2[%dma_start3A_186, %dma_start3A_187] : memref<10000x128xf32, #tpu.memory_space<hbm>> -> memref<10000x128xf32, #tpu.memory_space<hbm>>
      tpu.enqueue_indirect_dma source(%dma_start3A_188 : memref<10000x128xf32, #tpu.memory_space<hbm>>) target(%arg10 : memref<128x128xf32, #tpu.memory_space<vmem>>) offsets(%dma_start3A_185 : memref<128xi32, #tpu.memory_space<vmem>>) semaphore(%arg12 : memref<!tpu.dma_semaphore, #tpu.memory_space<semaphore_mem>>)
      %dma_wait3A_189 = arith.constant 5 : i32
      %dma_wait3A_190 = arith.constant 0 : i32
      %dma_wait3A_191 = tpu.memref_slice %arg7[%dma_wait3A_189, %dma_wait3A_190] : memref<16x128xi32, #tpu.memory_space<vmem>> -> memref<1x128xi32, #tpu.memory_space<vmem>>
      %dma_wait3A_192 = tpu.memref_squeeze %dma_wait3A_191 : memref<1x128xi32, #tpu.memory_space<vmem>> -> memref<128xi32, #tpu.memory_space<vmem>>
      %dma_wait3A_193 = arith.constant 0 : i32
      %dma_wait3A_194 = arith.constant 0 : i32
      %dma_wait3A_195 = tpu.memref_slice %arg2[%dma_wait3A_193, %dma_wait3A_194] : memref<10000x128xf32, #tpu.memory_space<hbm>> -> memref<10000x128xf32, #tpu.memory_space<hbm>>
      tpu.wait_indirect_dma semaphore(%arg12 : memref<!tpu.dma_semaphore, #tpu.memory_space<semaphore_mem>>) src(%dma_wait3A_195 : memref<10000x128xf32, #tpu.memory_space<hbm>>) dst(%arg10 : memref<128x128xf32, #tpu.memory_space<vmem>>)
      %dma_start3A_196 = arith.constant 5 : i32
      %dma_start3A_197 = arith.constant 0 : i32
      %dma_start3A_198 = tpu.memref_slice %arg8[%dma_start3A_196, %dma_start3A_197] : memref<16x128xi32, #tpu.memory_space<vmem>> -> memref<1x128xi32, #tpu.memory_space<vmem>>
      %dma_start3A_199 = tpu.memref_squeeze %dma_start3A_198 : memref<1x128xi32, #tpu.memory_space<vmem>> -> memref<128xi32, #tpu.memory_space<vmem>>
      %dma_start3A_200 = arith.constant 0 : i32
      %dma_start3A_201 = arith.constant 0 : i32
      %dma_start3A_202 = tpu.memref_slice %arg6[%dma_start3A_200, %dma_start3A_201] : memref<10240x128xf32, #tpu.memory_space<vmem_shared>> -> memref<10240x128xf32, #tpu.memory_space<vmem_shared>>
      tpu.enqueue_indirect_dma source(%arg10 : memref<128x128xf32, #tpu.memory_space<vmem>>) target(%dma_start3A_202 : memref<10240x128xf32, #tpu.memory_space<vmem_shared>>) offsets(%dma_start3A_199 : memref<128xi32, #tpu.memory_space<vmem>>) semaphore(%arg14 : memref<!tpu.dma_semaphore, #tpu.memory_space<semaphore_mem>>) {add = true}
      %dma_wait3A_203 = arith.constant 4 : i32
      %dma_wait3A_204 = arith.constant 0 : i32
      %dma_wait3A_205 = tpu.memref_slice %arg8[%dma_wait3A_203, %dma_wait3A_204] : memref<16x128xi32, #tpu.memory_space<vmem>> -> memref<1x128xi32, #tpu.memory_space<vmem>>
      %dma_wait3A_206 = tpu.memref_squeeze %dma_wait3A_205 : memref<1x128xi32, #tpu.memory_space<vmem>> -> memref<128xi32, #tpu.memory_space<vmem>>
      %dma_wait3A_207 = arith.constant 0 : i32
      %dma_wait3A_208 = arith.constant 0 : i32
      %dma_wait3A_209 = tpu.memref_slice %arg6[%dma_wait3A_207, %dma_wait3A_208] : memref<10240x128xf32, #tpu.memory_space<vmem_shared>> -> memref<10240x128xf32, #tpu.memory_space<vmem_shared>>
      tpu.wait_indirect_dma semaphore(%arg13 : memref<!tpu.dma_semaphore, #tpu.memory_space<semaphore_mem>>) src(%arg9 : memref<128x128xf32, #tpu.memory_space<vmem>>) dst(%dma_wait3A_209 : memref<10240x128xf32, #tpu.memory_space<vmem_shared>>)
      %dma_start3A_210 = arith.constant 6 : i32
      %dma_start3A_211 = arith.constant 0 : i32
      %dma_start3A_212 = tpu.memref_slice %arg7[%dma_start3A_210, %dma_start3A_211] : memref<16x128xi32, #tpu.memory_space<vmem>> -> memref<1x128xi32, #tpu.memory_space<vmem>>
      %dma_start3A_213 = tpu.memref_squeeze %dma_start3A_212 : memref<1x128xi32, #tpu.memory_space<vmem>> -> memref<128xi32, #tpu.memory_space<vmem>>
      %dma_start3A_214 = arith.constant 0 : i32
      %dma_start3A_215 = arith.constant 0 : i32
      %dma_start3A_216 = tpu.memref_slice %arg2[%dma_start3A_214, %dma_start3A_215] : memref<10000x128xf32, #tpu.memory_space<hbm>> -> memref<10000x128xf32, #tpu.memory_space<hbm>>
      tpu.enqueue_indirect_dma source(%dma_start3A_216 : memref<10000x128xf32, #tpu.memory_space<hbm>>) target(%arg9 : memref<128x128xf32, #tpu.memory_space<vmem>>) offsets(%dma_start3A_213 : memref<128xi32, #tpu.memory_space<vmem>>) semaphore(%arg11 : memref<!tpu.dma_semaphore, #tpu.memory_space<semaphore_mem>>)
      %dma_wait3A_217 = arith.constant 6 : i32
      %dma_wait3A_218 = arith.constant 0 : i32
      %dma_wait3A_219 = tpu.memref_slice %arg7[%dma_wait3A_217, %dma_wait3A_218] : memref<16x128xi32, #tpu.memory_space<vmem>> -> memref<1x128xi32, #tpu.memory_space<vmem>>
      %dma_wait3A_220 = tpu.memref_squeeze %dma_wait3A_219 : memref<1x128xi32, #tpu.memory_space<vmem>> -> memref<128xi32, #tpu.memory_space<vmem>>
      %dma_wait3A_221 = arith.constant 0 : i32
      %dma_wait3A_222 = arith.constant 0 : i32
      %dma_wait3A_223 = tpu.memref_slice %arg2[%dma_wait3A_221, %dma_wait3A_222] : memref<10000x128xf32, #tpu.memory_space<hbm>> -> memref<10000x128xf32, #tpu.memory_space<hbm>>
      tpu.wait_indirect_dma semaphore(%arg11 : memref<!tpu.dma_semaphore, #tpu.memory_space<semaphore_mem>>) src(%dma_wait3A_223 : memref<10000x128xf32, #tpu.memory_space<hbm>>) dst(%arg9 : memref<128x128xf32, #tpu.memory_space<vmem>>)
      %dma_start3A_224 = arith.constant 6 : i32
      %dma_start3A_225 = arith.constant 0 : i32
      %dma_start3A_226 = tpu.memref_slice %arg8[%dma_start3A_224, %dma_start3A_225] : memref<16x128xi32, #tpu.memory_space<vmem>> -> memref<1x128xi32, #tpu.memory_space<vmem>>
      %dma_start3A_227 = tpu.memref_squeeze %dma_start3A_226 : memref<1x128xi32, #tpu.memory_space<vmem>> -> memref<128xi32, #tpu.memory_space<vmem>>
      %dma_start3A_228 = arith.constant 0 : i32
      %dma_start3A_229 = arith.constant 0 : i32
      %dma_start3A_230 = tpu.memref_slice %arg6[%dma_start3A_228, %dma_start3A_229] : memref<10240x128xf32, #tpu.memory_space<vmem_shared>> -> memref<10240x128xf32, #tpu.memory_space<vmem_shared>>
      tpu.enqueue_indirect_dma source(%arg9 : memref<128x128xf32, #tpu.memory_space<vmem>>) target(%dma_start3A_230 : memref<10240x128xf32, #tpu.memory_space<vmem_shared>>) offsets(%dma_start3A_227 : memref<128xi32, #tpu.memory_space<vmem>>) semaphore(%arg13 : memref<!tpu.dma_semaphore, #tpu.memory_space<semaphore_mem>>) {add = true}
      %dma_wait3A_231 = arith.constant 5 : i32
      %dma_wait3A_232 = arith.constant 0 : i32
      %dma_wait3A_233 = tpu.memref_slice %arg8[%dma_wait3A_231, %dma_wait3A_232] : memref<16x128xi32, #tpu.memory_space<vmem>> -> memref<1x128xi32, #tpu.memory_space<vmem>>
      %dma_wait3A_234 = tpu.memref_squeeze %dma_wait3A_233 : memref<1x128xi32, #tpu.memory_space<vmem>> -> memref<128xi32, #tpu.memory_space<vmem>>
      %dma_wait3A_235 = arith.constant 0 : i32
      %dma_wait3A_236 = arith.constant 0 : i32
      %dma_wait3A_237 = tpu.memref_slice %arg6[%dma_wait3A_235, %dma_wait3A_236] : memref<10240x128xf32, #tpu.memory_space<vmem_shared>> -> memref<10240x128xf32, #tpu.memory_space<vmem_shared>>
      tpu.wait_indirect_dma semaphore(%arg14 : memref<!tpu.dma_semaphore, #tpu.memory_space<semaphore_mem>>) src(%arg10 : memref<128x128xf32, #tpu.memory_space<vmem>>) dst(%dma_wait3A_237 : memref<10240x128xf32, #tpu.memory_space<vmem_shared>>)
      %dma_start3A_238 = arith.constant 7 : i32
      %dma_start3A_239 = arith.constant 0 : i32
      %dma_start3A_240 = tpu.memref_slice %arg7[%dma_start3A_238, %dma_start3A_239] : memref<16x128xi32, #tpu.memory_space<vmem>> -> memref<1x128xi32, #tpu.memory_space<vmem>>
      %dma_start3A_241 = tpu.memref_squeeze %dma_start3A_240 : memref<1x128xi32, #tpu.memory_space<vmem>> -> memref<128xi32, #tpu.memory_space<vmem>>
      %dma_start3A_242 = arith.constant 0 : i32
      %dma_start3A_243 = arith.constant 0 : i32
      %dma_start3A_244 = tpu.memref_slice %arg2[%dma_start3A_242, %dma_start3A_243] : memref<10000x128xf32, #tpu.memory_space<hbm>> -> memref<10000x128xf32, #tpu.memory_space<hbm>>
      tpu.enqueue_indirect_dma source(%dma_start3A_244 : memref<10000x128xf32, #tpu.memory_space<hbm>>) target(%arg10 : memref<128x128xf32, #tpu.memory_space<vmem>>) offsets(%dma_start3A_241 : memref<128xi32, #tpu.memory_space<vmem>>) semaphore(%arg12 : memref<!tpu.dma_semaphore, #tpu.memory_space<semaphore_mem>>)
      %dma_wait3A_245 = arith.constant 7 : i32
      %dma_wait3A_246 = arith.constant 0 : i32
      %dma_wait3A_247 = tpu.memref_slice %arg7[%dma_wait3A_245, %dma_wait3A_246] : memref<16x128xi32, #tpu.memory_space<vmem>> -> memref<1x128xi32, #tpu.memory_space<vmem>>
      %dma_wait3A_248 = tpu.memref_squeeze %dma_wait3A_247 : memref<1x128xi32, #tpu.memory_space<vmem>> -> memref<128xi32, #tpu.memory_space<vmem>>
      %dma_wait3A_249 = arith.constant 0 : i32
      %dma_wait3A_250 = arith.constant 0 : i32
      %dma_wait3A_251 = tpu.memref_slice %arg2[%dma_wait3A_249, %dma_wait3A_250] : memref<10000x128xf32, #tpu.memory_space<hbm>> -> memref<10000x128xf32, #tpu.memory_space<hbm>>
      tpu.wait_indirect_dma semaphore(%arg12 : memref<!tpu.dma_semaphore, #tpu.memory_space<semaphore_mem>>) src(%dma_wait3A_251 : memref<10000x128xf32, #tpu.memory_space<hbm>>) dst(%arg10 : memref<128x128xf32, #tpu.memory_space<vmem>>)
      %dma_start3A_252 = arith.constant 7 : i32
      %dma_start3A_253 = arith.constant 0 : i32
      %dma_start3A_254 = tpu.memref_slice %arg8[%dma_start3A_252, %dma_start3A_253] : memref<16x128xi32, #tpu.memory_space<vmem>> -> memref<1x128xi32, #tpu.memory_space<vmem>>
      %dma_start3A_255 = tpu.memref_squeeze %dma_start3A_254 : memref<1x128xi32, #tpu.memory_space<vmem>> -> memref<128xi32, #tpu.memory_space<vmem>>
      %dma_start3A_256 = arith.constant 0 : i32
      %dma_start3A_257 = arith.constant 0 : i32
      %dma_start3A_258 = tpu.memref_slice %arg6[%dma_start3A_256, %dma_start3A_257] : memref<10240x128xf32, #tpu.memory_space<vmem_shared>> -> memref<10240x128xf32, #tpu.memory_space<vmem_shared>>
      tpu.enqueue_indirect_dma source(%arg10 : memref<128x128xf32, #tpu.memory_space<vmem>>) target(%dma_start3A_258 : memref<10240x128xf32, #tpu.memory_space<vmem_shared>>) offsets(%dma_start3A_255 : memref<128xi32, #tpu.memory_space<vmem>>) semaphore(%arg14 : memref<!tpu.dma_semaphore, #tpu.memory_space<semaphore_mem>>) {add = true}
      %dma_wait3A_259 = arith.constant 6 : i32
      %dma_wait3A_260 = arith.constant 0 : i32
      %dma_wait3A_261 = tpu.memref_slice %arg8[%dma_wait3A_259, %dma_wait3A_260] : memref<16x128xi32, #tpu.memory_space<vmem>> -> memref<1x128xi32, #tpu.memory_space<vmem>>
      %dma_wait3A_262 = tpu.memref_squeeze %dma_wait3A_261 : memref<1x128xi32, #tpu.memory_space<vmem>> -> memref<128xi32, #tpu.memory_space<vmem>>
      %dma_wait3A_263 = arith.constant 0 : i32
      %dma_wait3A_264 = arith.constant 0 : i32
      %dma_wait3A_265 = tpu.memref_slice %arg6[%dma_wait3A_263, %dma_wait3A_264] : memref<10240x128xf32, #tpu.memory_space<vmem_shared>> -> memref<10240x128xf32, #tpu.memory_space<vmem_shared>>
      tpu.wait_indirect_dma semaphore(%arg13 : memref<!tpu.dma_semaphore, #tpu.memory_space<semaphore_mem>>) src(%arg9 : memref<128x128xf32, #tpu.memory_space<vmem>>) dst(%dma_wait3A_265 : memref<10240x128xf32, #tpu.memory_space<vmem_shared>>)
      %dma_start3A_266 = arith.constant 8 : i32
      %dma_start3A_267 = arith.constant 0 : i32
      %dma_start3A_268 = tpu.memref_slice %arg7[%dma_start3A_266, %dma_start3A_267] : memref<16x128xi32, #tpu.memory_space<vmem>> -> memref<1x128xi32, #tpu.memory_space<vmem>>
      %dma_start3A_269 = tpu.memref_squeeze %dma_start3A_268 : memref<1x128xi32, #tpu.memory_space<vmem>> -> memref<128xi32, #tpu.memory_space<vmem>>
      %dma_start3A_270 = arith.constant 0 : i32
      %dma_start3A_271 = arith.constant 0 : i32
      %dma_start3A_272 = tpu.memref_slice %arg2[%dma_start3A_270, %dma_start3A_271] : memref<10000x128xf32, #tpu.memory_space<hbm>> -> memref<10000x128xf32, #tpu.memory_space<hbm>>
      tpu.enqueue_indirect_dma source(%dma_start3A_272 : memref<10000x128xf32, #tpu.memory_space<hbm>>) target(%arg9 : memref<128x128xf32, #tpu.memory_space<vmem>>) offsets(%dma_start3A_269 : memref<128xi32, #tpu.memory_space<vmem>>) semaphore(%arg11 : memref<!tpu.dma_semaphore, #tpu.memory_space<semaphore_mem>>)
      %dma_wait3A_273 = arith.constant 8 : i32
      %dma_wait3A_274 = arith.constant 0 : i32
      %dma_wait3A_275 = tpu.memref_slice %arg7[%dma_wait3A_273, %dma_wait3A_274] : memref<16x128xi32, #tpu.memory_space<vmem>> -> memref<1x128xi32, #tpu.memory_space<vmem>>
      %dma_wait3A_276 = tpu.memref_squeeze %dma_wait3A_275 : memref<1x128xi32, #tpu.memory_space<vmem>> -> memref<128xi32, #tpu.memory_space<vmem>>
      %dma_wait3A_277 = arith.constant 0 : i32
      %dma_wait3A_278 = arith.constant 0 : i32
      %dma_wait3A_279 = tpu.memref_slice %arg2[%dma_wait3A_277, %dma_wait3A_278] : memref<10000x128xf32, #tpu.memory_space<hbm>> -> memref<10000x128xf32, #tpu.memory_space<hbm>>
      tpu.wait_indirect_dma semaphore(%arg11 : memref<!tpu.dma_semaphore, #tpu.memory_space<semaphore_mem>>) src(%dma_wait3A_279 : memref<10000x128xf32, #tpu.memory_space<hbm>>) dst(%arg9 : memref<128x128xf32, #tpu.memory_space<vmem>>)
      %dma_start3A_280 = arith.constant 8 : i32
      %dma_start3A_281 = arith.constant 0 : i32
      %dma_start3A_282 = tpu.memref_slice %arg8[%dma_start3A_280, %dma_start3A_281] : memref<16x128xi32, #tpu.memory_space<vmem>> -> memref<1x128xi32, #tpu.memory_space<vmem>>
      %dma_start3A_283 = tpu.memref_squeeze %dma_start3A_282 : memref<1x128xi32, #tpu.memory_space<vmem>> -> memref<128xi32, #tpu.memory_space<vmem>>
      %dma_start3A_284 = arith.constant 0 : i32
      %dma_start3A_285 = arith.constant 0 : i32
      %dma_start3A_286 = tpu.memref_slice %arg6[%dma_start3A_284, %dma_start3A_285] : memref<10240x128xf32, #tpu.memory_space<vmem_shared>> -> memref<10240x128xf32, #tpu.memory_space<vmem_shared>>
      tpu.enqueue_indirect_dma source(%arg9 : memref<128x128xf32, #tpu.memory_space<vmem>>) target(%dma_start3A_286 : memref<10240x128xf32, #tpu.memory_space<vmem_shared>>) offsets(%dma_start3A_283 : memref<128xi32, #tpu.memory_space<vmem>>) semaphore(%arg13 : memref<!tpu.dma_semaphore, #tpu.memory_space<semaphore_mem>>) {add = true}
      %dma_wait3A_287 = arith.constant 7 : i32
      %dma_wait3A_288 = arith.constant 0 : i32
      %dma_wait3A_289 = tpu.memref_slice %arg8[%dma_wait3A_287, %dma_wait3A_288] : memref<16x128xi32, #tpu.memory_space<vmem>> -> memref<1x128xi32, #tpu.memory_space<vmem>>
      %dma_wait3A_290 = tpu.memref_squeeze %dma_wait3A_289 : memref<1x128xi32, #tpu.memory_space<vmem>> -> memref<128xi32, #tpu.memory_space<vmem>>
      %dma_wait3A_291 = arith.constant 0 : i32
      %dma_wait3A_292 = arith.constant 0 : i32
      %dma_wait3A_293 = tpu.memref_slice %arg6[%dma_wait3A_291, %dma_wait3A_292] : memref<10240x128xf32, #tpu.memory_space<vmem_shared>> -> memref<10240x128xf32, #tpu.memory_space<vmem_shared>>
      tpu.wait_indirect_dma semaphore(%arg14 : memref<!tpu.dma_semaphore, #tpu.memory_space<semaphore_mem>>) src(%arg10 : memref<128x128xf32, #tpu.memory_space<vmem>>) dst(%dma_wait3A_293 : memref<10240x128xf32, #tpu.memory_space<vmem_shared>>)
      %dma_start3A_294 = arith.constant 9 : i32
      %dma_start3A_295 = arith.constant 0 : i32
      %dma_start3A_296 = tpu.memref_slice %arg7[%dma_start3A_294, %dma_start3A_295] : memref<16x128xi32, #tpu.memory_space<vmem>> -> memref<1x128xi32, #tpu.memory_space<vmem>>
      %dma_start3A_297 = tpu.memref_squeeze %dma_start3A_296 : memref<1x128xi32, #tpu.memory_space<vmem>> -> memref<128xi32, #tpu.memory_space<vmem>>
      %dma_start3A_298 = arith.constant 0 : i32
      %dma_start3A_299 = arith.constant 0 : i32
      %dma_start3A_300 = tpu.memref_slice %arg2[%dma_start3A_298, %dma_start3A_299] : memref<10000x128xf32, #tpu.memory_space<hbm>> -> memref<10000x128xf32, #tpu.memory_space<hbm>>
      tpu.enqueue_indirect_dma source(%dma_start3A_300 : memref<10000x128xf32, #tpu.memory_space<hbm>>) target(%arg10 : memref<128x128xf32, #tpu.memory_space<vmem>>) offsets(%dma_start3A_297 : memref<128xi32, #tpu.memory_space<vmem>>) semaphore(%arg12 : memref<!tpu.dma_semaphore, #tpu.memory_space<semaphore_mem>>)
      %dma_wait3A_301 = arith.constant 9 : i32
      %dma_wait3A_302 = arith.constant 0 : i32
      %dma_wait3A_303 = tpu.memref_slice %arg7[%dma_wait3A_301, %dma_wait3A_302] : memref<16x128xi32, #tpu.memory_space<vmem>> -> memref<1x128xi32, #tpu.memory_space<vmem>>
      %dma_wait3A_304 = tpu.memref_squeeze %dma_wait3A_303 : memref<1x128xi32, #tpu.memory_space<vmem>> -> memref<128xi32, #tpu.memory_space<vmem>>
      %dma_wait3A_305 = arith.constant 0 : i32
      %dma_wait3A_306 = arith.constant 0 : i32
      %dma_wait3A_307 = tpu.memref_slice %arg2[%dma_wait3A_305, %dma_wait3A_306] : memref<10000x128xf32, #tpu.memory_space<hbm>> -> memref<10000x128xf32, #tpu.memory_space<hbm>>
      tpu.wait_indirect_dma semaphore(%arg12 : memref<!tpu.dma_semaphore, #tpu.memory_space<semaphore_mem>>) src(%dma_wait3A_307 : memref<10000x128xf32, #tpu.memory_space<hbm>>) dst(%arg10 : memref<128x128xf32, #tpu.memory_space<vmem>>)
      %dma_start3A_308 = arith.constant 9 : i32
      %dma_start3A_309 = arith.constant 0 : i32
      %dma_start3A_310 = tpu.memref_slice %arg8[%dma_start3A_308, %dma_start3A_309] : memref<16x128xi32, #tpu.memory_space<vmem>> -> memref<1x128xi32, #tpu.memory_space<vmem>>
      %dma_start3A_311 = tpu.memref_squeeze %dma_start3A_310 : memref<1x128xi32, #tpu.memory_space<vmem>> -> memref<128xi32, #tpu.memory_space<vmem>>
      %dma_start3A_312 = arith.constant 0 : i32
      %dma_start3A_313 = arith.constant 0 : i32
      %dma_start3A_314 = tpu.memref_slice %arg6[%dma_start3A_312, %dma_start3A_313] : memref<10240x128xf32, #tpu.memory_space<vmem_shared>> -> memref<10240x128xf32, #tpu.memory_space<vmem_shared>>
      tpu.enqueue_indirect_dma source(%arg10 : memref<128x128xf32, #tpu.memory_space<vmem>>) target(%dma_start3A_314 : memref<10240x128xf32, #tpu.memory_space<vmem_shared>>) offsets(%dma_start3A_311 : memref<128xi32, #tpu.memory_space<vmem>>) semaphore(%arg14 : memref<!tpu.dma_semaphore, #tpu.memory_space<semaphore_mem>>) {add = true}
      %dma_wait3A_315 = arith.constant 8 : i32
      %dma_wait3A_316 = arith.constant 0 : i32
      %dma_wait3A_317 = tpu.memref_slice %arg8[%dma_wait3A_315, %dma_wait3A_316] : memref<16x128xi32, #tpu.memory_space<vmem>> -> memref<1x128xi32, #tpu.memory_space<vmem>>
      %dma_wait3A_318 = tpu.memref_squeeze %dma_wait3A_317 : memref<1x128xi32, #tpu.memory_space<vmem>> -> memref<128xi32, #tpu.memory_space<vmem>>
      %dma_wait3A_319 = arith.constant 0 : i32
      %dma_wait3A_320 = arith.constant 0 : i32
      %dma_wait3A_321 = tpu.memref_slice %arg6[%dma_wait3A_319, %dma_wait3A_320] : memref<10240x128xf32, #tpu.memory_space<vmem_shared>> -> memref<10240x128xf32, #tpu.memory_space<vmem_shared>>
      tpu.wait_indirect_dma semaphore(%arg13 : memref<!tpu.dma_semaphore, #tpu.memory_space<semaphore_mem>>) src(%arg9 : memref<128x128xf32, #tpu.memory_space<vmem>>) dst(%dma_wait3A_321 : memref<10240x128xf32, #tpu.memory_space<vmem_shared>>)
      %dma_start3A_322 = arith.constant 10 : i32
      %dma_start3A_323 = arith.constant 0 : i32
      %dma_start3A_324 = tpu.memref_slice %arg7[%dma_start3A_322, %dma_start3A_323] : memref<16x128xi32, #tpu.memory_space<vmem>> -> memref<1x128xi32, #tpu.memory_space<vmem>>
      %dma_start3A_325 = tpu.memref_squeeze %dma_start3A_324 : memref<1x128xi32, #tpu.memory_space<vmem>> -> memref<128xi32, #tpu.memory_space<vmem>>
      %dma_start3A_326 = arith.constant 0 : i32
      %dma_start3A_327 = arith.constant 0 : i32
      %dma_start3A_328 = tpu.memref_slice %arg2[%dma_start3A_326, %dma_start3A_327] : memref<10000x128xf32, #tpu.memory_space<hbm>> -> memref<10000x128xf32, #tpu.memory_space<hbm>>
      tpu.enqueue_indirect_dma source(%dma_start3A_328 : memref<10000x128xf32, #tpu.memory_space<hbm>>) target(%arg9 : memref<128x128xf32, #tpu.memory_space<vmem>>) offsets(%dma_start3A_325 : memref<128xi32, #tpu.memory_space<vmem>>) semaphore(%arg11 : memref<!tpu.dma_semaphore, #tpu.memory_space<semaphore_mem>>)
      %dma_wait3A_329 = arith.constant 10 : i32
      %dma_wait3A_330 = arith.constant 0 : i32
      %dma_wait3A_331 = tpu.memref_slice %arg7[%dma_wait3A_329, %dma_wait3A_330] : memref<16x128xi32, #tpu.memory_space<vmem>> -> memref<1x128xi32, #tpu.memory_space<vmem>>
      %dma_wait3A_332 = tpu.memref_squeeze %dma_wait3A_331 : memref<1x128xi32, #tpu.memory_space<vmem>> -> memref<128xi32, #tpu.memory_space<vmem>>
      %dma_wait3A_333 = arith.constant 0 : i32
      %dma_wait3A_334 = arith.constant 0 : i32
      %dma_wait3A_335 = tpu.memref_slice %arg2[%dma_wait3A_333, %dma_wait3A_334] : memref<10000x128xf32, #tpu.memory_space<hbm>> -> memref<10000x128xf32, #tpu.memory_space<hbm>>
      tpu.wait_indirect_dma semaphore(%arg11 : memref<!tpu.dma_semaphore, #tpu.memory_space<semaphore_mem>>) src(%dma_wait3A_335 : memref<10000x128xf32, #tpu.memory_space<hbm>>) dst(%arg9 : memref<128x128xf32, #tpu.memory_space<vmem>>)
      %dma_start3A_336 = arith.constant 10 : i32
      %dma_start3A_337 = arith.constant 0 : i32
      %dma_start3A_338 = tpu.memref_slice %arg8[%dma_start3A_336, %dma_start3A_337] : memref<16x128xi32, #tpu.memory_space<vmem>> -> memref<1x128xi32, #tpu.memory_space<vmem>>
      %dma_start3A_339 = tpu.memref_squeeze %dma_start3A_338 : memref<1x128xi32, #tpu.memory_space<vmem>> -> memref<128xi32, #tpu.memory_space<vmem>>
      %dma_start3A_340 = arith.constant 0 : i32
      %dma_start3A_341 = arith.constant 0 : i32
      %dma_start3A_342 = tpu.memref_slice %arg6[%dma_start3A_340, %dma_start3A_341] : memref<10240x128xf32, #tpu.memory_space<vmem_shared>> -> memref<10240x128xf32, #tpu.memory_space<vmem_shared>>
      tpu.enqueue_indirect_dma source(%arg9 : memref<128x128xf32, #tpu.memory_space<vmem>>) target(%dma_start3A_342 : memref<10240x128xf32, #tpu.memory_space<vmem_shared>>) offsets(%dma_start3A_339 : memref<128xi32, #tpu.memory_space<vmem>>) semaphore(%arg13 : memref<!tpu.dma_semaphore, #tpu.memory_space<semaphore_mem>>) {add = true}
      %dma_wait3A_343 = arith.constant 9 : i32
      %dma_wait3A_344 = arith.constant 0 : i32
      %dma_wait3A_345 = tpu.memref_slice %arg8[%dma_wait3A_343, %dma_wait3A_344] : memref<16x128xi32, #tpu.memory_space<vmem>> -> memref<1x128xi32, #tpu.memory_space<vmem>>
      %dma_wait3A_346 = tpu.memref_squeeze %dma_wait3A_345 : memref<1x128xi32, #tpu.memory_space<vmem>> -> memref<128xi32, #tpu.memory_space<vmem>>
      %dma_wait3A_347 = arith.constant 0 : i32
      %dma_wait3A_348 = arith.constant 0 : i32
      %dma_wait3A_349 = tpu.memref_slice %arg6[%dma_wait3A_347, %dma_wait3A_348] : memref<10240x128xf32, #tpu.memory_space<vmem_shared>> -> memref<10240x128xf32, #tpu.memory_space<vmem_shared>>
      tpu.wait_indirect_dma semaphore(%arg14 : memref<!tpu.dma_semaphore, #tpu.memory_space<semaphore_mem>>) src(%arg10 : memref<128x128xf32, #tpu.memory_space<vmem>>) dst(%dma_wait3A_349 : memref<10240x128xf32, #tpu.memory_space<vmem_shared>>)
      %dma_start3A_350 = arith.constant 11 : i32
      %dma_start3A_351 = arith.constant 0 : i32
      %dma_start3A_352 = tpu.memref_slice %arg7[%dma_start3A_350, %dma_start3A_351] : memref<16x128xi32, #tpu.memory_space<vmem>> -> memref<1x128xi32, #tpu.memory_space<vmem>>
      %dma_start3A_353 = tpu.memref_squeeze %dma_start3A_352 : memref<1x128xi32, #tpu.memory_space<vmem>> -> memref<128xi32, #tpu.memory_space<vmem>>
      %dma_start3A_354 = arith.constant 0 : i32
      %dma_start3A_355 = arith.constant 0 : i32
      %dma_start3A_356 = tpu.memref_slice %arg2[%dma_start3A_354, %dma_start3A_355] : memref<10000x128xf32, #tpu.memory_space<hbm>> -> memref<10000x128xf32, #tpu.memory_space<hbm>>
      tpu.enqueue_indirect_dma source(%dma_start3A_356 : memref<10000x128xf32, #tpu.memory_space<hbm>>) target(%arg10 : memref<128x128xf32, #tpu.memory_space<vmem>>) offsets(%dma_start3A_353 : memref<128xi32, #tpu.memory_space<vmem>>) semaphore(%arg12 : memref<!tpu.dma_semaphore, #tpu.memory_space<semaphore_mem>>)
      %dma_wait3A_357 = arith.constant 11 : i32
      %dma_wait3A_358 = arith.constant 0 : i32
      %dma_wait3A_359 = tpu.memref_slice %arg7[%dma_wait3A_357, %dma_wait3A_358] : memref<16x128xi32, #tpu.memory_space<vmem>> -> memref<1x128xi32, #tpu.memory_space<vmem>>
      %dma_wait3A_360 = tpu.memref_squeeze %dma_wait3A_359 : memref<1x128xi32, #tpu.memory_space<vmem>> -> memref<128xi32, #tpu.memory_space<vmem>>
      %dma_wait3A_361 = arith.constant 0 : i32
      %dma_wait3A_362 = arith.constant 0 : i32
      %dma_wait3A_363 = tpu.memref_slice %arg2[%dma_wait3A_361, %dma_wait3A_362] : memref<10000x128xf32, #tpu.memory_space<hbm>> -> memref<10000x128xf32, #tpu.memory_space<hbm>>
      tpu.wait_indirect_dma semaphore(%arg12 : memref<!tpu.dma_semaphore, #tpu.memory_space<semaphore_mem>>) src(%dma_wait3A_363 : memref<10000x128xf32, #tpu.memory_space<hbm>>) dst(%arg10 : memref<128x128xf32, #tpu.memory_space<vmem>>)
      %dma_start3A_364 = arith.constant 11 : i32
      %dma_start3A_365 = arith.constant 0 : i32
      %dma_start3A_366 = tpu.memref_slice %arg8[%dma_start3A_364, %dma_start3A_365] : memref<16x128xi32, #tpu.memory_space<vmem>> -> memref<1x128xi32, #tpu.memory_space<vmem>>
      %dma_start3A_367 = tpu.memref_squeeze %dma_start3A_366 : memref<1x128xi32, #tpu.memory_space<vmem>> -> memref<128xi32, #tpu.memory_space<vmem>>
      %dma_start3A_368 = arith.constant 0 : i32
      %dma_start3A_369 = arith.constant 0 : i32
      %dma_start3A_370 = tpu.memref_slice %arg6[%dma_start3A_368, %dma_start3A_369] : memref<10240x128xf32, #tpu.memory_space<vmem_shared>> -> memref<10240x128xf32, #tpu.memory_space<vmem_shared>>
      tpu.enqueue_indirect_dma source(%arg10 : memref<128x128xf32, #tpu.memory_space<vmem>>) target(%dma_start3A_370 : memref<10240x128xf32, #tpu.memory_space<vmem_shared>>) offsets(%dma_start3A_367 : memref<128xi32, #tpu.memory_space<vmem>>) semaphore(%arg14 : memref<!tpu.dma_semaphore, #tpu.memory_space<semaphore_mem>>) {add = true}
      %dma_wait3A_371 = arith.constant 10 : i32
      %dma_wait3A_372 = arith.constant 0 : i32
      %dma_wait3A_373 = tpu.memref_slice %arg8[%dma_wait3A_371, %dma_wait3A_372] : memref<16x128xi32, #tpu.memory_space<vmem>> -> memref<1x128xi32, #tpu.memory_space<vmem>>
      %dma_wait3A_374 = tpu.memref_squeeze %dma_wait3A_373 : memref<1x128xi32, #tpu.memory_space<vmem>> -> memref<128xi32, #tpu.memory_space<vmem>>
      %dma_wait3A_375 = arith.constant 0 : i32
      %dma_wait3A_376 = arith.constant 0 : i32
      %dma_wait3A_377 = tpu.memref_slice %arg6[%dma_wait3A_375, %dma_wait3A_376] : memref<10240x128xf32, #tpu.memory_space<vmem_shared>> -> memref<10240x128xf32, #tpu.memory_space<vmem_shared>>
      tpu.wait_indirect_dma semaphore(%arg13 : memref<!tpu.dma_semaphore, #tpu.memory_space<semaphore_mem>>) src(%arg9 : memref<128x128xf32, #tpu.memory_space<vmem>>) dst(%dma_wait3A_377 : memref<10240x128xf32, #tpu.memory_space<vmem_shared>>)
      %dma_start3A_378 = arith.constant 12 : i32
      %dma_start3A_379 = arith.constant 0 : i32
      %dma_start3A_380 = tpu.memref_slice %arg7[%dma_start3A_378, %dma_start3A_379] : memref<16x128xi32, #tpu.memory_space<vmem>> -> memref<1x128xi32, #tpu.memory_space<vmem>>
      %dma_start3A_381 = tpu.memref_squeeze %dma_start3A_380 : memref<1x128xi32, #tpu.memory_space<vmem>> -> memref<128xi32, #tpu.memory_space<vmem>>
      %dma_start3A_382 = arith.constant 0 : i32
      %dma_start3A_383 = arith.constant 0 : i32
      %dma_start3A_384 = tpu.memref_slice %arg2[%dma_start3A_382, %dma_start3A_383] : memref<10000x128xf32, #tpu.memory_space<hbm>> -> memref<10000x128xf32, #tpu.memory_space<hbm>>
      tpu.enqueue_indirect_dma source(%dma_start3A_384 : memref<10000x128xf32, #tpu.memory_space<hbm>>) target(%arg9 : memref<128x128xf32, #tpu.memory_space<vmem>>) offsets(%dma_start3A_381 : memref<128xi32, #tpu.memory_space<vmem>>) semaphore(%arg11 : memref<!tpu.dma_semaphore, #tpu.memory_space<semaphore_mem>>)
      %dma_wait3A_385 = arith.constant 12 : i32
      %dma_wait3A_386 = arith.constant 0 : i32
      %dma_wait3A_387 = tpu.memref_slice %arg7[%dma_wait3A_385, %dma_wait3A_386] : memref<16x128xi32, #tpu.memory_space<vmem>> -> memref<1x128xi32, #tpu.memory_space<vmem>>
      %dma_wait3A_388 = tpu.memref_squeeze %dma_wait3A_387 : memref<1x128xi32, #tpu.memory_space<vmem>> -> memref<128xi32, #tpu.memory_space<vmem>>
      %dma_wait3A_389 = arith.constant 0 : i32
      %dma_wait3A_390 = arith.constant 0 : i32
      %dma_wait3A_391 = tpu.memref_slice %arg2[%dma_wait3A_389, %dma_wait3A_390] : memref<10000x128xf32, #tpu.memory_space<hbm>> -> memref<10000x128xf32, #tpu.memory_space<hbm>>
      tpu.wait_indirect_dma semaphore(%arg11 : memref<!tpu.dma_semaphore, #tpu.memory_space<semaphore_mem>>) src(%dma_wait3A_391 : memref<10000x128xf32, #tpu.memory_space<hbm>>) dst(%arg9 : memref<128x128xf32, #tpu.memory_space<vmem>>)
      %dma_start3A_392 = arith.constant 12 : i32
      %dma_start3A_393 = arith.constant 0 : i32
      %dma_start3A_394 = tpu.memref_slice %arg8[%dma_start3A_392, %dma_start3A_393] : memref<16x128xi32, #tpu.memory_space<vmem>> -> memref<1x128xi32, #tpu.memory_space<vmem>>
      %dma_start3A_395 = tpu.memref_squeeze %dma_start3A_394 : memref<1x128xi32, #tpu.memory_space<vmem>> -> memref<128xi32, #tpu.memory_space<vmem>>
      %dma_start3A_396 = arith.constant 0 : i32
      %dma_start3A_397 = arith.constant 0 : i32
      %dma_start3A_398 = tpu.memref_slice %arg6[%dma_start3A_396, %dma_start3A_397] : memref<10240x128xf32, #tpu.memory_space<vmem_shared>> -> memref<10240x128xf32, #tpu.memory_space<vmem_shared>>
      tpu.enqueue_indirect_dma source(%arg9 : memref<128x128xf32, #tpu.memory_space<vmem>>) target(%dma_start3A_398 : memref<10240x128xf32, #tpu.memory_space<vmem_shared>>) offsets(%dma_start3A_395 : memref<128xi32, #tpu.memory_space<vmem>>) semaphore(%arg13 : memref<!tpu.dma_semaphore, #tpu.memory_space<semaphore_mem>>) {add = true}
      %dma_wait3A_399 = arith.constant 11 : i32
      %dma_wait3A_400 = arith.constant 0 : i32
      %dma_wait3A_401 = tpu.memref_slice %arg8[%dma_wait3A_399, %dma_wait3A_400] : memref<16x128xi32, #tpu.memory_space<vmem>> -> memref<1x128xi32, #tpu.memory_space<vmem>>
      %dma_wait3A_402 = tpu.memref_squeeze %dma_wait3A_401 : memref<1x128xi32, #tpu.memory_space<vmem>> -> memref<128xi32, #tpu.memory_space<vmem>>
      %dma_wait3A_403 = arith.constant 0 : i32
      %dma_wait3A_404 = arith.constant 0 : i32
      %dma_wait3A_405 = tpu.memref_slice %arg6[%dma_wait3A_403, %dma_wait3A_404] : memref<10240x128xf32, #tpu.memory_space<vmem_shared>> -> memref<10240x128xf32, #tpu.memory_space<vmem_shared>>
      tpu.wait_indirect_dma semaphore(%arg14 : memref<!tpu.dma_semaphore, #tpu.memory_space<semaphore_mem>>) src(%arg10 : memref<128x128xf32, #tpu.memory_space<vmem>>) dst(%dma_wait3A_405 : memref<10240x128xf32, #tpu.memory_space<vmem_shared>>)
      %dma_start3A_406 = arith.constant 13 : i32
      %dma_start3A_407 = arith.constant 0 : i32
      %dma_start3A_408 = tpu.memref_slice %arg7[%dma_start3A_406, %dma_start3A_407] : memref<16x128xi32, #tpu.memory_space<vmem>> -> memref<1x128xi32, #tpu.memory_space<vmem>>
      %dma_start3A_409 = tpu.memref_squeeze %dma_start3A_408 : memref<1x128xi32, #tpu.memory_space<vmem>> -> memref<128xi32, #tpu.memory_space<vmem>>
      %dma_start3A_410 = arith.constant 0 : i32
      %dma_start3A_411 = arith.constant 0 : i32
      %dma_start3A_412 = tpu.memref_slice %arg2[%dma_start3A_410, %dma_start3A_411] : memref<10000x128xf32, #tpu.memory_space<hbm>> -> memref<10000x128xf32, #tpu.memory_space<hbm>>
      tpu.enqueue_indirect_dma source(%dma_start3A_412 : memref<10000x128xf32, #tpu.memory_space<hbm>>) target(%arg10 : memref<128x128xf32, #tpu.memory_space<vmem>>) offsets(%dma_start3A_409 : memref<128xi32, #tpu.memory_space<vmem>>) semaphore(%arg12 : memref<!tpu.dma_semaphore, #tpu.memory_space<semaphore_mem>>)
      %dma_wait3A_413 = arith.constant 13 : i32
      %dma_wait3A_414 = arith.constant 0 : i32
      %dma_wait3A_415 = tpu.memref_slice %arg7[%dma_wait3A_413, %dma_wait3A_414] : memref<16x128xi32, #tpu.memory_space<vmem>> -> memref<1x128xi32, #tpu.memory_space<vmem>>
      %dma_wait3A_416 = tpu.memref_squeeze %dma_wait3A_415 : memref<1x128xi32, #tpu.memory_space<vmem>> -> memref<128xi32, #tpu.memory_space<vmem>>
      %dma_wait3A_417 = arith.constant 0 : i32
      %dma_wait3A_418 = arith.constant 0 : i32
      %dma_wait3A_419 = tpu.memref_slice %arg2[%dma_wait3A_417, %dma_wait3A_418] : memref<10000x128xf32, #tpu.memory_space<hbm>> -> memref<10000x128xf32, #tpu.memory_space<hbm>>
      tpu.wait_indirect_dma semaphore(%arg12 : memref<!tpu.dma_semaphore, #tpu.memory_space<semaphore_mem>>) src(%dma_wait3A_419 : memref<10000x128xf32, #tpu.memory_space<hbm>>) dst(%arg10 : memref<128x128xf32, #tpu.memory_space<vmem>>)
      %dma_start3A_420 = arith.constant 13 : i32
      %dma_start3A_421 = arith.constant 0 : i32
      %dma_start3A_422 = tpu.memref_slice %arg8[%dma_start3A_420, %dma_start3A_421] : memref<16x128xi32, #tpu.memory_space<vmem>> -> memref<1x128xi32, #tpu.memory_space<vmem>>
      %dma_start3A_423 = tpu.memref_squeeze %dma_start3A_422 : memref<1x128xi32, #tpu.memory_space<vmem>> -> memref<128xi32, #tpu.memory_space<vmem>>
      %dma_start3A_424 = arith.constant 0 : i32
      %dma_start3A_425 = arith.constant 0 : i32
      %dma_start3A_426 = tpu.memref_slice %arg6[%dma_start3A_424, %dma_start3A_425] : memref<10240x128xf32, #tpu.memory_space<vmem_shared>> -> memref<10240x128xf32, #tpu.memory_space<vmem_shared>>
      tpu.enqueue_indirect_dma source(%arg10 : memref<128x128xf32, #tpu.memory_space<vmem>>) target(%dma_start3A_426 : memref<10240x128xf32, #tpu.memory_space<vmem_shared>>) offsets(%dma_start3A_423 : memref<128xi32, #tpu.memory_space<vmem>>) semaphore(%arg14 : memref<!tpu.dma_semaphore, #tpu.memory_space<semaphore_mem>>) {add = true}
      %dma_wait3A_427 = arith.constant 12 : i32
      %dma_wait3A_428 = arith.constant 0 : i32
      %dma_wait3A_429 = tpu.memref_slice %arg8[%dma_wait3A_427, %dma_wait3A_428] : memref<16x128xi32, #tpu.memory_space<vmem>> -> memref<1x128xi32, #tpu.memory_space<vmem>>
      %dma_wait3A_430 = tpu.memref_squeeze %dma_wait3A_429 : memref<1x128xi32, #tpu.memory_space<vmem>> -> memref<128xi32, #tpu.memory_space<vmem>>
      %dma_wait3A_431 = arith.constant 0 : i32
      %dma_wait3A_432 = arith.constant 0 : i32
      %dma_wait3A_433 = tpu.memref_slice %arg6[%dma_wait3A_431, %dma_wait3A_432] : memref<10240x128xf32, #tpu.memory_space<vmem_shared>> -> memref<10240x128xf32, #tpu.memory_space<vmem_shared>>
      tpu.wait_indirect_dma semaphore(%arg13 : memref<!tpu.dma_semaphore, #tpu.memory_space<semaphore_mem>>) src(%arg9 : memref<128x128xf32, #tpu.memory_space<vmem>>) dst(%dma_wait3A_433 : memref<10240x128xf32, #tpu.memory_space<vmem_shared>>)
      %dma_start3A_434 = arith.constant 14 : i32
      %dma_start3A_435 = arith.constant 0 : i32
      %dma_start3A_436 = tpu.memref_slice %arg7[%dma_start3A_434, %dma_start3A_435] : memref<16x128xi32, #tpu.memory_space<vmem>> -> memref<1x128xi32, #tpu.memory_space<vmem>>
      %dma_start3A_437 = tpu.memref_squeeze %dma_start3A_436 : memref<1x128xi32, #tpu.memory_space<vmem>> -> memref<128xi32, #tpu.memory_space<vmem>>
      %dma_start3A_438 = arith.constant 0 : i32
      %dma_start3A_439 = arith.constant 0 : i32
      %dma_start3A_440 = tpu.memref_slice %arg2[%dma_start3A_438, %dma_start3A_439] : memref<10000x128xf32, #tpu.memory_space<hbm>> -> memref<10000x128xf32, #tpu.memory_space<hbm>>
      tpu.enqueue_indirect_dma source(%dma_start3A_440 : memref<10000x128xf32, #tpu.memory_space<hbm>>) target(%arg9 : memref<128x128xf32, #tpu.memory_space<vmem>>) offsets(%dma_start3A_437 : memref<128xi32, #tpu.memory_space<vmem>>) semaphore(%arg11 : memref<!tpu.dma_semaphore, #tpu.memory_space<semaphore_mem>>)
      %dma_wait3A_441 = arith.constant 14 : i32
      %dma_wait3A_442 = arith.constant 0 : i32
      %dma_wait3A_443 = tpu.memref_slice %arg7[%dma_wait3A_441, %dma_wait3A_442] : memref<16x128xi32, #tpu.memory_space<vmem>> -> memref<1x128xi32, #tpu.memory_space<vmem>>
      %dma_wait3A_444 = tpu.memref_squeeze %dma_wait3A_443 : memref<1x128xi32, #tpu.memory_space<vmem>> -> memref<128xi32, #tpu.memory_space<vmem>>
      %dma_wait3A_445 = arith.constant 0 : i32
      %dma_wait3A_446 = arith.constant 0 : i32
      %dma_wait3A_447 = tpu.memref_slice %arg2[%dma_wait3A_445, %dma_wait3A_446] : memref<10000x128xf32, #tpu.memory_space<hbm>> -> memref<10000x128xf32, #tpu.memory_space<hbm>>
      tpu.wait_indirect_dma semaphore(%arg11 : memref<!tpu.dma_semaphore, #tpu.memory_space<semaphore_mem>>) src(%dma_wait3A_447 : memref<10000x128xf32, #tpu.memory_space<hbm>>) dst(%arg9 : memref<128x128xf32, #tpu.memory_space<vmem>>)
      %dma_start3A_448 = arith.constant 14 : i32
      %dma_start3A_449 = arith.constant 0 : i32
      %dma_start3A_450 = tpu.memref_slice %arg8[%dma_start3A_448, %dma_start3A_449] : memref<16x128xi32, #tpu.memory_space<vmem>> -> memref<1x128xi32, #tpu.memory_space<vmem>>
      %dma_start3A_451 = tpu.memref_squeeze %dma_start3A_450 : memref<1x128xi32, #tpu.memory_space<vmem>> -> memref<128xi32, #tpu.memory_space<vmem>>
      %dma_start3A_452 = arith.constant 0 : i32
      %dma_start3A_453 = arith.constant 0 : i32
      %dma_start3A_454 = tpu.memref_slice %arg6[%dma_start3A_452, %dma_start3A_453] : memref<10240x128xf32, #tpu.memory_space<vmem_shared>> -> memref<10240x128xf32, #tpu.memory_space<vmem_shared>>
      tpu.enqueue_indirect_dma source(%arg9 : memref<128x128xf32, #tpu.memory_space<vmem>>) target(%dma_start3A_454 : memref<10240x128xf32, #tpu.memory_space<vmem_shared>>) offsets(%dma_start3A_451 : memref<128xi32, #tpu.memory_space<vmem>>) semaphore(%arg13 : memref<!tpu.dma_semaphore, #tpu.memory_space<semaphore_mem>>) {add = true}
      %dma_wait3A_455 = arith.constant 13 : i32
      %dma_wait3A_456 = arith.constant 0 : i32
      %dma_wait3A_457 = tpu.memref_slice %arg8[%dma_wait3A_455, %dma_wait3A_456] : memref<16x128xi32, #tpu.memory_space<vmem>> -> memref<1x128xi32, #tpu.memory_space<vmem>>
      %dma_wait3A_458 = tpu.memref_squeeze %dma_wait3A_457 : memref<1x128xi32, #tpu.memory_space<vmem>> -> memref<128xi32, #tpu.memory_space<vmem>>
      %dma_wait3A_459 = arith.constant 0 : i32
      %dma_wait3A_460 = arith.constant 0 : i32
      %dma_wait3A_461 = tpu.memref_slice %arg6[%dma_wait3A_459, %dma_wait3A_460] : memref<10240x128xf32, #tpu.memory_space<vmem_shared>> -> memref<10240x128xf32, #tpu.memory_space<vmem_shared>>
      tpu.wait_indirect_dma semaphore(%arg14 : memref<!tpu.dma_semaphore, #tpu.memory_space<semaphore_mem>>) src(%arg10 : memref<128x128xf32, #tpu.memory_space<vmem>>) dst(%dma_wait3A_461 : memref<10240x128xf32, #tpu.memory_space<vmem_shared>>)
      %dma_start3A_462 = arith.constant 15 : i32
      %dma_start3A_463 = arith.constant 0 : i32
      %dma_start3A_464 = tpu.memref_slice %arg7[%dma_start3A_462, %dma_start3A_463] : memref<16x128xi32, #tpu.memory_space<vmem>> -> memref<1x128xi32, #tpu.memory_space<vmem>>
      %dma_start3A_465 = tpu.memref_squeeze %dma_start3A_464 : memref<1x128xi32, #tpu.memory_space<vmem>> -> memref<128xi32, #tpu.memory_space<vmem>>
      %dma_start3A_466 = arith.constant 0 : i32
      %dma_start3A_467 = arith.constant 0 : i32
      %dma_start3A_468 = tpu.memref_slice %arg2[%dma_start3A_466, %dma_start3A_467] : memref<10000x128xf32, #tpu.memory_space<hbm>> -> memref<10000x128xf32, #tpu.memory_space<hbm>>
      tpu.enqueue_indirect_dma source(%dma_start3A_468 : memref<10000x128xf32, #tpu.memory_space<hbm>>) target(%arg10 : memref<128x128xf32, #tpu.memory_space<vmem>>) offsets(%dma_start3A_465 : memref<128xi32, #tpu.memory_space<vmem>>) semaphore(%arg12 : memref<!tpu.dma_semaphore, #tpu.memory_space<semaphore_mem>>)
      %dma_wait3A_469 = arith.constant 15 : i32
      %dma_wait3A_470 = arith.constant 0 : i32
      %dma_wait3A_471 = tpu.memref_slice %arg7[%dma_wait3A_469, %dma_wait3A_470] : memref<16x128xi32, #tpu.memory_space<vmem>> -> memref<1x128xi32, #tpu.memory_space<vmem>>
      %dma_wait3A_472 = tpu.memref_squeeze %dma_wait3A_471 : memref<1x128xi32, #tpu.memory_space<vmem>> -> memref<128xi32, #tpu.memory_space<vmem>>
      %dma_wait3A_473 = arith.constant 0 : i32
      %dma_wait3A_474 = arith.constant 0 : i32
      %dma_wait3A_475 = tpu.memref_slice %arg2[%dma_wait3A_473, %dma_wait3A_474] : memref<10000x128xf32, #tpu.memory_space<hbm>> -> memref<10000x128xf32, #tpu.memory_space<hbm>>
      tpu.wait_indirect_dma semaphore(%arg12 : memref<!tpu.dma_semaphore, #tpu.memory_space<semaphore_mem>>) src(%dma_wait3A_475 : memref<10000x128xf32, #tpu.memory_space<hbm>>) dst(%arg10 : memref<128x128xf32, #tpu.memory_space<vmem>>)
      %dma_start3A_476 = arith.constant 15 : i32
      %dma_start3A_477 = arith.constant 0 : i32
      %dma_start3A_478 = tpu.memref_slice %arg8[%dma_start3A_476, %dma_start3A_477] : memref<16x128xi32, #tpu.memory_space<vmem>> -> memref<1x128xi32, #tpu.memory_space<vmem>>
      %dma_start3A_479 = tpu.memref_squeeze %dma_start3A_478 : memref<1x128xi32, #tpu.memory_space<vmem>> -> memref<128xi32, #tpu.memory_space<vmem>>
      %dma_start3A_480 = arith.constant 0 : i32
      %dma_start3A_481 = arith.constant 0 : i32
      %dma_start3A_482 = tpu.memref_slice %arg6[%dma_start3A_480, %dma_start3A_481] : memref<10240x128xf32, #tpu.memory_space<vmem_shared>> -> memref<10240x128xf32, #tpu.memory_space<vmem_shared>>
      tpu.enqueue_indirect_dma source(%arg10 : memref<128x128xf32, #tpu.memory_space<vmem>>) target(%dma_start3A_482 : memref<10240x128xf32, #tpu.memory_space<vmem_shared>>) offsets(%dma_start3A_479 : memref<128xi32, #tpu.memory_space<vmem>>) semaphore(%arg14 : memref<!tpu.dma_semaphore, #tpu.memory_space<semaphore_mem>>) {add = true}
      %dma_wait3A_483 = arith.constant 15 : i32
      %dma_wait3A_484 = arith.constant 0 : i32
      %dma_wait3A_485 = tpu.memref_slice %arg8[%dma_wait3A_483, %dma_wait3A_484] : memref<16x128xi32, #tpu.memory_space<vmem>> -> memref<1x128xi32, #tpu.memory_space<vmem>>
      %dma_wait3A_486 = tpu.memref_squeeze %dma_wait3A_485 : memref<1x128xi32, #tpu.memory_space<vmem>> -> memref<128xi32, #tpu.memory_space<vmem>>
      %dma_wait3A_487 = arith.constant 0 : i32
      %dma_wait3A_488 = arith.constant 0 : i32
      %dma_wait3A_489 = tpu.memref_slice %arg6[%dma_wait3A_487, %dma_wait3A_488] : memref<10240x128xf32, #tpu.memory_space<vmem_shared>> -> memref<10240x128xf32, #tpu.memory_space<vmem_shared>>
      tpu.wait_indirect_dma semaphore(%arg14 : memref<!tpu.dma_semaphore, #tpu.memory_space<semaphore_mem>>) src(%arg10 : memref<128x128xf32, #tpu.memory_space<vmem>>) dst(%dma_wait3A_489 : memref<10240x128xf32, #tpu.memory_space<vmem_shared>>)
    }
    %while3A_36 = arith.constant 1 : i32
    scf.for %while3A_45 = %while3A_34 to %while3A_30 step %while3A_36  : i32 {
      %mul3A_46 = arith.muli %while3A_45, %while3A : i32
      %add3A_47 = arith.addi %while3A_27, %mul3A_46 : i32
      %mul3A_48 = arith.constant 16 : i32
      %mul3A_49 = arith.muli %add3A_47, %mul3A_48 : i32
      %add3A_50 = arith.addi %add3A, %mul3A_49 : i32
      "tpu.region"() ({
        %run_scoped3A = tpu.sem_alloc : memref<!tpu.dma_semaphore, #tpu.memory_space<semaphore_mem>>
        %dma_start3A_490 = arith.constant 0 : i32
        %dma_start3A_491 = tpu.memref_slice %arg3[%add3A_50, %dma_start3A_490] : memref<2560x128xi32, #tpu.memory_space<hbm>> -> memref<16x128xi32, #tpu.memory_space<hbm>>
        %dma_start3A_492 = arith.constant 0 : i32
        %dma_start3A_493 = tpu.memref_slice %arg3[%add3A_50, %dma_start3A_492] : memref<2560x128xi32, #tpu.memory_space<hbm>> -> memref<16x128xi32, #tpu.memory_space<hbm>>
        tpu.enqueue_dma source(%dma_start3A_493 : memref<16x128xi32, #tpu.memory_space<hbm>>) target(%arg7 : memref<16x128xi32, #tpu.memory_space<vmem>>) target_semaphore(%run_scoped3A : memref<!tpu.dma_semaphore, #tpu.memory_space<semaphore_mem>>)
        %dma_wait3A_494 = arith.constant 0 : i32
        %dma_wait3A_495 = tpu.memref_slice %arg3[%add3A_50, %dma_wait3A_494] : memref<2560x128xi32, #tpu.memory_space<hbm>> -> memref<16x128xi32, #tpu.memory_space<hbm>>
        %dma_wait3A_496 = arith.constant 0 : i32
        %dma_wait3A_497 = tpu.memref_slice %arg3[%add3A_50, %dma_wait3A_496] : memref<2560x128xi32, #tpu.memory_space<hbm>> -> memref<16x128xi32, #tpu.memory_space<hbm>>
        tpu.wait_dma2 semaphore(%run_scoped3A : memref<!tpu.dma_semaphore, #tpu.memory_space<semaphore_mem>>) src(%dma_wait3A_497 : memref<16x128xi32, #tpu.memory_space<hbm>>) dst(%arg7 : memref<16x128xi32, #tpu.memory_space<vmem>>)
        tpu.yield
      }) : () -> ()
      "tpu.region"() ({
        %run_scoped3A = tpu.sem_alloc : memref<!tpu.dma_semaphore, #tpu.memory_space<semaphore_mem>>
        %dma_start3A_490 = arith.constant 0 : i32
        %dma_start3A_491 = tpu.memref_slice %arg4[%add3A_50, %dma_start3A_490] : memref<2560x128xi32, #tpu.memory_space<hbm>> -> memref<16x128xi32, #tpu.memory_space<hbm>>
        %dma_start3A_492 = arith.constant 0 : i32
        %dma_start3A_493 = tpu.memref_slice %arg4[%add3A_50, %dma_start3A_492] : memref<2560x128xi32, #tpu.memory_space<hbm>> -> memref<16x128xi32, #tpu.memory_space<hbm>>
        tpu.enqueue_dma source(%dma_start3A_493 : memref<16x128xi32, #tpu.memory_space<hbm>>) target(%arg8 : memref<16x128xi32, #tpu.memory_space<vmem>>) target_semaphore(%run_scoped3A : memref<!tpu.dma_semaphore, #tpu.memory_space<semaphore_mem>>)
        %dma_wait3A_494 = arith.constant 0 : i32
        %dma_wait3A_495 = tpu.memref_slice %arg4[%add3A_50, %dma_wait3A_494] : memref<2560x128xi32, #tpu.memory_space<hbm>> -> memref<16x128xi32, #tpu.memory_space<hbm>>
        %dma_wait3A_496 = arith.constant 0 : i32
        %dma_wait3A_497 = tpu.memref_slice %arg4[%add3A_50, %dma_wait3A_496] : memref<2560x128xi32, #tpu.memory_space<hbm>> -> memref<16x128xi32, #tpu.memory_space<hbm>>
        tpu.wait_dma2 semaphore(%run_scoped3A : memref<!tpu.dma_semaphore, #tpu.memory_space<semaphore_mem>>) src(%dma_wait3A_497 : memref<16x128xi32, #tpu.memory_space<hbm>>) dst(%arg8 : memref<16x128xi32, #tpu.memory_space<vmem>>)
        tpu.yield
      }) : () -> ()
      %dma_start3A = arith.constant 0 : i32
      %dma_start3A_51 = arith.constant 0 : i32
      %dma_start3A_52 = tpu.memref_slice %arg7[%dma_start3A, %dma_start3A_51] : memref<16x128xi32, #tpu.memory_space<vmem>> -> memref<1x128xi32, #tpu.memory_space<vmem>>
      %dma_start3A_53 = tpu.memref_squeeze %dma_start3A_52 : memref<1x128xi32, #tpu.memory_space<vmem>> -> memref<128xi32, #tpu.memory_space<vmem>>
      %dma_start3A_54 = arith.constant 0 : i32
      %dma_start3A_55 = arith.constant 0 : i32
      %dma_start3A_56 = tpu.memref_slice %arg2[%dma_start3A_54, %dma_start3A_55] : memref<10000x128xf32, #tpu.memory_space<hbm>> -> memref<10000x128xf32, #tpu.memory_space<hbm>>
      tpu.enqueue_indirect_dma source(%dma_start3A_56 : memref<10000x128xf32, #tpu.memory_space<hbm>>) target(%arg9 : memref<128x128xf32, #tpu.memory_space<vmem>>) offsets(%dma_start3A_53 : memref<128xi32, #tpu.memory_space<vmem>>) semaphore(%arg11 : memref<!tpu.dma_semaphore, #tpu.memory_space<semaphore_mem>>)
      %dma_wait3A = arith.constant 0 : i32
      %dma_wait3A_57 = arith.constant 0 : i32
      %dma_wait3A_58 = tpu.memref_slice %arg7[%dma_wait3A, %dma_wait3A_57] : memref<16x128xi32, #tpu.memory_space<vmem>> -> memref<1x128xi32, #tpu.memory_space<vmem>>
      %dma_wait3A_59 = tpu.memref_squeeze %dma_wait3A_58 : memref<1x128xi32, #tpu.memory_space<vmem>> -> memref<128xi32, #tpu.memory_space<vmem>>
      %dma_wait3A_60 = arith.constant 0 : i32
      %dma_wait3A_61 = arith.constant 0 : i32
      %dma_wait3A_62 = tpu.memref_slice %arg2[%dma_wait3A_60, %dma_wait3A_61] : memref<10000x128xf32, #tpu.memory_space<hbm>> -> memref<10000x128xf32, #tpu.memory_space<hbm>>
      tpu.wait_indirect_dma semaphore(%arg11 : memref<!tpu.dma_semaphore, #tpu.memory_space<semaphore_mem>>) src(%dma_wait3A_62 : memref<10000x128xf32, #tpu.memory_space<hbm>>) dst(%arg9 : memref<128x128xf32, #tpu.memory_space<vmem>>)
      %dma_start3A_63 = arith.constant 0 : i32
      %dma_start3A_64 = arith.constant 0 : i32
      %dma_start3A_65 = tpu.memref_slice %arg8[%dma_start3A_63, %dma_start3A_64] : memref<16x128xi32, #tpu.memory_space<vmem>> -> memref<1x128xi32, #tpu.memory_space<vmem>>
      %dma_start3A_66 = tpu.memref_squeeze %dma_start3A_65 : memref<1x128xi32, #tpu.memory_space<vmem>> -> memref<128xi32, #tpu.memory_space<vmem>>
      %dma_start3A_67 = arith.constant 0 : i32
      %dma_start3A_68 = arith.constant 0 : i32
      %dma_start3A_69 = tpu.memref_slice %arg6[%dma_start3A_67, %dma_start3A_68] : memref<10240x128xf32, #tpu.memory_space<vmem_shared>> -> memref<10240x128xf32, #tpu.memory_space<vmem_shared>>
      tpu.enqueue_indirect_dma source(%arg9 : memref<128x128xf32, #tpu.memory_space<vmem>>) target(%dma_start3A_69 : memref<10240x128xf32, #tpu.memory_space<vmem_shared>>) offsets(%dma_start3A_66 : memref<128xi32, #tpu.memory_space<vmem>>) semaphore(%arg13 : memref<!tpu.dma_semaphore, #tpu.memory_space<semaphore_mem>>) {add = true}
      %dma_start3A_70 = arith.constant 1 : i32
      %dma_start3A_71 = arith.constant 0 : i32
      %dma_start3A_72 = tpu.memref_slice %arg7[%dma_start3A_70, %dma_start3A_71] : memref<16x128xi32, #tpu.memory_space<vmem>> -> memref<1x128xi32, #tpu.memory_space<vmem>>
      %dma_start3A_73 = tpu.memref_squeeze %dma_start3A_72 : memref<1x128xi32, #tpu.memory_space<vmem>> -> memref<128xi32, #tpu.memory_space<vmem>>
      %dma_start3A_74 = arith.constant 0 : i32
      %dma_start3A_75 = arith.constant 0 : i32
      %dma_start3A_76 = tpu.memref_slice %arg2[%dma_start3A_74, %dma_start3A_75] : memref<10000x128xf32, #tpu.memory_space<hbm>> -> memref<10000x128xf32, #tpu.memory_space<hbm>>
      tpu.enqueue_indirect_dma source(%dma_start3A_76 : memref<10000x128xf32, #tpu.memory_space<hbm>>) target(%arg10 : memref<128x128xf32, #tpu.memory_space<vmem>>) offsets(%dma_start3A_73 : memref<128xi32, #tpu.memory_space<vmem>>) semaphore(%arg12 : memref<!tpu.dma_semaphore, #tpu.memory_space<semaphore_mem>>)
      %dma_wait3A_77 = arith.constant 1 : i32
      %dma_wait3A_78 = arith.constant 0 : i32
      %dma_wait3A_79 = tpu.memref_slice %arg7[%dma_wait3A_77, %dma_wait3A_78] : memref<16x128xi32, #tpu.memory_space<vmem>> -> memref<1x128xi32, #tpu.memory_space<vmem>>
      %dma_wait3A_80 = tpu.memref_squeeze %dma_wait3A_79 : memref<1x128xi32, #tpu.memory_space<vmem>> -> memref<128xi32, #tpu.memory_space<vmem>>
      %dma_wait3A_81 = arith.constant 0 : i32
      %dma_wait3A_82 = arith.constant 0 : i32
      %dma_wait3A_83 = tpu.memref_slice %arg2[%dma_wait3A_81, %dma_wait3A_82] : memref<10000x128xf32, #tpu.memory_space<hbm>> -> memref<10000x128xf32, #tpu.memory_space<hbm>>
      tpu.wait_indirect_dma semaphore(%arg12 : memref<!tpu.dma_semaphore, #tpu.memory_space<semaphore_mem>>) src(%dma_wait3A_83 : memref<10000x128xf32, #tpu.memory_space<hbm>>) dst(%arg10 : memref<128x128xf32, #tpu.memory_space<vmem>>)
      %dma_start3A_84 = arith.constant 1 : i32
      %dma_start3A_85 = arith.constant 0 : i32
      %dma_start3A_86 = tpu.memref_slice %arg8[%dma_start3A_84, %dma_start3A_85] : memref<16x128xi32, #tpu.memory_space<vmem>> -> memref<1x128xi32, #tpu.memory_space<vmem>>
      %dma_start3A_87 = tpu.memref_squeeze %dma_start3A_86 : memref<1x128xi32, #tpu.memory_space<vmem>> -> memref<128xi32, #tpu.memory_space<vmem>>
      %dma_start3A_88 = arith.constant 0 : i32
      %dma_start3A_89 = arith.constant 0 : i32
      %dma_start3A_90 = tpu.memref_slice %arg6[%dma_start3A_88, %dma_start3A_89] : memref<10240x128xf32, #tpu.memory_space<vmem_shared>> -> memref<10240x128xf32, #tpu.memory_space<vmem_shared>>
      tpu.enqueue_indirect_dma source(%arg10 : memref<128x128xf32, #tpu.memory_space<vmem>>) target(%dma_start3A_90 : memref<10240x128xf32, #tpu.memory_space<vmem_shared>>) offsets(%dma_start3A_87 : memref<128xi32, #tpu.memory_space<vmem>>) semaphore(%arg14 : memref<!tpu.dma_semaphore, #tpu.memory_space<semaphore_mem>>) {add = true}
      %dma_wait3A_91 = arith.constant 0 : i32
      %dma_wait3A_92 = arith.constant 0 : i32
      %dma_wait3A_93 = tpu.memref_slice %arg8[%dma_wait3A_91, %dma_wait3A_92] : memref<16x128xi32, #tpu.memory_space<vmem>> -> memref<1x128xi32, #tpu.memory_space<vmem>>
      %dma_wait3A_94 = tpu.memref_squeeze %dma_wait3A_93 : memref<1x128xi32, #tpu.memory_space<vmem>> -> memref<128xi32, #tpu.memory_space<vmem>>
      %dma_wait3A_95 = arith.constant 0 : i32
      %dma_wait3A_96 = arith.constant 0 : i32
      %dma_wait3A_97 = tpu.memref_slice %arg6[%dma_wait3A_95, %dma_wait3A_96] : memref<10240x128xf32, #tpu.memory_space<vmem_shared>> -> memref<10240x128xf32, #tpu.memory_space<vmem_shared>>
      tpu.wait_indirect_dma semaphore(%arg13 : memref<!tpu.dma_semaphore, #tpu.memory_space<semaphore_mem>>) src(%arg9 : memref<128x128xf32, #tpu.memory_space<vmem>>) dst(%dma_wait3A_97 : memref<10240x128xf32, #tpu.memory_space<vmem_shared>>)
      %dma_start3A_98 = arith.constant 2 : i32
      %dma_start3A_99 = arith.constant 0 : i32
      %dma_start3A_100 = tpu.memref_slice %arg7[%dma_start3A_98, %dma_start3A_99] : memref<16x128xi32, #tpu.memory_space<vmem>> -> memref<1x128xi32, #tpu.memory_space<vmem>>
      %dma_start3A_101 = tpu.memref_squeeze %dma_start3A_100 : memref<1x128xi32, #tpu.memory_space<vmem>> -> memref<128xi32, #tpu.memory_space<vmem>>
      %dma_start3A_102 = arith.constant 0 : i32
      %dma_start3A_103 = arith.constant 0 : i32
      %dma_start3A_104 = tpu.memref_slice %arg2[%dma_start3A_102, %dma_start3A_103] : memref<10000x128xf32, #tpu.memory_space<hbm>> -> memref<10000x128xf32, #tpu.memory_space<hbm>>
      tpu.enqueue_indirect_dma source(%dma_start3A_104 : memref<10000x128xf32, #tpu.memory_space<hbm>>) target(%arg9 : memref<128x128xf32, #tpu.memory_space<vmem>>) offsets(%dma_start3A_101 : memref<128xi32, #tpu.memory_space<vmem>>) semaphore(%arg11 : memref<!tpu.dma_semaphore, #tpu.memory_space<semaphore_mem>>)
      %dma_wait3A_105 = arith.constant 2 : i32
      %dma_wait3A_106 = arith.constant 0 : i32
      %dma_wait3A_107 = tpu.memref_slice %arg7[%dma_wait3A_105, %dma_wait3A_106] : memref<16x128xi32, #tpu.memory_space<vmem>> -> memref<1x128xi32, #tpu.memory_space<vmem>>
      %dma_wait3A_108 = tpu.memref_squeeze %dma_wait3A_107 : memref<1x128xi32, #tpu.memory_space<vmem>> -> memref<128xi32, #tpu.memory_space<vmem>>
      %dma_wait3A_109 = arith.constant 0 : i32
      %dma_wait3A_110 = arith.constant 0 : i32
      %dma_wait3A_111 = tpu.memref_slice %arg2[%dma_wait3A_109, %dma_wait3A_110] : memref<10000x128xf32, #tpu.memory_space<hbm>> -> memref<10000x128xf32, #tpu.memory_space<hbm>>
      tpu.wait_indirect_dma semaphore(%arg11 : memref<!tpu.dma_semaphore, #tpu.memory_space<semaphore_mem>>) src(%dma_wait3A_111 : memref<10000x128xf32, #tpu.memory_space<hbm>>) dst(%arg9 : memref<128x128xf32, #tpu.memory_space<vmem>>)
      %dma_start3A_112 = arith.constant 2 : i32
      %dma_start3A_113 = arith.constant 0 : i32
      %dma_start3A_114 = tpu.memref_slice %arg8[%dma_start3A_112, %dma_start3A_113] : memref<16x128xi32, #tpu.memory_space<vmem>> -> memref<1x128xi32, #tpu.memory_space<vmem>>
      %dma_start3A_115 = tpu.memref_squeeze %dma_start3A_114 : memref<1x128xi32, #tpu.memory_space<vmem>> -> memref<128xi32, #tpu.memory_space<vmem>>
      %dma_start3A_116 = arith.constant 0 : i32
      %dma_start3A_117 = arith.constant 0 : i32
      %dma_start3A_118 = tpu.memref_slice %arg6[%dma_start3A_116, %dma_start3A_117] : memref<10240x128xf32, #tpu.memory_space<vmem_shared>> -> memref<10240x128xf32, #tpu.memory_space<vmem_shared>>
      tpu.enqueue_indirect_dma source(%arg9 : memref<128x128xf32, #tpu.memory_space<vmem>>) target(%dma_start3A_118 : memref<10240x128xf32, #tpu.memory_space<vmem_shared>>) offsets(%dma_start3A_115 : memref<128xi32, #tpu.memory_space<vmem>>) semaphore(%arg13 : memref<!tpu.dma_semaphore, #tpu.memory_space<semaphore_mem>>) {add = true}
      %dma_wait3A_119 = arith.constant 1 : i32
      %dma_wait3A_120 = arith.constant 0 : i32
      %dma_wait3A_121 = tpu.memref_slice %arg8[%dma_wait3A_119, %dma_wait3A_120] : memref<16x128xi32, #tpu.memory_space<vmem>> -> memref<1x128xi32, #tpu.memory_space<vmem>>
      %dma_wait3A_122 = tpu.memref_squeeze %dma_wait3A_121 : memref<1x128xi32, #tpu.memory_space<vmem>> -> memref<128xi32, #tpu.memory_space<vmem>>
      %dma_wait3A_123 = arith.constant 0 : i32
      %dma_wait3A_124 = arith.constant 0 : i32
      %dma_wait3A_125 = tpu.memref_slice %arg6[%dma_wait3A_123, %dma_wait3A_124] : memref<10240x128xf32, #tpu.memory_space<vmem_shared>> -> memref<10240x128xf32, #tpu.memory_space<vmem_shared>>
      tpu.wait_indirect_dma semaphore(%arg14 : memref<!tpu.dma_semaphore, #tpu.memory_space<semaphore_mem>>) src(%arg10 : memref<128x128xf32, #tpu.memory_space<vmem>>) dst(%dma_wait3A_125 : memref<10240x128xf32, #tpu.memory_space<vmem_shared>>)
      %dma_start3A_126 = arith.constant 3 : i32
      %dma_start3A_127 = arith.constant 0 : i32
      %dma_start3A_128 = tpu.memref_slice %arg7[%dma_start3A_126, %dma_start3A_127] : memref<16x128xi32, #tpu.memory_space<vmem>> -> memref<1x128xi32, #tpu.memory_space<vmem>>
      %dma_start3A_129 = tpu.memref_squeeze %dma_start3A_128 : memref<1x128xi32, #tpu.memory_space<vmem>> -> memref<128xi32, #tpu.memory_space<vmem>>
      %dma_start3A_130 = arith.constant 0 : i32
      %dma_start3A_131 = arith.constant 0 : i32
      %dma_start3A_132 = tpu.memref_slice %arg2[%dma_start3A_130, %dma_start3A_131] : memref<10000x128xf32, #tpu.memory_space<hbm>> -> memref<10000x128xf32, #tpu.memory_space<hbm>>
      tpu.enqueue_indirect_dma source(%dma_start3A_132 : memref<10000x128xf32, #tpu.memory_space<hbm>>) target(%arg10 : memref<128x128xf32, #tpu.memory_space<vmem>>) offsets(%dma_start3A_129 : memref<128xi32, #tpu.memory_space<vmem>>) semaphore(%arg12 : memref<!tpu.dma_semaphore, #tpu.memory_space<semaphore_mem>>)
      %dma_wait3A_133 = arith.constant 3 : i32
      %dma_wait3A_134 = arith.constant 0 : i32
      %dma_wait3A_135 = tpu.memref_slice %arg7[%dma_wait3A_133, %dma_wait3A_134] : memref<16x128xi32, #tpu.memory_space<vmem>> -> memref<1x128xi32, #tpu.memory_space<vmem>>
      %dma_wait3A_136 = tpu.memref_squeeze %dma_wait3A_135 : memref<1x128xi32, #tpu.memory_space<vmem>> -> memref<128xi32, #tpu.memory_space<vmem>>
      %dma_wait3A_137 = arith.constant 0 : i32
      %dma_wait3A_138 = arith.constant 0 : i32
      %dma_wait3A_139 = tpu.memref_slice %arg2[%dma_wait3A_137, %dma_wait3A_138] : memref<10000x128xf32, #tpu.memory_space<hbm>> -> memref<10000x128xf32, #tpu.memory_space<hbm>>
      tpu.wait_indirect_dma semaphore(%arg12 : memref<!tpu.dma_semaphore, #tpu.memory_space<semaphore_mem>>) src(%dma_wait3A_139 : memref<10000x128xf32, #tpu.memory_space<hbm>>) dst(%arg10 : memref<128x128xf32, #tpu.memory_space<vmem>>)
      %dma_start3A_140 = arith.constant 3 : i32
      %dma_start3A_141 = arith.constant 0 : i32
      %dma_start3A_142 = tpu.memref_slice %arg8[%dma_start3A_140, %dma_start3A_141] : memref<16x128xi32, #tpu.memory_space<vmem>> -> memref<1x128xi32, #tpu.memory_space<vmem>>
      %dma_start3A_143 = tpu.memref_squeeze %dma_start3A_142 : memref<1x128xi32, #tpu.memory_space<vmem>> -> memref<128xi32, #tpu.memory_space<vmem>>
      %dma_start3A_144 = arith.constant 0 : i32
      %dma_start3A_145 = arith.constant 0 : i32
      %dma_start3A_146 = tpu.memref_slice %arg6[%dma_start3A_144, %dma_start3A_145] : memref<10240x128xf32, #tpu.memory_space<vmem_shared>> -> memref<10240x128xf32, #tpu.memory_space<vmem_shared>>
      tpu.enqueue_indirect_dma source(%arg10 : memref<128x128xf32, #tpu.memory_space<vmem>>) target(%dma_start3A_146 : memref<10240x128xf32, #tpu.memory_space<vmem_shared>>) offsets(%dma_start3A_143 : memref<128xi32, #tpu.memory_space<vmem>>) semaphore(%arg14 : memref<!tpu.dma_semaphore, #tpu.memory_space<semaphore_mem>>) {add = true}
      %dma_wait3A_147 = arith.constant 2 : i32
      %dma_wait3A_148 = arith.constant 0 : i32
      %dma_wait3A_149 = tpu.memref_slice %arg8[%dma_wait3A_147, %dma_wait3A_148] : memref<16x128xi32, #tpu.memory_space<vmem>> -> memref<1x128xi32, #tpu.memory_space<vmem>>
      %dma_wait3A_150 = tpu.memref_squeeze %dma_wait3A_149 : memref<1x128xi32, #tpu.memory_space<vmem>> -> memref<128xi32, #tpu.memory_space<vmem>>
      %dma_wait3A_151 = arith.constant 0 : i32
      %dma_wait3A_152 = arith.constant 0 : i32
      %dma_wait3A_153 = tpu.memref_slice %arg6[%dma_wait3A_151, %dma_wait3A_152] : memref<10240x128xf32, #tpu.memory_space<vmem_shared>> -> memref<10240x128xf32, #tpu.memory_space<vmem_shared>>
      tpu.wait_indirect_dma semaphore(%arg13 : memref<!tpu.dma_semaphore, #tpu.memory_space<semaphore_mem>>) src(%arg9 : memref<128x128xf32, #tpu.memory_space<vmem>>) dst(%dma_wait3A_153 : memref<10240x128xf32, #tpu.memory_space<vmem_shared>>)
      %dma_start3A_154 = arith.constant 4 : i32
      %dma_start3A_155 = arith.constant 0 : i32
      %dma_start3A_156 = tpu.memref_slice %arg7[%dma_start3A_154, %dma_start3A_155] : memref<16x128xi32, #tpu.memory_space<vmem>> -> memref<1x128xi32, #tpu.memory_space<vmem>>
      %dma_start3A_157 = tpu.memref_squeeze %dma_start3A_156 : memref<1x128xi32, #tpu.memory_space<vmem>> -> memref<128xi32, #tpu.memory_space<vmem>>
      %dma_start3A_158 = arith.constant 0 : i32
      %dma_start3A_159 = arith.constant 0 : i32
      %dma_start3A_160 = tpu.memref_slice %arg2[%dma_start3A_158, %dma_start3A_159] : memref<10000x128xf32, #tpu.memory_space<hbm>> -> memref<10000x128xf32, #tpu.memory_space<hbm>>
      tpu.enqueue_indirect_dma source(%dma_start3A_160 : memref<10000x128xf32, #tpu.memory_space<hbm>>) target(%arg9 : memref<128x128xf32, #tpu.memory_space<vmem>>) offsets(%dma_start3A_157 : memref<128xi32, #tpu.memory_space<vmem>>) semaphore(%arg11 : memref<!tpu.dma_semaphore, #tpu.memory_space<semaphore_mem>>)
      %dma_wait3A_161 = arith.constant 4 : i32
      %dma_wait3A_162 = arith.constant 0 : i32
      %dma_wait3A_163 = tpu.memref_slice %arg7[%dma_wait3A_161, %dma_wait3A_162] : memref<16x128xi32, #tpu.memory_space<vmem>> -> memref<1x128xi32, #tpu.memory_space<vmem>>
      %dma_wait3A_164 = tpu.memref_squeeze %dma_wait3A_163 : memref<1x128xi32, #tpu.memory_space<vmem>> -> memref<128xi32, #tpu.memory_space<vmem>>
      %dma_wait3A_165 = arith.constant 0 : i32
      %dma_wait3A_166 = arith.constant 0 : i32
      %dma_wait3A_167 = tpu.memref_slice %arg2[%dma_wait3A_165, %dma_wait3A_166] : memref<10000x128xf32, #tpu.memory_space<hbm>> -> memref<10000x128xf32, #tpu.memory_space<hbm>>
      tpu.wait_indirect_dma semaphore(%arg11 : memref<!tpu.dma_semaphore, #tpu.memory_space<semaphore_mem>>) src(%dma_wait3A_167 : memref<10000x128xf32, #tpu.memory_space<hbm>>) dst(%arg9 : memref<128x128xf32, #tpu.memory_space<vmem>>)
      %dma_start3A_168 = arith.constant 4 : i32
      %dma_start3A_169 = arith.constant 0 : i32
      %dma_start3A_170 = tpu.memref_slice %arg8[%dma_start3A_168, %dma_start3A_169] : memref<16x128xi32, #tpu.memory_space<vmem>> -> memref<1x128xi32, #tpu.memory_space<vmem>>
      %dma_start3A_171 = tpu.memref_squeeze %dma_start3A_170 : memref<1x128xi32, #tpu.memory_space<vmem>> -> memref<128xi32, #tpu.memory_space<vmem>>
      %dma_start3A_172 = arith.constant 0 : i32
      %dma_start3A_173 = arith.constant 0 : i32
      %dma_start3A_174 = tpu.memref_slice %arg6[%dma_start3A_172, %dma_start3A_173] : memref<10240x128xf32, #tpu.memory_space<vmem_shared>> -> memref<10240x128xf32, #tpu.memory_space<vmem_shared>>
      tpu.enqueue_indirect_dma source(%arg9 : memref<128x128xf32, #tpu.memory_space<vmem>>) target(%dma_start3A_174 : memref<10240x128xf32, #tpu.memory_space<vmem_shared>>) offsets(%dma_start3A_171 : memref<128xi32, #tpu.memory_space<vmem>>) semaphore(%arg13 : memref<!tpu.dma_semaphore, #tpu.memory_space<semaphore_mem>>) {add = true}
      %dma_wait3A_175 = arith.constant 3 : i32
      %dma_wait3A_176 = arith.constant 0 : i32
      %dma_wait3A_177 = tpu.memref_slice %arg8[%dma_wait3A_175, %dma_wait3A_176] : memref<16x128xi32, #tpu.memory_space<vmem>> -> memref<1x128xi32, #tpu.memory_space<vmem>>
      %dma_wait3A_178 = tpu.memref_squeeze %dma_wait3A_177 : memref<1x128xi32, #tpu.memory_space<vmem>> -> memref<128xi32, #tpu.memory_space<vmem>>
      %dma_wait3A_179 = arith.constant 0 : i32
      %dma_wait3A_180 = arith.constant 0 : i32
      %dma_wait3A_181 = tpu.memref_slice %arg6[%dma_wait3A_179, %dma_wait3A_180] : memref<10240x128xf32, #tpu.memory_space<vmem_shared>> -> memref<10240x128xf32, #tpu.memory_space<vmem_shared>>
      tpu.wait_indirect_dma semaphore(%arg14 : memref<!tpu.dma_semaphore, #tpu.memory_space<semaphore_mem>>) src(%arg10 : memref<128x128xf32, #tpu.memory_space<vmem>>) dst(%dma_wait3A_181 : memref<10240x128xf32, #tpu.memory_space<vmem_shared>>)
      %dma_start3A_182 = arith.constant 5 : i32
      %dma_start3A_183 = arith.constant 0 : i32
      %dma_start3A_184 = tpu.memref_slice %arg7[%dma_start3A_182, %dma_start3A_183] : memref<16x128xi32, #tpu.memory_space<vmem>> -> memref<1x128xi32, #tpu.memory_space<vmem>>
      %dma_start3A_185 = tpu.memref_squeeze %dma_start3A_184 : memref<1x128xi32, #tpu.memory_space<vmem>> -> memref<128xi32, #tpu.memory_space<vmem>>
      %dma_start3A_186 = arith.constant 0 : i32
      %dma_start3A_187 = arith.constant 0 : i32
      %dma_start3A_188 = tpu.memref_slice %arg2[%dma_start3A_186, %dma_start3A_187] : memref<10000x128xf32, #tpu.memory_space<hbm>> -> memref<10000x128xf32, #tpu.memory_space<hbm>>
      tpu.enqueue_indirect_dma source(%dma_start3A_188 : memref<10000x128xf32, #tpu.memory_space<hbm>>) target(%arg10 : memref<128x128xf32, #tpu.memory_space<vmem>>) offsets(%dma_start3A_185 : memref<128xi32, #tpu.memory_space<vmem>>) semaphore(%arg12 : memref<!tpu.dma_semaphore, #tpu.memory_space<semaphore_mem>>)
      %dma_wait3A_189 = arith.constant 5 : i32
      %dma_wait3A_190 = arith.constant 0 : i32
      %dma_wait3A_191 = tpu.memref_slice %arg7[%dma_wait3A_189, %dma_wait3A_190] : memref<16x128xi32, #tpu.memory_space<vmem>> -> memref<1x128xi32, #tpu.memory_space<vmem>>
      %dma_wait3A_192 = tpu.memref_squeeze %dma_wait3A_191 : memref<1x128xi32, #tpu.memory_space<vmem>> -> memref<128xi32, #tpu.memory_space<vmem>>
      %dma_wait3A_193 = arith.constant 0 : i32
      %dma_wait3A_194 = arith.constant 0 : i32
      %dma_wait3A_195 = tpu.memref_slice %arg2[%dma_wait3A_193, %dma_wait3A_194] : memref<10000x128xf32, #tpu.memory_space<hbm>> -> memref<10000x128xf32, #tpu.memory_space<hbm>>
      tpu.wait_indirect_dma semaphore(%arg12 : memref<!tpu.dma_semaphore, #tpu.memory_space<semaphore_mem>>) src(%dma_wait3A_195 : memref<10000x128xf32, #tpu.memory_space<hbm>>) dst(%arg10 : memref<128x128xf32, #tpu.memory_space<vmem>>)
      %dma_start3A_196 = arith.constant 5 : i32
      %dma_start3A_197 = arith.constant 0 : i32
      %dma_start3A_198 = tpu.memref_slice %arg8[%dma_start3A_196, %dma_start3A_197] : memref<16x128xi32, #tpu.memory_space<vmem>> -> memref<1x128xi32, #tpu.memory_space<vmem>>
      %dma_start3A_199 = tpu.memref_squeeze %dma_start3A_198 : memref<1x128xi32, #tpu.memory_space<vmem>> -> memref<128xi32, #tpu.memory_space<vmem>>
      %dma_start3A_200 = arith.constant 0 : i32
      %dma_start3A_201 = arith.constant 0 : i32
      %dma_start3A_202 = tpu.memref_slice %arg6[%dma_start3A_200, %dma_start3A_201] : memref<10240x128xf32, #tpu.memory_space<vmem_shared>> -> memref<10240x128xf32, #tpu.memory_space<vmem_shared>>
      tpu.enqueue_indirect_dma source(%arg10 : memref<128x128xf32, #tpu.memory_space<vmem>>) target(%dma_start3A_202 : memref<10240x128xf32, #tpu.memory_space<vmem_shared>>) offsets(%dma_start3A_199 : memref<128xi32, #tpu.memory_space<vmem>>) semaphore(%arg14 : memref<!tpu.dma_semaphore, #tpu.memory_space<semaphore_mem>>) {add = true}
      %dma_wait3A_203 = arith.constant 4 : i32
      %dma_wait3A_204 = arith.constant 0 : i32
      %dma_wait3A_205 = tpu.memref_slice %arg8[%dma_wait3A_203, %dma_wait3A_204] : memref<16x128xi32, #tpu.memory_space<vmem>> -> memref<1x128xi32, #tpu.memory_space<vmem>>
      %dma_wait3A_206 = tpu.memref_squeeze %dma_wait3A_205 : memref<1x128xi32, #tpu.memory_space<vmem>> -> memref<128xi32, #tpu.memory_space<vmem>>
      %dma_wait3A_207 = arith.constant 0 : i32
      %dma_wait3A_208 = arith.constant 0 : i32
      %dma_wait3A_209 = tpu.memref_slice %arg6[%dma_wait3A_207, %dma_wait3A_208] : memref<10240x128xf32, #tpu.memory_space<vmem_shared>> -> memref<10240x128xf32, #tpu.memory_space<vmem_shared>>
      tpu.wait_indirect_dma semaphore(%arg13 : memref<!tpu.dma_semaphore, #tpu.memory_space<semaphore_mem>>) src(%arg9 : memref<128x128xf32, #tpu.memory_space<vmem>>) dst(%dma_wait3A_209 : memref<10240x128xf32, #tpu.memory_space<vmem_shared>>)
      %dma_start3A_210 = arith.constant 6 : i32
      %dma_start3A_211 = arith.constant 0 : i32
      %dma_start3A_212 = tpu.memref_slice %arg7[%dma_start3A_210, %dma_start3A_211] : memref<16x128xi32, #tpu.memory_space<vmem>> -> memref<1x128xi32, #tpu.memory_space<vmem>>
      %dma_start3A_213 = tpu.memref_squeeze %dma_start3A_212 : memref<1x128xi32, #tpu.memory_space<vmem>> -> memref<128xi32, #tpu.memory_space<vmem>>
      %dma_start3A_214 = arith.constant 0 : i32
      %dma_start3A_215 = arith.constant 0 : i32
      %dma_start3A_216 = tpu.memref_slice %arg2[%dma_start3A_214, %dma_start3A_215] : memref<10000x128xf32, #tpu.memory_space<hbm>> -> memref<10000x128xf32, #tpu.memory_space<hbm>>
      tpu.enqueue_indirect_dma source(%dma_start3A_216 : memref<10000x128xf32, #tpu.memory_space<hbm>>) target(%arg9 : memref<128x128xf32, #tpu.memory_space<vmem>>) offsets(%dma_start3A_213 : memref<128xi32, #tpu.memory_space<vmem>>) semaphore(%arg11 : memref<!tpu.dma_semaphore, #tpu.memory_space<semaphore_mem>>)
      %dma_wait3A_217 = arith.constant 6 : i32
      %dma_wait3A_218 = arith.constant 0 : i32
      %dma_wait3A_219 = tpu.memref_slice %arg7[%dma_wait3A_217, %dma_wait3A_218] : memref<16x128xi32, #tpu.memory_space<vmem>> -> memref<1x128xi32, #tpu.memory_space<vmem>>
      %dma_wait3A_220 = tpu.memref_squeeze %dma_wait3A_219 : memref<1x128xi32, #tpu.memory_space<vmem>> -> memref<128xi32, #tpu.memory_space<vmem>>
      %dma_wait3A_221 = arith.constant 0 : i32
      %dma_wait3A_222 = arith.constant 0 : i32
      %dma_wait3A_223 = tpu.memref_slice %arg2[%dma_wait3A_221, %dma_wait3A_222] : memref<10000x128xf32, #tpu.memory_space<hbm>> -> memref<10000x128xf32, #tpu.memory_space<hbm>>
      tpu.wait_indirect_dma semaphore(%arg11 : memref<!tpu.dma_semaphore, #tpu.memory_space<semaphore_mem>>) src(%dma_wait3A_223 : memref<10000x128xf32, #tpu.memory_space<hbm>>) dst(%arg9 : memref<128x128xf32, #tpu.memory_space<vmem>>)
      %dma_start3A_224 = arith.constant 6 : i32
      %dma_start3A_225 = arith.constant 0 : i32
      %dma_start3A_226 = tpu.memref_slice %arg8[%dma_start3A_224, %dma_start3A_225] : memref<16x128xi32, #tpu.memory_space<vmem>> -> memref<1x128xi32, #tpu.memory_space<vmem>>
      %dma_start3A_227 = tpu.memref_squeeze %dma_start3A_226 : memref<1x128xi32, #tpu.memory_space<vmem>> -> memref<128xi32, #tpu.memory_space<vmem>>
      %dma_start3A_228 = arith.constant 0 : i32
      %dma_start3A_229 = arith.constant 0 : i32
      %dma_start3A_230 = tpu.memref_slice %arg6[%dma_start3A_228, %dma_start3A_229] : memref<10240x128xf32, #tpu.memory_space<vmem_shared>> -> memref<10240x128xf32, #tpu.memory_space<vmem_shared>>
      tpu.enqueue_indirect_dma source(%arg9 : memref<128x128xf32, #tpu.memory_space<vmem>>) target(%dma_start3A_230 : memref<10240x128xf32, #tpu.memory_space<vmem_shared>>) offsets(%dma_start3A_227 : memref<128xi32, #tpu.memory_space<vmem>>) semaphore(%arg13 : memref<!tpu.dma_semaphore, #tpu.memory_space<semaphore_mem>>) {add = true}
      %dma_wait3A_231 = arith.constant 5 : i32
      %dma_wait3A_232 = arith.constant 0 : i32
      %dma_wait3A_233 = tpu.memref_slice %arg8[%dma_wait3A_231, %dma_wait3A_232] : memref<16x128xi32, #tpu.memory_space<vmem>> -> memref<1x128xi32, #tpu.memory_space<vmem>>
      %dma_wait3A_234 = tpu.memref_squeeze %dma_wait3A_233 : memref<1x128xi32, #tpu.memory_space<vmem>> -> memref<128xi32, #tpu.memory_space<vmem>>
      %dma_wait3A_235 = arith.constant 0 : i32
      %dma_wait3A_236 = arith.constant 0 : i32
      %dma_wait3A_237 = tpu.memref_slice %arg6[%dma_wait3A_235, %dma_wait3A_236] : memref<10240x128xf32, #tpu.memory_space<vmem_shared>> -> memref<10240x128xf32, #tpu.memory_space<vmem_shared>>
      tpu.wait_indirect_dma semaphore(%arg14 : memref<!tpu.dma_semaphore, #tpu.memory_space<semaphore_mem>>) src(%arg10 : memref<128x128xf32, #tpu.memory_space<vmem>>) dst(%dma_wait3A_237 : memref<10240x128xf32, #tpu.memory_space<vmem_shared>>)
      %dma_start3A_238 = arith.constant 7 : i32
      %dma_start3A_239 = arith.constant 0 : i32
      %dma_start3A_240 = tpu.memref_slice %arg7[%dma_start3A_238, %dma_start3A_239] : memref<16x128xi32, #tpu.memory_space<vmem>> -> memref<1x128xi32, #tpu.memory_space<vmem>>
      %dma_start3A_241 = tpu.memref_squeeze %dma_start3A_240 : memref<1x128xi32, #tpu.memory_space<vmem>> -> memref<128xi32, #tpu.memory_space<vmem>>
      %dma_start3A_242 = arith.constant 0 : i32
      %dma_start3A_243 = arith.constant 0 : i32
      %dma_start3A_244 = tpu.memref_slice %arg2[%dma_start3A_242, %dma_start3A_243] : memref<10000x128xf32, #tpu.memory_space<hbm>> -> memref<10000x128xf32, #tpu.memory_space<hbm>>
      tpu.enqueue_indirect_dma source(%dma_start3A_244 : memref<10000x128xf32, #tpu.memory_space<hbm>>) target(%arg10 : memref<128x128xf32, #tpu.memory_space<vmem>>) offsets(%dma_start3A_241 : memref<128xi32, #tpu.memory_space<vmem>>) semaphore(%arg12 : memref<!tpu.dma_semaphore, #tpu.memory_space<semaphore_mem>>)
      %dma_wait3A_245 = arith.constant 7 : i32
      %dma_wait3A_246 = arith.constant 0 : i32
      %dma_wait3A_247 = tpu.memref_slice %arg7[%dma_wait3A_245, %dma_wait3A_246] : memref<16x128xi32, #tpu.memory_space<vmem>> -> memref<1x128xi32, #tpu.memory_space<vmem>>
      %dma_wait3A_248 = tpu.memref_squeeze %dma_wait3A_247 : memref<1x128xi32, #tpu.memory_space<vmem>> -> memref<128xi32, #tpu.memory_space<vmem>>
      %dma_wait3A_249 = arith.constant 0 : i32
      %dma_wait3A_250 = arith.constant 0 : i32
      %dma_wait3A_251 = tpu.memref_slice %arg2[%dma_wait3A_249, %dma_wait3A_250] : memref<10000x128xf32, #tpu.memory_space<hbm>> -> memref<10000x128xf32, #tpu.memory_space<hbm>>
      tpu.wait_indirect_dma semaphore(%arg12 : memref<!tpu.dma_semaphore, #tpu.memory_space<semaphore_mem>>) src(%dma_wait3A_251 : memref<10000x128xf32, #tpu.memory_space<hbm>>) dst(%arg10 : memref<128x128xf32, #tpu.memory_space<vmem>>)
      %dma_start3A_252 = arith.constant 7 : i32
      %dma_start3A_253 = arith.constant 0 : i32
      %dma_start3A_254 = tpu.memref_slice %arg8[%dma_start3A_252, %dma_start3A_253] : memref<16x128xi32, #tpu.memory_space<vmem>> -> memref<1x128xi32, #tpu.memory_space<vmem>>
      %dma_start3A_255 = tpu.memref_squeeze %dma_start3A_254 : memref<1x128xi32, #tpu.memory_space<vmem>> -> memref<128xi32, #tpu.memory_space<vmem>>
      %dma_start3A_256 = arith.constant 0 : i32
      %dma_start3A_257 = arith.constant 0 : i32
      %dma_start3A_258 = tpu.memref_slice %arg6[%dma_start3A_256, %dma_start3A_257] : memref<10240x128xf32, #tpu.memory_space<vmem_shared>> -> memref<10240x128xf32, #tpu.memory_space<vmem_shared>>
      tpu.enqueue_indirect_dma source(%arg10 : memref<128x128xf32, #tpu.memory_space<vmem>>) target(%dma_start3A_258 : memref<10240x128xf32, #tpu.memory_space<vmem_shared>>) offsets(%dma_start3A_255 : memref<128xi32, #tpu.memory_space<vmem>>) semaphore(%arg14 : memref<!tpu.dma_semaphore, #tpu.memory_space<semaphore_mem>>) {add = true}
      %dma_wait3A_259 = arith.constant 6 : i32
      %dma_wait3A_260 = arith.constant 0 : i32
      %dma_wait3A_261 = tpu.memref_slice %arg8[%dma_wait3A_259, %dma_wait3A_260] : memref<16x128xi32, #tpu.memory_space<vmem>> -> memref<1x128xi32, #tpu.memory_space<vmem>>
      %dma_wait3A_262 = tpu.memref_squeeze %dma_wait3A_261 : memref<1x128xi32, #tpu.memory_space<vmem>> -> memref<128xi32, #tpu.memory_space<vmem>>
      %dma_wait3A_263 = arith.constant 0 : i32
      %dma_wait3A_264 = arith.constant 0 : i32
      %dma_wait3A_265 = tpu.memref_slice %arg6[%dma_wait3A_263, %dma_wait3A_264] : memref<10240x128xf32, #tpu.memory_space<vmem_shared>> -> memref<10240x128xf32, #tpu.memory_space<vmem_shared>>
      tpu.wait_indirect_dma semaphore(%arg13 : memref<!tpu.dma_semaphore, #tpu.memory_space<semaphore_mem>>) src(%arg9 : memref<128x128xf32, #tpu.memory_space<vmem>>) dst(%dma_wait3A_265 : memref<10240x128xf32, #tpu.memory_space<vmem_shared>>)
      %dma_start3A_266 = arith.constant 8 : i32
      %dma_start3A_267 = arith.constant 0 : i32
      %dma_start3A_268 = tpu.memref_slice %arg7[%dma_start3A_266, %dma_start3A_267] : memref<16x128xi32, #tpu.memory_space<vmem>> -> memref<1x128xi32, #tpu.memory_space<vmem>>
      %dma_start3A_269 = tpu.memref_squeeze %dma_start3A_268 : memref<1x128xi32, #tpu.memory_space<vmem>> -> memref<128xi32, #tpu.memory_space<vmem>>
      %dma_start3A_270 = arith.constant 0 : i32
      %dma_start3A_271 = arith.constant 0 : i32
      %dma_start3A_272 = tpu.memref_slice %arg2[%dma_start3A_270, %dma_start3A_271] : memref<10000x128xf32, #tpu.memory_space<hbm>> -> memref<10000x128xf32, #tpu.memory_space<hbm>>
      tpu.enqueue_indirect_dma source(%dma_start3A_272 : memref<10000x128xf32, #tpu.memory_space<hbm>>) target(%arg9 : memref<128x128xf32, #tpu.memory_space<vmem>>) offsets(%dma_start3A_269 : memref<128xi32, #tpu.memory_space<vmem>>) semaphore(%arg11 : memref<!tpu.dma_semaphore, #tpu.memory_space<semaphore_mem>>)
      %dma_wait3A_273 = arith.constant 8 : i32
      %dma_wait3A_274 = arith.constant 0 : i32
      %dma_wait3A_275 = tpu.memref_slice %arg7[%dma_wait3A_273, %dma_wait3A_274] : memref<16x128xi32, #tpu.memory_space<vmem>> -> memref<1x128xi32, #tpu.memory_space<vmem>>
      %dma_wait3A_276 = tpu.memref_squeeze %dma_wait3A_275 : memref<1x128xi32, #tpu.memory_space<vmem>> -> memref<128xi32, #tpu.memory_space<vmem>>
      %dma_wait3A_277 = arith.constant 0 : i32
      %dma_wait3A_278 = arith.constant 0 : i32
      %dma_wait3A_279 = tpu.memref_slice %arg2[%dma_wait3A_277, %dma_wait3A_278] : memref<10000x128xf32, #tpu.memory_space<hbm>> -> memref<10000x128xf32, #tpu.memory_space<hbm>>
      tpu.wait_indirect_dma semaphore(%arg11 : memref<!tpu.dma_semaphore, #tpu.memory_space<semaphore_mem>>) src(%dma_wait3A_279 : memref<10000x128xf32, #tpu.memory_space<hbm>>) dst(%arg9 : memref<128x128xf32, #tpu.memory_space<vmem>>)
      %dma_start3A_280 = arith.constant 8 : i32
      %dma_start3A_281 = arith.constant 0 : i32
      %dma_start3A_282 = tpu.memref_slice %arg8[%dma_start3A_280, %dma_start3A_281] : memref<16x128xi32, #tpu.memory_space<vmem>> -> memref<1x128xi32, #tpu.memory_space<vmem>>
      %dma_start3A_283 = tpu.memref_squeeze %dma_start3A_282 : memref<1x128xi32, #tpu.memory_space<vmem>> -> memref<128xi32, #tpu.memory_space<vmem>>
      %dma_start3A_284 = arith.constant 0 : i32
      %dma_start3A_285 = arith.constant 0 : i32
      %dma_start3A_286 = tpu.memref_slice %arg6[%dma_start3A_284, %dma_start3A_285] : memref<10240x128xf32, #tpu.memory_space<vmem_shared>> -> memref<10240x128xf32, #tpu.memory_space<vmem_shared>>
      tpu.enqueue_indirect_dma source(%arg9 : memref<128x128xf32, #tpu.memory_space<vmem>>) target(%dma_start3A_286 : memref<10240x128xf32, #tpu.memory_space<vmem_shared>>) offsets(%dma_start3A_283 : memref<128xi32, #tpu.memory_space<vmem>>) semaphore(%arg13 : memref<!tpu.dma_semaphore, #tpu.memory_space<semaphore_mem>>) {add = true}
      %dma_wait3A_287 = arith.constant 7 : i32
      %dma_wait3A_288 = arith.constant 0 : i32
      %dma_wait3A_289 = tpu.memref_slice %arg8[%dma_wait3A_287, %dma_wait3A_288] : memref<16x128xi32, #tpu.memory_space<vmem>> -> memref<1x128xi32, #tpu.memory_space<vmem>>
      %dma_wait3A_290 = tpu.memref_squeeze %dma_wait3A_289 : memref<1x128xi32, #tpu.memory_space<vmem>> -> memref<128xi32, #tpu.memory_space<vmem>>
      %dma_wait3A_291 = arith.constant 0 : i32
      %dma_wait3A_292 = arith.constant 0 : i32
      %dma_wait3A_293 = tpu.memref_slice %arg6[%dma_wait3A_291, %dma_wait3A_292] : memref<10240x128xf32, #tpu.memory_space<vmem_shared>> -> memref<10240x128xf32, #tpu.memory_space<vmem_shared>>
      tpu.wait_indirect_dma semaphore(%arg14 : memref<!tpu.dma_semaphore, #tpu.memory_space<semaphore_mem>>) src(%arg10 : memref<128x128xf32, #tpu.memory_space<vmem>>) dst(%dma_wait3A_293 : memref<10240x128xf32, #tpu.memory_space<vmem_shared>>)
      %dma_start3A_294 = arith.constant 9 : i32
      %dma_start3A_295 = arith.constant 0 : i32
      %dma_start3A_296 = tpu.memref_slice %arg7[%dma_start3A_294, %dma_start3A_295] : memref<16x128xi32, #tpu.memory_space<vmem>> -> memref<1x128xi32, #tpu.memory_space<vmem>>
      %dma_start3A_297 = tpu.memref_squeeze %dma_start3A_296 : memref<1x128xi32, #tpu.memory_space<vmem>> -> memref<128xi32, #tpu.memory_space<vmem>>
      %dma_start3A_298 = arith.constant 0 : i32
      %dma_start3A_299 = arith.constant 0 : i32
      %dma_start3A_300 = tpu.memref_slice %arg2[%dma_start3A_298, %dma_start3A_299] : memref<10000x128xf32, #tpu.memory_space<hbm>> -> memref<10000x128xf32, #tpu.memory_space<hbm>>
      tpu.enqueue_indirect_dma source(%dma_start3A_300 : memref<10000x128xf32, #tpu.memory_space<hbm>>) target(%arg10 : memref<128x128xf32, #tpu.memory_space<vmem>>) offsets(%dma_start3A_297 : memref<128xi32, #tpu.memory_space<vmem>>) semaphore(%arg12 : memref<!tpu.dma_semaphore, #tpu.memory_space<semaphore_mem>>)
      %dma_wait3A_301 = arith.constant 9 : i32
      %dma_wait3A_302 = arith.constant 0 : i32
      %dma_wait3A_303 = tpu.memref_slice %arg7[%dma_wait3A_301, %dma_wait3A_302] : memref<16x128xi32, #tpu.memory_space<vmem>> -> memref<1x128xi32, #tpu.memory_space<vmem>>
      %dma_wait3A_304 = tpu.memref_squeeze %dma_wait3A_303 : memref<1x128xi32, #tpu.memory_space<vmem>> -> memref<128xi32, #tpu.memory_space<vmem>>
      %dma_wait3A_305 = arith.constant 0 : i32
      %dma_wait3A_306 = arith.constant 0 : i32
      %dma_wait3A_307 = tpu.memref_slice %arg2[%dma_wait3A_305, %dma_wait3A_306] : memref<10000x128xf32, #tpu.memory_space<hbm>> -> memref<10000x128xf32, #tpu.memory_space<hbm>>
      tpu.wait_indirect_dma semaphore(%arg12 : memref<!tpu.dma_semaphore, #tpu.memory_space<semaphore_mem>>) src(%dma_wait3A_307 : memref<10000x128xf32, #tpu.memory_space<hbm>>) dst(%arg10 : memref<128x128xf32, #tpu.memory_space<vmem>>)
      %dma_start3A_308 = arith.constant 9 : i32
      %dma_start3A_309 = arith.constant 0 : i32
      %dma_start3A_310 = tpu.memref_slice %arg8[%dma_start3A_308, %dma_start3A_309] : memref<16x128xi32, #tpu.memory_space<vmem>> -> memref<1x128xi32, #tpu.memory_space<vmem>>
      %dma_start3A_311 = tpu.memref_squeeze %dma_start3A_310 : memref<1x128xi32, #tpu.memory_space<vmem>> -> memref<128xi32, #tpu.memory_space<vmem>>
      %dma_start3A_312 = arith.constant 0 : i32
      %dma_start3A_313 = arith.constant 0 : i32
      %dma_start3A_314 = tpu.memref_slice %arg6[%dma_start3A_312, %dma_start3A_313] : memref<10240x128xf32, #tpu.memory_space<vmem_shared>> -> memref<10240x128xf32, #tpu.memory_space<vmem_shared>>
      tpu.enqueue_indirect_dma source(%arg10 : memref<128x128xf32, #tpu.memory_space<vmem>>) target(%dma_start3A_314 : memref<10240x128xf32, #tpu.memory_space<vmem_shared>>) offsets(%dma_start3A_311 : memref<128xi32, #tpu.memory_space<vmem>>) semaphore(%arg14 : memref<!tpu.dma_semaphore, #tpu.memory_space<semaphore_mem>>) {add = true}
      %dma_wait3A_315 = arith.constant 8 : i32
      %dma_wait3A_316 = arith.constant 0 : i32
      %dma_wait3A_317 = tpu.memref_slice %arg8[%dma_wait3A_315, %dma_wait3A_316] : memref<16x128xi32, #tpu.memory_space<vmem>> -> memref<1x128xi32, #tpu.memory_space<vmem>>
      %dma_wait3A_318 = tpu.memref_squeeze %dma_wait3A_317 : memref<1x128xi32, #tpu.memory_space<vmem>> -> memref<128xi32, #tpu.memory_space<vmem>>
      %dma_wait3A_319 = arith.constant 0 : i32
      %dma_wait3A_320 = arith.constant 0 : i32
      %dma_wait3A_321 = tpu.memref_slice %arg6[%dma_wait3A_319, %dma_wait3A_320] : memref<10240x128xf32, #tpu.memory_space<vmem_shared>> -> memref<10240x128xf32, #tpu.memory_space<vmem_shared>>
      tpu.wait_indirect_dma semaphore(%arg13 : memref<!tpu.dma_semaphore, #tpu.memory_space<semaphore_mem>>) src(%arg9 : memref<128x128xf32, #tpu.memory_space<vmem>>) dst(%dma_wait3A_321 : memref<10240x128xf32, #tpu.memory_space<vmem_shared>>)
      %dma_start3A_322 = arith.constant 10 : i32
      %dma_start3A_323 = arith.constant 0 : i32
      %dma_start3A_324 = tpu.memref_slice %arg7[%dma_start3A_322, %dma_start3A_323] : memref<16x128xi32, #tpu.memory_space<vmem>> -> memref<1x128xi32, #tpu.memory_space<vmem>>
      %dma_start3A_325 = tpu.memref_squeeze %dma_start3A_324 : memref<1x128xi32, #tpu.memory_space<vmem>> -> memref<128xi32, #tpu.memory_space<vmem>>
      %dma_start3A_326 = arith.constant 0 : i32
      %dma_start3A_327 = arith.constant 0 : i32
      %dma_start3A_328 = tpu.memref_slice %arg2[%dma_start3A_326, %dma_start3A_327] : memref<10000x128xf32, #tpu.memory_space<hbm>> -> memref<10000x128xf32, #tpu.memory_space<hbm>>
      tpu.enqueue_indirect_dma source(%dma_start3A_328 : memref<10000x128xf32, #tpu.memory_space<hbm>>) target(%arg9 : memref<128x128xf32, #tpu.memory_space<vmem>>) offsets(%dma_start3A_325 : memref<128xi32, #tpu.memory_space<vmem>>) semaphore(%arg11 : memref<!tpu.dma_semaphore, #tpu.memory_space<semaphore_mem>>)
      %dma_wait3A_329 = arith.constant 10 : i32
      %dma_wait3A_330 = arith.constant 0 : i32
      %dma_wait3A_331 = tpu.memref_slice %arg7[%dma_wait3A_329, %dma_wait3A_330] : memref<16x128xi32, #tpu.memory_space<vmem>> -> memref<1x128xi32, #tpu.memory_space<vmem>>
      %dma_wait3A_332 = tpu.memref_squeeze %dma_wait3A_331 : memref<1x128xi32, #tpu.memory_space<vmem>> -> memref<128xi32, #tpu.memory_space<vmem>>
      %dma_wait3A_333 = arith.constant 0 : i32
      %dma_wait3A_334 = arith.constant 0 : i32
      %dma_wait3A_335 = tpu.memref_slice %arg2[%dma_wait3A_333, %dma_wait3A_334] : memref<10000x128xf32, #tpu.memory_space<hbm>> -> memref<10000x128xf32, #tpu.memory_space<hbm>>
      tpu.wait_indirect_dma semaphore(%arg11 : memref<!tpu.dma_semaphore, #tpu.memory_space<semaphore_mem>>) src(%dma_wait3A_335 : memref<10000x128xf32, #tpu.memory_space<hbm>>) dst(%arg9 : memref<128x128xf32, #tpu.memory_space<vmem>>)
      %dma_start3A_336 = arith.constant 10 : i32
      %dma_start3A_337 = arith.constant 0 : i32
      %dma_start3A_338 = tpu.memref_slice %arg8[%dma_start3A_336, %dma_start3A_337] : memref<16x128xi32, #tpu.memory_space<vmem>> -> memref<1x128xi32, #tpu.memory_space<vmem>>
      %dma_start3A_339 = tpu.memref_squeeze %dma_start3A_338 : memref<1x128xi32, #tpu.memory_space<vmem>> -> memref<128xi32, #tpu.memory_space<vmem>>
      %dma_start3A_340 = arith.constant 0 : i32
      %dma_start3A_341 = arith.constant 0 : i32
      %dma_start3A_342 = tpu.memref_slice %arg6[%dma_start3A_340, %dma_start3A_341] : memref<10240x128xf32, #tpu.memory_space<vmem_shared>> -> memref<10240x128xf32, #tpu.memory_space<vmem_shared>>
      tpu.enqueue_indirect_dma source(%arg9 : memref<128x128xf32, #tpu.memory_space<vmem>>) target(%dma_start3A_342 : memref<10240x128xf32, #tpu.memory_space<vmem_shared>>) offsets(%dma_start3A_339 : memref<128xi32, #tpu.memory_space<vmem>>) semaphore(%arg13 : memref<!tpu.dma_semaphore, #tpu.memory_space<semaphore_mem>>) {add = true}
      %dma_wait3A_343 = arith.constant 9 : i32
      %dma_wait3A_344 = arith.constant 0 : i32
      %dma_wait3A_345 = tpu.memref_slice %arg8[%dma_wait3A_343, %dma_wait3A_344] : memref<16x128xi32, #tpu.memory_space<vmem>> -> memref<1x128xi32, #tpu.memory_space<vmem>>
      %dma_wait3A_346 = tpu.memref_squeeze %dma_wait3A_345 : memref<1x128xi32, #tpu.memory_space<vmem>> -> memref<128xi32, #tpu.memory_space<vmem>>
      %dma_wait3A_347 = arith.constant 0 : i32
      %dma_wait3A_348 = arith.constant 0 : i32
      %dma_wait3A_349 = tpu.memref_slice %arg6[%dma_wait3A_347, %dma_wait3A_348] : memref<10240x128xf32, #tpu.memory_space<vmem_shared>> -> memref<10240x128xf32, #tpu.memory_space<vmem_shared>>
      tpu.wait_indirect_dma semaphore(%arg14 : memref<!tpu.dma_semaphore, #tpu.memory_space<semaphore_mem>>) src(%arg10 : memref<128x128xf32, #tpu.memory_space<vmem>>) dst(%dma_wait3A_349 : memref<10240x128xf32, #tpu.memory_space<vmem_shared>>)
      %dma_start3A_350 = arith.constant 11 : i32
      %dma_start3A_351 = arith.constant 0 : i32
      %dma_start3A_352 = tpu.memref_slice %arg7[%dma_start3A_350, %dma_start3A_351] : memref<16x128xi32, #tpu.memory_space<vmem>> -> memref<1x128xi32, #tpu.memory_space<vmem>>
      %dma_start3A_353 = tpu.memref_squeeze %dma_start3A_352 : memref<1x128xi32, #tpu.memory_space<vmem>> -> memref<128xi32, #tpu.memory_space<vmem>>
      %dma_start3A_354 = arith.constant 0 : i32
      %dma_start3A_355 = arith.constant 0 : i32
      %dma_start3A_356 = tpu.memref_slice %arg2[%dma_start3A_354, %dma_start3A_355] : memref<10000x128xf32, #tpu.memory_space<hbm>> -> memref<10000x128xf32, #tpu.memory_space<hbm>>
      tpu.enqueue_indirect_dma source(%dma_start3A_356 : memref<10000x128xf32, #tpu.memory_space<hbm>>) target(%arg10 : memref<128x128xf32, #tpu.memory_space<vmem>>) offsets(%dma_start3A_353 : memref<128xi32, #tpu.memory_space<vmem>>) semaphore(%arg12 : memref<!tpu.dma_semaphore, #tpu.memory_space<semaphore_mem>>)
      %dma_wait3A_357 = arith.constant 11 : i32
      %dma_wait3A_358 = arith.constant 0 : i32
      %dma_wait3A_359 = tpu.memref_slice %arg7[%dma_wait3A_357, %dma_wait3A_358] : memref<16x128xi32, #tpu.memory_space<vmem>> -> memref<1x128xi32, #tpu.memory_space<vmem>>
      %dma_wait3A_360 = tpu.memref_squeeze %dma_wait3A_359 : memref<1x128xi32, #tpu.memory_space<vmem>> -> memref<128xi32, #tpu.memory_space<vmem>>
      %dma_wait3A_361 = arith.constant 0 : i32
      %dma_wait3A_362 = arith.constant 0 : i32
      %dma_wait3A_363 = tpu.memref_slice %arg2[%dma_wait3A_361, %dma_wait3A_362] : memref<10000x128xf32, #tpu.memory_space<hbm>> -> memref<10000x128xf32, #tpu.memory_space<hbm>>
      tpu.wait_indirect_dma semaphore(%arg12 : memref<!tpu.dma_semaphore, #tpu.memory_space<semaphore_mem>>) src(%dma_wait3A_363 : memref<10000x128xf32, #tpu.memory_space<hbm>>) dst(%arg10 : memref<128x128xf32, #tpu.memory_space<vmem>>)
      %dma_start3A_364 = arith.constant 11 : i32
      %dma_start3A_365 = arith.constant 0 : i32
      %dma_start3A_366 = tpu.memref_slice %arg8[%dma_start3A_364, %dma_start3A_365] : memref<16x128xi32, #tpu.memory_space<vmem>> -> memref<1x128xi32, #tpu.memory_space<vmem>>
      %dma_start3A_367 = tpu.memref_squeeze %dma_start3A_366 : memref<1x128xi32, #tpu.memory_space<vmem>> -> memref<128xi32, #tpu.memory_space<vmem>>
      %dma_start3A_368 = arith.constant 0 : i32
      %dma_start3A_369 = arith.constant 0 : i32
      %dma_start3A_370 = tpu.memref_slice %arg6[%dma_start3A_368, %dma_start3A_369] : memref<10240x128xf32, #tpu.memory_space<vmem_shared>> -> memref<10240x128xf32, #tpu.memory_space<vmem_shared>>
      tpu.enqueue_indirect_dma source(%arg10 : memref<128x128xf32, #tpu.memory_space<vmem>>) target(%dma_start3A_370 : memref<10240x128xf32, #tpu.memory_space<vmem_shared>>) offsets(%dma_start3A_367 : memref<128xi32, #tpu.memory_space<vmem>>) semaphore(%arg14 : memref<!tpu.dma_semaphore, #tpu.memory_space<semaphore_mem>>) {add = true}
      %dma_wait3A_371 = arith.constant 10 : i32
      %dma_wait3A_372 = arith.constant 0 : i32
      %dma_wait3A_373 = tpu.memref_slice %arg8[%dma_wait3A_371, %dma_wait3A_372] : memref<16x128xi32, #tpu.memory_space<vmem>> -> memref<1x128xi32, #tpu.memory_space<vmem>>
      %dma_wait3A_374 = tpu.memref_squeeze %dma_wait3A_373 : memref<1x128xi32, #tpu.memory_space<vmem>> -> memref<128xi32, #tpu.memory_space<vmem>>
      %dma_wait3A_375 = arith.constant 0 : i32
      %dma_wait3A_376 = arith.constant 0 : i32
      %dma_wait3A_377 = tpu.memref_slice %arg6[%dma_wait3A_375, %dma_wait3A_376] : memref<10240x128xf32, #tpu.memory_space<vmem_shared>> -> memref<10240x128xf32, #tpu.memory_space<vmem_shared>>
      tpu.wait_indirect_dma semaphore(%arg13 : memref<!tpu.dma_semaphore, #tpu.memory_space<semaphore_mem>>) src(%arg9 : memref<128x128xf32, #tpu.memory_space<vmem>>) dst(%dma_wait3A_377 : memref<10240x128xf32, #tpu.memory_space<vmem_shared>>)
      %dma_start3A_378 = arith.constant 12 : i32
      %dma_start3A_379 = arith.constant 0 : i32
      %dma_start3A_380 = tpu.memref_slice %arg7[%dma_start3A_378, %dma_start3A_379] : memref<16x128xi32, #tpu.memory_space<vmem>> -> memref<1x128xi32, #tpu.memory_space<vmem>>
      %dma_start3A_381 = tpu.memref_squeeze %dma_start3A_380 : memref<1x128xi32, #tpu.memory_space<vmem>> -> memref<128xi32, #tpu.memory_space<vmem>>
      %dma_start3A_382 = arith.constant 0 : i32
      %dma_start3A_383 = arith.constant 0 : i32
      %dma_start3A_384 = tpu.memref_slice %arg2[%dma_start3A_382, %dma_start3A_383] : memref<10000x128xf32, #tpu.memory_space<hbm>> -> memref<10000x128xf32, #tpu.memory_space<hbm>>
      tpu.enqueue_indirect_dma source(%dma_start3A_384 : memref<10000x128xf32, #tpu.memory_space<hbm>>) target(%arg9 : memref<128x128xf32, #tpu.memory_space<vmem>>) offsets(%dma_start3A_381 : memref<128xi32, #tpu.memory_space<vmem>>) semaphore(%arg11 : memref<!tpu.dma_semaphore, #tpu.memory_space<semaphore_mem>>)
      %dma_wait3A_385 = arith.constant 12 : i32
      %dma_wait3A_386 = arith.constant 0 : i32
      %dma_wait3A_387 = tpu.memref_slice %arg7[%dma_wait3A_385, %dma_wait3A_386] : memref<16x128xi32, #tpu.memory_space<vmem>> -> memref<1x128xi32, #tpu.memory_space<vmem>>
      %dma_wait3A_388 = tpu.memref_squeeze %dma_wait3A_387 : memref<1x128xi32, #tpu.memory_space<vmem>> -> memref<128xi32, #tpu.memory_space<vmem>>
      %dma_wait3A_389 = arith.constant 0 : i32
      %dma_wait3A_390 = arith.constant 0 : i32
      %dma_wait3A_391 = tpu.memref_slice %arg2[%dma_wait3A_389, %dma_wait3A_390] : memref<10000x128xf32, #tpu.memory_space<hbm>> -> memref<10000x128xf32, #tpu.memory_space<hbm>>
      tpu.wait_indirect_dma semaphore(%arg11 : memref<!tpu.dma_semaphore, #tpu.memory_space<semaphore_mem>>) src(%dma_wait3A_391 : memref<10000x128xf32, #tpu.memory_space<hbm>>) dst(%arg9 : memref<128x128xf32, #tpu.memory_space<vmem>>)
      %dma_start3A_392 = arith.constant 12 : i32
      %dma_start3A_393 = arith.constant 0 : i32
      %dma_start3A_394 = tpu.memref_slice %arg8[%dma_start3A_392, %dma_start3A_393] : memref<16x128xi32, #tpu.memory_space<vmem>> -> memref<1x128xi32, #tpu.memory_space<vmem>>
      %dma_start3A_395 = tpu.memref_squeeze %dma_start3A_394 : memref<1x128xi32, #tpu.memory_space<vmem>> -> memref<128xi32, #tpu.memory_space<vmem>>
      %dma_start3A_396 = arith.constant 0 : i32
      %dma_start3A_397 = arith.constant 0 : i32
      %dma_start3A_398 = tpu.memref_slice %arg6[%dma_start3A_396, %dma_start3A_397] : memref<10240x128xf32, #tpu.memory_space<vmem_shared>> -> memref<10240x128xf32, #tpu.memory_space<vmem_shared>>
      tpu.enqueue_indirect_dma source(%arg9 : memref<128x128xf32, #tpu.memory_space<vmem>>) target(%dma_start3A_398 : memref<10240x128xf32, #tpu.memory_space<vmem_shared>>) offsets(%dma_start3A_395 : memref<128xi32, #tpu.memory_space<vmem>>) semaphore(%arg13 : memref<!tpu.dma_semaphore, #tpu.memory_space<semaphore_mem>>) {add = true}
      %dma_wait3A_399 = arith.constant 11 : i32
      %dma_wait3A_400 = arith.constant 0 : i32
      %dma_wait3A_401 = tpu.memref_slice %arg8[%dma_wait3A_399, %dma_wait3A_400] : memref<16x128xi32, #tpu.memory_space<vmem>> -> memref<1x128xi32, #tpu.memory_space<vmem>>
      %dma_wait3A_402 = tpu.memref_squeeze %dma_wait3A_401 : memref<1x128xi32, #tpu.memory_space<vmem>> -> memref<128xi32, #tpu.memory_space<vmem>>
      %dma_wait3A_403 = arith.constant 0 : i32
      %dma_wait3A_404 = arith.constant 0 : i32
      %dma_wait3A_405 = tpu.memref_slice %arg6[%dma_wait3A_403, %dma_wait3A_404] : memref<10240x128xf32, #tpu.memory_space<vmem_shared>> -> memref<10240x128xf32, #tpu.memory_space<vmem_shared>>
      tpu.wait_indirect_dma semaphore(%arg14 : memref<!tpu.dma_semaphore, #tpu.memory_space<semaphore_mem>>) src(%arg10 : memref<128x128xf32, #tpu.memory_space<vmem>>) dst(%dma_wait3A_405 : memref<10240x128xf32, #tpu.memory_space<vmem_shared>>)
      %dma_start3A_406 = arith.constant 13 : i32
      %dma_start3A_407 = arith.constant 0 : i32
      %dma_start3A_408 = tpu.memref_slice %arg7[%dma_start3A_406, %dma_start3A_407] : memref<16x128xi32, #tpu.memory_space<vmem>> -> memref<1x128xi32, #tpu.memory_space<vmem>>
      %dma_start3A_409 = tpu.memref_squeeze %dma_start3A_408 : memref<1x128xi32, #tpu.memory_space<vmem>> -> memref<128xi32, #tpu.memory_space<vmem>>
      %dma_start3A_410 = arith.constant 0 : i32
      %dma_start3A_411 = arith.constant 0 : i32
      %dma_start3A_412 = tpu.memref_slice %arg2[%dma_start3A_410, %dma_start3A_411] : memref<10000x128xf32, #tpu.memory_space<hbm>> -> memref<10000x128xf32, #tpu.memory_space<hbm>>
      tpu.enqueue_indirect_dma source(%dma_start3A_412 : memref<10000x128xf32, #tpu.memory_space<hbm>>) target(%arg10 : memref<128x128xf32, #tpu.memory_space<vmem>>) offsets(%dma_start3A_409 : memref<128xi32, #tpu.memory_space<vmem>>) semaphore(%arg12 : memref<!tpu.dma_semaphore, #tpu.memory_space<semaphore_mem>>)
      %dma_wait3A_413 = arith.constant 13 : i32
      %dma_wait3A_414 = arith.constant 0 : i32
      %dma_wait3A_415 = tpu.memref_slice %arg7[%dma_wait3A_413, %dma_wait3A_414] : memref<16x128xi32, #tpu.memory_space<vmem>> -> memref<1x128xi32, #tpu.memory_space<vmem>>
      %dma_wait3A_416 = tpu.memref_squeeze %dma_wait3A_415 : memref<1x128xi32, #tpu.memory_space<vmem>> -> memref<128xi32, #tpu.memory_space<vmem>>
      %dma_wait3A_417 = arith.constant 0 : i32
      %dma_wait3A_418 = arith.constant 0 : i32
      %dma_wait3A_419 = tpu.memref_slice %arg2[%dma_wait3A_417, %dma_wait3A_418] : memref<10000x128xf32, #tpu.memory_space<hbm>> -> memref<10000x128xf32, #tpu.memory_space<hbm>>
      tpu.wait_indirect_dma semaphore(%arg12 : memref<!tpu.dma_semaphore, #tpu.memory_space<semaphore_mem>>) src(%dma_wait3A_419 : memref<10000x128xf32, #tpu.memory_space<hbm>>) dst(%arg10 : memref<128x128xf32, #tpu.memory_space<vmem>>)
      %dma_start3A_420 = arith.constant 13 : i32
      %dma_start3A_421 = arith.constant 0 : i32
      %dma_start3A_422 = tpu.memref_slice %arg8[%dma_start3A_420, %dma_start3A_421] : memref<16x128xi32, #tpu.memory_space<vmem>> -> memref<1x128xi32, #tpu.memory_space<vmem>>
      %dma_start3A_423 = tpu.memref_squeeze %dma_start3A_422 : memref<1x128xi32, #tpu.memory_space<vmem>> -> memref<128xi32, #tpu.memory_space<vmem>>
      %dma_start3A_424 = arith.constant 0 : i32
      %dma_start3A_425 = arith.constant 0 : i32
      %dma_start3A_426 = tpu.memref_slice %arg6[%dma_start3A_424, %dma_start3A_425] : memref<10240x128xf32, #tpu.memory_space<vmem_shared>> -> memref<10240x128xf32, #tpu.memory_space<vmem_shared>>
      tpu.enqueue_indirect_dma source(%arg10 : memref<128x128xf32, #tpu.memory_space<vmem>>) target(%dma_start3A_426 : memref<10240x128xf32, #tpu.memory_space<vmem_shared>>) offsets(%dma_start3A_423 : memref<128xi32, #tpu.memory_space<vmem>>) semaphore(%arg14 : memref<!tpu.dma_semaphore, #tpu.memory_space<semaphore_mem>>) {add = true}
      %dma_wait3A_427 = arith.constant 12 : i32
      %dma_wait3A_428 = arith.constant 0 : i32
      %dma_wait3A_429 = tpu.memref_slice %arg8[%dma_wait3A_427, %dma_wait3A_428] : memref<16x128xi32, #tpu.memory_space<vmem>> -> memref<1x128xi32, #tpu.memory_space<vmem>>
      %dma_wait3A_430 = tpu.memref_squeeze %dma_wait3A_429 : memref<1x128xi32, #tpu.memory_space<vmem>> -> memref<128xi32, #tpu.memory_space<vmem>>
      %dma_wait3A_431 = arith.constant 0 : i32
      %dma_wait3A_432 = arith.constant 0 : i32
      %dma_wait3A_433 = tpu.memref_slice %arg6[%dma_wait3A_431, %dma_wait3A_432] : memref<10240x128xf32, #tpu.memory_space<vmem_shared>> -> memref<10240x128xf32, #tpu.memory_space<vmem_shared>>
      tpu.wait_indirect_dma semaphore(%arg13 : memref<!tpu.dma_semaphore, #tpu.memory_space<semaphore_mem>>) src(%arg9 : memref<128x128xf32, #tpu.memory_space<vmem>>) dst(%dma_wait3A_433 : memref<10240x128xf32, #tpu.memory_space<vmem_shared>>)
      %dma_start3A_434 = arith.constant 14 : i32
      %dma_start3A_435 = arith.constant 0 : i32
      %dma_start3A_436 = tpu.memref_slice %arg7[%dma_start3A_434, %dma_start3A_435] : memref<16x128xi32, #tpu.memory_space<vmem>> -> memref<1x128xi32, #tpu.memory_space<vmem>>
      %dma_start3A_437 = tpu.memref_squeeze %dma_start3A_436 : memref<1x128xi32, #tpu.memory_space<vmem>> -> memref<128xi32, #tpu.memory_space<vmem>>
      %dma_start3A_438 = arith.constant 0 : i32
      %dma_start3A_439 = arith.constant 0 : i32
      %dma_start3A_440 = tpu.memref_slice %arg2[%dma_start3A_438, %dma_start3A_439] : memref<10000x128xf32, #tpu.memory_space<hbm>> -> memref<10000x128xf32, #tpu.memory_space<hbm>>
      tpu.enqueue_indirect_dma source(%dma_start3A_440 : memref<10000x128xf32, #tpu.memory_space<hbm>>) target(%arg9 : memref<128x128xf32, #tpu.memory_space<vmem>>) offsets(%dma_start3A_437 : memref<128xi32, #tpu.memory_space<vmem>>) semaphore(%arg11 : memref<!tpu.dma_semaphore, #tpu.memory_space<semaphore_mem>>)
      %dma_wait3A_441 = arith.constant 14 : i32
      %dma_wait3A_442 = arith.constant 0 : i32
      %dma_wait3A_443 = tpu.memref_slice %arg7[%dma_wait3A_441, %dma_wait3A_442] : memref<16x128xi32, #tpu.memory_space<vmem>> -> memref<1x128xi32, #tpu.memory_space<vmem>>
      %dma_wait3A_444 = tpu.memref_squeeze %dma_wait3A_443 : memref<1x128xi32, #tpu.memory_space<vmem>> -> memref<128xi32, #tpu.memory_space<vmem>>
      %dma_wait3A_445 = arith.constant 0 : i32
      %dma_wait3A_446 = arith.constant 0 : i32
      %dma_wait3A_447 = tpu.memref_slice %arg2[%dma_wait3A_445, %dma_wait3A_446] : memref<10000x128xf32, #tpu.memory_space<hbm>> -> memref<10000x128xf32, #tpu.memory_space<hbm>>
      tpu.wait_indirect_dma semaphore(%arg11 : memref<!tpu.dma_semaphore, #tpu.memory_space<semaphore_mem>>) src(%dma_wait3A_447 : memref<10000x128xf32, #tpu.memory_space<hbm>>) dst(%arg9 : memref<128x128xf32, #tpu.memory_space<vmem>>)
      %dma_start3A_448 = arith.constant 14 : i32
      %dma_start3A_449 = arith.constant 0 : i32
      %dma_start3A_450 = tpu.memref_slice %arg8[%dma_start3A_448, %dma_start3A_449] : memref<16x128xi32, #tpu.memory_space<vmem>> -> memref<1x128xi32, #tpu.memory_space<vmem>>
      %dma_start3A_451 = tpu.memref_squeeze %dma_start3A_450 : memref<1x128xi32, #tpu.memory_space<vmem>> -> memref<128xi32, #tpu.memory_space<vmem>>
      %dma_start3A_452 = arith.constant 0 : i32
      %dma_start3A_453 = arith.constant 0 : i32
      %dma_start3A_454 = tpu.memref_slice %arg6[%dma_start3A_452, %dma_start3A_453] : memref<10240x128xf32, #tpu.memory_space<vmem_shared>> -> memref<10240x128xf32, #tpu.memory_space<vmem_shared>>
      tpu.enqueue_indirect_dma source(%arg9 : memref<128x128xf32, #tpu.memory_space<vmem>>) target(%dma_start3A_454 : memref<10240x128xf32, #tpu.memory_space<vmem_shared>>) offsets(%dma_start3A_451 : memref<128xi32, #tpu.memory_space<vmem>>) semaphore(%arg13 : memref<!tpu.dma_semaphore, #tpu.memory_space<semaphore_mem>>) {add = true}
      %dma_wait3A_455 = arith.constant 13 : i32
      %dma_wait3A_456 = arith.constant 0 : i32
      %dma_wait3A_457 = tpu.memref_slice %arg8[%dma_wait3A_455, %dma_wait3A_456] : memref<16x128xi32, #tpu.memory_space<vmem>> -> memref<1x128xi32, #tpu.memory_space<vmem>>
      %dma_wait3A_458 = tpu.memref_squeeze %dma_wait3A_457 : memref<1x128xi32, #tpu.memory_space<vmem>> -> memref<128xi32, #tpu.memory_space<vmem>>
      %dma_wait3A_459 = arith.constant 0 : i32
      %dma_wait3A_460 = arith.constant 0 : i32
      %dma_wait3A_461 = tpu.memref_slice %arg6[%dma_wait3A_459, %dma_wait3A_460] : memref<10240x128xf32, #tpu.memory_space<vmem_shared>> -> memref<10240x128xf32, #tpu.memory_space<vmem_shared>>
      tpu.wait_indirect_dma semaphore(%arg14 : memref<!tpu.dma_semaphore, #tpu.memory_space<semaphore_mem>>) src(%arg10 : memref<128x128xf32, #tpu.memory_space<vmem>>) dst(%dma_wait3A_461 : memref<10240x128xf32, #tpu.memory_space<vmem_shared>>)
      %dma_start3A_462 = arith.constant 15 : i32
      %dma_start3A_463 = arith.constant 0 : i32
      %dma_start3A_464 = tpu.memref_slice %arg7[%dma_start3A_462, %dma_start3A_463] : memref<16x128xi32, #tpu.memory_space<vmem>> -> memref<1x128xi32, #tpu.memory_space<vmem>>
      %dma_start3A_465 = tpu.memref_squeeze %dma_start3A_464 : memref<1x128xi32, #tpu.memory_space<vmem>> -> memref<128xi32, #tpu.memory_space<vmem>>
      %dma_start3A_466 = arith.constant 0 : i32
      %dma_start3A_467 = arith.constant 0 : i32
      %dma_start3A_468 = tpu.memref_slice %arg2[%dma_start3A_466, %dma_start3A_467] : memref<10000x128xf32, #tpu.memory_space<hbm>> -> memref<10000x128xf32, #tpu.memory_space<hbm>>
      tpu.enqueue_indirect_dma source(%dma_start3A_468 : memref<10000x128xf32, #tpu.memory_space<hbm>>) target(%arg10 : memref<128x128xf32, #tpu.memory_space<vmem>>) offsets(%dma_start3A_465 : memref<128xi32, #tpu.memory_space<vmem>>) semaphore(%arg12 : memref<!tpu.dma_semaphore, #tpu.memory_space<semaphore_mem>>)
      %dma_wait3A_469 = arith.constant 15 : i32
      %dma_wait3A_470 = arith.constant 0 : i32
      %dma_wait3A_471 = tpu.memref_slice %arg7[%dma_wait3A_469, %dma_wait3A_470] : memref<16x128xi32, #tpu.memory_space<vmem>> -> memref<1x128xi32, #tpu.memory_space<vmem>>
      %dma_wait3A_472 = tpu.memref_squeeze %dma_wait3A_471 : memref<1x128xi32, #tpu.memory_space<vmem>> -> memref<128xi32, #tpu.memory_space<vmem>>
      %dma_wait3A_473 = arith.constant 0 : i32
      %dma_wait3A_474 = arith.constant 0 : i32
      %dma_wait3A_475 = tpu.memref_slice %arg2[%dma_wait3A_473, %dma_wait3A_474] : memref<10000x128xf32, #tpu.memory_space<hbm>> -> memref<10000x128xf32, #tpu.memory_space<hbm>>
      tpu.wait_indirect_dma semaphore(%arg12 : memref<!tpu.dma_semaphore, #tpu.memory_space<semaphore_mem>>) src(%dma_wait3A_475 : memref<10000x128xf32, #tpu.memory_space<hbm>>) dst(%arg10 : memref<128x128xf32, #tpu.memory_space<vmem>>)
      %dma_start3A_476 = arith.constant 15 : i32
      %dma_start3A_477 = arith.constant 0 : i32
      %dma_start3A_478 = tpu.memref_slice %arg8[%dma_start3A_476, %dma_start3A_477] : memref<16x128xi32, #tpu.memory_space<vmem>> -> memref<1x128xi32, #tpu.memory_space<vmem>>
      %dma_start3A_479 = tpu.memref_squeeze %dma_start3A_478 : memref<1x128xi32, #tpu.memory_space<vmem>> -> memref<128xi32, #tpu.memory_space<vmem>>
      %dma_start3A_480 = arith.constant 0 : i32
      %dma_start3A_481 = arith.constant 0 : i32
      %dma_start3A_482 = tpu.memref_slice %arg6[%dma_start3A_480, %dma_start3A_481] : memref<10240x128xf32, #tpu.memory_space<vmem_shared>> -> memref<10240x128xf32, #tpu.memory_space<vmem_shared>>
      tpu.enqueue_indirect_dma source(%arg10 : memref<128x128xf32, #tpu.memory_space<vmem>>) target(%dma_start3A_482 : memref<10240x128xf32, #tpu.memory_space<vmem_shared>>) offsets(%dma_start3A_479 : memref<128xi32, #tpu.memory_space<vmem>>) semaphore(%arg14 : memref<!tpu.dma_semaphore, #tpu.memory_space<semaphore_mem>>) {add = true}
      %dma_wait3A_483 = arith.constant 15 : i32
      %dma_wait3A_484 = arith.constant 0 : i32
      %dma_wait3A_485 = tpu.memref_slice %arg8[%dma_wait3A_483, %dma_wait3A_484] : memref<16x128xi32, #tpu.memory_space<vmem>> -> memref<1x128xi32, #tpu.memory_space<vmem>>
      %dma_wait3A_486 = tpu.memref_squeeze %dma_wait3A_485 : memref<1x128xi32, #tpu.memory_space<vmem>> -> memref<128xi32, #tpu.memory_space<vmem>>
      %dma_wait3A_487 = arith.constant 0 : i32
      %dma_wait3A_488 = arith.constant 0 : i32
      %dma_wait3A_489 = tpu.memref_slice %arg6[%dma_wait3A_487, %dma_wait3A_488] : memref<10240x128xf32, #tpu.memory_space<vmem_shared>> -> memref<10240x128xf32, #tpu.memory_space<vmem_shared>>
      tpu.wait_indirect_dma semaphore(%arg14 : memref<!tpu.dma_semaphore, #tpu.memory_space<semaphore_mem>>) src(%arg10 : memref<128x128xf32, #tpu.memory_space<vmem>>) dst(%dma_wait3A_489 : memref<10240x128xf32, #tpu.memory_space<vmem_shared>>)
    }
    %barrier3A_37 = arith.constant 0 : index
    tpu.barrier barrier_id(%barrier3A_37)
    %mul3A_38 = arith.constant 640 : i32
    %mul3A_39 = arith.muli %arg1, %mul3A_38 : i32
    %mul3A_40 = arith.constant 10240 : i32
    %mul3A_41 = arith.muli %arg0, %mul3A_40 : i32
    %mul3A_42 = arith.constant 640 : i32
    %mul3A_43 = arith.muli %arg1, %mul3A_42 : i32
    %add3A_44 = arith.addi %mul3A_41, %mul3A_43 : i32
    "tpu.region"() ({
      %run_scoped3A = tpu.sem_alloc : memref<!tpu.dma_semaphore, #tpu.memory_space<semaphore_mem>>
      %dma_start3A = arith.constant 0 : i32
      %dma_start3A_45 = tpu.memref_slice %arg5[%add3A_44, %dma_start3A] : memref<20480x128xf32, #tpu.memory_space<hbm>> -> memref<640x128xf32, #tpu.memory_space<hbm>>
      %dma_start3A_46 = arith.constant 0 : i32
      %dma_start3A_47 = tpu.memref_slice %arg6[%mul3A_39, %dma_start3A_46] : memref<10240x128xf32, #tpu.memory_space<vmem_shared>> -> memref<640x128xf32, #tpu.memory_space<vmem_shared>>
      tpu.enqueue_dma source(%dma_start3A_47 : memref<640x128xf32, #tpu.memory_space<vmem_shared>>) target(%dma_start3A_45 : memref<640x128xf32, #tpu.memory_space<hbm>>) target_semaphore(%run_scoped3A : memref<!tpu.dma_semaphore, #tpu.memory_space<semaphore_mem>>)
      %dma_wait3A = arith.constant 0 : i32
      %dma_wait3A_48 = tpu.memref_slice %arg5[%add3A_44, %dma_wait3A] : memref<20480x128xf32, #tpu.memory_space<hbm>> -> memref<640x128xf32, #tpu.memory_space<hbm>>
      %dma_wait3A_49 = arith.constant 0 : i32
      %dma_wait3A_50 = tpu.memref_slice %arg6[%mul3A_39, %dma_wait3A_49] : memref<10240x128xf32, #tpu.memory_space<vmem_shared>> -> memref<640x128xf32, #tpu.memory_space<vmem_shared>>
      tpu.wait_dma2 semaphore(%run_scoped3A : memref<!tpu.dma_semaphore, #tpu.memory_space<semaphore_mem>>) src(%dma_wait3A_50 : memref<640x128xf32, #tpu.memory_space<vmem_shared>>) dst(%dma_wait3A_48 : memref<640x128xf32, #tpu.memory_space<hbm>>)
      tpu.yield
    }) : () -> ()
    return
  }
}

#map = affine_map<(d0, d1) -> (0, 0, 0)>
#map1 = affine_map<(d0, d1) -> (0)>
module attributes {stable_mosaic.version = 14 : i64} {
  func.func @deg(%arg0: i32, %arg1: i32, %arg2: memref<32x80x128xi32, #tpu.memory_space<hbm>>, %arg3: memref<327680xf32, #tpu.memory_space<hbm>>, %arg4: memref<10240xf32, #tpu.memory_space<vmem>>, %arg5: memref<80x128xi32, #tpu.memory_space<vmem>>) attributes {dimension_semantics = [#tpu.dimension_semantics<core_parallel>, #tpu.dimension_semantics<subcore_parallel>], iteration_bounds = array<i64: 2, 16>, scalar_prefetch = 0 : i64, scratch_operands = 2 : i64, tpu.core_type = #tpu.core_type<sc_vector_subcore>, window_params = [{transform_indices = #map}, {transform_indices = #map1}]} {
    %mul3A = arith.constant 2 : i32
    %mul3A_0 = arith.muli %arg1, %mul3A : i32
    %add3A = arith.addi %mul3A_0, %arg0 : i32
    "tpu.region"() ({
      %run_scoped3A = tpu.sem_alloc : memref<!tpu.dma_semaphore, #tpu.memory_space<semaphore_mem>>
      %dma_start3A = arith.constant 0 : i32
      %dma_start3A_12 = arith.constant 0 : i32
      %dma_start3A_13 = tpu.memref_slice %arg2[%add3A, %dma_start3A, %dma_start3A_12] : memref<32x80x128xi32, #tpu.memory_space<hbm>> -> memref<1x80x128xi32, #tpu.memory_space<hbm>>
      %dma_start3A_14 = tpu.memref_squeeze %dma_start3A_13 : memref<1x80x128xi32, #tpu.memory_space<hbm>> -> memref<80x128xi32, #tpu.memory_space<hbm>>
      %dma_start3A_15 = arith.constant 0 : i32
      %dma_start3A_16 = arith.constant 0 : i32
      %dma_start3A_17 = tpu.memref_slice %arg2[%add3A, %dma_start3A_15, %dma_start3A_16] : memref<32x80x128xi32, #tpu.memory_space<hbm>> -> memref<1x80x128xi32, #tpu.memory_space<hbm>>
      %dma_start3A_18 = tpu.memref_squeeze %dma_start3A_17 : memref<1x80x128xi32, #tpu.memory_space<hbm>> -> memref<80x128xi32, #tpu.memory_space<hbm>>
      tpu.enqueue_dma source(%dma_start3A_18 : memref<80x128xi32, #tpu.memory_space<hbm>>) target(%arg5 : memref<80x128xi32, #tpu.memory_space<vmem>>) target_semaphore(%run_scoped3A : memref<!tpu.dma_semaphore, #tpu.memory_space<semaphore_mem>>)
      %dma_wait3A = arith.constant 0 : i32
      %dma_wait3A_19 = arith.constant 0 : i32
      %dma_wait3A_20 = tpu.memref_slice %arg2[%add3A, %dma_wait3A, %dma_wait3A_19] : memref<32x80x128xi32, #tpu.memory_space<hbm>> -> memref<1x80x128xi32, #tpu.memory_space<hbm>>
      %dma_wait3A_21 = tpu.memref_squeeze %dma_wait3A_20 : memref<1x80x128xi32, #tpu.memory_space<hbm>> -> memref<80x128xi32, #tpu.memory_space<hbm>>
      %dma_wait3A_22 = arith.constant 0 : i32
      %dma_wait3A_23 = arith.constant 0 : i32
      %dma_wait3A_24 = tpu.memref_slice %arg2[%add3A, %dma_wait3A_22, %dma_wait3A_23] : memref<32x80x128xi32, #tpu.memory_space<hbm>> -> memref<1x80x128xi32, #tpu.memory_space<hbm>>
      %dma_wait3A_25 = tpu.memref_squeeze %dma_wait3A_24 : memref<1x80x128xi32, #tpu.memory_space<hbm>> -> memref<80x128xi32, #tpu.memory_space<hbm>>
      tpu.wait_dma2 semaphore(%run_scoped3A : memref<!tpu.dma_semaphore, #tpu.memory_space<semaphore_mem>>) src(%dma_wait3A_25 : memref<80x128xi32, #tpu.memory_space<hbm>>) dst(%arg5 : memref<80x128xi32, #tpu.memory_space<vmem>>)
      tpu.yield
    }) : () -> ()
    %scan3A = arith.constant 0 : i32
    %scan3A_1 = arith.constant 640 : i32
    %scan3A_2 = arith.addi %scan3A, %scan3A_1 : i32
    %scan3A_3 = arith.constant 1 : i32
    scf.for %scan3A_12 = %scan3A to %scan3A_2 step %scan3A_3  : i32 {
      %mul3A_13 = arith.constant 1 : i32
      %mul3A_14 = arith.muli %scan3A_12, %mul3A_13 : i32
      %add3A_15 = arith.constant 0 : i32
      %add3A_16 = arith.addi %add3A_15, %mul3A_14 : i32
      %broadcast_in_dim3A = arith.constant 0.000000e+00 : f32
      %broadcast_in_dim3A_17 = vector.broadcast %broadcast_in_dim3A : f32 to vector<16xf32>
      %mul3A_18 = arith.constant 16 : i32
      %mul3A_19 = arith.muli %add3A_16, %mul3A_18 : i32
      %swap3A = arith.index_cast %mul3A_19 : i32 to index
      %swap3A_20 = tpu.vector_load %arg4[%swap3A] {strides = array<i32>} : memref<10240xf32, #tpu.memory_space<vmem>>, vector<16xf32>,
      tpu.vector_store %arg4[%swap3A], %broadcast_in_dim3A_17 {strides = array<i32>} : memref<10240xf32, #tpu.memory_space<vmem>>, vector<16xf32>,
    }
    %scan3A_4 = arith.constant 640 : i32
    %scan3A_5 = arith.constant 0 : i32
    %scan3A_6 = arith.constant 80 : i32
    %scan3A_7 = arith.addi %scan3A_5, %scan3A_6 : i32
    %scan3A_8 = arith.constant 1 : i32
    scf.for %scan3A_12 = %scan3A_5 to %scan3A_7 step %scan3A_8  : i32 {
      %mul3A_13 = arith.constant 1 : i32
      %mul3A_14 = arith.muli %scan3A_12, %mul3A_13 : i32
      %add3A_15 = arith.constant 0 : i32
      %add3A_16 = arith.addi %add3A_15, %mul3A_14 : i32
      %scan3A_17 = arith.constant 0 : i32
      %scan3A_18 = arith.constant 8 : i32
      %scan3A_19 = arith.addi %scan3A_17, %scan3A_18 : i32
      %scan3A_20 = arith.constant 1 : i32
      scf.for %scan3A_22 = %scan3A_17 to %scan3A_19 step %scan3A_20  : i32 {
        %mul3A_23 = arith.constant 1 : i32
        %mul3A_24 = arith.muli %scan3A_22, %mul3A_23 : i32
        %add3A_25 = arith.constant 0 : i32
        %add3A_26 = arith.addi %add3A_25, %mul3A_24 : i32
        %mul3A_27 = arith.constant 16 : i32
        %mul3A_28 = arith.muli %add3A_26, %mul3A_27 : i32
        %get3A = arith.index_cast %add3A_16 : i32 to index
        %get3A_29 = arith.index_cast %mul3A_28 : i32 to index
        %get3A_30 = tpu.vector_load %arg5[%get3A, %get3A_29] {strides = array<i32>} : memref<80x128xi32, #tpu.memory_space<vmem>>, vector<16xi32>,
        %broadcast_in_dim3A = arith.constant 1.000000e+00 : f32
        %broadcast_in_dim3A_31 = vector.broadcast %broadcast_in_dim3A : f32 to vector<16xf32>
        tpu.vector_store_idx %arg4[%get3A_30], %broadcast_in_dim3A_31 {add = true} : memref<10240xf32, #tpu.memory_space<vmem>>[vector<16xi32>], vector<16xf32>,
      }
      %scan3A_21 = arith.constant 8 : i32
    }
    %scan3A_9 = arith.constant 80 : i32
    %mul3A_10 = arith.constant 10240 : i32
    %mul3A_11 = arith.muli %add3A, %mul3A_10 : i32
    "tpu.region"() ({
      %run_scoped3A = tpu.sem_alloc : memref<!tpu.dma_semaphore, #tpu.memory_space<semaphore_mem>>
      %dma_start3A = tpu.memref_slice %arg3[%mul3A_11] : memref<327680xf32, #tpu.memory_space<hbm>> -> memref<10240xf32, #tpu.memory_space<hbm>>
      %dma_start3A_12 = tpu.memref_slice %arg3[%mul3A_11] : memref<327680xf32, #tpu.memory_space<hbm>> -> memref<10240xf32, #tpu.memory_space<hbm>>
      tpu.enqueue_dma source(%arg4 : memref<10240xf32, #tpu.memory_space<vmem>>) target(%dma_start3A_12 : memref<10240xf32, #tpu.memory_space<hbm>>) target_semaphore(%run_scoped3A : memref<!tpu.dma_semaphore, #tpu.memory_space<semaphore_mem>>)
      %dma_wait3A = tpu.memref_slice %arg3[%mul3A_11] : memref<327680xf32, #tpu.memory_space<hbm>> -> memref<10240xf32, #tpu.memory_space<hbm>>
      %dma_wait3A_13 = tpu.memref_slice %arg3[%mul3A_11] : memref<327680xf32, #tpu.memory_space<hbm>> -> memref<10240xf32, #tpu.memory_space<hbm>>
      tpu.wait_dma2 semaphore(%run_scoped3A : memref<!tpu.dma_semaphore, #tpu.memory_space<semaphore_mem>>) src(%arg4 : memref<10240xf32, #tpu.memory_space<vmem>>) dst(%dma_wait3A_13 : memref<10240xf32, #tpu.memory_space<hbm>>)
      tpu.yield
    }) : () -> ()
    return
  }
}

#map = affine_map<(d0, d1) -> (0, 0)>
module attributes {stable_mosaic.version = 14 : i64} {
  func.func @agg(%arg0: i32, %arg1: i32, %arg2: memref<10000x128xf32, #tpu.memory_space<hbm>>, %arg3: memref<2560x128xi32, #tpu.memory_space<hbm>>, %arg4: memref<2560x128xi32, #tpu.memory_space<hbm>>, %arg5: memref<20480x128xf32, #tpu.memory_space<hbm>>, %arg6: memref<10240x128xf32, #tpu.memory_space<vmem_shared>>, %arg7: memref<16x128xi32, #tpu.memory_space<vmem>>, %arg8: memref<16x128xi32, #tpu.memory_space<vmem>>, %arg9: memref<128x128xf32, #tpu.memory_space<vmem>>, %arg10: memref<128x128xf32, #tpu.memory_space<vmem>>, %arg11: memref<!tpu.dma_semaphore, #tpu.memory_space<semaphore_mem>>, %arg12: memref<!tpu.dma_semaphore, #tpu.memory_space<semaphore_mem>>, %arg13: memref<!tpu.dma_semaphore, #tpu.memory_space<semaphore_mem>>, %arg14: memref<!tpu.dma_semaphore, #tpu.memory_space<semaphore_mem>>) attributes {dimension_semantics = [#tpu.dimension_semantics<core_parallel>, #tpu.dimension_semantics<subcore_parallel>], iteration_bounds = array<i64: 2, 16>, scalar_prefetch = 0 : i64, scratch_operands = 9 : i64, tpu.core_type = #tpu.core_type<sc_vector_subcore>, window_params = [{transform_indices = #map}, {transform_indices = #map}, {transform_indices = #map}, {transform_indices = #map}]} {
    %mul3A = arith.constant 8 : i32
    %mul3A_0 = arith.muli %arg0, %mul3A : i32
    %sub3A = arith.constant 9 : i32
    %sub3A_1 = arith.subi %sub3A, %mul3A_0 : i32
    %mul3A_2 = arith.constant 16 : i32
    %mul3A_3 = arith.muli %arg0, %mul3A_2 : i32
    %mul3A_4 = arith.constant 144 : i32
    %mul3A_5 = arith.muli %mul3A_3, %mul3A_4 : i32
    %mul3A_6 = arith.constant 128 : i32
    %mul3A_7 = arith.muli %arg0, %mul3A_6 : i32
    %sub3A_8 = arith.constant 144 : i32
    %sub3A_9 = arith.subi %sub3A_8, %mul3A_7 : i32
    %mul3A_10 = arith.muli %arg1, %sub3A_9 : i32
    %add3A = arith.addi %mul3A_5, %mul3A_10 : i32
    %scan3A = arith.constant 0 : i32
    %scan3A_11 = arith.constant 1024 : i32
    %scan3A_12 = arith.addi %scan3A, %scan3A_11 : i32
    %scan3A_13 = arith.constant 1 : i32
    scf.for %scan3A_45 = %scan3A to %scan3A_12 step %scan3A_13  : i32 {
      %mul3A_46 = arith.constant 1 : i32
      %mul3A_47 = arith.muli %scan3A_45, %mul3A_46 : i32
      %add3A_48 = arith.constant 0 : i32
      %add3A_49 = arith.addi %add3A_48, %mul3A_47 : i32
      %jit3A = arith.constant 8 : i32
      %div3A_50 = arith.divsi %add3A_49, %jit3A : i32
      %sign3A = arith.constant 0 : i32
      %sign3A_51 = arith.cmpi sgt, %add3A_49, %sign3A : i32
      %sign3A_52 = arith.extui %sign3A_51 : i1 to i32
      %sign3A_53 = arith.constant 0 : i32
      %sign3A_54 = arith.cmpi slt, %add3A_49, %sign3A_53 : i32
      %sign3A_55 = arith.extui %sign3A_54 : i1 to i32
      %sign3A_56 = arith.subi %sign3A_52, %sign3A_55 : i32
      %sign3A_57 = arith.constant 0 : i32
      %sign3A_58 = arith.cmpi sgt, %jit3A, %sign3A_57 : i32
      %sign3A_59 = arith.extui %sign3A_58 : i1 to i32
      %sign3A_60 = arith.constant 0 : i32
      %sign3A_61 = arith.cmpi slt, %jit3A, %sign3A_60 : i32
      %sign3A_62 = arith.extui %sign3A_61 : i1 to i32
      %sign3A_63 = arith.subi %sign3A_59, %sign3A_62 : i32
      %ne3A = arith.cmpi ne, %sign3A_56, %sign3A_63 : i32
      %rem3A = arith.remsi %add3A_49, %jit3A : i32
      %ne3A_64 = arith.constant 0 : i32
      %ne3A_65 = arith.cmpi ne, %rem3A, %ne3A_64 : i32
      %and3A = arith.andi %ne3A, %ne3A_65 : i1
      %sub3A_66 = arith.constant 1 : i32
      %sub3A_67 = arith.subi %div3A_50, %sub3A_66 : i32
      %select_n3A = arith.select %and3A, %sub3A_67, %div3A_50 : i32
      %jit3A_68 = arith.constant 8 : i32
      %eq3A = arith.constant 0 : i32
      %eq3A_69 = arith.cmpi eq, %jit3A_68, %eq3A : i32
      %jit3A_70 = arith.constant 1 : i32
      %select_n3A_71 = arith.select %eq3A_69, %jit3A_70, %jit3A_68 : i32
      %rem3A_72 = arith.remsi %add3A_49, %select_n3A_71 : i32
      %ne3A_73 = arith.constant 0 : i32
      %ne3A_74 = arith.cmpi ne, %rem3A_72, %ne3A_73 : i32
      %lt3A = arith.constant 0 : i32
      %lt3A_75 = arith.cmpi slt, %rem3A_72, %lt3A : i32
      %lt3A_76 = arith.constant 0 : i32
      %lt3A_77 = arith.cmpi slt, %select_n3A_71, %lt3A_76 : i32
      %ne3A_78 = arith.xori %lt3A_75, %lt3A_77 : i1
      %and3A_79 = arith.andi %ne3A_78, %ne3A_74 : i1
      %add3A_80 = arith.addi %rem3A_72, %select_n3A_71 : i32
      %select_n3A_81 = arith.select %and3A_79, %add3A_80, %rem3A_72 : i32
      %mul3A_82 = arith.constant 16 : i32
      %mul3A_83 = arith.muli %select_n3A_81, %mul3A_82 : i32
      %broadcast_in_dim3A = arith.constant 0.000000e+00 : f32
      %broadcast_in_dim3A_84 = vector.broadcast %broadcast_in_dim3A : f32 to vector<16xf32>
      %swap3A = arith.index_cast %select_n3A : i32 to index
      %swap3A_85 = arith.index_cast %mul3A_83 : i32 to index
      %swap3A_86 = tpu.vector_load %arg9[%swap3A, %swap3A_85] {strides = array<i32>} : memref<128x128xf32, #tpu.memory_space<vmem>>, vector<1x16xf32>,
      %swap3A_87 = vector.shape_cast %swap3A_86 : vector<1x16xf32> to vector<16xf32>
      %swap3A_88 = vector.shape_cast %broadcast_in_dim3A_84 : vector<16xf32> to vector<1x16xf32>
      tpu.vector_store %arg9[%swap3A, %swap3A_85], %swap3A_88 {strides = array<i32>} : memref<128x128xf32, #tpu.memory_space<vmem>>, vector<1x16xf32>,
    }
    %scan3A_14 = arith.constant 1024 : i32
    %scan3A_15 = arith.constant 0 : i32
    %scan3A_16 = arith.constant 5 : i32
    %scan3A_17 = arith.addi %scan3A_15, %scan3A_16 : i32
    %scan3A_18 = arith.constant 1 : i32
    scf.for %scan3A_45 = %scan3A_15 to %scan3A_17 step %scan3A_18  : i32 {
      %mul3A_46 = arith.constant 1 : i32
      %mul3A_47 = arith.muli %scan3A_45, %mul3A_46 : i32
      %add3A_48 = arith.constant 0 : i32
      %add3A_49 = arith.addi %add3A_48, %mul3A_47 : i32
      %mul3A_50 = arith.constant 640 : i32
      %mul3A_51 = arith.muli %arg1, %mul3A_50 : i32
      %mul3A_52 = arith.constant 128 : i32
      %mul3A_53 = arith.muli %add3A_49, %mul3A_52 : i32
      %add3A_54 = arith.addi %mul3A_51, %mul3A_53 : i32
      "tpu.region"() ({
        %run_scoped3A = tpu.sem_alloc : memref<!tpu.dma_semaphore, #tpu.memory_space<semaphore_mem>>
        %dma_start3A = arith.constant 0 : i32
        %dma_start3A_55 = tpu.memref_slice %arg6[%add3A_54, %dma_start3A] : memref<10240x128xf32, #tpu.memory_space<vmem_shared>> -> memref<128x128xf32, #tpu.memory_space<vmem_shared>>
        %dma_start3A_56 = arith.constant 0 : i32
        %dma_start3A_57 = tpu.memref_slice %arg6[%add3A_54, %dma_start3A_56] : memref<10240x128xf32, #tpu.memory_space<vmem_shared>> -> memref<128x128xf32, #tpu.memory_space<vmem_shared>>
        tpu.enqueue_dma source(%arg9 : memref<128x128xf32, #tpu.memory_space<vmem>>) target(%dma_start3A_57 : memref<128x128xf32, #tpu.memory_space<vmem_shared>>) target_semaphore(%run_scoped3A : memref<!tpu.dma_semaphore, #tpu.memory_space<semaphore_mem>>)
        %dma_wait3A = arith.constant 0 : i32
        %dma_wait3A_58 = tpu.memref_slice %arg6[%add3A_54, %dma_wait3A] : memref<10240x128xf32, #tpu.memory_space<vmem_shared>> -> memref<128x128xf32, #tpu.memory_space<vmem_shared>>
        %dma_wait3A_59 = arith.constant 0 : i32
        %dma_wait3A_60 = tpu.memref_slice %arg6[%add3A_54, %dma_wait3A_59] : memref<10240x128xf32, #tpu.memory_space<vmem_shared>> -> memref<128x128xf32, #tpu.memory_space<vmem_shared>>
        tpu.wait_dma2 semaphore(%run_scoped3A : memref<!tpu.dma_semaphore, #tpu.memory_space<semaphore_mem>>) src(%arg9 : memref<128x128xf32, #tpu.memory_space<vmem>>) dst(%dma_wait3A_60 : memref<128x128xf32, #tpu.memory_space<vmem_shared>>)
        tpu.yield
      }) : () -> ()
    }
    %scan3A_19 = arith.constant 5 : i32
    %barrier3A = arith.constant 0 : index
    tpu.barrier barrier_id(%barrier3A)
    %sub3A_20 = arith.constant 0 : i32
    %sub3A_21 = arith.subi %sub3A_1, %sub3A_20 : i32
    %sub3A_22 = arith.constant 1 : i32
    %sub3A_23 = arith.constant 1 : i32
    %sub3A_24 = arith.subi %sub3A_22, %sub3A_23 : i32
    %add3A_25 = arith.addi %sub3A_21, %sub3A_24 : i32
    %div3A = arith.constant 1 : i32
    %div3A_26 = arith.divsi %add3A_25, %div3A : i32
    %while3A = arith.constant 1 : i32
    %while3A_27 = arith.constant 0 : i32
    %while3A_28 = arith.constant 0 : i32
    %while3A_29 = arith.subi %div3A_26, %while3A_28 : i32
    %while3A_30 = arith.addi %while3A_28, %while3A_29 : i32
    %while3A_31 = arith.constant 1 : i32
    %while3A_32 = arith.divsi %while3A_29, %while3A_31 : i32
    %while3A_33 = arith.muli %while3A_32, %while3A_31 : i32
    %while3A_34 = arith.addi %while3A_28, %while3A_33 : i32
    %while3A_35 = arith.constant 1 : i32
    scf.for %while3A_45 = %while3A_28 to %while3A_34 step %while3A_35  : i32 {
      %mul3A_46 = arith.muli %while3A_45, %while3A : i32
      %add3A_47 = arith.addi %while3A_27, %mul3A_46 : i32
      %mul3A_48 = arith.constant 16 : i32
      %mul3A_49 = arith.muli %add3A_47, %mul3A_48 : i32
      %add3A_50 = arith.addi %add3A, %mul3A_49 : i32
      "tpu.region"() ({
        %run_scoped3A = tpu.sem_alloc : memref<!tpu.dma_semaphore, #tpu.memory_space<semaphore_mem>>
        %dma_start3A_490 = arith.constant 0 : i32
        %dma_start3A_491 = tpu.memref_slice %arg3[%add3A_50, %dma_start3A_490] : memref<2560x128xi32, #tpu.memory_space<hbm>> -> memref<16x128xi32, #tpu.memory_space<hbm>>
        %dma_start3A_492 = arith.constant 0 : i32
        %dma_start3A_493 = tpu.memref_slice %arg3[%add3A_50, %dma_start3A_492] : memref<2560x128xi32, #tpu.memory_space<hbm>> -> memref<16x128xi32, #tpu.memory_space<hbm>>
        tpu.enqueue_dma source(%dma_start3A_493 : memref<16x128xi32, #tpu.memory_space<hbm>>) target(%arg7 : memref<16x128xi32, #tpu.memory_space<vmem>>) target_semaphore(%run_scoped3A : memref<!tpu.dma_semaphore, #tpu.memory_space<semaphore_mem>>)
        %dma_wait3A_494 = arith.constant 0 : i32
        %dma_wait3A_495 = tpu.memref_slice %arg3[%add3A_50, %dma_wait3A_494] : memref<2560x128xi32, #tpu.memory_space<hbm>> -> memref<16x128xi32, #tpu.memory_space<hbm>>
        %dma_wait3A_496 = arith.constant 0 : i32
        %dma_wait3A_497 = tpu.memref_slice %arg3[%add3A_50, %dma_wait3A_496] : memref<2560x128xi32, #tpu.memory_space<hbm>> -> memref<16x128xi32, #tpu.memory_space<hbm>>
        tpu.wait_dma2 semaphore(%run_scoped3A : memref<!tpu.dma_semaphore, #tpu.memory_space<semaphore_mem>>) src(%dma_wait3A_497 : memref<16x128xi32, #tpu.memory_space<hbm>>) dst(%arg7 : memref<16x128xi32, #tpu.memory_space<vmem>>)
        tpu.yield
      }) : () -> ()
      "tpu.region"() ({
        %run_scoped3A = tpu.sem_alloc : memref<!tpu.dma_semaphore, #tpu.memory_space<semaphore_mem>>
        %dma_start3A_490 = arith.constant 0 : i32
        %dma_start3A_491 = tpu.memref_slice %arg4[%add3A_50, %dma_start3A_490] : memref<2560x128xi32, #tpu.memory_space<hbm>> -> memref<16x128xi32, #tpu.memory_space<hbm>>
        %dma_start3A_492 = arith.constant 0 : i32
        %dma_start3A_493 = tpu.memref_slice %arg4[%add3A_50, %dma_start3A_492] : memref<2560x128xi32, #tpu.memory_space<hbm>> -> memref<16x128xi32, #tpu.memory_space<hbm>>
        tpu.enqueue_dma source(%dma_start3A_493 : memref<16x128xi32, #tpu.memory_space<hbm>>) target(%arg8 : memref<16x128xi32, #tpu.memory_space<vmem>>) target_semaphore(%run_scoped3A : memref<!tpu.dma_semaphore, #tpu.memory_space<semaphore_mem>>)
        %dma_wait3A_494 = arith.constant 0 : i32
        %dma_wait3A_495 = tpu.memref_slice %arg4[%add3A_50, %dma_wait3A_494] : memref<2560x128xi32, #tpu.memory_space<hbm>> -> memref<16x128xi32, #tpu.memory_space<hbm>>
        %dma_wait3A_496 = arith.constant 0 : i32
        %dma_wait3A_497 = tpu.memref_slice %arg4[%add3A_50, %dma_wait3A_496] : memref<2560x128xi32, #tpu.memory_space<hbm>> -> memref<16x128xi32, #tpu.memory_space<hbm>>
        tpu.wait_dma2 semaphore(%run_scoped3A : memref<!tpu.dma_semaphore, #tpu.memory_space<semaphore_mem>>) src(%dma_wait3A_497 : memref<16x128xi32, #tpu.memory_space<hbm>>) dst(%arg8 : memref<16x128xi32, #tpu.memory_space<vmem>>)
        tpu.yield
      }) : () -> ()
      %dma_start3A = arith.constant 0 : i32
      %dma_start3A_51 = arith.constant 0 : i32
      %dma_start3A_52 = tpu.memref_slice %arg7[%dma_start3A, %dma_start3A_51] : memref<16x128xi32, #tpu.memory_space<vmem>> -> memref<1x128xi32, #tpu.memory_space<vmem>>
      %dma_start3A_53 = tpu.memref_squeeze %dma_start3A_52 : memref<1x128xi32, #tpu.memory_space<vmem>> -> memref<128xi32, #tpu.memory_space<vmem>>
      %dma_start3A_54 = arith.constant 0 : i32
      %dma_start3A_55 = arith.constant 0 : i32
      %dma_start3A_56 = tpu.memref_slice %arg2[%dma_start3A_54, %dma_start3A_55] : memref<10000x128xf32, #tpu.memory_space<hbm>> -> memref<10000x128xf32, #tpu.memory_space<hbm>>
      tpu.enqueue_indirect_dma source(%dma_start3A_56 : memref<10000x128xf32, #tpu.memory_space<hbm>>) target(%arg9 : memref<128x128xf32, #tpu.memory_space<vmem>>) offsets(%dma_start3A_53 : memref<128xi32, #tpu.memory_space<vmem>>) semaphore(%arg11 : memref<!tpu.dma_semaphore, #tpu.memory_space<semaphore_mem>>)
      %dma_wait3A = arith.constant 0 : i32
      %dma_wait3A_57 = arith.constant 0 : i32
      %dma_wait3A_58 = tpu.memref_slice %arg7[%dma_wait3A, %dma_wait3A_57] : memref<16x128xi32, #tpu.memory_space<vmem>> -> memref<1x128xi32, #tpu.memory_space<vmem>>
      %dma_wait3A_59 = tpu.memref_squeeze %dma_wait3A_58 : memref<1x128xi32, #tpu.memory_space<vmem>> -> memref<128xi32, #tpu.memory_space<vmem>>
      %dma_wait3A_60 = arith.constant 0 : i32
      %dma_wait3A_61 = arith.constant 0 : i32
      %dma_wait3A_62 = tpu.memref_slice %arg2[%dma_wait3A_60, %dma_wait3A_61] : memref<10000x128xf32, #tpu.memory_space<hbm>> -> memref<10000x128xf32, #tpu.memory_space<hbm>>
      tpu.wait_indirect_dma semaphore(%arg11 : memref<!tpu.dma_semaphore, #tpu.memory_space<semaphore_mem>>) src(%dma_wait3A_62 : memref<10000x128xf32, #tpu.memory_space<hbm>>) dst(%arg9 : memref<128x128xf32, #tpu.memory_space<vmem>>)
      %dma_start3A_63 = arith.constant 0 : i32
      %dma_start3A_64 = arith.constant 0 : i32
      %dma_start3A_65 = tpu.memref_slice %arg8[%dma_start3A_63, %dma_start3A_64] : memref<16x128xi32, #tpu.memory_space<vmem>> -> memref<1x128xi32, #tpu.memory_space<vmem>>
      %dma_start3A_66 = tpu.memref_squeeze %dma_start3A_65 : memref<1x128xi32, #tpu.memory_space<vmem>> -> memref<128xi32, #tpu.memory_space<vmem>>
      %dma_start3A_67 = arith.constant 0 : i32
      %dma_start3A_68 = arith.constant 0 : i32
      %dma_start3A_69 = tpu.memref_slice %arg6[%dma_start3A_67, %dma_start3A_68] : memref<10240x128xf32, #tpu.memory_space<vmem_shared>> -> memref<10240x128xf32, #tpu.memory_space<vmem_shared>>
      tpu.enqueue_indirect_dma source(%arg9 : memref<128x128xf32, #tpu.memory_space<vmem>>) target(%dma_start3A_69 : memref<10240x128xf32, #tpu.memory_space<vmem_shared>>) offsets(%dma_start3A_66 : memref<128xi32, #tpu.memory_space<vmem>>) semaphore(%arg13 : memref<!tpu.dma_semaphore, #tpu.memory_space<semaphore_mem>>) {add = true}
      %dma_start3A_70 = arith.constant 1 : i32
      %dma_start3A_71 = arith.constant 0 : i32
      %dma_start3A_72 = tpu.memref_slice %arg7[%dma_start3A_70, %dma_start3A_71] : memref<16x128xi32, #tpu.memory_space<vmem>> -> memref<1x128xi32, #tpu.memory_space<vmem>>
      %dma_start3A_73 = tpu.memref_squeeze %dma_start3A_72 : memref<1x128xi32, #tpu.memory_space<vmem>> -> memref<128xi32, #tpu.memory_space<vmem>>
      %dma_start3A_74 = arith.constant 0 : i32
      %dma_start3A_75 = arith.constant 0 : i32
      %dma_start3A_76 = tpu.memref_slice %arg2[%dma_start3A_74, %dma_start3A_75] : memref<10000x128xf32, #tpu.memory_space<hbm>> -> memref<10000x128xf32, #tpu.memory_space<hbm>>
      tpu.enqueue_indirect_dma source(%dma_start3A_76 : memref<10000x128xf32, #tpu.memory_space<hbm>>) target(%arg10 : memref<128x128xf32, #tpu.memory_space<vmem>>) offsets(%dma_start3A_73 : memref<128xi32, #tpu.memory_space<vmem>>) semaphore(%arg12 : memref<!tpu.dma_semaphore, #tpu.memory_space<semaphore_mem>>)
      %dma_wait3A_77 = arith.constant 1 : i32
      %dma_wait3A_78 = arith.constant 0 : i32
      %dma_wait3A_79 = tpu.memref_slice %arg7[%dma_wait3A_77, %dma_wait3A_78] : memref<16x128xi32, #tpu.memory_space<vmem>> -> memref<1x128xi32, #tpu.memory_space<vmem>>
      %dma_wait3A_80 = tpu.memref_squeeze %dma_wait3A_79 : memref<1x128xi32, #tpu.memory_space<vmem>> -> memref<128xi32, #tpu.memory_space<vmem>>
      %dma_wait3A_81 = arith.constant 0 : i32
      %dma_wait3A_82 = arith.constant 0 : i32
      %dma_wait3A_83 = tpu.memref_slice %arg2[%dma_wait3A_81, %dma_wait3A_82] : memref<10000x128xf32, #tpu.memory_space<hbm>> -> memref<10000x128xf32, #tpu.memory_space<hbm>>
      tpu.wait_indirect_dma semaphore(%arg12 : memref<!tpu.dma_semaphore, #tpu.memory_space<semaphore_mem>>) src(%dma_wait3A_83 : memref<10000x128xf32, #tpu.memory_space<hbm>>) dst(%arg10 : memref<128x128xf32, #tpu.memory_space<vmem>>)
      %dma_start3A_84 = arith.constant 1 : i32
      %dma_start3A_85 = arith.constant 0 : i32
      %dma_start3A_86 = tpu.memref_slice %arg8[%dma_start3A_84, %dma_start3A_85] : memref<16x128xi32, #tpu.memory_space<vmem>> -> memref<1x128xi32, #tpu.memory_space<vmem>>
      %dma_start3A_87 = tpu.memref_squeeze %dma_start3A_86 : memref<1x128xi32, #tpu.memory_space<vmem>> -> memref<128xi32, #tpu.memory_space<vmem>>
      %dma_start3A_88 = arith.constant 0 : i32
      %dma_start3A_89 = arith.constant 0 : i32
      %dma_start3A_90 = tpu.memref_slice %arg6[%dma_start3A_88, %dma_start3A_89] : memref<10240x128xf32, #tpu.memory_space<vmem_shared>> -> memref<10240x128xf32, #tpu.memory_space<vmem_shared>>
      tpu.enqueue_indirect_dma source(%arg10 : memref<128x128xf32, #tpu.memory_space<vmem>>) target(%dma_start3A_90 : memref<10240x128xf32, #tpu.memory_space<vmem_shared>>) offsets(%dma_start3A_87 : memref<128xi32, #tpu.memory_space<vmem>>) semaphore(%arg14 : memref<!tpu.dma_semaphore, #tpu.memory_space<semaphore_mem>>) {add = true}
      %dma_wait3A_91 = arith.constant 0 : i32
      %dma_wait3A_92 = arith.constant 0 : i32
      %dma_wait3A_93 = tpu.memref_slice %arg8[%dma_wait3A_91, %dma_wait3A_92] : memref<16x128xi32, #tpu.memory_space<vmem>> -> memref<1x128xi32, #tpu.memory_space<vmem>>
      %dma_wait3A_94 = tpu.memref_squeeze %dma_wait3A_93 : memref<1x128xi32, #tpu.memory_space<vmem>> -> memref<128xi32, #tpu.memory_space<vmem>>
      %dma_wait3A_95 = arith.constant 0 : i32
      %dma_wait3A_96 = arith.constant 0 : i32
      %dma_wait3A_97 = tpu.memref_slice %arg6[%dma_wait3A_95, %dma_wait3A_96] : memref<10240x128xf32, #tpu.memory_space<vmem_shared>> -> memref<10240x128xf32, #tpu.memory_space<vmem_shared>>
      tpu.wait_indirect_dma semaphore(%arg13 : memref<!tpu.dma_semaphore, #tpu.memory_space<semaphore_mem>>) src(%arg9 : memref<128x128xf32, #tpu.memory_space<vmem>>) dst(%dma_wait3A_97 : memref<10240x128xf32, #tpu.memory_space<vmem_shared>>)
      %dma_start3A_98 = arith.constant 2 : i32
      %dma_start3A_99 = arith.constant 0 : i32
      %dma_start3A_100 = tpu.memref_slice %arg7[%dma_start3A_98, %dma_start3A_99] : memref<16x128xi32, #tpu.memory_space<vmem>> -> memref<1x128xi32, #tpu.memory_space<vmem>>
      %dma_start3A_101 = tpu.memref_squeeze %dma_start3A_100 : memref<1x128xi32, #tpu.memory_space<vmem>> -> memref<128xi32, #tpu.memory_space<vmem>>
      %dma_start3A_102 = arith.constant 0 : i32
      %dma_start3A_103 = arith.constant 0 : i32
      %dma_start3A_104 = tpu.memref_slice %arg2[%dma_start3A_102, %dma_start3A_103] : memref<10000x128xf32, #tpu.memory_space<hbm>> -> memref<10000x128xf32, #tpu.memory_space<hbm>>
      tpu.enqueue_indirect_dma source(%dma_start3A_104 : memref<10000x128xf32, #tpu.memory_space<hbm>>) target(%arg9 : memref<128x128xf32, #tpu.memory_space<vmem>>) offsets(%dma_start3A_101 : memref<128xi32, #tpu.memory_space<vmem>>) semaphore(%arg11 : memref<!tpu.dma_semaphore, #tpu.memory_space<semaphore_mem>>)
      %dma_wait3A_105 = arith.constant 2 : i32
      %dma_wait3A_106 = arith.constant 0 : i32
      %dma_wait3A_107 = tpu.memref_slice %arg7[%dma_wait3A_105, %dma_wait3A_106] : memref<16x128xi32, #tpu.memory_space<vmem>> -> memref<1x128xi32, #tpu.memory_space<vmem>>
      %dma_wait3A_108 = tpu.memref_squeeze %dma_wait3A_107 : memref<1x128xi32, #tpu.memory_space<vmem>> -> memref<128xi32, #tpu.memory_space<vmem>>
      %dma_wait3A_109 = arith.constant 0 : i32
      %dma_wait3A_110 = arith.constant 0 : i32
      %dma_wait3A_111 = tpu.memref_slice %arg2[%dma_wait3A_109, %dma_wait3A_110] : memref<10000x128xf32, #tpu.memory_space<hbm>> -> memref<10000x128xf32, #tpu.memory_space<hbm>>
      tpu.wait_indirect_dma semaphore(%arg11 : memref<!tpu.dma_semaphore, #tpu.memory_space<semaphore_mem>>) src(%dma_wait3A_111 : memref<10000x128xf32, #tpu.memory_space<hbm>>) dst(%arg9 : memref<128x128xf32, #tpu.memory_space<vmem>>)
      %dma_start3A_112 = arith.constant 2 : i32
      %dma_start3A_113 = arith.constant 0 : i32
      %dma_start3A_114 = tpu.memref_slice %arg8[%dma_start3A_112, %dma_start3A_113] : memref<16x128xi32, #tpu.memory_space<vmem>> -> memref<1x128xi32, #tpu.memory_space<vmem>>
      %dma_start3A_115 = tpu.memref_squeeze %dma_start3A_114 : memref<1x128xi32, #tpu.memory_space<vmem>> -> memref<128xi32, #tpu.memory_space<vmem>>
      %dma_start3A_116 = arith.constant 0 : i32
      %dma_start3A_117 = arith.constant 0 : i32
      %dma_start3A_118 = tpu.memref_slice %arg6[%dma_start3A_116, %dma_start3A_117] : memref<10240x128xf32, #tpu.memory_space<vmem_shared>> -> memref<10240x128xf32, #tpu.memory_space<vmem_shared>>
      tpu.enqueue_indirect_dma source(%arg9 : memref<128x128xf32, #tpu.memory_space<vmem>>) target(%dma_start3A_118 : memref<10240x128xf32, #tpu.memory_space<vmem_shared>>) offsets(%dma_start3A_115 : memref<128xi32, #tpu.memory_space<vmem>>) semaphore(%arg13 : memref<!tpu.dma_semaphore, #tpu.memory_space<semaphore_mem>>) {add = true}
      %dma_wait3A_119 = arith.constant 1 : i32
      %dma_wait3A_120 = arith.constant 0 : i32
      %dma_wait3A_121 = tpu.memref_slice %arg8[%dma_wait3A_119, %dma_wait3A_120] : memref<16x128xi32, #tpu.memory_space<vmem>> -> memref<1x128xi32, #tpu.memory_space<vmem>>
      %dma_wait3A_122 = tpu.memref_squeeze %dma_wait3A_121 : memref<1x128xi32, #tpu.memory_space<vmem>> -> memref<128xi32, #tpu.memory_space<vmem>>
      %dma_wait3A_123 = arith.constant 0 : i32
      %dma_wait3A_124 = arith.constant 0 : i32
      %dma_wait3A_125 = tpu.memref_slice %arg6[%dma_wait3A_123, %dma_wait3A_124] : memref<10240x128xf32, #tpu.memory_space<vmem_shared>> -> memref<10240x128xf32, #tpu.memory_space<vmem_shared>>
      tpu.wait_indirect_dma semaphore(%arg14 : memref<!tpu.dma_semaphore, #tpu.memory_space<semaphore_mem>>) src(%arg10 : memref<128x128xf32, #tpu.memory_space<vmem>>) dst(%dma_wait3A_125 : memref<10240x128xf32, #tpu.memory_space<vmem_shared>>)
      %dma_start3A_126 = arith.constant 3 : i32
      %dma_start3A_127 = arith.constant 0 : i32
      %dma_start3A_128 = tpu.memref_slice %arg7[%dma_start3A_126, %dma_start3A_127] : memref<16x128xi32, #tpu.memory_space<vmem>> -> memref<1x128xi32, #tpu.memory_space<vmem>>
      %dma_start3A_129 = tpu.memref_squeeze %dma_start3A_128 : memref<1x128xi32, #tpu.memory_space<vmem>> -> memref<128xi32, #tpu.memory_space<vmem>>
      %dma_start3A_130 = arith.constant 0 : i32
      %dma_start3A_131 = arith.constant 0 : i32
      %dma_start3A_132 = tpu.memref_slice %arg2[%dma_start3A_130, %dma_start3A_131] : memref<10000x128xf32, #tpu.memory_space<hbm>> -> memref<10000x128xf32, #tpu.memory_space<hbm>>
      tpu.enqueue_indirect_dma source(%dma_start3A_132 : memref<10000x128xf32, #tpu.memory_space<hbm>>) target(%arg10 : memref<128x128xf32, #tpu.memory_space<vmem>>) offsets(%dma_start3A_129 : memref<128xi32, #tpu.memory_space<vmem>>) semaphore(%arg12 : memref<!tpu.dma_semaphore, #tpu.memory_space<semaphore_mem>>)
      %dma_wait3A_133 = arith.constant 3 : i32
      %dma_wait3A_134 = arith.constant 0 : i32
      %dma_wait3A_135 = tpu.memref_slice %arg7[%dma_wait3A_133, %dma_wait3A_134] : memref<16x128xi32, #tpu.memory_space<vmem>> -> memref<1x128xi32, #tpu.memory_space<vmem>>
      %dma_wait3A_136 = tpu.memref_squeeze %dma_wait3A_135 : memref<1x128xi32, #tpu.memory_space<vmem>> -> memref<128xi32, #tpu.memory_space<vmem>>
      %dma_wait3A_137 = arith.constant 0 : i32
      %dma_wait3A_138 = arith.constant 0 : i32
      %dma_wait3A_139 = tpu.memref_slice %arg2[%dma_wait3A_137, %dma_wait3A_138] : memref<10000x128xf32, #tpu.memory_space<hbm>> -> memref<10000x128xf32, #tpu.memory_space<hbm>>
      tpu.wait_indirect_dma semaphore(%arg12 : memref<!tpu.dma_semaphore, #tpu.memory_space<semaphore_mem>>) src(%dma_wait3A_139 : memref<10000x128xf32, #tpu.memory_space<hbm>>) dst(%arg10 : memref<128x128xf32, #tpu.memory_space<vmem>>)
      %dma_start3A_140 = arith.constant 3 : i32
      %dma_start3A_141 = arith.constant 0 : i32
      %dma_start3A_142 = tpu.memref_slice %arg8[%dma_start3A_140, %dma_start3A_141] : memref<16x128xi32, #tpu.memory_space<vmem>> -> memref<1x128xi32, #tpu.memory_space<vmem>>
      %dma_start3A_143 = tpu.memref_squeeze %dma_start3A_142 : memref<1x128xi32, #tpu.memory_space<vmem>> -> memref<128xi32, #tpu.memory_space<vmem>>
      %dma_start3A_144 = arith.constant 0 : i32
      %dma_start3A_145 = arith.constant 0 : i32
      %dma_start3A_146 = tpu.memref_slice %arg6[%dma_start3A_144, %dma_start3A_145] : memref<10240x128xf32, #tpu.memory_space<vmem_shared>> -> memref<10240x128xf32, #tpu.memory_space<vmem_shared>>
      tpu.enqueue_indirect_dma source(%arg10 : memref<128x128xf32, #tpu.memory_space<vmem>>) target(%dma_start3A_146 : memref<10240x128xf32, #tpu.memory_space<vmem_shared>>) offsets(%dma_start3A_143 : memref<128xi32, #tpu.memory_space<vmem>>) semaphore(%arg14 : memref<!tpu.dma_semaphore, #tpu.memory_space<semaphore_mem>>) {add = true}
      %dma_wait3A_147 = arith.constant 2 : i32
      %dma_wait3A_148 = arith.constant 0 : i32
      %dma_wait3A_149 = tpu.memref_slice %arg8[%dma_wait3A_147, %dma_wait3A_148] : memref<16x128xi32, #tpu.memory_space<vmem>> -> memref<1x128xi32, #tpu.memory_space<vmem>>
      %dma_wait3A_150 = tpu.memref_squeeze %dma_wait3A_149 : memref<1x128xi32, #tpu.memory_space<vmem>> -> memref<128xi32, #tpu.memory_space<vmem>>
      %dma_wait3A_151 = arith.constant 0 : i32
      %dma_wait3A_152 = arith.constant 0 : i32
      %dma_wait3A_153 = tpu.memref_slice %arg6[%dma_wait3A_151, %dma_wait3A_152] : memref<10240x128xf32, #tpu.memory_space<vmem_shared>> -> memref<10240x128xf32, #tpu.memory_space<vmem_shared>>
      tpu.wait_indirect_dma semaphore(%arg13 : memref<!tpu.dma_semaphore, #tpu.memory_space<semaphore_mem>>) src(%arg9 : memref<128x128xf32, #tpu.memory_space<vmem>>) dst(%dma_wait3A_153 : memref<10240x128xf32, #tpu.memory_space<vmem_shared>>)
      %dma_start3A_154 = arith.constant 4 : i32
      %dma_start3A_155 = arith.constant 0 : i32
      %dma_start3A_156 = tpu.memref_slice %arg7[%dma_start3A_154, %dma_start3A_155] : memref<16x128xi32, #tpu.memory_space<vmem>> -> memref<1x128xi32, #tpu.memory_space<vmem>>
      %dma_start3A_157 = tpu.memref_squeeze %dma_start3A_156 : memref<1x128xi32, #tpu.memory_space<vmem>> -> memref<128xi32, #tpu.memory_space<vmem>>
      %dma_start3A_158 = arith.constant 0 : i32
      %dma_start3A_159 = arith.constant 0 : i32
      %dma_start3A_160 = tpu.memref_slice %arg2[%dma_start3A_158, %dma_start3A_159] : memref<10000x128xf32, #tpu.memory_space<hbm>> -> memref<10000x128xf32, #tpu.memory_space<hbm>>
      tpu.enqueue_indirect_dma source(%dma_start3A_160 : memref<10000x128xf32, #tpu.memory_space<hbm>>) target(%arg9 : memref<128x128xf32, #tpu.memory_space<vmem>>) offsets(%dma_start3A_157 : memref<128xi32, #tpu.memory_space<vmem>>) semaphore(%arg11 : memref<!tpu.dma_semaphore, #tpu.memory_space<semaphore_mem>>)
      %dma_wait3A_161 = arith.constant 4 : i32
      %dma_wait3A_162 = arith.constant 0 : i32
      %dma_wait3A_163 = tpu.memref_slice %arg7[%dma_wait3A_161, %dma_wait3A_162] : memref<16x128xi32, #tpu.memory_space<vmem>> -> memref<1x128xi32, #tpu.memory_space<vmem>>
      %dma_wait3A_164 = tpu.memref_squeeze %dma_wait3A_163 : memref<1x128xi32, #tpu.memory_space<vmem>> -> memref<128xi32, #tpu.memory_space<vmem>>
      %dma_wait3A_165 = arith.constant 0 : i32
      %dma_wait3A_166 = arith.constant 0 : i32
      %dma_wait3A_167 = tpu.memref_slice %arg2[%dma_wait3A_165, %dma_wait3A_166] : memref<10000x128xf32, #tpu.memory_space<hbm>> -> memref<10000x128xf32, #tpu.memory_space<hbm>>
      tpu.wait_indirect_dma semaphore(%arg11 : memref<!tpu.dma_semaphore, #tpu.memory_space<semaphore_mem>>) src(%dma_wait3A_167 : memref<10000x128xf32, #tpu.memory_space<hbm>>) dst(%arg9 : memref<128x128xf32, #tpu.memory_space<vmem>>)
      %dma_start3A_168 = arith.constant 4 : i32
      %dma_start3A_169 = arith.constant 0 : i32
      %dma_start3A_170 = tpu.memref_slice %arg8[%dma_start3A_168, %dma_start3A_169] : memref<16x128xi32, #tpu.memory_space<vmem>> -> memref<1x128xi32, #tpu.memory_space<vmem>>
      %dma_start3A_171 = tpu.memref_squeeze %dma_start3A_170 : memref<1x128xi32, #tpu.memory_space<vmem>> -> memref<128xi32, #tpu.memory_space<vmem>>
      %dma_start3A_172 = arith.constant 0 : i32
      %dma_start3A_173 = arith.constant 0 : i32
      %dma_start3A_174 = tpu.memref_slice %arg6[%dma_start3A_172, %dma_start3A_173] : memref<10240x128xf32, #tpu.memory_space<vmem_shared>> -> memref<10240x128xf32, #tpu.memory_space<vmem_shared>>
      tpu.enqueue_indirect_dma source(%arg9 : memref<128x128xf32, #tpu.memory_space<vmem>>) target(%dma_start3A_174 : memref<10240x128xf32, #tpu.memory_space<vmem_shared>>) offsets(%dma_start3A_171 : memref<128xi32, #tpu.memory_space<vmem>>) semaphore(%arg13 : memref<!tpu.dma_semaphore, #tpu.memory_space<semaphore_mem>>) {add = true}
      %dma_wait3A_175 = arith.constant 3 : i32
      %dma_wait3A_176 = arith.constant 0 : i32
      %dma_wait3A_177 = tpu.memref_slice %arg8[%dma_wait3A_175, %dma_wait3A_176] : memref<16x128xi32, #tpu.memory_space<vmem>> -> memref<1x128xi32, #tpu.memory_space<vmem>>
      %dma_wait3A_178 = tpu.memref_squeeze %dma_wait3A_177 : memref<1x128xi32, #tpu.memory_space<vmem>> -> memref<128xi32, #tpu.memory_space<vmem>>
      %dma_wait3A_179 = arith.constant 0 : i32
      %dma_wait3A_180 = arith.constant 0 : i32
      %dma_wait3A_181 = tpu.memref_slice %arg6[%dma_wait3A_179, %dma_wait3A_180] : memref<10240x128xf32, #tpu.memory_space<vmem_shared>> -> memref<10240x128xf32, #tpu.memory_space<vmem_shared>>
      tpu.wait_indirect_dma semaphore(%arg14 : memref<!tpu.dma_semaphore, #tpu.memory_space<semaphore_mem>>) src(%arg10 : memref<128x128xf32, #tpu.memory_space<vmem>>) dst(%dma_wait3A_181 : memref<10240x128xf32, #tpu.memory_space<vmem_shared>>)
      %dma_start3A_182 = arith.constant 5 : i32
      %dma_start3A_183 = arith.constant 0 : i32
      %dma_start3A_184 = tpu.memref_slice %arg7[%dma_start3A_182, %dma_start3A_183] : memref<16x128xi32, #tpu.memory_space<vmem>> -> memref<1x128xi32, #tpu.memory_space<vmem>>
      %dma_start3A_185 = tpu.memref_squeeze %dma_start3A_184 : memref<1x128xi32, #tpu.memory_space<vmem>> -> memref<128xi32, #tpu.memory_space<vmem>>
      %dma_start3A_186 = arith.constant 0 : i32
      %dma_start3A_187 = arith.constant 0 : i32
      %dma_start3A_188 = tpu.memref_slice %arg2[%dma_start3A_186, %dma_start3A_187] : memref<10000x128xf32, #tpu.memory_space<hbm>> -> memref<10000x128xf32, #tpu.memory_space<hbm>>
      tpu.enqueue_indirect_dma source(%dma_start3A_188 : memref<10000x128xf32, #tpu.memory_space<hbm>>) target(%arg10 : memref<128x128xf32, #tpu.memory_space<vmem>>) offsets(%dma_start3A_185 : memref<128xi32, #tpu.memory_space<vmem>>) semaphore(%arg12 : memref<!tpu.dma_semaphore, #tpu.memory_space<semaphore_mem>>)
      %dma_wait3A_189 = arith.constant 5 : i32
      %dma_wait3A_190 = arith.constant 0 : i32
      %dma_wait3A_191 = tpu.memref_slice %arg7[%dma_wait3A_189, %dma_wait3A_190] : memref<16x128xi32, #tpu.memory_space<vmem>> -> memref<1x128xi32, #tpu.memory_space<vmem>>
      %dma_wait3A_192 = tpu.memref_squeeze %dma_wait3A_191 : memref<1x128xi32, #tpu.memory_space<vmem>> -> memref<128xi32, #tpu.memory_space<vmem>>
      %dma_wait3A_193 = arith.constant 0 : i32
      %dma_wait3A_194 = arith.constant 0 : i32
      %dma_wait3A_195 = tpu.memref_slice %arg2[%dma_wait3A_193, %dma_wait3A_194] : memref<10000x128xf32, #tpu.memory_space<hbm>> -> memref<10000x128xf32, #tpu.memory_space<hbm>>
      tpu.wait_indirect_dma semaphore(%arg12 : memref<!tpu.dma_semaphore, #tpu.memory_space<semaphore_mem>>) src(%dma_wait3A_195 : memref<10000x128xf32, #tpu.memory_space<hbm>>) dst(%arg10 : memref<128x128xf32, #tpu.memory_space<vmem>>)
      %dma_start3A_196 = arith.constant 5 : i32
      %dma_start3A_197 = arith.constant 0 : i32
      %dma_start3A_198 = tpu.memref_slice %arg8[%dma_start3A_196, %dma_start3A_197] : memref<16x128xi32, #tpu.memory_space<vmem>> -> memref<1x128xi32, #tpu.memory_space<vmem>>
      %dma_start3A_199 = tpu.memref_squeeze %dma_start3A_198 : memref<1x128xi32, #tpu.memory_space<vmem>> -> memref<128xi32, #tpu.memory_space<vmem>>
      %dma_start3A_200 = arith.constant 0 : i32
      %dma_start3A_201 = arith.constant 0 : i32
      %dma_start3A_202 = tpu.memref_slice %arg6[%dma_start3A_200, %dma_start3A_201] : memref<10240x128xf32, #tpu.memory_space<vmem_shared>> -> memref<10240x128xf32, #tpu.memory_space<vmem_shared>>
      tpu.enqueue_indirect_dma source(%arg10 : memref<128x128xf32, #tpu.memory_space<vmem>>) target(%dma_start3A_202 : memref<10240x128xf32, #tpu.memory_space<vmem_shared>>) offsets(%dma_start3A_199 : memref<128xi32, #tpu.memory_space<vmem>>) semaphore(%arg14 : memref<!tpu.dma_semaphore, #tpu.memory_space<semaphore_mem>>) {add = true}
      %dma_wait3A_203 = arith.constant 4 : i32
      %dma_wait3A_204 = arith.constant 0 : i32
      %dma_wait3A_205 = tpu.memref_slice %arg8[%dma_wait3A_203, %dma_wait3A_204] : memref<16x128xi32, #tpu.memory_space<vmem>> -> memref<1x128xi32, #tpu.memory_space<vmem>>
      %dma_wait3A_206 = tpu.memref_squeeze %dma_wait3A_205 : memref<1x128xi32, #tpu.memory_space<vmem>> -> memref<128xi32, #tpu.memory_space<vmem>>
      %dma_wait3A_207 = arith.constant 0 : i32
      %dma_wait3A_208 = arith.constant 0 : i32
      %dma_wait3A_209 = tpu.memref_slice %arg6[%dma_wait3A_207, %dma_wait3A_208] : memref<10240x128xf32, #tpu.memory_space<vmem_shared>> -> memref<10240x128xf32, #tpu.memory_space<vmem_shared>>
      tpu.wait_indirect_dma semaphore(%arg13 : memref<!tpu.dma_semaphore, #tpu.memory_space<semaphore_mem>>) src(%arg9 : memref<128x128xf32, #tpu.memory_space<vmem>>) dst(%dma_wait3A_209 : memref<10240x128xf32, #tpu.memory_space<vmem_shared>>)
      %dma_start3A_210 = arith.constant 6 : i32
      %dma_start3A_211 = arith.constant 0 : i32
      %dma_start3A_212 = tpu.memref_slice %arg7[%dma_start3A_210, %dma_start3A_211] : memref<16x128xi32, #tpu.memory_space<vmem>> -> memref<1x128xi32, #tpu.memory_space<vmem>>
      %dma_start3A_213 = tpu.memref_squeeze %dma_start3A_212 : memref<1x128xi32, #tpu.memory_space<vmem>> -> memref<128xi32, #tpu.memory_space<vmem>>
      %dma_start3A_214 = arith.constant 0 : i32
      %dma_start3A_215 = arith.constant 0 : i32
      %dma_start3A_216 = tpu.memref_slice %arg2[%dma_start3A_214, %dma_start3A_215] : memref<10000x128xf32, #tpu.memory_space<hbm>> -> memref<10000x128xf32, #tpu.memory_space<hbm>>
      tpu.enqueue_indirect_dma source(%dma_start3A_216 : memref<10000x128xf32, #tpu.memory_space<hbm>>) target(%arg9 : memref<128x128xf32, #tpu.memory_space<vmem>>) offsets(%dma_start3A_213 : memref<128xi32, #tpu.memory_space<vmem>>) semaphore(%arg11 : memref<!tpu.dma_semaphore, #tpu.memory_space<semaphore_mem>>)
      %dma_wait3A_217 = arith.constant 6 : i32
      %dma_wait3A_218 = arith.constant 0 : i32
      %dma_wait3A_219 = tpu.memref_slice %arg7[%dma_wait3A_217, %dma_wait3A_218] : memref<16x128xi32, #tpu.memory_space<vmem>> -> memref<1x128xi32, #tpu.memory_space<vmem>>
      %dma_wait3A_220 = tpu.memref_squeeze %dma_wait3A_219 : memref<1x128xi32, #tpu.memory_space<vmem>> -> memref<128xi32, #tpu.memory_space<vmem>>
      %dma_wait3A_221 = arith.constant 0 : i32
      %dma_wait3A_222 = arith.constant 0 : i32
      %dma_wait3A_223 = tpu.memref_slice %arg2[%dma_wait3A_221, %dma_wait3A_222] : memref<10000x128xf32, #tpu.memory_space<hbm>> -> memref<10000x128xf32, #tpu.memory_space<hbm>>
      tpu.wait_indirect_dma semaphore(%arg11 : memref<!tpu.dma_semaphore, #tpu.memory_space<semaphore_mem>>) src(%dma_wait3A_223 : memref<10000x128xf32, #tpu.memory_space<hbm>>) dst(%arg9 : memref<128x128xf32, #tpu.memory_space<vmem>>)
      %dma_start3A_224 = arith.constant 6 : i32
      %dma_start3A_225 = arith.constant 0 : i32
      %dma_start3A_226 = tpu.memref_slice %arg8[%dma_start3A_224, %dma_start3A_225] : memref<16x128xi32, #tpu.memory_space<vmem>> -> memref<1x128xi32, #tpu.memory_space<vmem>>
      %dma_start3A_227 = tpu.memref_squeeze %dma_start3A_226 : memref<1x128xi32, #tpu.memory_space<vmem>> -> memref<128xi32, #tpu.memory_space<vmem>>
      %dma_start3A_228 = arith.constant 0 : i32
      %dma_start3A_229 = arith.constant 0 : i32
      %dma_start3A_230 = tpu.memref_slice %arg6[%dma_start3A_228, %dma_start3A_229] : memref<10240x128xf32, #tpu.memory_space<vmem_shared>> -> memref<10240x128xf32, #tpu.memory_space<vmem_shared>>
      tpu.enqueue_indirect_dma source(%arg9 : memref<128x128xf32, #tpu.memory_space<vmem>>) target(%dma_start3A_230 : memref<10240x128xf32, #tpu.memory_space<vmem_shared>>) offsets(%dma_start3A_227 : memref<128xi32, #tpu.memory_space<vmem>>) semaphore(%arg13 : memref<!tpu.dma_semaphore, #tpu.memory_space<semaphore_mem>>) {add = true}
      %dma_wait3A_231 = arith.constant 5 : i32
      %dma_wait3A_232 = arith.constant 0 : i32
      %dma_wait3A_233 = tpu.memref_slice %arg8[%dma_wait3A_231, %dma_wait3A_232] : memref<16x128xi32, #tpu.memory_space<vmem>> -> memref<1x128xi32, #tpu.memory_space<vmem>>
      %dma_wait3A_234 = tpu.memref_squeeze %dma_wait3A_233 : memref<1x128xi32, #tpu.memory_space<vmem>> -> memref<128xi32, #tpu.memory_space<vmem>>
      %dma_wait3A_235 = arith.constant 0 : i32
      %dma_wait3A_236 = arith.constant 0 : i32
      %dma_wait3A_237 = tpu.memref_slice %arg6[%dma_wait3A_235, %dma_wait3A_236] : memref<10240x128xf32, #tpu.memory_space<vmem_shared>> -> memref<10240x128xf32, #tpu.memory_space<vmem_shared>>
      tpu.wait_indirect_dma semaphore(%arg14 : memref<!tpu.dma_semaphore, #tpu.memory_space<semaphore_mem>>) src(%arg10 : memref<128x128xf32, #tpu.memory_space<vmem>>) dst(%dma_wait3A_237 : memref<10240x128xf32, #tpu.memory_space<vmem_shared>>)
      %dma_start3A_238 = arith.constant 7 : i32
      %dma_start3A_239 = arith.constant 0 : i32
      %dma_start3A_240 = tpu.memref_slice %arg7[%dma_start3A_238, %dma_start3A_239] : memref<16x128xi32, #tpu.memory_space<vmem>> -> memref<1x128xi32, #tpu.memory_space<vmem>>
      %dma_start3A_241 = tpu.memref_squeeze %dma_start3A_240 : memref<1x128xi32, #tpu.memory_space<vmem>> -> memref<128xi32, #tpu.memory_space<vmem>>
      %dma_start3A_242 = arith.constant 0 : i32
      %dma_start3A_243 = arith.constant 0 : i32
      %dma_start3A_244 = tpu.memref_slice %arg2[%dma_start3A_242, %dma_start3A_243] : memref<10000x128xf32, #tpu.memory_space<hbm>> -> memref<10000x128xf32, #tpu.memory_space<hbm>>
      tpu.enqueue_indirect_dma source(%dma_start3A_244 : memref<10000x128xf32, #tpu.memory_space<hbm>>) target(%arg10 : memref<128x128xf32, #tpu.memory_space<vmem>>) offsets(%dma_start3A_241 : memref<128xi32, #tpu.memory_space<vmem>>) semaphore(%arg12 : memref<!tpu.dma_semaphore, #tpu.memory_space<semaphore_mem>>)
      %dma_wait3A_245 = arith.constant 7 : i32
      %dma_wait3A_246 = arith.constant 0 : i32
      %dma_wait3A_247 = tpu.memref_slice %arg7[%dma_wait3A_245, %dma_wait3A_246] : memref<16x128xi32, #tpu.memory_space<vmem>> -> memref<1x128xi32, #tpu.memory_space<vmem>>
      %dma_wait3A_248 = tpu.memref_squeeze %dma_wait3A_247 : memref<1x128xi32, #tpu.memory_space<vmem>> -> memref<128xi32, #tpu.memory_space<vmem>>
      %dma_wait3A_249 = arith.constant 0 : i32
      %dma_wait3A_250 = arith.constant 0 : i32
      %dma_wait3A_251 = tpu.memref_slice %arg2[%dma_wait3A_249, %dma_wait3A_250] : memref<10000x128xf32, #tpu.memory_space<hbm>> -> memref<10000x128xf32, #tpu.memory_space<hbm>>
      tpu.wait_indirect_dma semaphore(%arg12 : memref<!tpu.dma_semaphore, #tpu.memory_space<semaphore_mem>>) src(%dma_wait3A_251 : memref<10000x128xf32, #tpu.memory_space<hbm>>) dst(%arg10 : memref<128x128xf32, #tpu.memory_space<vmem>>)
      %dma_start3A_252 = arith.constant 7 : i32
      %dma_start3A_253 = arith.constant 0 : i32
      %dma_start3A_254 = tpu.memref_slice %arg8[%dma_start3A_252, %dma_start3A_253] : memref<16x128xi32, #tpu.memory_space<vmem>> -> memref<1x128xi32, #tpu.memory_space<vmem>>
      %dma_start3A_255 = tpu.memref_squeeze %dma_start3A_254 : memref<1x128xi32, #tpu.memory_space<vmem>> -> memref<128xi32, #tpu.memory_space<vmem>>
      %dma_start3A_256 = arith.constant 0 : i32
      %dma_start3A_257 = arith.constant 0 : i32
      %dma_start3A_258 = tpu.memref_slice %arg6[%dma_start3A_256, %dma_start3A_257] : memref<10240x128xf32, #tpu.memory_space<vmem_shared>> -> memref<10240x128xf32, #tpu.memory_space<vmem_shared>>
      tpu.enqueue_indirect_dma source(%arg10 : memref<128x128xf32, #tpu.memory_space<vmem>>) target(%dma_start3A_258 : memref<10240x128xf32, #tpu.memory_space<vmem_shared>>) offsets(%dma_start3A_255 : memref<128xi32, #tpu.memory_space<vmem>>) semaphore(%arg14 : memref<!tpu.dma_semaphore, #tpu.memory_space<semaphore_mem>>) {add = true}
      %dma_wait3A_259 = arith.constant 6 : i32
      %dma_wait3A_260 = arith.constant 0 : i32
      %dma_wait3A_261 = tpu.memref_slice %arg8[%dma_wait3A_259, %dma_wait3A_260] : memref<16x128xi32, #tpu.memory_space<vmem>> -> memref<1x128xi32, #tpu.memory_space<vmem>>
      %dma_wait3A_262 = tpu.memref_squeeze %dma_wait3A_261 : memref<1x128xi32, #tpu.memory_space<vmem>> -> memref<128xi32, #tpu.memory_space<vmem>>
      %dma_wait3A_263 = arith.constant 0 : i32
      %dma_wait3A_264 = arith.constant 0 : i32
      %dma_wait3A_265 = tpu.memref_slice %arg6[%dma_wait3A_263, %dma_wait3A_264] : memref<10240x128xf32, #tpu.memory_space<vmem_shared>> -> memref<10240x128xf32, #tpu.memory_space<vmem_shared>>
      tpu.wait_indirect_dma semaphore(%arg13 : memref<!tpu.dma_semaphore, #tpu.memory_space<semaphore_mem>>) src(%arg9 : memref<128x128xf32, #tpu.memory_space<vmem>>) dst(%dma_wait3A_265 : memref<10240x128xf32, #tpu.memory_space<vmem_shared>>)
      %dma_start3A_266 = arith.constant 8 : i32
      %dma_start3A_267 = arith.constant 0 : i32
      %dma_start3A_268 = tpu.memref_slice %arg7[%dma_start3A_266, %dma_start3A_267] : memref<16x128xi32, #tpu.memory_space<vmem>> -> memref<1x128xi32, #tpu.memory_space<vmem>>
      %dma_start3A_269 = tpu.memref_squeeze %dma_start3A_268 : memref<1x128xi32, #tpu.memory_space<vmem>> -> memref<128xi32, #tpu.memory_space<vmem>>
      %dma_start3A_270 = arith.constant 0 : i32
      %dma_start3A_271 = arith.constant 0 : i32
      %dma_start3A_272 = tpu.memref_slice %arg2[%dma_start3A_270, %dma_start3A_271] : memref<10000x128xf32, #tpu.memory_space<hbm>> -> memref<10000x128xf32, #tpu.memory_space<hbm>>
      tpu.enqueue_indirect_dma source(%dma_start3A_272 : memref<10000x128xf32, #tpu.memory_space<hbm>>) target(%arg9 : memref<128x128xf32, #tpu.memory_space<vmem>>) offsets(%dma_start3A_269 : memref<128xi32, #tpu.memory_space<vmem>>) semaphore(%arg11 : memref<!tpu.dma_semaphore, #tpu.memory_space<semaphore_mem>>)
      %dma_wait3A_273 = arith.constant 8 : i32
      %dma_wait3A_274 = arith.constant 0 : i32
      %dma_wait3A_275 = tpu.memref_slice %arg7[%dma_wait3A_273, %dma_wait3A_274] : memref<16x128xi32, #tpu.memory_space<vmem>> -> memref<1x128xi32, #tpu.memory_space<vmem>>
      %dma_wait3A_276 = tpu.memref_squeeze %dma_wait3A_275 : memref<1x128xi32, #tpu.memory_space<vmem>> -> memref<128xi32, #tpu.memory_space<vmem>>
      %dma_wait3A_277 = arith.constant 0 : i32
      %dma_wait3A_278 = arith.constant 0 : i32
      %dma_wait3A_279 = tpu.memref_slice %arg2[%dma_wait3A_277, %dma_wait3A_278] : memref<10000x128xf32, #tpu.memory_space<hbm>> -> memref<10000x128xf32, #tpu.memory_space<hbm>>
      tpu.wait_indirect_dma semaphore(%arg11 : memref<!tpu.dma_semaphore, #tpu.memory_space<semaphore_mem>>) src(%dma_wait3A_279 : memref<10000x128xf32, #tpu.memory_space<hbm>>) dst(%arg9 : memref<128x128xf32, #tpu.memory_space<vmem>>)
      %dma_start3A_280 = arith.constant 8 : i32
      %dma_start3A_281 = arith.constant 0 : i32
      %dma_start3A_282 = tpu.memref_slice %arg8[%dma_start3A_280, %dma_start3A_281] : memref<16x128xi32, #tpu.memory_space<vmem>> -> memref<1x128xi32, #tpu.memory_space<vmem>>
      %dma_start3A_283 = tpu.memref_squeeze %dma_start3A_282 : memref<1x128xi32, #tpu.memory_space<vmem>> -> memref<128xi32, #tpu.memory_space<vmem>>
      %dma_start3A_284 = arith.constant 0 : i32
      %dma_start3A_285 = arith.constant 0 : i32
      %dma_start3A_286 = tpu.memref_slice %arg6[%dma_start3A_284, %dma_start3A_285] : memref<10240x128xf32, #tpu.memory_space<vmem_shared>> -> memref<10240x128xf32, #tpu.memory_space<vmem_shared>>
      tpu.enqueue_indirect_dma source(%arg9 : memref<128x128xf32, #tpu.memory_space<vmem>>) target(%dma_start3A_286 : memref<10240x128xf32, #tpu.memory_space<vmem_shared>>) offsets(%dma_start3A_283 : memref<128xi32, #tpu.memory_space<vmem>>) semaphore(%arg13 : memref<!tpu.dma_semaphore, #tpu.memory_space<semaphore_mem>>) {add = true}
      %dma_wait3A_287 = arith.constant 7 : i32
      %dma_wait3A_288 = arith.constant 0 : i32
      %dma_wait3A_289 = tpu.memref_slice %arg8[%dma_wait3A_287, %dma_wait3A_288] : memref<16x128xi32, #tpu.memory_space<vmem>> -> memref<1x128xi32, #tpu.memory_space<vmem>>
      %dma_wait3A_290 = tpu.memref_squeeze %dma_wait3A_289 : memref<1x128xi32, #tpu.memory_space<vmem>> -> memref<128xi32, #tpu.memory_space<vmem>>
      %dma_wait3A_291 = arith.constant 0 : i32
      %dma_wait3A_292 = arith.constant 0 : i32
      %dma_wait3A_293 = tpu.memref_slice %arg6[%dma_wait3A_291, %dma_wait3A_292] : memref<10240x128xf32, #tpu.memory_space<vmem_shared>> -> memref<10240x128xf32, #tpu.memory_space<vmem_shared>>
      tpu.wait_indirect_dma semaphore(%arg14 : memref<!tpu.dma_semaphore, #tpu.memory_space<semaphore_mem>>) src(%arg10 : memref<128x128xf32, #tpu.memory_space<vmem>>) dst(%dma_wait3A_293 : memref<10240x128xf32, #tpu.memory_space<vmem_shared>>)
      %dma_start3A_294 = arith.constant 9 : i32
      %dma_start3A_295 = arith.constant 0 : i32
      %dma_start3A_296 = tpu.memref_slice %arg7[%dma_start3A_294, %dma_start3A_295] : memref<16x128xi32, #tpu.memory_space<vmem>> -> memref<1x128xi32, #tpu.memory_space<vmem>>
      %dma_start3A_297 = tpu.memref_squeeze %dma_start3A_296 : memref<1x128xi32, #tpu.memory_space<vmem>> -> memref<128xi32, #tpu.memory_space<vmem>>
      %dma_start3A_298 = arith.constant 0 : i32
      %dma_start3A_299 = arith.constant 0 : i32
      %dma_start3A_300 = tpu.memref_slice %arg2[%dma_start3A_298, %dma_start3A_299] : memref<10000x128xf32, #tpu.memory_space<hbm>> -> memref<10000x128xf32, #tpu.memory_space<hbm>>
      tpu.enqueue_indirect_dma source(%dma_start3A_300 : memref<10000x128xf32, #tpu.memory_space<hbm>>) target(%arg10 : memref<128x128xf32, #tpu.memory_space<vmem>>) offsets(%dma_start3A_297 : memref<128xi32, #tpu.memory_space<vmem>>) semaphore(%arg12 : memref<!tpu.dma_semaphore, #tpu.memory_space<semaphore_mem>>)
      %dma_wait3A_301 = arith.constant 9 : i32
      %dma_wait3A_302 = arith.constant 0 : i32
      %dma_wait3A_303 = tpu.memref_slice %arg7[%dma_wait3A_301, %dma_wait3A_302] : memref<16x128xi32, #tpu.memory_space<vmem>> -> memref<1x128xi32, #tpu.memory_space<vmem>>
      %dma_wait3A_304 = tpu.memref_squeeze %dma_wait3A_303 : memref<1x128xi32, #tpu.memory_space<vmem>> -> memref<128xi32, #tpu.memory_space<vmem>>
      %dma_wait3A_305 = arith.constant 0 : i32
      %dma_wait3A_306 = arith.constant 0 : i32
      %dma_wait3A_307 = tpu.memref_slice %arg2[%dma_wait3A_305, %dma_wait3A_306] : memref<10000x128xf32, #tpu.memory_space<hbm>> -> memref<10000x128xf32, #tpu.memory_space<hbm>>
      tpu.wait_indirect_dma semaphore(%arg12 : memref<!tpu.dma_semaphore, #tpu.memory_space<semaphore_mem>>) src(%dma_wait3A_307 : memref<10000x128xf32, #tpu.memory_space<hbm>>) dst(%arg10 : memref<128x128xf32, #tpu.memory_space<vmem>>)
      %dma_start3A_308 = arith.constant 9 : i32
      %dma_start3A_309 = arith.constant 0 : i32
      %dma_start3A_310 = tpu.memref_slice %arg8[%dma_start3A_308, %dma_start3A_309] : memref<16x128xi32, #tpu.memory_space<vmem>> -> memref<1x128xi32, #tpu.memory_space<vmem>>
      %dma_start3A_311 = tpu.memref_squeeze %dma_start3A_310 : memref<1x128xi32, #tpu.memory_space<vmem>> -> memref<128xi32, #tpu.memory_space<vmem>>
      %dma_start3A_312 = arith.constant 0 : i32
      %dma_start3A_313 = arith.constant 0 : i32
      %dma_start3A_314 = tpu.memref_slice %arg6[%dma_start3A_312, %dma_start3A_313] : memref<10240x128xf32, #tpu.memory_space<vmem_shared>> -> memref<10240x128xf32, #tpu.memory_space<vmem_shared>>
      tpu.enqueue_indirect_dma source(%arg10 : memref<128x128xf32, #tpu.memory_space<vmem>>) target(%dma_start3A_314 : memref<10240x128xf32, #tpu.memory_space<vmem_shared>>) offsets(%dma_start3A_311 : memref<128xi32, #tpu.memory_space<vmem>>) semaphore(%arg14 : memref<!tpu.dma_semaphore, #tpu.memory_space<semaphore_mem>>) {add = true}
      %dma_wait3A_315 = arith.constant 8 : i32
      %dma_wait3A_316 = arith.constant 0 : i32
      %dma_wait3A_317 = tpu.memref_slice %arg8[%dma_wait3A_315, %dma_wait3A_316] : memref<16x128xi32, #tpu.memory_space<vmem>> -> memref<1x128xi32, #tpu.memory_space<vmem>>
      %dma_wait3A_318 = tpu.memref_squeeze %dma_wait3A_317 : memref<1x128xi32, #tpu.memory_space<vmem>> -> memref<128xi32, #tpu.memory_space<vmem>>
      %dma_wait3A_319 = arith.constant 0 : i32
      %dma_wait3A_320 = arith.constant 0 : i32
      %dma_wait3A_321 = tpu.memref_slice %arg6[%dma_wait3A_319, %dma_wait3A_320] : memref<10240x128xf32, #tpu.memory_space<vmem_shared>> -> memref<10240x128xf32, #tpu.memory_space<vmem_shared>>
      tpu.wait_indirect_dma semaphore(%arg13 : memref<!tpu.dma_semaphore, #tpu.memory_space<semaphore_mem>>) src(%arg9 : memref<128x128xf32, #tpu.memory_space<vmem>>) dst(%dma_wait3A_321 : memref<10240x128xf32, #tpu.memory_space<vmem_shared>>)
      %dma_start3A_322 = arith.constant 10 : i32
      %dma_start3A_323 = arith.constant 0 : i32
      %dma_start3A_324 = tpu.memref_slice %arg7[%dma_start3A_322, %dma_start3A_323] : memref<16x128xi32, #tpu.memory_space<vmem>> -> memref<1x128xi32, #tpu.memory_space<vmem>>
      %dma_start3A_325 = tpu.memref_squeeze %dma_start3A_324 : memref<1x128xi32, #tpu.memory_space<vmem>> -> memref<128xi32, #tpu.memory_space<vmem>>
      %dma_start3A_326 = arith.constant 0 : i32
      %dma_start3A_327 = arith.constant 0 : i32
      %dma_start3A_328 = tpu.memref_slice %arg2[%dma_start3A_326, %dma_start3A_327] : memref<10000x128xf32, #tpu.memory_space<hbm>> -> memref<10000x128xf32, #tpu.memory_space<hbm>>
      tpu.enqueue_indirect_dma source(%dma_start3A_328 : memref<10000x128xf32, #tpu.memory_space<hbm>>) target(%arg9 : memref<128x128xf32, #tpu.memory_space<vmem>>) offsets(%dma_start3A_325 : memref<128xi32, #tpu.memory_space<vmem>>) semaphore(%arg11 : memref<!tpu.dma_semaphore, #tpu.memory_space<semaphore_mem>>)
      %dma_wait3A_329 = arith.constant 10 : i32
      %dma_wait3A_330 = arith.constant 0 : i32
      %dma_wait3A_331 = tpu.memref_slice %arg7[%dma_wait3A_329, %dma_wait3A_330] : memref<16x128xi32, #tpu.memory_space<vmem>> -> memref<1x128xi32, #tpu.memory_space<vmem>>
      %dma_wait3A_332 = tpu.memref_squeeze %dma_wait3A_331 : memref<1x128xi32, #tpu.memory_space<vmem>> -> memref<128xi32, #tpu.memory_space<vmem>>
      %dma_wait3A_333 = arith.constant 0 : i32
      %dma_wait3A_334 = arith.constant 0 : i32
      %dma_wait3A_335 = tpu.memref_slice %arg2[%dma_wait3A_333, %dma_wait3A_334] : memref<10000x128xf32, #tpu.memory_space<hbm>> -> memref<10000x128xf32, #tpu.memory_space<hbm>>
      tpu.wait_indirect_dma semaphore(%arg11 : memref<!tpu.dma_semaphore, #tpu.memory_space<semaphore_mem>>) src(%dma_wait3A_335 : memref<10000x128xf32, #tpu.memory_space<hbm>>) dst(%arg9 : memref<128x128xf32, #tpu.memory_space<vmem>>)
      %dma_start3A_336 = arith.constant 10 : i32
      %dma_start3A_337 = arith.constant 0 : i32
      %dma_start3A_338 = tpu.memref_slice %arg8[%dma_start3A_336, %dma_start3A_337] : memref<16x128xi32, #tpu.memory_space<vmem>> -> memref<1x128xi32, #tpu.memory_space<vmem>>
      %dma_start3A_339 = tpu.memref_squeeze %dma_start3A_338 : memref<1x128xi32, #tpu.memory_space<vmem>> -> memref<128xi32, #tpu.memory_space<vmem>>
      %dma_start3A_340 = arith.constant 0 : i32
      %dma_start3A_341 = arith.constant 0 : i32
      %dma_start3A_342 = tpu.memref_slice %arg6[%dma_start3A_340, %dma_start3A_341] : memref<10240x128xf32, #tpu.memory_space<vmem_shared>> -> memref<10240x128xf32, #tpu.memory_space<vmem_shared>>
      tpu.enqueue_indirect_dma source(%arg9 : memref<128x128xf32, #tpu.memory_space<vmem>>) target(%dma_start3A_342 : memref<10240x128xf32, #tpu.memory_space<vmem_shared>>) offsets(%dma_start3A_339 : memref<128xi32, #tpu.memory_space<vmem>>) semaphore(%arg13 : memref<!tpu.dma_semaphore, #tpu.memory_space<semaphore_mem>>) {add = true}
      %dma_wait3A_343 = arith.constant 9 : i32
      %dma_wait3A_344 = arith.constant 0 : i32
      %dma_wait3A_345 = tpu.memref_slice %arg8[%dma_wait3A_343, %dma_wait3A_344] : memref<16x128xi32, #tpu.memory_space<vmem>> -> memref<1x128xi32, #tpu.memory_space<vmem>>
      %dma_wait3A_346 = tpu.memref_squeeze %dma_wait3A_345 : memref<1x128xi32, #tpu.memory_space<vmem>> -> memref<128xi32, #tpu.memory_space<vmem>>
      %dma_wait3A_347 = arith.constant 0 : i32
      %dma_wait3A_348 = arith.constant 0 : i32
      %dma_wait3A_349 = tpu.memref_slice %arg6[%dma_wait3A_347, %dma_wait3A_348] : memref<10240x128xf32, #tpu.memory_space<vmem_shared>> -> memref<10240x128xf32, #tpu.memory_space<vmem_shared>>
      tpu.wait_indirect_dma semaphore(%arg14 : memref<!tpu.dma_semaphore, #tpu.memory_space<semaphore_mem>>) src(%arg10 : memref<128x128xf32, #tpu.memory_space<vmem>>) dst(%dma_wait3A_349 : memref<10240x128xf32, #tpu.memory_space<vmem_shared>>)
      %dma_start3A_350 = arith.constant 11 : i32
      %dma_start3A_351 = arith.constant 0 : i32
      %dma_start3A_352 = tpu.memref_slice %arg7[%dma_start3A_350, %dma_start3A_351] : memref<16x128xi32, #tpu.memory_space<vmem>> -> memref<1x128xi32, #tpu.memory_space<vmem>>
      %dma_start3A_353 = tpu.memref_squeeze %dma_start3A_352 : memref<1x128xi32, #tpu.memory_space<vmem>> -> memref<128xi32, #tpu.memory_space<vmem>>
      %dma_start3A_354 = arith.constant 0 : i32
      %dma_start3A_355 = arith.constant 0 : i32
      %dma_start3A_356 = tpu.memref_slice %arg2[%dma_start3A_354, %dma_start3A_355] : memref<10000x128xf32, #tpu.memory_space<hbm>> -> memref<10000x128xf32, #tpu.memory_space<hbm>>
      tpu.enqueue_indirect_dma source(%dma_start3A_356 : memref<10000x128xf32, #tpu.memory_space<hbm>>) target(%arg10 : memref<128x128xf32, #tpu.memory_space<vmem>>) offsets(%dma_start3A_353 : memref<128xi32, #tpu.memory_space<vmem>>) semaphore(%arg12 : memref<!tpu.dma_semaphore, #tpu.memory_space<semaphore_mem>>)
      %dma_wait3A_357 = arith.constant 11 : i32
      %dma_wait3A_358 = arith.constant 0 : i32
      %dma_wait3A_359 = tpu.memref_slice %arg7[%dma_wait3A_357, %dma_wait3A_358] : memref<16x128xi32, #tpu.memory_space<vmem>> -> memref<1x128xi32, #tpu.memory_space<vmem>>
      %dma_wait3A_360 = tpu.memref_squeeze %dma_wait3A_359 : memref<1x128xi32, #tpu.memory_space<vmem>> -> memref<128xi32, #tpu.memory_space<vmem>>
      %dma_wait3A_361 = arith.constant 0 : i32
      %dma_wait3A_362 = arith.constant 0 : i32
      %dma_wait3A_363 = tpu.memref_slice %arg2[%dma_wait3A_361, %dma_wait3A_362] : memref<10000x128xf32, #tpu.memory_space<hbm>> -> memref<10000x128xf32, #tpu.memory_space<hbm>>
      tpu.wait_indirect_dma semaphore(%arg12 : memref<!tpu.dma_semaphore, #tpu.memory_space<semaphore_mem>>) src(%dma_wait3A_363 : memref<10000x128xf32, #tpu.memory_space<hbm>>) dst(%arg10 : memref<128x128xf32, #tpu.memory_space<vmem>>)
      %dma_start3A_364 = arith.constant 11 : i32
      %dma_start3A_365 = arith.constant 0 : i32
      %dma_start3A_366 = tpu.memref_slice %arg8[%dma_start3A_364, %dma_start3A_365] : memref<16x128xi32, #tpu.memory_space<vmem>> -> memref<1x128xi32, #tpu.memory_space<vmem>>
      %dma_start3A_367 = tpu.memref_squeeze %dma_start3A_366 : memref<1x128xi32, #tpu.memory_space<vmem>> -> memref<128xi32, #tpu.memory_space<vmem>>
      %dma_start3A_368 = arith.constant 0 : i32
      %dma_start3A_369 = arith.constant 0 : i32
      %dma_start3A_370 = tpu.memref_slice %arg6[%dma_start3A_368, %dma_start3A_369] : memref<10240x128xf32, #tpu.memory_space<vmem_shared>> -> memref<10240x128xf32, #tpu.memory_space<vmem_shared>>
      tpu.enqueue_indirect_dma source(%arg10 : memref<128x128xf32, #tpu.memory_space<vmem>>) target(%dma_start3A_370 : memref<10240x128xf32, #tpu.memory_space<vmem_shared>>) offsets(%dma_start3A_367 : memref<128xi32, #tpu.memory_space<vmem>>) semaphore(%arg14 : memref<!tpu.dma_semaphore, #tpu.memory_space<semaphore_mem>>) {add = true}
      %dma_wait3A_371 = arith.constant 10 : i32
      %dma_wait3A_372 = arith.constant 0 : i32
      %dma_wait3A_373 = tpu.memref_slice %arg8[%dma_wait3A_371, %dma_wait3A_372] : memref<16x128xi32, #tpu.memory_space<vmem>> -> memref<1x128xi32, #tpu.memory_space<vmem>>
      %dma_wait3A_374 = tpu.memref_squeeze %dma_wait3A_373 : memref<1x128xi32, #tpu.memory_space<vmem>> -> memref<128xi32, #tpu.memory_space<vmem>>
      %dma_wait3A_375 = arith.constant 0 : i32
      %dma_wait3A_376 = arith.constant 0 : i32
      %dma_wait3A_377 = tpu.memref_slice %arg6[%dma_wait3A_375, %dma_wait3A_376] : memref<10240x128xf32, #tpu.memory_space<vmem_shared>> -> memref<10240x128xf32, #tpu.memory_space<vmem_shared>>
      tpu.wait_indirect_dma semaphore(%arg13 : memref<!tpu.dma_semaphore, #tpu.memory_space<semaphore_mem>>) src(%arg9 : memref<128x128xf32, #tpu.memory_space<vmem>>) dst(%dma_wait3A_377 : memref<10240x128xf32, #tpu.memory_space<vmem_shared>>)
      %dma_start3A_378 = arith.constant 12 : i32
      %dma_start3A_379 = arith.constant 0 : i32
      %dma_start3A_380 = tpu.memref_slice %arg7[%dma_start3A_378, %dma_start3A_379] : memref<16x128xi32, #tpu.memory_space<vmem>> -> memref<1x128xi32, #tpu.memory_space<vmem>>
      %dma_start3A_381 = tpu.memref_squeeze %dma_start3A_380 : memref<1x128xi32, #tpu.memory_space<vmem>> -> memref<128xi32, #tpu.memory_space<vmem>>
      %dma_start3A_382 = arith.constant 0 : i32
      %dma_start3A_383 = arith.constant 0 : i32
      %dma_start3A_384 = tpu.memref_slice %arg2[%dma_start3A_382, %dma_start3A_383] : memref<10000x128xf32, #tpu.memory_space<hbm>> -> memref<10000x128xf32, #tpu.memory_space<hbm>>
      tpu.enqueue_indirect_dma source(%dma_start3A_384 : memref<10000x128xf32, #tpu.memory_space<hbm>>) target(%arg9 : memref<128x128xf32, #tpu.memory_space<vmem>>) offsets(%dma_start3A_381 : memref<128xi32, #tpu.memory_space<vmem>>) semaphore(%arg11 : memref<!tpu.dma_semaphore, #tpu.memory_space<semaphore_mem>>)
      %dma_wait3A_385 = arith.constant 12 : i32
      %dma_wait3A_386 = arith.constant 0 : i32
      %dma_wait3A_387 = tpu.memref_slice %arg7[%dma_wait3A_385, %dma_wait3A_386] : memref<16x128xi32, #tpu.memory_space<vmem>> -> memref<1x128xi32, #tpu.memory_space<vmem>>
      %dma_wait3A_388 = tpu.memref_squeeze %dma_wait3A_387 : memref<1x128xi32, #tpu.memory_space<vmem>> -> memref<128xi32, #tpu.memory_space<vmem>>
      %dma_wait3A_389 = arith.constant 0 : i32
      %dma_wait3A_390 = arith.constant 0 : i32
      %dma_wait3A_391 = tpu.memref_slice %arg2[%dma_wait3A_389, %dma_wait3A_390] : memref<10000x128xf32, #tpu.memory_space<hbm>> -> memref<10000x128xf32, #tpu.memory_space<hbm>>
      tpu.wait_indirect_dma semaphore(%arg11 : memref<!tpu.dma_semaphore, #tpu.memory_space<semaphore_mem>>) src(%dma_wait3A_391 : memref<10000x128xf32, #tpu.memory_space<hbm>>) dst(%arg9 : memref<128x128xf32, #tpu.memory_space<vmem>>)
      %dma_start3A_392 = arith.constant 12 : i32
      %dma_start3A_393 = arith.constant 0 : i32
      %dma_start3A_394 = tpu.memref_slice %arg8[%dma_start3A_392, %dma_start3A_393] : memref<16x128xi32, #tpu.memory_space<vmem>> -> memref<1x128xi32, #tpu.memory_space<vmem>>
      %dma_start3A_395 = tpu.memref_squeeze %dma_start3A_394 : memref<1x128xi32, #tpu.memory_space<vmem>> -> memref<128xi32, #tpu.memory_space<vmem>>
      %dma_start3A_396 = arith.constant 0 : i32
      %dma_start3A_397 = arith.constant 0 : i32
      %dma_start3A_398 = tpu.memref_slice %arg6[%dma_start3A_396, %dma_start3A_397] : memref<10240x128xf32, #tpu.memory_space<vmem_shared>> -> memref<10240x128xf32, #tpu.memory_space<vmem_shared>>
      tpu.enqueue_indirect_dma source(%arg9 : memref<128x128xf32, #tpu.memory_space<vmem>>) target(%dma_start3A_398 : memref<10240x128xf32, #tpu.memory_space<vmem_shared>>) offsets(%dma_start3A_395 : memref<128xi32, #tpu.memory_space<vmem>>) semaphore(%arg13 : memref<!tpu.dma_semaphore, #tpu.memory_space<semaphore_mem>>) {add = true}
      %dma_wait3A_399 = arith.constant 11 : i32
      %dma_wait3A_400 = arith.constant 0 : i32
      %dma_wait3A_401 = tpu.memref_slice %arg8[%dma_wait3A_399, %dma_wait3A_400] : memref<16x128xi32, #tpu.memory_space<vmem>> -> memref<1x128xi32, #tpu.memory_space<vmem>>
      %dma_wait3A_402 = tpu.memref_squeeze %dma_wait3A_401 : memref<1x128xi32, #tpu.memory_space<vmem>> -> memref<128xi32, #tpu.memory_space<vmem>>
      %dma_wait3A_403 = arith.constant 0 : i32
      %dma_wait3A_404 = arith.constant 0 : i32
      %dma_wait3A_405 = tpu.memref_slice %arg6[%dma_wait3A_403, %dma_wait3A_404] : memref<10240x128xf32, #tpu.memory_space<vmem_shared>> -> memref<10240x128xf32, #tpu.memory_space<vmem_shared>>
      tpu.wait_indirect_dma semaphore(%arg14 : memref<!tpu.dma_semaphore, #tpu.memory_space<semaphore_mem>>) src(%arg10 : memref<128x128xf32, #tpu.memory_space<vmem>>) dst(%dma_wait3A_405 : memref<10240x128xf32, #tpu.memory_space<vmem_shared>>)
      %dma_start3A_406 = arith.constant 13 : i32
      %dma_start3A_407 = arith.constant 0 : i32
      %dma_start3A_408 = tpu.memref_slice %arg7[%dma_start3A_406, %dma_start3A_407] : memref<16x128xi32, #tpu.memory_space<vmem>> -> memref<1x128xi32, #tpu.memory_space<vmem>>
      %dma_start3A_409 = tpu.memref_squeeze %dma_start3A_408 : memref<1x128xi32, #tpu.memory_space<vmem>> -> memref<128xi32, #tpu.memory_space<vmem>>
      %dma_start3A_410 = arith.constant 0 : i32
      %dma_start3A_411 = arith.constant 0 : i32
      %dma_start3A_412 = tpu.memref_slice %arg2[%dma_start3A_410, %dma_start3A_411] : memref<10000x128xf32, #tpu.memory_space<hbm>> -> memref<10000x128xf32, #tpu.memory_space<hbm>>
      tpu.enqueue_indirect_dma source(%dma_start3A_412 : memref<10000x128xf32, #tpu.memory_space<hbm>>) target(%arg10 : memref<128x128xf32, #tpu.memory_space<vmem>>) offsets(%dma_start3A_409 : memref<128xi32, #tpu.memory_space<vmem>>) semaphore(%arg12 : memref<!tpu.dma_semaphore, #tpu.memory_space<semaphore_mem>>)
      %dma_wait3A_413 = arith.constant 13 : i32
      %dma_wait3A_414 = arith.constant 0 : i32
      %dma_wait3A_415 = tpu.memref_slice %arg7[%dma_wait3A_413, %dma_wait3A_414] : memref<16x128xi32, #tpu.memory_space<vmem>> -> memref<1x128xi32, #tpu.memory_space<vmem>>
      %dma_wait3A_416 = tpu.memref_squeeze %dma_wait3A_415 : memref<1x128xi32, #tpu.memory_space<vmem>> -> memref<128xi32, #tpu.memory_space<vmem>>
      %dma_wait3A_417 = arith.constant 0 : i32
      %dma_wait3A_418 = arith.constant 0 : i32
      %dma_wait3A_419 = tpu.memref_slice %arg2[%dma_wait3A_417, %dma_wait3A_418] : memref<10000x128xf32, #tpu.memory_space<hbm>> -> memref<10000x128xf32, #tpu.memory_space<hbm>>
      tpu.wait_indirect_dma semaphore(%arg12 : memref<!tpu.dma_semaphore, #tpu.memory_space<semaphore_mem>>) src(%dma_wait3A_419 : memref<10000x128xf32, #tpu.memory_space<hbm>>) dst(%arg10 : memref<128x128xf32, #tpu.memory_space<vmem>>)
      %dma_start3A_420 = arith.constant 13 : i32
      %dma_start3A_421 = arith.constant 0 : i32
      %dma_start3A_422 = tpu.memref_slice %arg8[%dma_start3A_420, %dma_start3A_421] : memref<16x128xi32, #tpu.memory_space<vmem>> -> memref<1x128xi32, #tpu.memory_space<vmem>>
      %dma_start3A_423 = tpu.memref_squeeze %dma_start3A_422 : memref<1x128xi32, #tpu.memory_space<vmem>> -> memref<128xi32, #tpu.memory_space<vmem>>
      %dma_start3A_424 = arith.constant 0 : i32
      %dma_start3A_425 = arith.constant 0 : i32
      %dma_start3A_426 = tpu.memref_slice %arg6[%dma_start3A_424, %dma_start3A_425] : memref<10240x128xf32, #tpu.memory_space<vmem_shared>> -> memref<10240x128xf32, #tpu.memory_space<vmem_shared>>
      tpu.enqueue_indirect_dma source(%arg10 : memref<128x128xf32, #tpu.memory_space<vmem>>) target(%dma_start3A_426 : memref<10240x128xf32, #tpu.memory_space<vmem_shared>>) offsets(%dma_start3A_423 : memref<128xi32, #tpu.memory_space<vmem>>) semaphore(%arg14 : memref<!tpu.dma_semaphore, #tpu.memory_space<semaphore_mem>>) {add = true}
      %dma_wait3A_427 = arith.constant 12 : i32
      %dma_wait3A_428 = arith.constant 0 : i32
      %dma_wait3A_429 = tpu.memref_slice %arg8[%dma_wait3A_427, %dma_wait3A_428] : memref<16x128xi32, #tpu.memory_space<vmem>> -> memref<1x128xi32, #tpu.memory_space<vmem>>
      %dma_wait3A_430 = tpu.memref_squeeze %dma_wait3A_429 : memref<1x128xi32, #tpu.memory_space<vmem>> -> memref<128xi32, #tpu.memory_space<vmem>>
      %dma_wait3A_431 = arith.constant 0 : i32
      %dma_wait3A_432 = arith.constant 0 : i32
      %dma_wait3A_433 = tpu.memref_slice %arg6[%dma_wait3A_431, %dma_wait3A_432] : memref<10240x128xf32, #tpu.memory_space<vmem_shared>> -> memref<10240x128xf32, #tpu.memory_space<vmem_shared>>
      tpu.wait_indirect_dma semaphore(%arg13 : memref<!tpu.dma_semaphore, #tpu.memory_space<semaphore_mem>>) src(%arg9 : memref<128x128xf32, #tpu.memory_space<vmem>>) dst(%dma_wait3A_433 : memref<10240x128xf32, #tpu.memory_space<vmem_shared>>)
      %dma_start3A_434 = arith.constant 14 : i32
      %dma_start3A_435 = arith.constant 0 : i32
      %dma_start3A_436 = tpu.memref_slice %arg7[%dma_start3A_434, %dma_start3A_435] : memref<16x128xi32, #tpu.memory_space<vmem>> -> memref<1x128xi32, #tpu.memory_space<vmem>>
      %dma_start3A_437 = tpu.memref_squeeze %dma_start3A_436 : memref<1x128xi32, #tpu.memory_space<vmem>> -> memref<128xi32, #tpu.memory_space<vmem>>
      %dma_start3A_438 = arith.constant 0 : i32
      %dma_start3A_439 = arith.constant 0 : i32
      %dma_start3A_440 = tpu.memref_slice %arg2[%dma_start3A_438, %dma_start3A_439] : memref<10000x128xf32, #tpu.memory_space<hbm>> -> memref<10000x128xf32, #tpu.memory_space<hbm>>
      tpu.enqueue_indirect_dma source(%dma_start3A_440 : memref<10000x128xf32, #tpu.memory_space<hbm>>) target(%arg9 : memref<128x128xf32, #tpu.memory_space<vmem>>) offsets(%dma_start3A_437 : memref<128xi32, #tpu.memory_space<vmem>>) semaphore(%arg11 : memref<!tpu.dma_semaphore, #tpu.memory_space<semaphore_mem>>)
      %dma_wait3A_441 = arith.constant 14 : i32
      %dma_wait3A_442 = arith.constant 0 : i32
      %dma_wait3A_443 = tpu.memref_slice %arg7[%dma_wait3A_441, %dma_wait3A_442] : memref<16x128xi32, #tpu.memory_space<vmem>> -> memref<1x128xi32, #tpu.memory_space<vmem>>
      %dma_wait3A_444 = tpu.memref_squeeze %dma_wait3A_443 : memref<1x128xi32, #tpu.memory_space<vmem>> -> memref<128xi32, #tpu.memory_space<vmem>>
      %dma_wait3A_445 = arith.constant 0 : i32
      %dma_wait3A_446 = arith.constant 0 : i32
      %dma_wait3A_447 = tpu.memref_slice %arg2[%dma_wait3A_445, %dma_wait3A_446] : memref<10000x128xf32, #tpu.memory_space<hbm>> -> memref<10000x128xf32, #tpu.memory_space<hbm>>
      tpu.wait_indirect_dma semaphore(%arg11 : memref<!tpu.dma_semaphore, #tpu.memory_space<semaphore_mem>>) src(%dma_wait3A_447 : memref<10000x128xf32, #tpu.memory_space<hbm>>) dst(%arg9 : memref<128x128xf32, #tpu.memory_space<vmem>>)
      %dma_start3A_448 = arith.constant 14 : i32
      %dma_start3A_449 = arith.constant 0 : i32
      %dma_start3A_450 = tpu.memref_slice %arg8[%dma_start3A_448, %dma_start3A_449] : memref<16x128xi32, #tpu.memory_space<vmem>> -> memref<1x128xi32, #tpu.memory_space<vmem>>
      %dma_start3A_451 = tpu.memref_squeeze %dma_start3A_450 : memref<1x128xi32, #tpu.memory_space<vmem>> -> memref<128xi32, #tpu.memory_space<vmem>>
      %dma_start3A_452 = arith.constant 0 : i32
      %dma_start3A_453 = arith.constant 0 : i32
      %dma_start3A_454 = tpu.memref_slice %arg6[%dma_start3A_452, %dma_start3A_453] : memref<10240x128xf32, #tpu.memory_space<vmem_shared>> -> memref<10240x128xf32, #tpu.memory_space<vmem_shared>>
      tpu.enqueue_indirect_dma source(%arg9 : memref<128x128xf32, #tpu.memory_space<vmem>>) target(%dma_start3A_454 : memref<10240x128xf32, #tpu.memory_space<vmem_shared>>) offsets(%dma_start3A_451 : memref<128xi32, #tpu.memory_space<vmem>>) semaphore(%arg13 : memref<!tpu.dma_semaphore, #tpu.memory_space<semaphore_mem>>) {add = true}
      %dma_wait3A_455 = arith.constant 13 : i32
      %dma_wait3A_456 = arith.constant 0 : i32
      %dma_wait3A_457 = tpu.memref_slice %arg8[%dma_wait3A_455, %dma_wait3A_456] : memref<16x128xi32, #tpu.memory_space<vmem>> -> memref<1x128xi32, #tpu.memory_space<vmem>>
      %dma_wait3A_458 = tpu.memref_squeeze %dma_wait3A_457 : memref<1x128xi32, #tpu.memory_space<vmem>> -> memref<128xi32, #tpu.memory_space<vmem>>
      %dma_wait3A_459 = arith.constant 0 : i32
      %dma_wait3A_460 = arith.constant 0 : i32
      %dma_wait3A_461 = tpu.memref_slice %arg6[%dma_wait3A_459, %dma_wait3A_460] : memref<10240x128xf32, #tpu.memory_space<vmem_shared>> -> memref<10240x128xf32, #tpu.memory_space<vmem_shared>>
      tpu.wait_indirect_dma semaphore(%arg14 : memref<!tpu.dma_semaphore, #tpu.memory_space<semaphore_mem>>) src(%arg10 : memref<128x128xf32, #tpu.memory_space<vmem>>) dst(%dma_wait3A_461 : memref<10240x128xf32, #tpu.memory_space<vmem_shared>>)
      %dma_start3A_462 = arith.constant 15 : i32
      %dma_start3A_463 = arith.constant 0 : i32
      %dma_start3A_464 = tpu.memref_slice %arg7[%dma_start3A_462, %dma_start3A_463] : memref<16x128xi32, #tpu.memory_space<vmem>> -> memref<1x128xi32, #tpu.memory_space<vmem>>
      %dma_start3A_465 = tpu.memref_squeeze %dma_start3A_464 : memref<1x128xi32, #tpu.memory_space<vmem>> -> memref<128xi32, #tpu.memory_space<vmem>>
      %dma_start3A_466 = arith.constant 0 : i32
      %dma_start3A_467 = arith.constant 0 : i32
      %dma_start3A_468 = tpu.memref_slice %arg2[%dma_start3A_466, %dma_start3A_467] : memref<10000x128xf32, #tpu.memory_space<hbm>> -> memref<10000x128xf32, #tpu.memory_space<hbm>>
      tpu.enqueue_indirect_dma source(%dma_start3A_468 : memref<10000x128xf32, #tpu.memory_space<hbm>>) target(%arg10 : memref<128x128xf32, #tpu.memory_space<vmem>>) offsets(%dma_start3A_465 : memref<128xi32, #tpu.memory_space<vmem>>) semaphore(%arg12 : memref<!tpu.dma_semaphore, #tpu.memory_space<semaphore_mem>>)
      %dma_wait3A_469 = arith.constant 15 : i32
      %dma_wait3A_470 = arith.constant 0 : i32
      %dma_wait3A_471 = tpu.memref_slice %arg7[%dma_wait3A_469, %dma_wait3A_470] : memref<16x128xi32, #tpu.memory_space<vmem>> -> memref<1x128xi32, #tpu.memory_space<vmem>>
      %dma_wait3A_472 = tpu.memref_squeeze %dma_wait3A_471 : memref<1x128xi32, #tpu.memory_space<vmem>> -> memref<128xi32, #tpu.memory_space<vmem>>
      %dma_wait3A_473 = arith.constant 0 : i32
      %dma_wait3A_474 = arith.constant 0 : i32
      %dma_wait3A_475 = tpu.memref_slice %arg2[%dma_wait3A_473, %dma_wait3A_474] : memref<10000x128xf32, #tpu.memory_space<hbm>> -> memref<10000x128xf32, #tpu.memory_space<hbm>>
      tpu.wait_indirect_dma semaphore(%arg12 : memref<!tpu.dma_semaphore, #tpu.memory_space<semaphore_mem>>) src(%dma_wait3A_475 : memref<10000x128xf32, #tpu.memory_space<hbm>>) dst(%arg10 : memref<128x128xf32, #tpu.memory_space<vmem>>)
      %dma_start3A_476 = arith.constant 15 : i32
      %dma_start3A_477 = arith.constant 0 : i32
      %dma_start3A_478 = tpu.memref_slice %arg8[%dma_start3A_476, %dma_start3A_477] : memref<16x128xi32, #tpu.memory_space<vmem>> -> memref<1x128xi32, #tpu.memory_space<vmem>>
      %dma_start3A_479 = tpu.memref_squeeze %dma_start3A_478 : memref<1x128xi32, #tpu.memory_space<vmem>> -> memref<128xi32, #tpu.memory_space<vmem>>
      %dma_start3A_480 = arith.constant 0 : i32
      %dma_start3A_481 = arith.constant 0 : i32
      %dma_start3A_482 = tpu.memref_slice %arg6[%dma_start3A_480, %dma_start3A_481] : memref<10240x128xf32, #tpu.memory_space<vmem_shared>> -> memref<10240x128xf32, #tpu.memory_space<vmem_shared>>
      tpu.enqueue_indirect_dma source(%arg10 : memref<128x128xf32, #tpu.memory_space<vmem>>) target(%dma_start3A_482 : memref<10240x128xf32, #tpu.memory_space<vmem_shared>>) offsets(%dma_start3A_479 : memref<128xi32, #tpu.memory_space<vmem>>) semaphore(%arg14 : memref<!tpu.dma_semaphore, #tpu.memory_space<semaphore_mem>>) {add = true}
      %dma_wait3A_483 = arith.constant 15 : i32
      %dma_wait3A_484 = arith.constant 0 : i32
      %dma_wait3A_485 = tpu.memref_slice %arg8[%dma_wait3A_483, %dma_wait3A_484] : memref<16x128xi32, #tpu.memory_space<vmem>> -> memref<1x128xi32, #tpu.memory_space<vmem>>
      %dma_wait3A_486 = tpu.memref_squeeze %dma_wait3A_485 : memref<1x128xi32, #tpu.memory_space<vmem>> -> memref<128xi32, #tpu.memory_space<vmem>>
      %dma_wait3A_487 = arith.constant 0 : i32
      %dma_wait3A_488 = arith.constant 0 : i32
      %dma_wait3A_489 = tpu.memref_slice %arg6[%dma_wait3A_487, %dma_wait3A_488] : memref<10240x128xf32, #tpu.memory_space<vmem_shared>> -> memref<10240x128xf32, #tpu.memory_space<vmem_shared>>
      tpu.wait_indirect_dma semaphore(%arg14 : memref<!tpu.dma_semaphore, #tpu.memory_space<semaphore_mem>>) src(%arg10 : memref<128x128xf32, #tpu.memory_space<vmem>>) dst(%dma_wait3A_489 : memref<10240x128xf32, #tpu.memory_space<vmem_shared>>)
    }
    %while3A_36 = arith.constant 1 : i32
    scf.for %while3A_45 = %while3A_34 to %while3A_30 step %while3A_36  : i32 {
      %mul3A_46 = arith.muli %while3A_45, %while3A : i32
      %add3A_47 = arith.addi %while3A_27, %mul3A_46 : i32
      %mul3A_48 = arith.constant 16 : i32
      %mul3A_49 = arith.muli %add3A_47, %mul3A_48 : i32
      %add3A_50 = arith.addi %add3A, %mul3A_49 : i32
      "tpu.region"() ({
        %run_scoped3A = tpu.sem_alloc : memref<!tpu.dma_semaphore, #tpu.memory_space<semaphore_mem>>
        %dma_start3A_490 = arith.constant 0 : i32
        %dma_start3A_491 = tpu.memref_slice %arg3[%add3A_50, %dma_start3A_490] : memref<2560x128xi32, #tpu.memory_space<hbm>> -> memref<16x128xi32, #tpu.memory_space<hbm>>
        %dma_start3A_492 = arith.constant 0 : i32
        %dma_start3A_493 = tpu.memref_slice %arg3[%add3A_50, %dma_start3A_492] : memref<2560x128xi32, #tpu.memory_space<hbm>> -> memref<16x128xi32, #tpu.memory_space<hbm>>
        tpu.enqueue_dma source(%dma_start3A_493 : memref<16x128xi32, #tpu.memory_space<hbm>>) target(%arg7 : memref<16x128xi32, #tpu.memory_space<vmem>>) target_semaphore(%run_scoped3A : memref<!tpu.dma_semaphore, #tpu.memory_space<semaphore_mem>>)
        %dma_wait3A_494 = arith.constant 0 : i32
        %dma_wait3A_495 = tpu.memref_slice %arg3[%add3A_50, %dma_wait3A_494] : memref<2560x128xi32, #tpu.memory_space<hbm>> -> memref<16x128xi32, #tpu.memory_space<hbm>>
        %dma_wait3A_496 = arith.constant 0 : i32
        %dma_wait3A_497 = tpu.memref_slice %arg3[%add3A_50, %dma_wait3A_496] : memref<2560x128xi32, #tpu.memory_space<hbm>> -> memref<16x128xi32, #tpu.memory_space<hbm>>
        tpu.wait_dma2 semaphore(%run_scoped3A : memref<!tpu.dma_semaphore, #tpu.memory_space<semaphore_mem>>) src(%dma_wait3A_497 : memref<16x128xi32, #tpu.memory_space<hbm>>) dst(%arg7 : memref<16x128xi32, #tpu.memory_space<vmem>>)
        tpu.yield
      }) : () -> ()
      "tpu.region"() ({
        %run_scoped3A = tpu.sem_alloc : memref<!tpu.dma_semaphore, #tpu.memory_space<semaphore_mem>>
        %dma_start3A_490 = arith.constant 0 : i32
        %dma_start3A_491 = tpu.memref_slice %arg4[%add3A_50, %dma_start3A_490] : memref<2560x128xi32, #tpu.memory_space<hbm>> -> memref<16x128xi32, #tpu.memory_space<hbm>>
        %dma_start3A_492 = arith.constant 0 : i32
        %dma_start3A_493 = tpu.memref_slice %arg4[%add3A_50, %dma_start3A_492] : memref<2560x128xi32, #tpu.memory_space<hbm>> -> memref<16x128xi32, #tpu.memory_space<hbm>>
        tpu.enqueue_dma source(%dma_start3A_493 : memref<16x128xi32, #tpu.memory_space<hbm>>) target(%arg8 : memref<16x128xi32, #tpu.memory_space<vmem>>) target_semaphore(%run_scoped3A : memref<!tpu.dma_semaphore, #tpu.memory_space<semaphore_mem>>)
        %dma_wait3A_494 = arith.constant 0 : i32
        %dma_wait3A_495 = tpu.memref_slice %arg4[%add3A_50, %dma_wait3A_494] : memref<2560x128xi32, #tpu.memory_space<hbm>> -> memref<16x128xi32, #tpu.memory_space<hbm>>
        %dma_wait3A_496 = arith.constant 0 : i32
        %dma_wait3A_497 = tpu.memref_slice %arg4[%add3A_50, %dma_wait3A_496] : memref<2560x128xi32, #tpu.memory_space<hbm>> -> memref<16x128xi32, #tpu.memory_space<hbm>>
        tpu.wait_dma2 semaphore(%run_scoped3A : memref<!tpu.dma_semaphore, #tpu.memory_space<semaphore_mem>>) src(%dma_wait3A_497 : memref<16x128xi32, #tpu.memory_space<hbm>>) dst(%arg8 : memref<16x128xi32, #tpu.memory_space<vmem>>)
        tpu.yield
      }) : () -> ()
      %dma_start3A = arith.constant 0 : i32
      %dma_start3A_51 = arith.constant 0 : i32
      %dma_start3A_52 = tpu.memref_slice %arg7[%dma_start3A, %dma_start3A_51] : memref<16x128xi32, #tpu.memory_space<vmem>> -> memref<1x128xi32, #tpu.memory_space<vmem>>
      %dma_start3A_53 = tpu.memref_squeeze %dma_start3A_52 : memref<1x128xi32, #tpu.memory_space<vmem>> -> memref<128xi32, #tpu.memory_space<vmem>>
      %dma_start3A_54 = arith.constant 0 : i32
      %dma_start3A_55 = arith.constant 0 : i32
      %dma_start3A_56 = tpu.memref_slice %arg2[%dma_start3A_54, %dma_start3A_55] : memref<10000x128xf32, #tpu.memory_space<hbm>> -> memref<10000x128xf32, #tpu.memory_space<hbm>>
      tpu.enqueue_indirect_dma source(%dma_start3A_56 : memref<10000x128xf32, #tpu.memory_space<hbm>>) target(%arg9 : memref<128x128xf32, #tpu.memory_space<vmem>>) offsets(%dma_start3A_53 : memref<128xi32, #tpu.memory_space<vmem>>) semaphore(%arg11 : memref<!tpu.dma_semaphore, #tpu.memory_space<semaphore_mem>>)
      %dma_wait3A = arith.constant 0 : i32
      %dma_wait3A_57 = arith.constant 0 : i32
      %dma_wait3A_58 = tpu.memref_slice %arg7[%dma_wait3A, %dma_wait3A_57] : memref<16x128xi32, #tpu.memory_space<vmem>> -> memref<1x128xi32, #tpu.memory_space<vmem>>
      %dma_wait3A_59 = tpu.memref_squeeze %dma_wait3A_58 : memref<1x128xi32, #tpu.memory_space<vmem>> -> memref<128xi32, #tpu.memory_space<vmem>>
      %dma_wait3A_60 = arith.constant 0 : i32
      %dma_wait3A_61 = arith.constant 0 : i32
      %dma_wait3A_62 = tpu.memref_slice %arg2[%dma_wait3A_60, %dma_wait3A_61] : memref<10000x128xf32, #tpu.memory_space<hbm>> -> memref<10000x128xf32, #tpu.memory_space<hbm>>
      tpu.wait_indirect_dma semaphore(%arg11 : memref<!tpu.dma_semaphore, #tpu.memory_space<semaphore_mem>>) src(%dma_wait3A_62 : memref<10000x128xf32, #tpu.memory_space<hbm>>) dst(%arg9 : memref<128x128xf32, #tpu.memory_space<vmem>>)
      %dma_start3A_63 = arith.constant 0 : i32
      %dma_start3A_64 = arith.constant 0 : i32
      %dma_start3A_65 = tpu.memref_slice %arg8[%dma_start3A_63, %dma_start3A_64] : memref<16x128xi32, #tpu.memory_space<vmem>> -> memref<1x128xi32, #tpu.memory_space<vmem>>
      %dma_start3A_66 = tpu.memref_squeeze %dma_start3A_65 : memref<1x128xi32, #tpu.memory_space<vmem>> -> memref<128xi32, #tpu.memory_space<vmem>>
      %dma_start3A_67 = arith.constant 0 : i32
      %dma_start3A_68 = arith.constant 0 : i32
      %dma_start3A_69 = tpu.memref_slice %arg6[%dma_start3A_67, %dma_start3A_68] : memref<10240x128xf32, #tpu.memory_space<vmem_shared>> -> memref<10240x128xf32, #tpu.memory_space<vmem_shared>>
      tpu.enqueue_indirect_dma source(%arg9 : memref<128x128xf32, #tpu.memory_space<vmem>>) target(%dma_start3A_69 : memref<10240x128xf32, #tpu.memory_space<vmem_shared>>) offsets(%dma_start3A_66 : memref<128xi32, #tpu.memory_space<vmem>>) semaphore(%arg13 : memref<!tpu.dma_semaphore, #tpu.memory_space<semaphore_mem>>) {add = true}
      %dma_start3A_70 = arith.constant 1 : i32
      %dma_start3A_71 = arith.constant 0 : i32
      %dma_start3A_72 = tpu.memref_slice %arg7[%dma_start3A_70, %dma_start3A_71] : memref<16x128xi32, #tpu.memory_space<vmem>> -> memref<1x128xi32, #tpu.memory_space<vmem>>
      %dma_start3A_73 = tpu.memref_squeeze %dma_start3A_72 : memref<1x128xi32, #tpu.memory_space<vmem>> -> memref<128xi32, #tpu.memory_space<vmem>>
      %dma_start3A_74 = arith.constant 0 : i32
      %dma_start3A_75 = arith.constant 0 : i32
      %dma_start3A_76 = tpu.memref_slice %arg2[%dma_start3A_74, %dma_start3A_75] : memref<10000x128xf32, #tpu.memory_space<hbm>> -> memref<10000x128xf32, #tpu.memory_space<hbm>>
      tpu.enqueue_indirect_dma source(%dma_start3A_76 : memref<10000x128xf32, #tpu.memory_space<hbm>>) target(%arg10 : memref<128x128xf32, #tpu.memory_space<vmem>>) offsets(%dma_start3A_73 : memref<128xi32, #tpu.memory_space<vmem>>) semaphore(%arg12 : memref<!tpu.dma_semaphore, #tpu.memory_space<semaphore_mem>>)
      %dma_wait3A_77 = arith.constant 1 : i32
      %dma_wait3A_78 = arith.constant 0 : i32
      %dma_wait3A_79 = tpu.memref_slice %arg7[%dma_wait3A_77, %dma_wait3A_78] : memref<16x128xi32, #tpu.memory_space<vmem>> -> memref<1x128xi32, #tpu.memory_space<vmem>>
      %dma_wait3A_80 = tpu.memref_squeeze %dma_wait3A_79 : memref<1x128xi32, #tpu.memory_space<vmem>> -> memref<128xi32, #tpu.memory_space<vmem>>
      %dma_wait3A_81 = arith.constant 0 : i32
      %dma_wait3A_82 = arith.constant 0 : i32
      %dma_wait3A_83 = tpu.memref_slice %arg2[%dma_wait3A_81, %dma_wait3A_82] : memref<10000x128xf32, #tpu.memory_space<hbm>> -> memref<10000x128xf32, #tpu.memory_space<hbm>>
      tpu.wait_indirect_dma semaphore(%arg12 : memref<!tpu.dma_semaphore, #tpu.memory_space<semaphore_mem>>) src(%dma_wait3A_83 : memref<10000x128xf32, #tpu.memory_space<hbm>>) dst(%arg10 : memref<128x128xf32, #tpu.memory_space<vmem>>)
      %dma_start3A_84 = arith.constant 1 : i32
      %dma_start3A_85 = arith.constant 0 : i32
      %dma_start3A_86 = tpu.memref_slice %arg8[%dma_start3A_84, %dma_start3A_85] : memref<16x128xi32, #tpu.memory_space<vmem>> -> memref<1x128xi32, #tpu.memory_space<vmem>>
      %dma_start3A_87 = tpu.memref_squeeze %dma_start3A_86 : memref<1x128xi32, #tpu.memory_space<vmem>> -> memref<128xi32, #tpu.memory_space<vmem>>
      %dma_start3A_88 = arith.constant 0 : i32
      %dma_start3A_89 = arith.constant 0 : i32
      %dma_start3A_90 = tpu.memref_slice %arg6[%dma_start3A_88, %dma_start3A_89] : memref<10240x128xf32, #tpu.memory_space<vmem_shared>> -> memref<10240x128xf32, #tpu.memory_space<vmem_shared>>
      tpu.enqueue_indirect_dma source(%arg10 : memref<128x128xf32, #tpu.memory_space<vmem>>) target(%dma_start3A_90 : memref<10240x128xf32, #tpu.memory_space<vmem_shared>>) offsets(%dma_start3A_87 : memref<128xi32, #tpu.memory_space<vmem>>) semaphore(%arg14 : memref<!tpu.dma_semaphore, #tpu.memory_space<semaphore_mem>>) {add = true}
      %dma_wait3A_91 = arith.constant 0 : i32
      %dma_wait3A_92 = arith.constant 0 : i32
      %dma_wait3A_93 = tpu.memref_slice %arg8[%dma_wait3A_91, %dma_wait3A_92] : memref<16x128xi32, #tpu.memory_space<vmem>> -> memref<1x128xi32, #tpu.memory_space<vmem>>
      %dma_wait3A_94 = tpu.memref_squeeze %dma_wait3A_93 : memref<1x128xi32, #tpu.memory_space<vmem>> -> memref<128xi32, #tpu.memory_space<vmem>>
      %dma_wait3A_95 = arith.constant 0 : i32
      %dma_wait3A_96 = arith.constant 0 : i32
      %dma_wait3A_97 = tpu.memref_slice %arg6[%dma_wait3A_95, %dma_wait3A_96] : memref<10240x128xf32, #tpu.memory_space<vmem_shared>> -> memref<10240x128xf32, #tpu.memory_space<vmem_shared>>
      tpu.wait_indirect_dma semaphore(%arg13 : memref<!tpu.dma_semaphore, #tpu.memory_space<semaphore_mem>>) src(%arg9 : memref<128x128xf32, #tpu.memory_space<vmem>>) dst(%dma_wait3A_97 : memref<10240x128xf32, #tpu.memory_space<vmem_shared>>)
      %dma_start3A_98 = arith.constant 2 : i32
      %dma_start3A_99 = arith.constant 0 : i32
      %dma_start3A_100 = tpu.memref_slice %arg7[%dma_start3A_98, %dma_start3A_99] : memref<16x128xi32, #tpu.memory_space<vmem>> -> memref<1x128xi32, #tpu.memory_space<vmem>>
      %dma_start3A_101 = tpu.memref_squeeze %dma_start3A_100 : memref<1x128xi32, #tpu.memory_space<vmem>> -> memref<128xi32, #tpu.memory_space<vmem>>
      %dma_start3A_102 = arith.constant 0 : i32
      %dma_start3A_103 = arith.constant 0 : i32
      %dma_start3A_104 = tpu.memref_slice %arg2[%dma_start3A_102, %dma_start3A_103] : memref<10000x128xf32, #tpu.memory_space<hbm>> -> memref<10000x128xf32, #tpu.memory_space<hbm>>
      tpu.enqueue_indirect_dma source(%dma_start3A_104 : memref<10000x128xf32, #tpu.memory_space<hbm>>) target(%arg9 : memref<128x128xf32, #tpu.memory_space<vmem>>) offsets(%dma_start3A_101 : memref<128xi32, #tpu.memory_space<vmem>>) semaphore(%arg11 : memref<!tpu.dma_semaphore, #tpu.memory_space<semaphore_mem>>)
      %dma_wait3A_105 = arith.constant 2 : i32
      %dma_wait3A_106 = arith.constant 0 : i32
      %dma_wait3A_107 = tpu.memref_slice %arg7[%dma_wait3A_105, %dma_wait3A_106] : memref<16x128xi32, #tpu.memory_space<vmem>> -> memref<1x128xi32, #tpu.memory_space<vmem>>
      %dma_wait3A_108 = tpu.memref_squeeze %dma_wait3A_107 : memref<1x128xi32, #tpu.memory_space<vmem>> -> memref<128xi32, #tpu.memory_space<vmem>>
      %dma_wait3A_109 = arith.constant 0 : i32
      %dma_wait3A_110 = arith.constant 0 : i32
      %dma_wait3A_111 = tpu.memref_slice %arg2[%dma_wait3A_109, %dma_wait3A_110] : memref<10000x128xf32, #tpu.memory_space<hbm>> -> memref<10000x128xf32, #tpu.memory_space<hbm>>
      tpu.wait_indirect_dma semaphore(%arg11 : memref<!tpu.dma_semaphore, #tpu.memory_space<semaphore_mem>>) src(%dma_wait3A_111 : memref<10000x128xf32, #tpu.memory_space<hbm>>) dst(%arg9 : memref<128x128xf32, #tpu.memory_space<vmem>>)
      %dma_start3A_112 = arith.constant 2 : i32
      %dma_start3A_113 = arith.constant 0 : i32
      %dma_start3A_114 = tpu.memref_slice %arg8[%dma_start3A_112, %dma_start3A_113] : memref<16x128xi32, #tpu.memory_space<vmem>> -> memref<1x128xi32, #tpu.memory_space<vmem>>
      %dma_start3A_115 = tpu.memref_squeeze %dma_start3A_114 : memref<1x128xi32, #tpu.memory_space<vmem>> -> memref<128xi32, #tpu.memory_space<vmem>>
      %dma_start3A_116 = arith.constant 0 : i32
      %dma_start3A_117 = arith.constant 0 : i32
      %dma_start3A_118 = tpu.memref_slice %arg6[%dma_start3A_116, %dma_start3A_117] : memref<10240x128xf32, #tpu.memory_space<vmem_shared>> -> memref<10240x128xf32, #tpu.memory_space<vmem_shared>>
      tpu.enqueue_indirect_dma source(%arg9 : memref<128x128xf32, #tpu.memory_space<vmem>>) target(%dma_start3A_118 : memref<10240x128xf32, #tpu.memory_space<vmem_shared>>) offsets(%dma_start3A_115 : memref<128xi32, #tpu.memory_space<vmem>>) semaphore(%arg13 : memref<!tpu.dma_semaphore, #tpu.memory_space<semaphore_mem>>) {add = true}
      %dma_wait3A_119 = arith.constant 1 : i32
      %dma_wait3A_120 = arith.constant 0 : i32
      %dma_wait3A_121 = tpu.memref_slice %arg8[%dma_wait3A_119, %dma_wait3A_120] : memref<16x128xi32, #tpu.memory_space<vmem>> -> memref<1x128xi32, #tpu.memory_space<vmem>>
      %dma_wait3A_122 = tpu.memref_squeeze %dma_wait3A_121 : memref<1x128xi32, #tpu.memory_space<vmem>> -> memref<128xi32, #tpu.memory_space<vmem>>
      %dma_wait3A_123 = arith.constant 0 : i32
      %dma_wait3A_124 = arith.constant 0 : i32
      %dma_wait3A_125 = tpu.memref_slice %arg6[%dma_wait3A_123, %dma_wait3A_124] : memref<10240x128xf32, #tpu.memory_space<vmem_shared>> -> memref<10240x128xf32, #tpu.memory_space<vmem_shared>>
      tpu.wait_indirect_dma semaphore(%arg14 : memref<!tpu.dma_semaphore, #tpu.memory_space<semaphore_mem>>) src(%arg10 : memref<128x128xf32, #tpu.memory_space<vmem>>) dst(%dma_wait3A_125 : memref<10240x128xf32, #tpu.memory_space<vmem_shared>>)
      %dma_start3A_126 = arith.constant 3 : i32
      %dma_start3A_127 = arith.constant 0 : i32
      %dma_start3A_128 = tpu.memref_slice %arg7[%dma_start3A_126, %dma_start3A_127] : memref<16x128xi32, #tpu.memory_space<vmem>> -> memref<1x128xi32, #tpu.memory_space<vmem>>
      %dma_start3A_129 = tpu.memref_squeeze %dma_start3A_128 : memref<1x128xi32, #tpu.memory_space<vmem>> -> memref<128xi32, #tpu.memory_space<vmem>>
      %dma_start3A_130 = arith.constant 0 : i32
      %dma_start3A_131 = arith.constant 0 : i32
      %dma_start3A_132 = tpu.memref_slice %arg2[%dma_start3A_130, %dma_start3A_131] : memref<10000x128xf32, #tpu.memory_space<hbm>> -> memref<10000x128xf32, #tpu.memory_space<hbm>>
      tpu.enqueue_indirect_dma source(%dma_start3A_132 : memref<10000x128xf32, #tpu.memory_space<hbm>>) target(%arg10 : memref<128x128xf32, #tpu.memory_space<vmem>>) offsets(%dma_start3A_129 : memref<128xi32, #tpu.memory_space<vmem>>) semaphore(%arg12 : memref<!tpu.dma_semaphore, #tpu.memory_space<semaphore_mem>>)
      %dma_wait3A_133 = arith.constant 3 : i32
      %dma_wait3A_134 = arith.constant 0 : i32
      %dma_wait3A_135 = tpu.memref_slice %arg7[%dma_wait3A_133, %dma_wait3A_134] : memref<16x128xi32, #tpu.memory_space<vmem>> -> memref<1x128xi32, #tpu.memory_space<vmem>>
      %dma_wait3A_136 = tpu.memref_squeeze %dma_wait3A_135 : memref<1x128xi32, #tpu.memory_space<vmem>> -> memref<128xi32, #tpu.memory_space<vmem>>
      %dma_wait3A_137 = arith.constant 0 : i32
      %dma_wait3A_138 = arith.constant 0 : i32
      %dma_wait3A_139 = tpu.memref_slice %arg2[%dma_wait3A_137, %dma_wait3A_138] : memref<10000x128xf32, #tpu.memory_space<hbm>> -> memref<10000x128xf32, #tpu.memory_space<hbm>>
      tpu.wait_indirect_dma semaphore(%arg12 : memref<!tpu.dma_semaphore, #tpu.memory_space<semaphore_mem>>) src(%dma_wait3A_139 : memref<10000x128xf32, #tpu.memory_space<hbm>>) dst(%arg10 : memref<128x128xf32, #tpu.memory_space<vmem>>)
      %dma_start3A_140 = arith.constant 3 : i32
      %dma_start3A_141 = arith.constant 0 : i32
      %dma_start3A_142 = tpu.memref_slice %arg8[%dma_start3A_140, %dma_start3A_141] : memref<16x128xi32, #tpu.memory_space<vmem>> -> memref<1x128xi32, #tpu.memory_space<vmem>>
      %dma_start3A_143 = tpu.memref_squeeze %dma_start3A_142 : memref<1x128xi32, #tpu.memory_space<vmem>> -> memref<128xi32, #tpu.memory_space<vmem>>
      %dma_start3A_144 = arith.constant 0 : i32
      %dma_start3A_145 = arith.constant 0 : i32
      %dma_start3A_146 = tpu.memref_slice %arg6[%dma_start3A_144, %dma_start3A_145] : memref<10240x128xf32, #tpu.memory_space<vmem_shared>> -> memref<10240x128xf32, #tpu.memory_space<vmem_shared>>
      tpu.enqueue_indirect_dma source(%arg10 : memref<128x128xf32, #tpu.memory_space<vmem>>) target(%dma_start3A_146 : memref<10240x128xf32, #tpu.memory_space<vmem_shared>>) offsets(%dma_start3A_143 : memref<128xi32, #tpu.memory_space<vmem>>) semaphore(%arg14 : memref<!tpu.dma_semaphore, #tpu.memory_space<semaphore_mem>>) {add = true}
      %dma_wait3A_147 = arith.constant 2 : i32
      %dma_wait3A_148 = arith.constant 0 : i32
      %dma_wait3A_149 = tpu.memref_slice %arg8[%dma_wait3A_147, %dma_wait3A_148] : memref<16x128xi32, #tpu.memory_space<vmem>> -> memref<1x128xi32, #tpu.memory_space<vmem>>
      %dma_wait3A_150 = tpu.memref_squeeze %dma_wait3A_149 : memref<1x128xi32, #tpu.memory_space<vmem>> -> memref<128xi32, #tpu.memory_space<vmem>>
      %dma_wait3A_151 = arith.constant 0 : i32
      %dma_wait3A_152 = arith.constant 0 : i32
      %dma_wait3A_153 = tpu.memref_slice %arg6[%dma_wait3A_151, %dma_wait3A_152] : memref<10240x128xf32, #tpu.memory_space<vmem_shared>> -> memref<10240x128xf32, #tpu.memory_space<vmem_shared>>
      tpu.wait_indirect_dma semaphore(%arg13 : memref<!tpu.dma_semaphore, #tpu.memory_space<semaphore_mem>>) src(%arg9 : memref<128x128xf32, #tpu.memory_space<vmem>>) dst(%dma_wait3A_153 : memref<10240x128xf32, #tpu.memory_space<vmem_shared>>)
      %dma_start3A_154 = arith.constant 4 : i32
      %dma_start3A_155 = arith.constant 0 : i32
      %dma_start3A_156 = tpu.memref_slice %arg7[%dma_start3A_154, %dma_start3A_155] : memref<16x128xi32, #tpu.memory_space<vmem>> -> memref<1x128xi32, #tpu.memory_space<vmem>>
      %dma_start3A_157 = tpu.memref_squeeze %dma_start3A_156 : memref<1x128xi32, #tpu.memory_space<vmem>> -> memref<128xi32, #tpu.memory_space<vmem>>
      %dma_start3A_158 = arith.constant 0 : i32
      %dma_start3A_159 = arith.constant 0 : i32
      %dma_start3A_160 = tpu.memref_slice %arg2[%dma_start3A_158, %dma_start3A_159] : memref<10000x128xf32, #tpu.memory_space<hbm>> -> memref<10000x128xf32, #tpu.memory_space<hbm>>
      tpu.enqueue_indirect_dma source(%dma_start3A_160 : memref<10000x128xf32, #tpu.memory_space<hbm>>) target(%arg9 : memref<128x128xf32, #tpu.memory_space<vmem>>) offsets(%dma_start3A_157 : memref<128xi32, #tpu.memory_space<vmem>>) semaphore(%arg11 : memref<!tpu.dma_semaphore, #tpu.memory_space<semaphore_mem>>)
      %dma_wait3A_161 = arith.constant 4 : i32
      %dma_wait3A_162 = arith.constant 0 : i32
      %dma_wait3A_163 = tpu.memref_slice %arg7[%dma_wait3A_161, %dma_wait3A_162] : memref<16x128xi32, #tpu.memory_space<vmem>> -> memref<1x128xi32, #tpu.memory_space<vmem>>
      %dma_wait3A_164 = tpu.memref_squeeze %dma_wait3A_163 : memref<1x128xi32, #tpu.memory_space<vmem>> -> memref<128xi32, #tpu.memory_space<vmem>>
      %dma_wait3A_165 = arith.constant 0 : i32
      %dma_wait3A_166 = arith.constant 0 : i32
      %dma_wait3A_167 = tpu.memref_slice %arg2[%dma_wait3A_165, %dma_wait3A_166] : memref<10000x128xf32, #tpu.memory_space<hbm>> -> memref<10000x128xf32, #tpu.memory_space<hbm>>
      tpu.wait_indirect_dma semaphore(%arg11 : memref<!tpu.dma_semaphore, #tpu.memory_space<semaphore_mem>>) src(%dma_wait3A_167 : memref<10000x128xf32, #tpu.memory_space<hbm>>) dst(%arg9 : memref<128x128xf32, #tpu.memory_space<vmem>>)
      %dma_start3A_168 = arith.constant 4 : i32
      %dma_start3A_169 = arith.constant 0 : i32
      %dma_start3A_170 = tpu.memref_slice %arg8[%dma_start3A_168, %dma_start3A_169] : memref<16x128xi32, #tpu.memory_space<vmem>> -> memref<1x128xi32, #tpu.memory_space<vmem>>
      %dma_start3A_171 = tpu.memref_squeeze %dma_start3A_170 : memref<1x128xi32, #tpu.memory_space<vmem>> -> memref<128xi32, #tpu.memory_space<vmem>>
      %dma_start3A_172 = arith.constant 0 : i32
      %dma_start3A_173 = arith.constant 0 : i32
      %dma_start3A_174 = tpu.memref_slice %arg6[%dma_start3A_172, %dma_start3A_173] : memref<10240x128xf32, #tpu.memory_space<vmem_shared>> -> memref<10240x128xf32, #tpu.memory_space<vmem_shared>>
      tpu.enqueue_indirect_dma source(%arg9 : memref<128x128xf32, #tpu.memory_space<vmem>>) target(%dma_start3A_174 : memref<10240x128xf32, #tpu.memory_space<vmem_shared>>) offsets(%dma_start3A_171 : memref<128xi32, #tpu.memory_space<vmem>>) semaphore(%arg13 : memref<!tpu.dma_semaphore, #tpu.memory_space<semaphore_mem>>) {add = true}
      %dma_wait3A_175 = arith.constant 3 : i32
      %dma_wait3A_176 = arith.constant 0 : i32
      %dma_wait3A_177 = tpu.memref_slice %arg8[%dma_wait3A_175, %dma_wait3A_176] : memref<16x128xi32, #tpu.memory_space<vmem>> -> memref<1x128xi32, #tpu.memory_space<vmem>>
      %dma_wait3A_178 = tpu.memref_squeeze %dma_wait3A_177 : memref<1x128xi32, #tpu.memory_space<vmem>> -> memref<128xi32, #tpu.memory_space<vmem>>
      %dma_wait3A_179 = arith.constant 0 : i32
      %dma_wait3A_180 = arith.constant 0 : i32
      %dma_wait3A_181 = tpu.memref_slice %arg6[%dma_wait3A_179, %dma_wait3A_180] : memref<10240x128xf32, #tpu.memory_space<vmem_shared>> -> memref<10240x128xf32, #tpu.memory_space<vmem_shared>>
      tpu.wait_indirect_dma semaphore(%arg14 : memref<!tpu.dma_semaphore, #tpu.memory_space<semaphore_mem>>) src(%arg10 : memref<128x128xf32, #tpu.memory_space<vmem>>) dst(%dma_wait3A_181 : memref<10240x128xf32, #tpu.memory_space<vmem_shared>>)
      %dma_start3A_182 = arith.constant 5 : i32
      %dma_start3A_183 = arith.constant 0 : i32
      %dma_start3A_184 = tpu.memref_slice %arg7[%dma_start3A_182, %dma_start3A_183] : memref<16x128xi32, #tpu.memory_space<vmem>> -> memref<1x128xi32, #tpu.memory_space<vmem>>
      %dma_start3A_185 = tpu.memref_squeeze %dma_start3A_184 : memref<1x128xi32, #tpu.memory_space<vmem>> -> memref<128xi32, #tpu.memory_space<vmem>>
      %dma_start3A_186 = arith.constant 0 : i32
      %dma_start3A_187 = arith.constant 0 : i32
      %dma_start3A_188 = tpu.memref_slice %arg2[%dma_start3A_186, %dma_start3A_187] : memref<10000x128xf32, #tpu.memory_space<hbm>> -> memref<10000x128xf32, #tpu.memory_space<hbm>>
      tpu.enqueue_indirect_dma source(%dma_start3A_188 : memref<10000x128xf32, #tpu.memory_space<hbm>>) target(%arg10 : memref<128x128xf32, #tpu.memory_space<vmem>>) offsets(%dma_start3A_185 : memref<128xi32, #tpu.memory_space<vmem>>) semaphore(%arg12 : memref<!tpu.dma_semaphore, #tpu.memory_space<semaphore_mem>>)
      %dma_wait3A_189 = arith.constant 5 : i32
      %dma_wait3A_190 = arith.constant 0 : i32
      %dma_wait3A_191 = tpu.memref_slice %arg7[%dma_wait3A_189, %dma_wait3A_190] : memref<16x128xi32, #tpu.memory_space<vmem>> -> memref<1x128xi32, #tpu.memory_space<vmem>>
      %dma_wait3A_192 = tpu.memref_squeeze %dma_wait3A_191 : memref<1x128xi32, #tpu.memory_space<vmem>> -> memref<128xi32, #tpu.memory_space<vmem>>
      %dma_wait3A_193 = arith.constant 0 : i32
      %dma_wait3A_194 = arith.constant 0 : i32
      %dma_wait3A_195 = tpu.memref_slice %arg2[%dma_wait3A_193, %dma_wait3A_194] : memref<10000x128xf32, #tpu.memory_space<hbm>> -> memref<10000x128xf32, #tpu.memory_space<hbm>>
      tpu.wait_indirect_dma semaphore(%arg12 : memref<!tpu.dma_semaphore, #tpu.memory_space<semaphore_mem>>) src(%dma_wait3A_195 : memref<10000x128xf32, #tpu.memory_space<hbm>>) dst(%arg10 : memref<128x128xf32, #tpu.memory_space<vmem>>)
      %dma_start3A_196 = arith.constant 5 : i32
      %dma_start3A_197 = arith.constant 0 : i32
      %dma_start3A_198 = tpu.memref_slice %arg8[%dma_start3A_196, %dma_start3A_197] : memref<16x128xi32, #tpu.memory_space<vmem>> -> memref<1x128xi32, #tpu.memory_space<vmem>>
      %dma_start3A_199 = tpu.memref_squeeze %dma_start3A_198 : memref<1x128xi32, #tpu.memory_space<vmem>> -> memref<128xi32, #tpu.memory_space<vmem>>
      %dma_start3A_200 = arith.constant 0 : i32
      %dma_start3A_201 = arith.constant 0 : i32
      %dma_start3A_202 = tpu.memref_slice %arg6[%dma_start3A_200, %dma_start3A_201] : memref<10240x128xf32, #tpu.memory_space<vmem_shared>> -> memref<10240x128xf32, #tpu.memory_space<vmem_shared>>
      tpu.enqueue_indirect_dma source(%arg10 : memref<128x128xf32, #tpu.memory_space<vmem>>) target(%dma_start3A_202 : memref<10240x128xf32, #tpu.memory_space<vmem_shared>>) offsets(%dma_start3A_199 : memref<128xi32, #tpu.memory_space<vmem>>) semaphore(%arg14 : memref<!tpu.dma_semaphore, #tpu.memory_space<semaphore_mem>>) {add = true}
      %dma_wait3A_203 = arith.constant 4 : i32
      %dma_wait3A_204 = arith.constant 0 : i32
      %dma_wait3A_205 = tpu.memref_slice %arg8[%dma_wait3A_203, %dma_wait3A_204] : memref<16x128xi32, #tpu.memory_space<vmem>> -> memref<1x128xi32, #tpu.memory_space<vmem>>
      %dma_wait3A_206 = tpu.memref_squeeze %dma_wait3A_205 : memref<1x128xi32, #tpu.memory_space<vmem>> -> memref<128xi32, #tpu.memory_space<vmem>>
      %dma_wait3A_207 = arith.constant 0 : i32
      %dma_wait3A_208 = arith.constant 0 : i32
      %dma_wait3A_209 = tpu.memref_slice %arg6[%dma_wait3A_207, %dma_wait3A_208] : memref<10240x128xf32, #tpu.memory_space<vmem_shared>> -> memref<10240x128xf32, #tpu.memory_space<vmem_shared>>
      tpu.wait_indirect_dma semaphore(%arg13 : memref<!tpu.dma_semaphore, #tpu.memory_space<semaphore_mem>>) src(%arg9 : memref<128x128xf32, #tpu.memory_space<vmem>>) dst(%dma_wait3A_209 : memref<10240x128xf32, #tpu.memory_space<vmem_shared>>)
      %dma_start3A_210 = arith.constant 6 : i32
      %dma_start3A_211 = arith.constant 0 : i32
      %dma_start3A_212 = tpu.memref_slice %arg7[%dma_start3A_210, %dma_start3A_211] : memref<16x128xi32, #tpu.memory_space<vmem>> -> memref<1x128xi32, #tpu.memory_space<vmem>>
      %dma_start3A_213 = tpu.memref_squeeze %dma_start3A_212 : memref<1x128xi32, #tpu.memory_space<vmem>> -> memref<128xi32, #tpu.memory_space<vmem>>
      %dma_start3A_214 = arith.constant 0 : i32
      %dma_start3A_215 = arith.constant 0 : i32
      %dma_start3A_216 = tpu.memref_slice %arg2[%dma_start3A_214, %dma_start3A_215] : memref<10000x128xf32, #tpu.memory_space<hbm>> -> memref<10000x128xf32, #tpu.memory_space<hbm>>
      tpu.enqueue_indirect_dma source(%dma_start3A_216 : memref<10000x128xf32, #tpu.memory_space<hbm>>) target(%arg9 : memref<128x128xf32, #tpu.memory_space<vmem>>) offsets(%dma_start3A_213 : memref<128xi32, #tpu.memory_space<vmem>>) semaphore(%arg11 : memref<!tpu.dma_semaphore, #tpu.memory_space<semaphore_mem>>)
      %dma_wait3A_217 = arith.constant 6 : i32
      %dma_wait3A_218 = arith.constant 0 : i32
      %dma_wait3A_219 = tpu.memref_slice %arg7[%dma_wait3A_217, %dma_wait3A_218] : memref<16x128xi32, #tpu.memory_space<vmem>> -> memref<1x128xi32, #tpu.memory_space<vmem>>
      %dma_wait3A_220 = tpu.memref_squeeze %dma_wait3A_219 : memref<1x128xi32, #tpu.memory_space<vmem>> -> memref<128xi32, #tpu.memory_space<vmem>>
      %dma_wait3A_221 = arith.constant 0 : i32
      %dma_wait3A_222 = arith.constant 0 : i32
      %dma_wait3A_223 = tpu.memref_slice %arg2[%dma_wait3A_221, %dma_wait3A_222] : memref<10000x128xf32, #tpu.memory_space<hbm>> -> memref<10000x128xf32, #tpu.memory_space<hbm>>
      tpu.wait_indirect_dma semaphore(%arg11 : memref<!tpu.dma_semaphore, #tpu.memory_space<semaphore_mem>>) src(%dma_wait3A_223 : memref<10000x128xf32, #tpu.memory_space<hbm>>) dst(%arg9 : memref<128x128xf32, #tpu.memory_space<vmem>>)
      %dma_start3A_224 = arith.constant 6 : i32
      %dma_start3A_225 = arith.constant 0 : i32
      %dma_start3A_226 = tpu.memref_slice %arg8[%dma_start3A_224, %dma_start3A_225] : memref<16x128xi32, #tpu.memory_space<vmem>> -> memref<1x128xi32, #tpu.memory_space<vmem>>
      %dma_start3A_227 = tpu.memref_squeeze %dma_start3A_226 : memref<1x128xi32, #tpu.memory_space<vmem>> -> memref<128xi32, #tpu.memory_space<vmem>>
      %dma_start3A_228 = arith.constant 0 : i32
      %dma_start3A_229 = arith.constant 0 : i32
      %dma_start3A_230 = tpu.memref_slice %arg6[%dma_start3A_228, %dma_start3A_229] : memref<10240x128xf32, #tpu.memory_space<vmem_shared>> -> memref<10240x128xf32, #tpu.memory_space<vmem_shared>>
      tpu.enqueue_indirect_dma source(%arg9 : memref<128x128xf32, #tpu.memory_space<vmem>>) target(%dma_start3A_230 : memref<10240x128xf32, #tpu.memory_space<vmem_shared>>) offsets(%dma_start3A_227 : memref<128xi32, #tpu.memory_space<vmem>>) semaphore(%arg13 : memref<!tpu.dma_semaphore, #tpu.memory_space<semaphore_mem>>) {add = true}
      %dma_wait3A_231 = arith.constant 5 : i32
      %dma_wait3A_232 = arith.constant 0 : i32
      %dma_wait3A_233 = tpu.memref_slice %arg8[%dma_wait3A_231, %dma_wait3A_232] : memref<16x128xi32, #tpu.memory_space<vmem>> -> memref<1x128xi32, #tpu.memory_space<vmem>>
      %dma_wait3A_234 = tpu.memref_squeeze %dma_wait3A_233 : memref<1x128xi32, #tpu.memory_space<vmem>> -> memref<128xi32, #tpu.memory_space<vmem>>
      %dma_wait3A_235 = arith.constant 0 : i32
      %dma_wait3A_236 = arith.constant 0 : i32
      %dma_wait3A_237 = tpu.memref_slice %arg6[%dma_wait3A_235, %dma_wait3A_236] : memref<10240x128xf32, #tpu.memory_space<vmem_shared>> -> memref<10240x128xf32, #tpu.memory_space<vmem_shared>>
      tpu.wait_indirect_dma semaphore(%arg14 : memref<!tpu.dma_semaphore, #tpu.memory_space<semaphore_mem>>) src(%arg10 : memref<128x128xf32, #tpu.memory_space<vmem>>) dst(%dma_wait3A_237 : memref<10240x128xf32, #tpu.memory_space<vmem_shared>>)
      %dma_start3A_238 = arith.constant 7 : i32
      %dma_start3A_239 = arith.constant 0 : i32
      %dma_start3A_240 = tpu.memref_slice %arg7[%dma_start3A_238, %dma_start3A_239] : memref<16x128xi32, #tpu.memory_space<vmem>> -> memref<1x128xi32, #tpu.memory_space<vmem>>
      %dma_start3A_241 = tpu.memref_squeeze %dma_start3A_240 : memref<1x128xi32, #tpu.memory_space<vmem>> -> memref<128xi32, #tpu.memory_space<vmem>>
      %dma_start3A_242 = arith.constant 0 : i32
      %dma_start3A_243 = arith.constant 0 : i32
      %dma_start3A_244 = tpu.memref_slice %arg2[%dma_start3A_242, %dma_start3A_243] : memref<10000x128xf32, #tpu.memory_space<hbm>> -> memref<10000x128xf32, #tpu.memory_space<hbm>>
      tpu.enqueue_indirect_dma source(%dma_start3A_244 : memref<10000x128xf32, #tpu.memory_space<hbm>>) target(%arg10 : memref<128x128xf32, #tpu.memory_space<vmem>>) offsets(%dma_start3A_241 : memref<128xi32, #tpu.memory_space<vmem>>) semaphore(%arg12 : memref<!tpu.dma_semaphore, #tpu.memory_space<semaphore_mem>>)
      %dma_wait3A_245 = arith.constant 7 : i32
      %dma_wait3A_246 = arith.constant 0 : i32
      %dma_wait3A_247 = tpu.memref_slice %arg7[%dma_wait3A_245, %dma_wait3A_246] : memref<16x128xi32, #tpu.memory_space<vmem>> -> memref<1x128xi32, #tpu.memory_space<vmem>>
      %dma_wait3A_248 = tpu.memref_squeeze %dma_wait3A_247 : memref<1x128xi32, #tpu.memory_space<vmem>> -> memref<128xi32, #tpu.memory_space<vmem>>
      %dma_wait3A_249 = arith.constant 0 : i32
      %dma_wait3A_250 = arith.constant 0 : i32
      %dma_wait3A_251 = tpu.memref_slice %arg2[%dma_wait3A_249, %dma_wait3A_250] : memref<10000x128xf32, #tpu.memory_space<hbm>> -> memref<10000x128xf32, #tpu.memory_space<hbm>>
      tpu.wait_indirect_dma semaphore(%arg12 : memref<!tpu.dma_semaphore, #tpu.memory_space<semaphore_mem>>) src(%dma_wait3A_251 : memref<10000x128xf32, #tpu.memory_space<hbm>>) dst(%arg10 : memref<128x128xf32, #tpu.memory_space<vmem>>)
      %dma_start3A_252 = arith.constant 7 : i32
      %dma_start3A_253 = arith.constant 0 : i32
      %dma_start3A_254 = tpu.memref_slice %arg8[%dma_start3A_252, %dma_start3A_253] : memref<16x128xi32, #tpu.memory_space<vmem>> -> memref<1x128xi32, #tpu.memory_space<vmem>>
      %dma_start3A_255 = tpu.memref_squeeze %dma_start3A_254 : memref<1x128xi32, #tpu.memory_space<vmem>> -> memref<128xi32, #tpu.memory_space<vmem>>
      %dma_start3A_256 = arith.constant 0 : i32
      %dma_start3A_257 = arith.constant 0 : i32
      %dma_start3A_258 = tpu.memref_slice %arg6[%dma_start3A_256, %dma_start3A_257] : memref<10240x128xf32, #tpu.memory_space<vmem_shared>> -> memref<10240x128xf32, #tpu.memory_space<vmem_shared>>
      tpu.enqueue_indirect_dma source(%arg10 : memref<128x128xf32, #tpu.memory_space<vmem>>) target(%dma_start3A_258 : memref<10240x128xf32, #tpu.memory_space<vmem_shared>>) offsets(%dma_start3A_255 : memref<128xi32, #tpu.memory_space<vmem>>) semaphore(%arg14 : memref<!tpu.dma_semaphore, #tpu.memory_space<semaphore_mem>>) {add = true}
      %dma_wait3A_259 = arith.constant 6 : i32
      %dma_wait3A_260 = arith.constant 0 : i32
      %dma_wait3A_261 = tpu.memref_slice %arg8[%dma_wait3A_259, %dma_wait3A_260] : memref<16x128xi32, #tpu.memory_space<vmem>> -> memref<1x128xi32, #tpu.memory_space<vmem>>
      %dma_wait3A_262 = tpu.memref_squeeze %dma_wait3A_261 : memref<1x128xi32, #tpu.memory_space<vmem>> -> memref<128xi32, #tpu.memory_space<vmem>>
      %dma_wait3A_263 = arith.constant 0 : i32
      %dma_wait3A_264 = arith.constant 0 : i32
      %dma_wait3A_265 = tpu.memref_slice %arg6[%dma_wait3A_263, %dma_wait3A_264] : memref<10240x128xf32, #tpu.memory_space<vmem_shared>> -> memref<10240x128xf32, #tpu.memory_space<vmem_shared>>
      tpu.wait_indirect_dma semaphore(%arg13 : memref<!tpu.dma_semaphore, #tpu.memory_space<semaphore_mem>>) src(%arg9 : memref<128x128xf32, #tpu.memory_space<vmem>>) dst(%dma_wait3A_265 : memref<10240x128xf32, #tpu.memory_space<vmem_shared>>)
      %dma_start3A_266 = arith.constant 8 : i32
      %dma_start3A_267 = arith.constant 0 : i32
      %dma_start3A_268 = tpu.memref_slice %arg7[%dma_start3A_266, %dma_start3A_267] : memref<16x128xi32, #tpu.memory_space<vmem>> -> memref<1x128xi32, #tpu.memory_space<vmem>>
      %dma_start3A_269 = tpu.memref_squeeze %dma_start3A_268 : memref<1x128xi32, #tpu.memory_space<vmem>> -> memref<128xi32, #tpu.memory_space<vmem>>
      %dma_start3A_270 = arith.constant 0 : i32
      %dma_start3A_271 = arith.constant 0 : i32
      %dma_start3A_272 = tpu.memref_slice %arg2[%dma_start3A_270, %dma_start3A_271] : memref<10000x128xf32, #tpu.memory_space<hbm>> -> memref<10000x128xf32, #tpu.memory_space<hbm>>
      tpu.enqueue_indirect_dma source(%dma_start3A_272 : memref<10000x128xf32, #tpu.memory_space<hbm>>) target(%arg9 : memref<128x128xf32, #tpu.memory_space<vmem>>) offsets(%dma_start3A_269 : memref<128xi32, #tpu.memory_space<vmem>>) semaphore(%arg11 : memref<!tpu.dma_semaphore, #tpu.memory_space<semaphore_mem>>)
      %dma_wait3A_273 = arith.constant 8 : i32
      %dma_wait3A_274 = arith.constant 0 : i32
      %dma_wait3A_275 = tpu.memref_slice %arg7[%dma_wait3A_273, %dma_wait3A_274] : memref<16x128xi32, #tpu.memory_space<vmem>> -> memref<1x128xi32, #tpu.memory_space<vmem>>
      %dma_wait3A_276 = tpu.memref_squeeze %dma_wait3A_275 : memref<1x128xi32, #tpu.memory_space<vmem>> -> memref<128xi32, #tpu.memory_space<vmem>>
      %dma_wait3A_277 = arith.constant 0 : i32
      %dma_wait3A_278 = arith.constant 0 : i32
      %dma_wait3A_279 = tpu.memref_slice %arg2[%dma_wait3A_277, %dma_wait3A_278] : memref<10000x128xf32, #tpu.memory_space<hbm>> -> memref<10000x128xf32, #tpu.memory_space<hbm>>
      tpu.wait_indirect_dma semaphore(%arg11 : memref<!tpu.dma_semaphore, #tpu.memory_space<semaphore_mem>>) src(%dma_wait3A_279 : memref<10000x128xf32, #tpu.memory_space<hbm>>) dst(%arg9 : memref<128x128xf32, #tpu.memory_space<vmem>>)
      %dma_start3A_280 = arith.constant 8 : i32
      %dma_start3A_281 = arith.constant 0 : i32
      %dma_start3A_282 = tpu.memref_slice %arg8[%dma_start3A_280, %dma_start3A_281] : memref<16x128xi32, #tpu.memory_space<vmem>> -> memref<1x128xi32, #tpu.memory_space<vmem>>
      %dma_start3A_283 = tpu.memref_squeeze %dma_start3A_282 : memref<1x128xi32, #tpu.memory_space<vmem>> -> memref<128xi32, #tpu.memory_space<vmem>>
      %dma_start3A_284 = arith.constant 0 : i32
      %dma_start3A_285 = arith.constant 0 : i32
      %dma_start3A_286 = tpu.memref_slice %arg6[%dma_start3A_284, %dma_start3A_285] : memref<10240x128xf32, #tpu.memory_space<vmem_shared>> -> memref<10240x128xf32, #tpu.memory_space<vmem_shared>>
      tpu.enqueue_indirect_dma source(%arg9 : memref<128x128xf32, #tpu.memory_space<vmem>>) target(%dma_start3A_286 : memref<10240x128xf32, #tpu.memory_space<vmem_shared>>) offsets(%dma_start3A_283 : memref<128xi32, #tpu.memory_space<vmem>>) semaphore(%arg13 : memref<!tpu.dma_semaphore, #tpu.memory_space<semaphore_mem>>) {add = true}
      %dma_wait3A_287 = arith.constant 7 : i32
      %dma_wait3A_288 = arith.constant 0 : i32
      %dma_wait3A_289 = tpu.memref_slice %arg8[%dma_wait3A_287, %dma_wait3A_288] : memref<16x128xi32, #tpu.memory_space<vmem>> -> memref<1x128xi32, #tpu.memory_space<vmem>>
      %dma_wait3A_290 = tpu.memref_squeeze %dma_wait3A_289 : memref<1x128xi32, #tpu.memory_space<vmem>> -> memref<128xi32, #tpu.memory_space<vmem>>
      %dma_wait3A_291 = arith.constant 0 : i32
      %dma_wait3A_292 = arith.constant 0 : i32
      %dma_wait3A_293 = tpu.memref_slice %arg6[%dma_wait3A_291, %dma_wait3A_292] : memref<10240x128xf32, #tpu.memory_space<vmem_shared>> -> memref<10240x128xf32, #tpu.memory_space<vmem_shared>>
      tpu.wait_indirect_dma semaphore(%arg14 : memref<!tpu.dma_semaphore, #tpu.memory_space<semaphore_mem>>) src(%arg10 : memref<128x128xf32, #tpu.memory_space<vmem>>) dst(%dma_wait3A_293 : memref<10240x128xf32, #tpu.memory_space<vmem_shared>>)
      %dma_start3A_294 = arith.constant 9 : i32
      %dma_start3A_295 = arith.constant 0 : i32
      %dma_start3A_296 = tpu.memref_slice %arg7[%dma_start3A_294, %dma_start3A_295] : memref<16x128xi32, #tpu.memory_space<vmem>> -> memref<1x128xi32, #tpu.memory_space<vmem>>
      %dma_start3A_297 = tpu.memref_squeeze %dma_start3A_296 : memref<1x128xi32, #tpu.memory_space<vmem>> -> memref<128xi32, #tpu.memory_space<vmem>>
      %dma_start3A_298 = arith.constant 0 : i32
      %dma_start3A_299 = arith.constant 0 : i32
      %dma_start3A_300 = tpu.memref_slice %arg2[%dma_start3A_298, %dma_start3A_299] : memref<10000x128xf32, #tpu.memory_space<hbm>> -> memref<10000x128xf32, #tpu.memory_space<hbm>>
      tpu.enqueue_indirect_dma source(%dma_start3A_300 : memref<10000x128xf32, #tpu.memory_space<hbm>>) target(%arg10 : memref<128x128xf32, #tpu.memory_space<vmem>>) offsets(%dma_start3A_297 : memref<128xi32, #tpu.memory_space<vmem>>) semaphore(%arg12 : memref<!tpu.dma_semaphore, #tpu.memory_space<semaphore_mem>>)
      %dma_wait3A_301 = arith.constant 9 : i32
      %dma_wait3A_302 = arith.constant 0 : i32
      %dma_wait3A_303 = tpu.memref_slice %arg7[%dma_wait3A_301, %dma_wait3A_302] : memref<16x128xi32, #tpu.memory_space<vmem>> -> memref<1x128xi32, #tpu.memory_space<vmem>>
      %dma_wait3A_304 = tpu.memref_squeeze %dma_wait3A_303 : memref<1x128xi32, #tpu.memory_space<vmem>> -> memref<128xi32, #tpu.memory_space<vmem>>
      %dma_wait3A_305 = arith.constant 0 : i32
      %dma_wait3A_306 = arith.constant 0 : i32
      %dma_wait3A_307 = tpu.memref_slice %arg2[%dma_wait3A_305, %dma_wait3A_306] : memref<10000x128xf32, #tpu.memory_space<hbm>> -> memref<10000x128xf32, #tpu.memory_space<hbm>>
      tpu.wait_indirect_dma semaphore(%arg12 : memref<!tpu.dma_semaphore, #tpu.memory_space<semaphore_mem>>) src(%dma_wait3A_307 : memref<10000x128xf32, #tpu.memory_space<hbm>>) dst(%arg10 : memref<128x128xf32, #tpu.memory_space<vmem>>)
      %dma_start3A_308 = arith.constant 9 : i32
      %dma_start3A_309 = arith.constant 0 : i32
      %dma_start3A_310 = tpu.memref_slice %arg8[%dma_start3A_308, %dma_start3A_309] : memref<16x128xi32, #tpu.memory_space<vmem>> -> memref<1x128xi32, #tpu.memory_space<vmem>>
      %dma_start3A_311 = tpu.memref_squeeze %dma_start3A_310 : memref<1x128xi32, #tpu.memory_space<vmem>> -> memref<128xi32, #tpu.memory_space<vmem>>
      %dma_start3A_312 = arith.constant 0 : i32
      %dma_start3A_313 = arith.constant 0 : i32
      %dma_start3A_314 = tpu.memref_slice %arg6[%dma_start3A_312, %dma_start3A_313] : memref<10240x128xf32, #tpu.memory_space<vmem_shared>> -> memref<10240x128xf32, #tpu.memory_space<vmem_shared>>
      tpu.enqueue_indirect_dma source(%arg10 : memref<128x128xf32, #tpu.memory_space<vmem>>) target(%dma_start3A_314 : memref<10240x128xf32, #tpu.memory_space<vmem_shared>>) offsets(%dma_start3A_311 : memref<128xi32, #tpu.memory_space<vmem>>) semaphore(%arg14 : memref<!tpu.dma_semaphore, #tpu.memory_space<semaphore_mem>>) {add = true}
      %dma_wait3A_315 = arith.constant 8 : i32
      %dma_wait3A_316 = arith.constant 0 : i32
      %dma_wait3A_317 = tpu.memref_slice %arg8[%dma_wait3A_315, %dma_wait3A_316] : memref<16x128xi32, #tpu.memory_space<vmem>> -> memref<1x128xi32, #tpu.memory_space<vmem>>
      %dma_wait3A_318 = tpu.memref_squeeze %dma_wait3A_317 : memref<1x128xi32, #tpu.memory_space<vmem>> -> memref<128xi32, #tpu.memory_space<vmem>>
      %dma_wait3A_319 = arith.constant 0 : i32
      %dma_wait3A_320 = arith.constant 0 : i32
      %dma_wait3A_321 = tpu.memref_slice %arg6[%dma_wait3A_319, %dma_wait3A_320] : memref<10240x128xf32, #tpu.memory_space<vmem_shared>> -> memref<10240x128xf32, #tpu.memory_space<vmem_shared>>
      tpu.wait_indirect_dma semaphore(%arg13 : memref<!tpu.dma_semaphore, #tpu.memory_space<semaphore_mem>>) src(%arg9 : memref<128x128xf32, #tpu.memory_space<vmem>>) dst(%dma_wait3A_321 : memref<10240x128xf32, #tpu.memory_space<vmem_shared>>)
      %dma_start3A_322 = arith.constant 10 : i32
      %dma_start3A_323 = arith.constant 0 : i32
      %dma_start3A_324 = tpu.memref_slice %arg7[%dma_start3A_322, %dma_start3A_323] : memref<16x128xi32, #tpu.memory_space<vmem>> -> memref<1x128xi32, #tpu.memory_space<vmem>>
      %dma_start3A_325 = tpu.memref_squeeze %dma_start3A_324 : memref<1x128xi32, #tpu.memory_space<vmem>> -> memref<128xi32, #tpu.memory_space<vmem>>
      %dma_start3A_326 = arith.constant 0 : i32
      %dma_start3A_327 = arith.constant 0 : i32
      %dma_start3A_328 = tpu.memref_slice %arg2[%dma_start3A_326, %dma_start3A_327] : memref<10000x128xf32, #tpu.memory_space<hbm>> -> memref<10000x128xf32, #tpu.memory_space<hbm>>
      tpu.enqueue_indirect_dma source(%dma_start3A_328 : memref<10000x128xf32, #tpu.memory_space<hbm>>) target(%arg9 : memref<128x128xf32, #tpu.memory_space<vmem>>) offsets(%dma_start3A_325 : memref<128xi32, #tpu.memory_space<vmem>>) semaphore(%arg11 : memref<!tpu.dma_semaphore, #tpu.memory_space<semaphore_mem>>)
      %dma_wait3A_329 = arith.constant 10 : i32
      %dma_wait3A_330 = arith.constant 0 : i32
      %dma_wait3A_331 = tpu.memref_slice %arg7[%dma_wait3A_329, %dma_wait3A_330] : memref<16x128xi32, #tpu.memory_space<vmem>> -> memref<1x128xi32, #tpu.memory_space<vmem>>
      %dma_wait3A_332 = tpu.memref_squeeze %dma_wait3A_331 : memref<1x128xi32, #tpu.memory_space<vmem>> -> memref<128xi32, #tpu.memory_space<vmem>>
      %dma_wait3A_333 = arith.constant 0 : i32
      %dma_wait3A_334 = arith.constant 0 : i32
      %dma_wait3A_335 = tpu.memref_slice %arg2[%dma_wait3A_333, %dma_wait3A_334] : memref<10000x128xf32, #tpu.memory_space<hbm>> -> memref<10000x128xf32, #tpu.memory_space<hbm>>
      tpu.wait_indirect_dma semaphore(%arg11 : memref<!tpu.dma_semaphore, #tpu.memory_space<semaphore_mem>>) src(%dma_wait3A_335 : memref<10000x128xf32, #tpu.memory_space<hbm>>) dst(%arg9 : memref<128x128xf32, #tpu.memory_space<vmem>>)
      %dma_start3A_336 = arith.constant 10 : i32
      %dma_start3A_337 = arith.constant 0 : i32
      %dma_start3A_338 = tpu.memref_slice %arg8[%dma_start3A_336, %dma_start3A_337] : memref<16x128xi32, #tpu.memory_space<vmem>> -> memref<1x128xi32, #tpu.memory_space<vmem>>
      %dma_start3A_339 = tpu.memref_squeeze %dma_start3A_338 : memref<1x128xi32, #tpu.memory_space<vmem>> -> memref<128xi32, #tpu.memory_space<vmem>>
      %dma_start3A_340 = arith.constant 0 : i32
      %dma_start3A_341 = arith.constant 0 : i32
      %dma_start3A_342 = tpu.memref_slice %arg6[%dma_start3A_340, %dma_start3A_341] : memref<10240x128xf32, #tpu.memory_space<vmem_shared>> -> memref<10240x128xf32, #tpu.memory_space<vmem_shared>>
      tpu.enqueue_indirect_dma source(%arg9 : memref<128x128xf32, #tpu.memory_space<vmem>>) target(%dma_start3A_342 : memref<10240x128xf32, #tpu.memory_space<vmem_shared>>) offsets(%dma_start3A_339 : memref<128xi32, #tpu.memory_space<vmem>>) semaphore(%arg13 : memref<!tpu.dma_semaphore, #tpu.memory_space<semaphore_mem>>) {add = true}
      %dma_wait3A_343 = arith.constant 9 : i32
      %dma_wait3A_344 = arith.constant 0 : i32
      %dma_wait3A_345 = tpu.memref_slice %arg8[%dma_wait3A_343, %dma_wait3A_344] : memref<16x128xi32, #tpu.memory_space<vmem>> -> memref<1x128xi32, #tpu.memory_space<vmem>>
      %dma_wait3A_346 = tpu.memref_squeeze %dma_wait3A_345 : memref<1x128xi32, #tpu.memory_space<vmem>> -> memref<128xi32, #tpu.memory_space<vmem>>
      %dma_wait3A_347 = arith.constant 0 : i32
      %dma_wait3A_348 = arith.constant 0 : i32
      %dma_wait3A_349 = tpu.memref_slice %arg6[%dma_wait3A_347, %dma_wait3A_348] : memref<10240x128xf32, #tpu.memory_space<vmem_shared>> -> memref<10240x128xf32, #tpu.memory_space<vmem_shared>>
      tpu.wait_indirect_dma semaphore(%arg14 : memref<!tpu.dma_semaphore, #tpu.memory_space<semaphore_mem>>) src(%arg10 : memref<128x128xf32, #tpu.memory_space<vmem>>) dst(%dma_wait3A_349 : memref<10240x128xf32, #tpu.memory_space<vmem_shared>>)
      %dma_start3A_350 = arith.constant 11 : i32
      %dma_start3A_351 = arith.constant 0 : i32
      %dma_start3A_352 = tpu.memref_slice %arg7[%dma_start3A_350, %dma_start3A_351] : memref<16x128xi32, #tpu.memory_space<vmem>> -> memref<1x128xi32, #tpu.memory_space<vmem>>
      %dma_start3A_353 = tpu.memref_squeeze %dma_start3A_352 : memref<1x128xi32, #tpu.memory_space<vmem>> -> memref<128xi32, #tpu.memory_space<vmem>>
      %dma_start3A_354 = arith.constant 0 : i32
      %dma_start3A_355 = arith.constant 0 : i32
      %dma_start3A_356 = tpu.memref_slice %arg2[%dma_start3A_354, %dma_start3A_355] : memref<10000x128xf32, #tpu.memory_space<hbm>> -> memref<10000x128xf32, #tpu.memory_space<hbm>>
      tpu.enqueue_indirect_dma source(%dma_start3A_356 : memref<10000x128xf32, #tpu.memory_space<hbm>>) target(%arg10 : memref<128x128xf32, #tpu.memory_space<vmem>>) offsets(%dma_start3A_353 : memref<128xi32, #tpu.memory_space<vmem>>) semaphore(%arg12 : memref<!tpu.dma_semaphore, #tpu.memory_space<semaphore_mem>>)
      %dma_wait3A_357 = arith.constant 11 : i32
      %dma_wait3A_358 = arith.constant 0 : i32
      %dma_wait3A_359 = tpu.memref_slice %arg7[%dma_wait3A_357, %dma_wait3A_358] : memref<16x128xi32, #tpu.memory_space<vmem>> -> memref<1x128xi32, #tpu.memory_space<vmem>>
      %dma_wait3A_360 = tpu.memref_squeeze %dma_wait3A_359 : memref<1x128xi32, #tpu.memory_space<vmem>> -> memref<128xi32, #tpu.memory_space<vmem>>
      %dma_wait3A_361 = arith.constant 0 : i32
      %dma_wait3A_362 = arith.constant 0 : i32
      %dma_wait3A_363 = tpu.memref_slice %arg2[%dma_wait3A_361, %dma_wait3A_362] : memref<10000x128xf32, #tpu.memory_space<hbm>> -> memref<10000x128xf32, #tpu.memory_space<hbm>>
      tpu.wait_indirect_dma semaphore(%arg12 : memref<!tpu.dma_semaphore, #tpu.memory_space<semaphore_mem>>) src(%dma_wait3A_363 : memref<10000x128xf32, #tpu.memory_space<hbm>>) dst(%arg10 : memref<128x128xf32, #tpu.memory_space<vmem>>)
      %dma_start3A_364 = arith.constant 11 : i32
      %dma_start3A_365 = arith.constant 0 : i32
      %dma_start3A_366 = tpu.memref_slice %arg8[%dma_start3A_364, %dma_start3A_365] : memref<16x128xi32, #tpu.memory_space<vmem>> -> memref<1x128xi32, #tpu.memory_space<vmem>>
      %dma_start3A_367 = tpu.memref_squeeze %dma_start3A_366 : memref<1x128xi32, #tpu.memory_space<vmem>> -> memref<128xi32, #tpu.memory_space<vmem>>
      %dma_start3A_368 = arith.constant 0 : i32
      %dma_start3A_369 = arith.constant 0 : i32
      %dma_start3A_370 = tpu.memref_slice %arg6[%dma_start3A_368, %dma_start3A_369] : memref<10240x128xf32, #tpu.memory_space<vmem_shared>> -> memref<10240x128xf32, #tpu.memory_space<vmem_shared>>
      tpu.enqueue_indirect_dma source(%arg10 : memref<128x128xf32, #tpu.memory_space<vmem>>) target(%dma_start3A_370 : memref<10240x128xf32, #tpu.memory_space<vmem_shared>>) offsets(%dma_start3A_367 : memref<128xi32, #tpu.memory_space<vmem>>) semaphore(%arg14 : memref<!tpu.dma_semaphore, #tpu.memory_space<semaphore_mem>>) {add = true}
      %dma_wait3A_371 = arith.constant 10 : i32
      %dma_wait3A_372 = arith.constant 0 : i32
      %dma_wait3A_373 = tpu.memref_slice %arg8[%dma_wait3A_371, %dma_wait3A_372] : memref<16x128xi32, #tpu.memory_space<vmem>> -> memref<1x128xi32, #tpu.memory_space<vmem>>
      %dma_wait3A_374 = tpu.memref_squeeze %dma_wait3A_373 : memref<1x128xi32, #tpu.memory_space<vmem>> -> memref<128xi32, #tpu.memory_space<vmem>>
      %dma_wait3A_375 = arith.constant 0 : i32
      %dma_wait3A_376 = arith.constant 0 : i32
      %dma_wait3A_377 = tpu.memref_slice %arg6[%dma_wait3A_375, %dma_wait3A_376] : memref<10240x128xf32, #tpu.memory_space<vmem_shared>> -> memref<10240x128xf32, #tpu.memory_space<vmem_shared>>
      tpu.wait_indirect_dma semaphore(%arg13 : memref<!tpu.dma_semaphore, #tpu.memory_space<semaphore_mem>>) src(%arg9 : memref<128x128xf32, #tpu.memory_space<vmem>>) dst(%dma_wait3A_377 : memref<10240x128xf32, #tpu.memory_space<vmem_shared>>)
      %dma_start3A_378 = arith.constant 12 : i32
      %dma_start3A_379 = arith.constant 0 : i32
      %dma_start3A_380 = tpu.memref_slice %arg7[%dma_start3A_378, %dma_start3A_379] : memref<16x128xi32, #tpu.memory_space<vmem>> -> memref<1x128xi32, #tpu.memory_space<vmem>>
      %dma_start3A_381 = tpu.memref_squeeze %dma_start3A_380 : memref<1x128xi32, #tpu.memory_space<vmem>> -> memref<128xi32, #tpu.memory_space<vmem>>
      %dma_start3A_382 = arith.constant 0 : i32
      %dma_start3A_383 = arith.constant 0 : i32
      %dma_start3A_384 = tpu.memref_slice %arg2[%dma_start3A_382, %dma_start3A_383] : memref<10000x128xf32, #tpu.memory_space<hbm>> -> memref<10000x128xf32, #tpu.memory_space<hbm>>
      tpu.enqueue_indirect_dma source(%dma_start3A_384 : memref<10000x128xf32, #tpu.memory_space<hbm>>) target(%arg9 : memref<128x128xf32, #tpu.memory_space<vmem>>) offsets(%dma_start3A_381 : memref<128xi32, #tpu.memory_space<vmem>>) semaphore(%arg11 : memref<!tpu.dma_semaphore, #tpu.memory_space<semaphore_mem>>)
      %dma_wait3A_385 = arith.constant 12 : i32
      %dma_wait3A_386 = arith.constant 0 : i32
      %dma_wait3A_387 = tpu.memref_slice %arg7[%dma_wait3A_385, %dma_wait3A_386] : memref<16x128xi32, #tpu.memory_space<vmem>> -> memref<1x128xi32, #tpu.memory_space<vmem>>
      %dma_wait3A_388 = tpu.memref_squeeze %dma_wait3A_387 : memref<1x128xi32, #tpu.memory_space<vmem>> -> memref<128xi32, #tpu.memory_space<vmem>>
      %dma_wait3A_389 = arith.constant 0 : i32
      %dma_wait3A_390 = arith.constant 0 : i32
      %dma_wait3A_391 = tpu.memref_slice %arg2[%dma_wait3A_389, %dma_wait3A_390] : memref<10000x128xf32, #tpu.memory_space<hbm>> -> memref<10000x128xf32, #tpu.memory_space<hbm>>
      tpu.wait_indirect_dma semaphore(%arg11 : memref<!tpu.dma_semaphore, #tpu.memory_space<semaphore_mem>>) src(%dma_wait3A_391 : memref<10000x128xf32, #tpu.memory_space<hbm>>) dst(%arg9 : memref<128x128xf32, #tpu.memory_space<vmem>>)
      %dma_start3A_392 = arith.constant 12 : i32
      %dma_start3A_393 = arith.constant 0 : i32
      %dma_start3A_394 = tpu.memref_slice %arg8[%dma_start3A_392, %dma_start3A_393] : memref<16x128xi32, #tpu.memory_space<vmem>> -> memref<1x128xi32, #tpu.memory_space<vmem>>
      %dma_start3A_395 = tpu.memref_squeeze %dma_start3A_394 : memref<1x128xi32, #tpu.memory_space<vmem>> -> memref<128xi32, #tpu.memory_space<vmem>>
      %dma_start3A_396 = arith.constant 0 : i32
      %dma_start3A_397 = arith.constant 0 : i32
      %dma_start3A_398 = tpu.memref_slice %arg6[%dma_start3A_396, %dma_start3A_397] : memref<10240x128xf32, #tpu.memory_space<vmem_shared>> -> memref<10240x128xf32, #tpu.memory_space<vmem_shared>>
      tpu.enqueue_indirect_dma source(%arg9 : memref<128x128xf32, #tpu.memory_space<vmem>>) target(%dma_start3A_398 : memref<10240x128xf32, #tpu.memory_space<vmem_shared>>) offsets(%dma_start3A_395 : memref<128xi32, #tpu.memory_space<vmem>>) semaphore(%arg13 : memref<!tpu.dma_semaphore, #tpu.memory_space<semaphore_mem>>) {add = true}
      %dma_wait3A_399 = arith.constant 11 : i32
      %dma_wait3A_400 = arith.constant 0 : i32
      %dma_wait3A_401 = tpu.memref_slice %arg8[%dma_wait3A_399, %dma_wait3A_400] : memref<16x128xi32, #tpu.memory_space<vmem>> -> memref<1x128xi32, #tpu.memory_space<vmem>>
      %dma_wait3A_402 = tpu.memref_squeeze %dma_wait3A_401 : memref<1x128xi32, #tpu.memory_space<vmem>> -> memref<128xi32, #tpu.memory_space<vmem>>
      %dma_wait3A_403 = arith.constant 0 : i32
      %dma_wait3A_404 = arith.constant 0 : i32
      %dma_wait3A_405 = tpu.memref_slice %arg6[%dma_wait3A_403, %dma_wait3A_404] : memref<10240x128xf32, #tpu.memory_space<vmem_shared>> -> memref<10240x128xf32, #tpu.memory_space<vmem_shared>>
      tpu.wait_indirect_dma semaphore(%arg14 : memref<!tpu.dma_semaphore, #tpu.memory_space<semaphore_mem>>) src(%arg10 : memref<128x128xf32, #tpu.memory_space<vmem>>) dst(%dma_wait3A_405 : memref<10240x128xf32, #tpu.memory_space<vmem_shared>>)
      %dma_start3A_406 = arith.constant 13 : i32
      %dma_start3A_407 = arith.constant 0 : i32
      %dma_start3A_408 = tpu.memref_slice %arg7[%dma_start3A_406, %dma_start3A_407] : memref<16x128xi32, #tpu.memory_space<vmem>> -> memref<1x128xi32, #tpu.memory_space<vmem>>
      %dma_start3A_409 = tpu.memref_squeeze %dma_start3A_408 : memref<1x128xi32, #tpu.memory_space<vmem>> -> memref<128xi32, #tpu.memory_space<vmem>>
      %dma_start3A_410 = arith.constant 0 : i32
      %dma_start3A_411 = arith.constant 0 : i32
      %dma_start3A_412 = tpu.memref_slice %arg2[%dma_start3A_410, %dma_start3A_411] : memref<10000x128xf32, #tpu.memory_space<hbm>> -> memref<10000x128xf32, #tpu.memory_space<hbm>>
      tpu.enqueue_indirect_dma source(%dma_start3A_412 : memref<10000x128xf32, #tpu.memory_space<hbm>>) target(%arg10 : memref<128x128xf32, #tpu.memory_space<vmem>>) offsets(%dma_start3A_409 : memref<128xi32, #tpu.memory_space<vmem>>) semaphore(%arg12 : memref<!tpu.dma_semaphore, #tpu.memory_space<semaphore_mem>>)
      %dma_wait3A_413 = arith.constant 13 : i32
      %dma_wait3A_414 = arith.constant 0 : i32
      %dma_wait3A_415 = tpu.memref_slice %arg7[%dma_wait3A_413, %dma_wait3A_414] : memref<16x128xi32, #tpu.memory_space<vmem>> -> memref<1x128xi32, #tpu.memory_space<vmem>>
      %dma_wait3A_416 = tpu.memref_squeeze %dma_wait3A_415 : memref<1x128xi32, #tpu.memory_space<vmem>> -> memref<128xi32, #tpu.memory_space<vmem>>
      %dma_wait3A_417 = arith.constant 0 : i32
      %dma_wait3A_418 = arith.constant 0 : i32
      %dma_wait3A_419 = tpu.memref_slice %arg2[%dma_wait3A_417, %dma_wait3A_418] : memref<10000x128xf32, #tpu.memory_space<hbm>> -> memref<10000x128xf32, #tpu.memory_space<hbm>>
      tpu.wait_indirect_dma semaphore(%arg12 : memref<!tpu.dma_semaphore, #tpu.memory_space<semaphore_mem>>) src(%dma_wait3A_419 : memref<10000x128xf32, #tpu.memory_space<hbm>>) dst(%arg10 : memref<128x128xf32, #tpu.memory_space<vmem>>)
      %dma_start3A_420 = arith.constant 13 : i32
      %dma_start3A_421 = arith.constant 0 : i32
      %dma_start3A_422 = tpu.memref_slice %arg8[%dma_start3A_420, %dma_start3A_421] : memref<16x128xi32, #tpu.memory_space<vmem>> -> memref<1x128xi32, #tpu.memory_space<vmem>>
      %dma_start3A_423 = tpu.memref_squeeze %dma_start3A_422 : memref<1x128xi32, #tpu.memory_space<vmem>> -> memref<128xi32, #tpu.memory_space<vmem>>
      %dma_start3A_424 = arith.constant 0 : i32
      %dma_start3A_425 = arith.constant 0 : i32
      %dma_start3A_426 = tpu.memref_slice %arg6[%dma_start3A_424, %dma_start3A_425] : memref<10240x128xf32, #tpu.memory_space<vmem_shared>> -> memref<10240x128xf32, #tpu.memory_space<vmem_shared>>
      tpu.enqueue_indirect_dma source(%arg10 : memref<128x128xf32, #tpu.memory_space<vmem>>) target(%dma_start3A_426 : memref<10240x128xf32, #tpu.memory_space<vmem_shared>>) offsets(%dma_start3A_423 : memref<128xi32, #tpu.memory_space<vmem>>) semaphore(%arg14 : memref<!tpu.dma_semaphore, #tpu.memory_space<semaphore_mem>>) {add = true}
      %dma_wait3A_427 = arith.constant 12 : i32
      %dma_wait3A_428 = arith.constant 0 : i32
      %dma_wait3A_429 = tpu.memref_slice %arg8[%dma_wait3A_427, %dma_wait3A_428] : memref<16x128xi32, #tpu.memory_space<vmem>> -> memref<1x128xi32, #tpu.memory_space<vmem>>
      %dma_wait3A_430 = tpu.memref_squeeze %dma_wait3A_429 : memref<1x128xi32, #tpu.memory_space<vmem>> -> memref<128xi32, #tpu.memory_space<vmem>>
      %dma_wait3A_431 = arith.constant 0 : i32
      %dma_wait3A_432 = arith.constant 0 : i32
      %dma_wait3A_433 = tpu.memref_slice %arg6[%dma_wait3A_431, %dma_wait3A_432] : memref<10240x128xf32, #tpu.memory_space<vmem_shared>> -> memref<10240x128xf32, #tpu.memory_space<vmem_shared>>
      tpu.wait_indirect_dma semaphore(%arg13 : memref<!tpu.dma_semaphore, #tpu.memory_space<semaphore_mem>>) src(%arg9 : memref<128x128xf32, #tpu.memory_space<vmem>>) dst(%dma_wait3A_433 : memref<10240x128xf32, #tpu.memory_space<vmem_shared>>)
      %dma_start3A_434 = arith.constant 14 : i32
      %dma_start3A_435 = arith.constant 0 : i32
      %dma_start3A_436 = tpu.memref_slice %arg7[%dma_start3A_434, %dma_start3A_435] : memref<16x128xi32, #tpu.memory_space<vmem>> -> memref<1x128xi32, #tpu.memory_space<vmem>>
      %dma_start3A_437 = tpu.memref_squeeze %dma_start3A_436 : memref<1x128xi32, #tpu.memory_space<vmem>> -> memref<128xi32, #tpu.memory_space<vmem>>
      %dma_start3A_438 = arith.constant 0 : i32
      %dma_start3A_439 = arith.constant 0 : i32
      %dma_start3A_440 = tpu.memref_slice %arg2[%dma_start3A_438, %dma_start3A_439] : memref<10000x128xf32, #tpu.memory_space<hbm>> -> memref<10000x128xf32, #tpu.memory_space<hbm>>
      tpu.enqueue_indirect_dma source(%dma_start3A_440 : memref<10000x128xf32, #tpu.memory_space<hbm>>) target(%arg9 : memref<128x128xf32, #tpu.memory_space<vmem>>) offsets(%dma_start3A_437 : memref<128xi32, #tpu.memory_space<vmem>>) semaphore(%arg11 : memref<!tpu.dma_semaphore, #tpu.memory_space<semaphore_mem>>)
      %dma_wait3A_441 = arith.constant 14 : i32
      %dma_wait3A_442 = arith.constant 0 : i32
      %dma_wait3A_443 = tpu.memref_slice %arg7[%dma_wait3A_441, %dma_wait3A_442] : memref<16x128xi32, #tpu.memory_space<vmem>> -> memref<1x128xi32, #tpu.memory_space<vmem>>
      %dma_wait3A_444 = tpu.memref_squeeze %dma_wait3A_443 : memref<1x128xi32, #tpu.memory_space<vmem>> -> memref<128xi32, #tpu.memory_space<vmem>>
      %dma_wait3A_445 = arith.constant 0 : i32
      %dma_wait3A_446 = arith.constant 0 : i32
      %dma_wait3A_447 = tpu.memref_slice %arg2[%dma_wait3A_445, %dma_wait3A_446] : memref<10000x128xf32, #tpu.memory_space<hbm>> -> memref<10000x128xf32, #tpu.memory_space<hbm>>
      tpu.wait_indirect_dma semaphore(%arg11 : memref<!tpu.dma_semaphore, #tpu.memory_space<semaphore_mem>>) src(%dma_wait3A_447 : memref<10000x128xf32, #tpu.memory_space<hbm>>) dst(%arg9 : memref<128x128xf32, #tpu.memory_space<vmem>>)
      %dma_start3A_448 = arith.constant 14 : i32
      %dma_start3A_449 = arith.constant 0 : i32
      %dma_start3A_450 = tpu.memref_slice %arg8[%dma_start3A_448, %dma_start3A_449] : memref<16x128xi32, #tpu.memory_space<vmem>> -> memref<1x128xi32, #tpu.memory_space<vmem>>
      %dma_start3A_451 = tpu.memref_squeeze %dma_start3A_450 : memref<1x128xi32, #tpu.memory_space<vmem>> -> memref<128xi32, #tpu.memory_space<vmem>>
      %dma_start3A_452 = arith.constant 0 : i32
      %dma_start3A_453 = arith.constant 0 : i32
      %dma_start3A_454 = tpu.memref_slice %arg6[%dma_start3A_452, %dma_start3A_453] : memref<10240x128xf32, #tpu.memory_space<vmem_shared>> -> memref<10240x128xf32, #tpu.memory_space<vmem_shared>>
      tpu.enqueue_indirect_dma source(%arg9 : memref<128x128xf32, #tpu.memory_space<vmem>>) target(%dma_start3A_454 : memref<10240x128xf32, #tpu.memory_space<vmem_shared>>) offsets(%dma_start3A_451 : memref<128xi32, #tpu.memory_space<vmem>>) semaphore(%arg13 : memref<!tpu.dma_semaphore, #tpu.memory_space<semaphore_mem>>) {add = true}
      %dma_wait3A_455 = arith.constant 13 : i32
      %dma_wait3A_456 = arith.constant 0 : i32
      %dma_wait3A_457 = tpu.memref_slice %arg8[%dma_wait3A_455, %dma_wait3A_456] : memref<16x128xi32, #tpu.memory_space<vmem>> -> memref<1x128xi32, #tpu.memory_space<vmem>>
      %dma_wait3A_458 = tpu.memref_squeeze %dma_wait3A_457 : memref<1x128xi32, #tpu.memory_space<vmem>> -> memref<128xi32, #tpu.memory_space<vmem>>
      %dma_wait3A_459 = arith.constant 0 : i32
      %dma_wait3A_460 = arith.constant 0 : i32
      %dma_wait3A_461 = tpu.memref_slice %arg6[%dma_wait3A_459, %dma_wait3A_460] : memref<10240x128xf32, #tpu.memory_space<vmem_shared>> -> memref<10240x128xf32, #tpu.memory_space<vmem_shared>>
      tpu.wait_indirect_dma semaphore(%arg14 : memref<!tpu.dma_semaphore, #tpu.memory_space<semaphore_mem>>) src(%arg10 : memref<128x128xf32, #tpu.memory_space<vmem>>) dst(%dma_wait3A_461 : memref<10240x128xf32, #tpu.memory_space<vmem_shared>>)
      %dma_start3A_462 = arith.constant 15 : i32
      %dma_start3A_463 = arith.constant 0 : i32
      %dma_start3A_464 = tpu.memref_slice %arg7[%dma_start3A_462, %dma_start3A_463] : memref<16x128xi32, #tpu.memory_space<vmem>> -> memref<1x128xi32, #tpu.memory_space<vmem>>
      %dma_start3A_465 = tpu.memref_squeeze %dma_start3A_464 : memref<1x128xi32, #tpu.memory_space<vmem>> -> memref<128xi32, #tpu.memory_space<vmem>>
      %dma_start3A_466 = arith.constant 0 : i32
      %dma_start3A_467 = arith.constant 0 : i32
      %dma_start3A_468 = tpu.memref_slice %arg2[%dma_start3A_466, %dma_start3A_467] : memref<10000x128xf32, #tpu.memory_space<hbm>> -> memref<10000x128xf32, #tpu.memory_space<hbm>>
      tpu.enqueue_indirect_dma source(%dma_start3A_468 : memref<10000x128xf32, #tpu.memory_space<hbm>>) target(%arg10 : memref<128x128xf32, #tpu.memory_space<vmem>>) offsets(%dma_start3A_465 : memref<128xi32, #tpu.memory_space<vmem>>) semaphore(%arg12 : memref<!tpu.dma_semaphore, #tpu.memory_space<semaphore_mem>>)
      %dma_wait3A_469 = arith.constant 15 : i32
      %dma_wait3A_470 = arith.constant 0 : i32
      %dma_wait3A_471 = tpu.memref_slice %arg7[%dma_wait3A_469, %dma_wait3A_470] : memref<16x128xi32, #tpu.memory_space<vmem>> -> memref<1x128xi32, #tpu.memory_space<vmem>>
      %dma_wait3A_472 = tpu.memref_squeeze %dma_wait3A_471 : memref<1x128xi32, #tpu.memory_space<vmem>> -> memref<128xi32, #tpu.memory_space<vmem>>
      %dma_wait3A_473 = arith.constant 0 : i32
      %dma_wait3A_474 = arith.constant 0 : i32
      %dma_wait3A_475 = tpu.memref_slice %arg2[%dma_wait3A_473, %dma_wait3A_474] : memref<10000x128xf32, #tpu.memory_space<hbm>> -> memref<10000x128xf32, #tpu.memory_space<hbm>>
      tpu.wait_indirect_dma semaphore(%arg12 : memref<!tpu.dma_semaphore, #tpu.memory_space<semaphore_mem>>) src(%dma_wait3A_475 : memref<10000x128xf32, #tpu.memory_space<hbm>>) dst(%arg10 : memref<128x128xf32, #tpu.memory_space<vmem>>)
      %dma_start3A_476 = arith.constant 15 : i32
      %dma_start3A_477 = arith.constant 0 : i32
      %dma_start3A_478 = tpu.memref_slice %arg8[%dma_start3A_476, %dma_start3A_477] : memref<16x128xi32, #tpu.memory_space<vmem>> -> memref<1x128xi32, #tpu.memory_space<vmem>>
      %dma_start3A_479 = tpu.memref_squeeze %dma_start3A_478 : memref<1x128xi32, #tpu.memory_space<vmem>> -> memref<128xi32, #tpu.memory_space<vmem>>
      %dma_start3A_480 = arith.constant 0 : i32
      %dma_start3A_481 = arith.constant 0 : i32
      %dma_start3A_482 = tpu.memref_slice %arg6[%dma_start3A_480, %dma_start3A_481] : memref<10240x128xf32, #tpu.memory_space<vmem_shared>> -> memref<10240x128xf32, #tpu.memory_space<vmem_shared>>
      tpu.enqueue_indirect_dma source(%arg10 : memref<128x128xf32, #tpu.memory_space<vmem>>) target(%dma_start3A_482 : memref<10240x128xf32, #tpu.memory_space<vmem_shared>>) offsets(%dma_start3A_479 : memref<128xi32, #tpu.memory_space<vmem>>) semaphore(%arg14 : memref<!tpu.dma_semaphore, #tpu.memory_space<semaphore_mem>>) {add = true}
      %dma_wait3A_483 = arith.constant 15 : i32
      %dma_wait3A_484 = arith.constant 0 : i32
      %dma_wait3A_485 = tpu.memref_slice %arg8[%dma_wait3A_483, %dma_wait3A_484] : memref<16x128xi32, #tpu.memory_space<vmem>> -> memref<1x128xi32, #tpu.memory_space<vmem>>
      %dma_wait3A_486 = tpu.memref_squeeze %dma_wait3A_485 : memref<1x128xi32, #tpu.memory_space<vmem>> -> memref<128xi32, #tpu.memory_space<vmem>>
      %dma_wait3A_487 = arith.constant 0 : i32
      %dma_wait3A_488 = arith.constant 0 : i32
      %dma_wait3A_489 = tpu.memref_slice %arg6[%dma_wait3A_487, %dma_wait3A_488] : memref<10240x128xf32, #tpu.memory_space<vmem_shared>> -> memref<10240x128xf32, #tpu.memory_space<vmem_shared>>
      tpu.wait_indirect_dma semaphore(%arg14 : memref<!tpu.dma_semaphore, #tpu.memory_space<semaphore_mem>>) src(%arg10 : memref<128x128xf32, #tpu.memory_space<vmem>>) dst(%dma_wait3A_489 : memref<10240x128xf32, #tpu.memory_space<vmem_shared>>)
    }
    %barrier3A_37 = arith.constant 0 : index
    tpu.barrier barrier_id(%barrier3A_37)
    %mul3A_38 = arith.constant 640 : i32
    %mul3A_39 = arith.muli %arg1, %mul3A_38 : i32
    %mul3A_40 = arith.constant 10240 : i32
    %mul3A_41 = arith.muli %arg0, %mul3A_40 : i32
    %mul3A_42 = arith.constant 640 : i32
    %mul3A_43 = arith.muli %arg1, %mul3A_42 : i32
    %add3A_44 = arith.addi %mul3A_41, %mul3A_43 : i32
    "tpu.region"() ({
      %run_scoped3A = tpu.sem_alloc : memref<!tpu.dma_semaphore, #tpu.memory_space<semaphore_mem>>
      %dma_start3A = arith.constant 0 : i32
      %dma_start3A_45 = tpu.memref_slice %arg5[%add3A_44, %dma_start3A] : memref<20480x128xf32, #tpu.memory_space<hbm>> -> memref<640x128xf32, #tpu.memory_space<hbm>>
      %dma_start3A_46 = arith.constant 0 : i32
      %dma_start3A_47 = tpu.memref_slice %arg6[%mul3A_39, %dma_start3A_46] : memref<10240x128xf32, #tpu.memory_space<vmem_shared>> -> memref<640x128xf32, #tpu.memory_space<vmem_shared>>
      tpu.enqueue_dma source(%dma_start3A_47 : memref<640x128xf32, #tpu.memory_space<vmem_shared>>) target(%dma_start3A_45 : memref<640x128xf32, #tpu.memory_space<hbm>>) target_semaphore(%run_scoped3A : memref<!tpu.dma_semaphore, #tpu.memory_space<semaphore_mem>>)
      %dma_wait3A = arith.constant 0 : i32
      %dma_wait3A_48 = tpu.memref_slice %arg5[%add3A_44, %dma_wait3A] : memref<20480x128xf32, #tpu.memory_space<hbm>> -> memref<640x128xf32, #tpu.memory_space<hbm>>
      %dma_wait3A_49 = arith.constant 0 : i32
      %dma_wait3A_50 = tpu.memref_slice %arg6[%mul3A_39, %dma_wait3A_49] : memref<10240x128xf32, #tpu.memory_space<vmem_shared>> -> memref<640x128xf32, #tpu.memory_space<vmem_shared>>
      tpu.wait_dma2 semaphore(%run_scoped3A : memref<!tpu.dma_semaphore, #tpu.memory_space<semaphore_mem>>) src(%dma_wait3A_50 : memref<640x128xf32, #tpu.memory_space<vmem_shared>>) dst(%dma_wait3A_48 : memref<640x128xf32, #tpu.memory_space<hbm>>)
      tpu.yield
    }) : () -> ()
    return
  }
}

module attributes {stable_mosaic.version = 14 : i64} {
  func.func @_mm1_body(%arg0: i32, %arg1: memref<1000x128xf32, #tpu.memory_space<vmem>>, %arg2: memref<128x128xf32, #tpu.memory_space<vmem>>, %arg3: memref<1000x128xf32, #tpu.memory_space<vmem>>) attributes {dimension_semantics = [#tpu.dimension_semantics<arbitrary>], iteration_bounds = array<i64: 10>, scalar_prefetch = 0 : i64, scratch_operands = 0 : i64, tpu.core_type = #tpu.core_type<tc>, window_params = [{transform_indices = @transform_0, window_bounds = array<i64: 1000, 128>}, {pipeline_mode = #tpu.pipeline_mode<synchronous>, transform_indices = @transform_1, window_bounds = array<i64: 128, 128>}, {transform_indices = @transform_2, window_bounds = array<i64: 1000, 128>}]} {
    %get3A = arith.constant 0 : index
    %get3A_0 = arith.constant 0 : index
    %get3A_1 = vector.load %arg1[%get3A, %get3A_0] : memref<1000x128xf32, #tpu.memory_space<vmem>>, vector<1000x128xf32>
    %get3A_2 = arith.constant 0 : index
    %get3A_3 = arith.constant 0 : index
    %get3A_4 = vector.load %arg2[%get3A_2, %get3A_3] : memref<128x128xf32, #tpu.memory_space<vmem>>, vector<128x128xf32>
    %dot_general3A = arith.constant dense<0.000000e+00> : vector<1000x128xf32>
    %dot_general3A_5 = tpu.matmul %get3A_1, %get3A_4, %dot_general3A {dimension_numbers = #tpu.dot_dimension_numbers<[1], [0], [0], [1], [0, 0, 1, 1], [], []>, precision = #tpu.contract_precision<fp32>, transpose_lhs_hint = false} : vector<1000x128xf32>, vector<128x128xf32>, vector<1000x128xf32> -> vector<1000x128xf32>
    %swap3A = arith.constant 0 : index
    %swap3A_6 = arith.constant 0 : index
    %swap3A_7 = vector.load %arg3[%swap3A, %swap3A_6] : memref<1000x128xf32, #tpu.memory_space<vmem>>, vector<1000x128xf32>
    tpu.vector_store %arg3[%swap3A, %swap3A_6], %dot_general3A_5 {strides = array<i32>} : memref<1000x128xf32, #tpu.memory_space<vmem>>, vector<1000x128xf32>,
    return
  }
  func.func @transform_0(%arg0: i32) -> (i32, i32) {
    %c0_i32 = arith.constant 0 : i32
    %c0_i32_0 = arith.constant 0 : i32
    return %arg0, %c0_i32 : i32, i32
  }
  func.func @transform_1(%arg0: i32) -> (i32, i32) {
    %c0_i32 = arith.constant 0 : i32
    %c0_i32_0 = arith.constant 0 : i32
    %c0_i32_1 = arith.constant 0 : i32
    return %c0_i32, %c0_i32_0 : i32, i32
  }
  func.func @transform_2(%arg0: i32) -> (i32, i32) {
    %c0_i32 = arith.constant 0 : i32
    %c0_i32_0 = arith.constant 0 : i32
    return %arg0, %c0_i32 : i32, i32
  }
}

module attributes {stable_mosaic.version = 14 : i64} {
  func.func @_scale_body(%arg0: i32, %arg1: memref<1000x128xf32, #tpu.memory_space<vmem>>, %arg2: memref<1000x1xf32, #tpu.memory_space<vmem>>, %arg3: memref<1000x128xf32, #tpu.memory_space<vmem>>) attributes {dimension_semantics = [#tpu.dimension_semantics<arbitrary>], iteration_bounds = array<i64: 10>, scalar_prefetch = 0 : i64, scratch_operands = 0 : i64, tpu.core_type = #tpu.core_type<tc>, window_params = [{transform_indices = @transform_0, window_bounds = array<i64: 1000, 128>}, {transform_indices = @transform_1, window_bounds = array<i64: 1000, 1>}, {transform_indices = @transform_2, window_bounds = array<i64: 1000, 128>}]} {
    %get3A = arith.constant 0 : index
    %get3A_0 = arith.constant 0 : index
    %get3A_1 = vector.load %arg1[%get3A, %get3A_0] : memref<1000x128xf32, #tpu.memory_space<vmem>>, vector<1000x128xf32>
    %get3A_2 = arith.constant 0 : index
    %get3A_3 = arith.constant 0 : index
    %get3A_4 = vector.load %arg2[%get3A_2, %get3A_3] : memref<1000x1xf32, #tpu.memory_space<vmem>>, vector<1000x1xf32>
    %rsqrt3A = math.rsqrt %get3A_4 : vector<1000x1xf32>
    %mul3A = vector.broadcast %rsqrt3A : vector<1000x1xf32> to vector<1000x128xf32>
    %mul3A_5 = arith.mulf %get3A_1, %mul3A : vector<1000x128xf32>
    %swap3A = arith.constant 0 : index
    %swap3A_6 = arith.constant 0 : index
    %swap3A_7 = vector.load %arg3[%swap3A, %swap3A_6] : memref<1000x128xf32, #tpu.memory_space<vmem>>, vector<1000x128xf32>
    tpu.vector_store %arg3[%swap3A, %swap3A_6], %mul3A_5 {strides = array<i32>} : memref<1000x128xf32, #tpu.memory_space<vmem>>, vector<1000x128xf32>,
    return
  }
  func.func @transform_0(%arg0: i32) -> (i32, i32) {
    %c0_i32 = arith.constant 0 : i32
    %c0_i32_0 = arith.constant 0 : i32
    return %arg0, %c0_i32 : i32, i32
  }
  func.func @transform_1(%arg0: i32) -> (i32, i32) {
    %c0_i32 = arith.constant 0 : i32
    %c0_i32_0 = arith.constant 0 : i32
    return %arg0, %c0_i32 : i32, i32
  }
  func.func @transform_2(%arg0: i32) -> (i32, i32) {
    %c0_i32 = arith.constant 0 : i32
    %c0_i32_0 = arith.constant 0 : i32
    return %arg0, %c0_i32 : i32, i32
  }
}

module attributes {stable_mosaic.version = 14 : i64} {
  func.func @_mid_body(%arg0: i32, %arg1: memref<1000x128xf32, #tpu.memory_space<vmem>>, %arg2: memref<1000x128xf32, #tpu.memory_space<vmem>>, %arg3: memref<1000x128xf32, #tpu.memory_space<vmem>>, %arg4: memref<1000x1xf32, #tpu.memory_space<vmem>>, %arg5: memref<1x128xf32, #tpu.memory_space<vmem>>, %arg6: memref<128x128xf32, #tpu.memory_space<vmem>>, %arg7: memref<1000x128xf32, #tpu.memory_space<vmem>>) attributes {dimension_semantics = [#tpu.dimension_semantics<arbitrary>], iteration_bounds = array<i64: 10>, scalar_prefetch = 0 : i64, scratch_operands = 0 : i64, tpu.core_type = #tpu.core_type<tc>, window_params = [{transform_indices = @transform_0, window_bounds = array<i64: 1000, 128>}, {transform_indices = @transform_1, window_bounds = array<i64: 1000, 128>}, {transform_indices = @transform_2, window_bounds = array<i64: 1000, 128>}, {transform_indices = @transform_3, window_bounds = array<i64: 1000, 1>}, {pipeline_mode = #tpu.pipeline_mode<synchronous>, transform_indices = @transform_4, window_bounds = array<i64: 1, 128>}, {pipeline_mode = #tpu.pipeline_mode<synchronous>, transform_indices = @transform_5, window_bounds = array<i64: 128, 128>}, {transform_indices = @transform_6, window_bounds = array<i64: 1000, 128>}]} {
    %get3A = arith.constant 0 : index
    %get3A_0 = arith.constant 0 : index
    %get3A_1 = vector.load %arg4[%get3A, %get3A_0] : memref<1000x1xf32, #tpu.memory_space<vmem>>, vector<1000x1xf32>
    %rsqrt3A = math.rsqrt %get3A_1 : vector<1000x1xf32>
    %get3A_2 = arith.constant 0 : index
    %get3A_3 = arith.constant 0 : index
    %get3A_4 = vector.load %arg1[%get3A_2, %get3A_3] : memref<1000x128xf32, #tpu.memory_space<vmem>>, vector<1000x128xf32>
    %get3A_5 = arith.constant 0 : index
    %get3A_6 = arith.constant 0 : index
    %get3A_7 = vector.load %arg2[%get3A_5, %get3A_6] : memref<1000x128xf32, #tpu.memory_space<vmem>>, vector<1000x128xf32>
    %add3A = arith.addf %get3A_4, %get3A_7 : vector<1000x128xf32>
    %get3A_8 = arith.constant 0 : index
    %get3A_9 = arith.constant 0 : index
    %get3A_10 = vector.load %arg3[%get3A_8, %get3A_9] : memref<1000x128xf32, #tpu.memory_space<vmem>>, vector<1000x128xf32>
    %add3A_11 = arith.addf %add3A, %get3A_10 : vector<1000x128xf32>
    %mul3A = vector.broadcast %rsqrt3A : vector<1000x1xf32> to vector<1000x128xf32>
    %mul3A_12 = arith.mulf %add3A_11, %mul3A : vector<1000x128xf32>
    %get3A_13 = arith.constant 0 : index
    %get3A_14 = arith.constant 0 : index
    %get3A_15 = vector.load %arg5[%get3A_13, %get3A_14] : memref<1x128xf32, #tpu.memory_space<vmem>>, vector<1x128xf32>
    %add3A_16 = vector.broadcast %get3A_15 : vector<1x128xf32> to vector<1000x128xf32>
    %add3A_17 = arith.addf %mul3A_12, %add3A_16 : vector<1000x128xf32>
    %max3A = arith.constant 0.000000e+00 : f32
    %max3A_18 = vector.broadcast %max3A : f32 to vector<1000x128xf32>
    %max3A_19 = arith.maximumf %add3A_17, %max3A_18 : vector<1000x128xf32>
    %get3A_20 = arith.constant 0 : index
    %get3A_21 = arith.constant 0 : index
    %get3A_22 = vector.load %arg6[%get3A_20, %get3A_21] : memref<128x128xf32, #tpu.memory_space<vmem>>, vector<128x128xf32>
    %dot_general3A = arith.constant dense<0.000000e+00> : vector<1000x128xf32>
    %dot_general3A_23 = tpu.matmul %max3A_19, %get3A_22, %dot_general3A {dimension_numbers = #tpu.dot_dimension_numbers<[1], [0], [0], [1], [0, 0, 1, 1], [], []>, precision = #tpu.contract_precision<fp32>, transpose_lhs_hint = false} : vector<1000x128xf32>, vector<128x128xf32>, vector<1000x128xf32> -> vector<1000x128xf32>
    %mul3A_24 = vector.broadcast %rsqrt3A : vector<1000x1xf32> to vector<1000x128xf32>
    %mul3A_25 = arith.mulf %dot_general3A_23, %mul3A_24 : vector<1000x128xf32>
    %swap3A = arith.constant 0 : index
    %swap3A_26 = arith.constant 0 : index
    %swap3A_27 = vector.load %arg7[%swap3A, %swap3A_26] : memref<1000x128xf32, #tpu.memory_space<vmem>>, vector<1000x128xf32>
    tpu.vector_store %arg7[%swap3A, %swap3A_26], %mul3A_25 {strides = array<i32>} : memref<1000x128xf32, #tpu.memory_space<vmem>>, vector<1000x128xf32>,
    return
  }
  func.func @transform_0(%arg0: i32) -> (i32, i32) {
    %c0_i32 = arith.constant 0 : i32
    %c0_i32_0 = arith.constant 0 : i32
    return %arg0, %c0_i32 : i32, i32
  }
  func.func @transform_1(%arg0: i32) -> (i32, i32) {
    %c0_i32 = arith.constant 0 : i32
    %c0_i32_0 = arith.constant 0 : i32
    return %arg0, %c0_i32 : i32, i32
  }
  func.func @transform_2(%arg0: i32) -> (i32, i32) {
    %c0_i32 = arith.constant 0 : i32
    %c0_i32_0 = arith.constant 0 : i32
    return %arg0, %c0_i32 : i32, i32
  }
  func.func @transform_3(%arg0: i32) -> (i32, i32) {
    %c0_i32 = arith.constant 0 : i32
    %c0_i32_0 = arith.constant 0 : i32
    return %arg0, %c0_i32 : i32, i32
  }
  func.func @transform_4(%arg0: i32) -> (i32, i32) {
    %c0_i32 = arith.constant 0 : i32
    %c0_i32_0 = arith.constant 0 : i32
    %c0_i32_1 = arith.constant 0 : i32
    return %c0_i32, %c0_i32_0 : i32, i32
  }
  func.func @transform_5(%arg0: i32) -> (i32, i32) {
    %c0_i32 = arith.constant 0 : i32
    %c0_i32_0 = arith.constant 0 : i32
    %c0_i32_1 = arith.constant 0 : i32
    return %c0_i32, %c0_i32_0 : i32, i32
  }
  func.func @transform_6(%arg0: i32) -> (i32, i32) {
    %c0_i32 = arith.constant 0 : i32
    %c0_i32_0 = arith.constant 0 : i32
    return %arg0, %c0_i32 : i32, i32
  }
}

module attributes {stable_mosaic.version = 14 : i64} {
  func.func @_fin_body(%arg0: i32, %arg1: memref<1000x128xf32, #tpu.memory_space<vmem>>, %arg2: memref<1000x128xf32, #tpu.memory_space<vmem>>, %arg3: memref<1000x128xf32, #tpu.memory_space<vmem>>, %arg4: memref<1000x1xf32, #tpu.memory_space<vmem>>, %arg5: memref<1x40xf32, #tpu.memory_space<vmem>>, %arg6: memref<1000x40xf32, #tpu.memory_space<vmem>>) attributes {dimension_semantics = [#tpu.dimension_semantics<arbitrary>], iteration_bounds = array<i64: 10>, scalar_prefetch = 0 : i64, scratch_operands = 0 : i64, tpu.core_type = #tpu.core_type<tc>, window_params = [{transform_indices = @transform_0, window_bounds = array<i64: 1000, 128>}, {transform_indices = @transform_1, window_bounds = array<i64: 1000, 128>}, {transform_indices = @transform_2, window_bounds = array<i64: 1000, 128>}, {transform_indices = @transform_3, window_bounds = array<i64: 1000, 1>}, {pipeline_mode = #tpu.pipeline_mode<synchronous>, transform_indices = @transform_4, window_bounds = array<i64: 1, 40>}, {transform_indices = @transform_5, window_bounds = array<i64: 1000, 40>}]} {
    %get3A = arith.constant 0 : index
    %get3A_0 = arith.constant 0 : index
    %get3A_1 = vector.load %arg4[%get3A, %get3A_0] : memref<1000x1xf32, #tpu.memory_space<vmem>>, vector<1000x1xf32>
    %rsqrt3A = math.rsqrt %get3A_1 : vector<1000x1xf32>
    %get3A_2 = arith.constant 0 : index
    %get3A_3 = arith.constant 0 : index
    %get3A_4 = vector.load %arg1[%get3A_2, %get3A_3] : memref<1000x128xf32, #tpu.memory_space<vmem>>, vector<1000x128xf32>
    %get3A_5 = arith.constant 0 : index
    %get3A_6 = arith.constant 0 : index
    %get3A_7 = vector.load %arg2[%get3A_5, %get3A_6] : memref<1000x128xf32, #tpu.memory_space<vmem>>, vector<1000x128xf32>
    %add3A = arith.addf %get3A_4, %get3A_7 : vector<1000x128xf32>
    %get3A_8 = arith.constant 0 : index
    %get3A_9 = arith.constant 0 : index
    %get3A_10 = vector.load %arg3[%get3A_8, %get3A_9] : memref<1000x128xf32, #tpu.memory_space<vmem>>, vector<1000x128xf32>
    %add3A_11 = arith.addf %add3A, %get3A_10 : vector<1000x128xf32>
    %mul3A = vector.broadcast %rsqrt3A : vector<1000x1xf32> to vector<1000x128xf32>
    %mul3A_12 = arith.mulf %add3A_11, %mul3A : vector<1000x128xf32>
    %slice3A = vector.extract_strided_slice %mul3A_12 {offsets = [0, 0], sizes = [1000, 40], strides = [1, 1]} : vector<1000x128xf32> to vector<1000x40xf32>
    %get3A_13 = arith.constant 0 : index
    %get3A_14 = arith.constant 0 : index
    %get3A_15 = vector.load %arg5[%get3A_13, %get3A_14] : memref<1x40xf32, #tpu.memory_space<vmem>>, vector<1x40xf32>
    %add3A_16 = vector.broadcast %get3A_15 : vector<1x40xf32> to vector<1000x40xf32>
    %add3A_17 = arith.addf %slice3A, %add3A_16 : vector<1000x40xf32>
    %swap3A = arith.constant 0 : index
    %swap3A_18 = arith.constant 0 : index
    %swap3A_19 = vector.load %arg6[%swap3A, %swap3A_18] : memref<1000x40xf32, #tpu.memory_space<vmem>>, vector<1000x40xf32>
    tpu.vector_store %arg6[%swap3A, %swap3A_18], %add3A_17 {strides = array<i32>} : memref<1000x40xf32, #tpu.memory_space<vmem>>, vector<1000x40xf32>,
    return
  }
  func.func @transform_0(%arg0: i32) -> (i32, i32) {
    %c0_i32 = arith.constant 0 : i32
    %c0_i32_0 = arith.constant 0 : i32
    return %arg0, %c0_i32 : i32, i32
  }
  func.func @transform_1(%arg0: i32) -> (i32, i32) {
    %c0_i32 = arith.constant 0 : i32
    %c0_i32_0 = arith.constant 0 : i32
    return %arg0, %c0_i32 : i32, i32
  }
  func.func @transform_2(%arg0: i32) -> (i32, i32) {
    %c0_i32 = arith.constant 0 : i32
    %c0_i32_0 = arith.constant 0 : i32
    return %arg0, %c0_i32 : i32, i32
  }
  func.func @transform_3(%arg0: i32) -> (i32, i32) {
    %c0_i32 = arith.constant 0 : i32
    %c0_i32_0 = arith.constant 0 : i32
    return %arg0, %c0_i32 : i32, i32
  }
  func.func @transform_4(%arg0: i32) -> (i32, i32) {
    %c0_i32 = arith.constant 0 : i32
    %c0_i32_0 = arith.constant 0 : i32
    %c0_i32_1 = arith.constant 0 : i32
    return %c0_i32, %c0_i32_0 : i32, i32
  }
  func.func @transform_5(%arg0: i32) -> (i32, i32) {
    %c0_i32 = arith.constant 0 : i32
    %c0_i32_0 = arith.constant 0 : i32
    return %arg0, %c0_i32 : i32, i32
  }
}

</mosaic_0001>

<sc_bundles>
// kernel: kernel.12.cloned.1.call-start
scs
__scs_entry_jumppad:
0x0: {  	(pc) =	sbr.rel $0x88, $3  }
0x1: {  	(tag) =	ssettag $0x0;
	lr =	simm.s32 $0x1  }
0x2: {  	[smem:$0x3F9B] =	sst lr;
	_ =	strace $0xD0000000  }
0x3: {  	_ = 	snop  }
0x4: {  	_ = 	snop  }
0x5: {  	_ = 	snop  }
0x6: {  	_ = 	snop  }
0x7: {  	_ = 	snop  }
__scs_overlays_trampoline_lowered:
0x8: {  	[smem:$0x3FAA] =	sst s0  }
0x9: {  	[smem:$0x3FAB] =	sst s1  }
0xa: {  	[smem:$0x3FAC] =	sst s2  }
0xb: {  	[smem:$0x3FAD] =	sst s3  }
0xc: {  	[smem:$0x3FAE] =	sst s4  }
0xd: {  	[smem:$0x3FAF] =	sst s5  }
0xe: {  	[smem:$0x3FB0] =	sst s6  }
0xf: {  	[smem:$0x3FB1] =	sst s7  }
0x10: {  	[smem:$0x3FB2] =	sst s8  }
0x11: {  	[smem:$0x3FB3] =	sst s9;
	s0 =	simm.s32 @!p0 $0x0  }
0x12: {  	s1 =	sld [smem:$0x3F99];
	s0 =	simm.s32 @p0 $0x1  }
0x13: {  	[smem:$0x3FB4] =	sst s0;
	s0 =	simm.s32 @!p1 $0x0  }
0x14: {  	s2 =	sld [smem:$0x3F98];
	s0 =	simm.s32 @p1 $0x1  }
0x15: {  	[smem:$0x3FB5] =	sst s0;
	s0 =	simm.s32 @!p2 $0x0  }
0x16: {  	s3 =	sld [smem:$0x3FDB];
	s0 =	simm.s32 @p2 $0x1  }
0x17: {  	s4 =	simm.s32 $0x1BF5;
	[smem:$0x3FB7] =	sst s0  }
0x18: {  	s0 =	sld [smem:$0x3F9A];
	_ =	swait.ge [sflag:s4], $0x0  }
0x19: {  	s7 =	sld [smem:$0x3F9B]  }
0x1a: {  	s8 =	sadd.s32 $0xFFFFE003, lr  }
0x1b: {  	s9 =	sadd.s32 $0xFFFFFEF7, lr;
	s5 =	simm.s32 $0xFFFFFFFF;
	p2 =	slt.u32 s8, $0xFFFFF086  }
0x1c: {  	p1 =	slt.u32 s9, $0xF7A;
	s5 =	simm.s32 @!p2 $0x0  }
0x1d: {  	s5 =	simm.s32 @p1 $0x1;
	p0 =	seq.s32 s7, s2  }
0x1e: {  	s7 =	smul.u32 @!p0 $0xF7A, s2;
	p2 =	seq.s32 @!p0 s5, $0x0  }
0x1f: {  	s9 =	smul.u32 $0xF7A, s1;
	s8 =	simm.s32 @!p0 $0x1BF5;
	p2 =	por !p2, p0  }
0x20: {  	[sflag:s8] =	ssyncset.s32 @!p0 $0xFFFFF086;
	s6 =	sadd.s32 @!p0 s3, s7;
	s7 =	simm.s32 @!p0 $0x108  }
0x21: {  	s3 =	sadd.s32 s3, s9;
	s6 =	sadd.s32 @!p0 $0x88, s6;
	s7 =	simm.s32 @p2 $0x1082  }
0x22: {  	[simem:s7], [sflag:s8] =	dma.local @!p0 [hbm:s6], $0xF7A  }
0x23: {  	s9 =	sor.u32 $0xD0000000, s2;
	s6 =	simm.s32 $0x108;
	_ =	swait.ge @!p0 [sflag:s8], $0x0  }
0x24: {  	s3 =	sadd.s32 $0x88, s3;
	s6 =	simm.s32 @!p1 $0x1082;
	[sflag:s4] =	ssyncset.s32 $0xFFFFF086  }
0x25: {  	[simem:s6], [sflag:s4] =	dma.local [hbm:s3], $0xF7A  }
0x26: {  	[smem:$0x3F9B] =	sst s1;
	(tag) =	ssettag s2;
	_ =	strace s9  }
0x27: {  	s1 =	sld [smem:$0x3FAB]  }
0x28: {  	s2 =	sld [smem:$0x3FAC]  }
0x29: {  	s4 =	sld [smem:$0x3FAE]  }
0x2a: {  	p0 =	seq.s32 s5, $0x0;
	s5 =	sld [smem:$0x3FAF]  }
0x2b: {  	s6 =	sld [smem:$0x3FB0]  }
0x2c: {  	s7 =	sld [smem:$0x3FB1]  }
0x2d: {  	s3 =	simm.s32 $0x108;
	s8 =	sld [smem:$0x3FB2]  }
0x2e: {  	s3 =	simm.s32 @!p0 $0x1082;
	s9 =	sld [smem:$0x3FB3]  }
0x2f: {  	lr =	sadd.s32 s0, s3;
	s0 =	sld [smem:$0x3FAA]  }
0x30: {  	s3 =	sld [smem:$0x3FAD]  }
0x31: {  	[smem:$0x3FB6] =	sst s10  }
0x32: {  	s10 =	sld [smem:$0x3FB4];
	_ =	sdelay $0x3  }
0x33: {  	p0 =	seq.s32 s10, $0x1;
	s10 =	sld [smem:$0x3FB6];
	_ =	sdelay $0x3  }
0x34: {  	[smem:$0x3FB6] =	sst s10  }
0x35: {  	s10 =	sld [smem:$0x3FB5];
	_ =	sdelay $0x3  }
0x36: {  	p1 =	seq.s32 s10, $0x1;
	s10 =	sld [smem:$0x3FB6];
	_ =	sdelay $0x3  }
0x37: {  	[smem:$0x3FB6] =	sst s10  }
0x38: {  	s10 =	sld [smem:$0x3FB7]  }
0x39: {  	_ = 	snop;
	(pc) =	sbr.ind lr, $3  }
0x3a: {  	_ = 	snop  }
0x3b: {  	_ = 	snop  }
0x3c: {  	p2 =	seq.s32 s10, $0x1;
	s10 =	sld [smem:$0x3FB6]  }
0x3d: {  	_ =	shalt  }
0x3e: {  	_ =	shalt  }
0x3f: {  	_ =	shalt  }
0x40: {  	_ =	shalt  }
0x41: {  	_ =	shalt  }
0x42: {  	_ =	shalt  }
0x43: {  	_ =	shalt  }
0x44: {  	_ =	shalt  }
0x45: {  	_ =	shalt  }
0x46: {  	_ =	shalt  }
0x47: {  	_ =	shalt  }
0x48: {  	_ =	shalt  }
0x49: {  	_ =	shalt  }
0x4a: {  	_ =	shalt  }
0x4b: {  	_ =	shalt  }
0x4c: {  	_ =	shalt  }
0x4d: {  	_ =	shalt  }
0x4e: {  	_ =	shalt  }
0x4f: {  	_ =	shalt  }
0x50: {  	_ =	shalt  }
0x51: {  	_ =	shalt  }
0x52: {  	_ =	shalt  }
0x53: {  	_ =	shalt  }
0x54: {  	_ =	shalt  }
0x55: {  	_ =	shalt  }
0x56: {  	_ =	shalt  }
0x57: {  	_ =	shalt  }
0x58: {  	_ =	shalt  }
0x59: {  	_ =	shalt  }
0x5a: {  	_ =	shalt  }
0x5b: {  	_ =	shalt  }
0x5c: {  	_ =	shalt  }
0x5d: {  	_ =	shalt  }
0x5e: {  	_ =	shalt  }
0x5f: {  	_ =	shalt  }
0x60: {  	_ =	shalt  }
0x61: {  	_ =	shalt  }
0x62: {  	_ =	shalt  }
0x63: {  	_ =	shalt  }
0x64: {  	_ =	shalt  }
0x65: {  	_ =	shalt  }
0x66: {  	_ =	shalt  }
0x67: {  	_ =	shalt  }
0x68: {  	_ =	shalt  }
0x69: {  	_ =	shalt  }
0x6a: {  	_ =	shalt  }
0x6b: {  	_ =	shalt  }
0x6c: {  	_ =	shalt  }
0x6d: {  	_ =	shalt  }
0x6e: {  	_ =	shalt  }
0x6f: {  	_ =	shalt  }
0x70: {  	_ =	shalt  }
0x71: {  	_ =	shalt  }
0x72: {  	_ =	shalt  }
0x73: {  	_ =	shalt  }
0x74: {  	_ =	shalt  }
0x75: {  	_ =	shalt  }
0x76: {  	_ =	shalt  }
0x77: {  	_ =	shalt  }
0x78: {  	_ =	shalt  }
0x79: {  	_ =	shalt  }
0x7a: {  	_ =	shalt  }
0x7b: {  	_ =	shalt  }
0x7c: {  	_ =	shalt  }
0x7d: {  	_ =	shalt  }
0x7e: {  	_ =	shalt  }
0x7f: {  	_ =	shalt  }
0x80: {  	_ =	shalt  }
0x81: {  	_ =	shalt  }
0x82: {  	_ =	shalt  }
0x83: {  	_ =	shalt  }
0x84: {  	_ =	shalt  }
0x85: {  	_ =	shalt  }
0x86: {  	_ =	shalt  }
0x87: {  	_ =	shalt  }
.Lfunc_end0:
.L_simem_size_0:
called_computation.1_lowered:
.L_overlay_start_0:
0x88: {  	s2 =	sld [smem:$0x3FD9]  }
0x89: {  	s3 =	sld [smem:$0x3FFE];
	_ =	sdelay $0x1  }
0x8a: {  	s1 =	srdreg.scid  }
0x8b: {  	s0 =	sand.u32 $0x1, s1  }
0x8c: {  	s17 =	sshll.u32 s0, $0xA;
	s2 =	sadd.s32 s3, s2  }
0x8d: {  	s2 =	sadd.s32 s2, s17  }
0x8e: {  	[smem:$0x3FC2] =	sst s2  }
0x8f: {  	_ = 	snop  }
0x90: {  	s2 =	sld [smem:$0x3FD0];
	(tm) =	ssettm $0x1  }
0x91: {  	s18 =	sld [smem:$0x3FFB];
	_ =	sdelay $0x3  }
0x92: {  	_ =	strace s18  }
0x93: {  	s3 =	sld [smem:$0x3FFC];
	_ =	sdelay $0x3  }
0x94: {  	_ =	strace s3  }
0x95: {  	s3 =	sld [smem:$0x3FFD];
	_ =	sdelay $0x3  }
0x96: {  	_ =	strace s3  }
0x97: {  	_ =	strace $0x8FFFFFFF  }
0x98: {  	s19 =	sld [smem:$0x3FDB];
	_ =	sdelay $0x1  }
0x99: {  	s4 =	simm.s32 $_scs_section_size  }
0x9a: {  	s5 =	simm.s32 $_size__tile_overlayer_lowered;
	s6 =	simm.s32 $_tile_overlayer_lowered  }
0x9b: {  	s22 =	simm.s32 $0x1BFF;
	s21 =	sshll.u32 s6, $0x1;
	s3 =	sadd.s32 s4, s19  }
0x9c: {  	s7 =	simm.s32 $0x0;
	s20 =	sshll.u32 s5, $0x1;
	s5 =	sadd.s32 s21, s3  }
0x9d: {  	[timem:s7], [sflag:s22] =	dma.local [hbm:s5], s20  }
0x9e: {  	_ =	swait.ge [sflag:s22], s20  }
0x9f: {  	s4 =	ssub.s32 $0x0, s20;
	[sflag:s22] =	ssyncset.done $0x0  }
0xa0: {  	[sflag:s22] =	ssyncadd.s32 s4;
	_ =	sdelay $0x1  }
0xa1: {  	s23 =	simm.s32 $0x1B8B  }
0xa2: {  	_ =	swait.ge [sflag:s23], $0x1  }
0xa3: {  	[sflag:s23] =	ssyncset.done $0x0  }
0xa4: {  	s25 =	simm.s32 $0x1B8E;
	s24 =	sld [smem:$0x3FFE];
	[sflag:s23] =	ssyncadd.s32 $0xFFFFFFFF  }
0xa5: {  	s26 =	simm.s32 $execute0_lowered;
	[smem:$0x3FD2] =	sst s25  }
0xa6: {  	s5 =	sshll.u32 s26, $0x1;
	_ =	strace $0x80000049;
	[dreg:$0x1] =	wrdreg $0xFFFFFFFF  }
0xa7: {  	s28 =	simm.s32 $_size_execute0_lowered;
	s3 =	sadd.s32 s3, s5;
	[dreg:$0x0] =	wrdreg $0x0  }
0xa8: {  	s5 =	sshll.u32 s28, $0x1;
	[dreg:$0x2] =	wrdreg s3  }
0xa9: {  	[dreg:$0x3] =	wrdreg s5  }
0xaa: {  	[dreg:$0x4] =	wrdreg $0xC0  }
0xab: {  	_ =	task [dreg:s7], $0x5FFFF  }
0xac: {  	[dreg:$0x1] =	wrdreg $0xFFFFFFFF  }
0xad: {  	[dreg:$0x0] =	wrdreg $0x60  }
0xae: {  	[dreg:$0x2] =	wrdreg s24  }
0xaf: {  	[dreg:$0x3] =	wrdreg s2  }
0xb0: {  	[dreg:$0x4] =	wrdreg $0x0  }
0xb1: {  	[dreg:$0x5] =	wrdreg $0x9  }
0xb2: {  	_ =	task.clear_ibuf [dreg:s7], $0x6FFFF;
	_ =	strace $0x90000049  }
0xb3: {  	s29 =	simm.s32 $0x9;
	_ =	strace $0x8000004B  }
0xb4: {  	_ =	swait.ge [sflag:s29], $0x1  }
0xb5: {  	[sflag:s29] =	ssyncadd.s32 $0xFFFFFFFF  }
0xb6: {  	_ =	strace $0x9000004B  }
0xb7: {  	_ =	sfence  }
0xb8: {  	s30 =	sld [smem:$0x0];
	_ =	sdelay $0x2  }
0xb9: {  	s31 =	sshll.u32 s1, $0xD;
	s1 =	sshrl.u32 s1, $0x2  }
0xba: {  	s3 =	sand.u32 $0x4000, s31;
	s1 =	sadd.s32 s1, s30  }
0xbb: {  	s0 =	sor.u32 s3, s0;
	s1 =	sshll.u32 s1, $0x11  }
0xbc: {  	s0 =	sor.u32 s1, s0  }
0xbd: {  	s0 =	sadd.s32 $0x8F2B, s0  }
0xbe: {  	[sflag:s0] =	ssyncadd.remote.s32 $0x1  }
0xbf: {  	_ =	sfence.sel $0xFFFF  }
0xc0: {  	[dreg:$0x0] =	wrdreg $0xFFFFFFFF;
	(pc) =	sbr.abs _section_cstart, $3  }
0xc1: {  	[dreg:$0x1] =	wrdreg $0xFFFFFFFF  }
0xc2: {  	_ =	task.clear_ibuf [dreg:s7], $0x2FFFF;
	_ =	strace $0x9FFFFFFF  }
0xc3: {  	(tm) =	ssettm $0x7FFFFFFF  }
tec
execute0_lowered:
.L_overlay_start_1:
0x0: {  	(tag) =	ssettag $0x1  }
0x1: {  	s0 =	rddreg [dreg:$0x0]  }
0x2: {  	s1 =	rddreg [dreg:$0x1]  }
0x3: {  	s3 =	simm.s32 $0x0;
	s2 =	srdreg.scid;
	s10 =	stileid.u32  }
0x4: {  	s21 =	simm.s32 $0x14080;
	s23 =	simm.s32 $0x14880;
	[dreg:$0x5] =	wrdreg s1  }
0x5: {  	s24 =	simm.s32 $0x14100;
	s26 =	simm.s32 $0x14900;
	s1 =	rddreg [dreg:$0x2]  }
0x6: {  	s12 =	simm.s32 $0x14A00;
	[smem:$0x7FF] =	sst s3;
	s6 =	sadd.s32 $0x16400, s0  }
0x7: {  	s14 =	simm.s32 $0x14280;
	_ =	strace $0x8000004A;
	[dreg:$0x4] =	wrdreg s6  }
0x8: {  	s16 =	simm.s32 $0x14A80;
	s28 =	simm.s32 $0x14600;
	[dreg:$0x6] =	wrdreg s21  }
0x9: {  	s29 =	simm.s32 $0x14E00;
	s30 =	simm.s32 $0x14680;
	[dreg:$0x7] =	wrdreg s23  }
0xa: {  	s31 =	simm.s32 $0x14E80;
	s7 =	smul.u32 $0x2800, s10;
	[dreg:$0x8] =	wrdreg s24  }
0xb: {  	s2 =	sand.u32 $0x1, s2;
	s22 =	smul.u32 $0x50000, s10;
	[dreg:$0x9] =	wrdreg s26  }
0xc: {  	s4 =	sadd.s32 $0x47600, s0;
	s5 =	smul.u32 $0x28000, s2;
	[dreg:$0xd] =	wrdreg s12  }
0xd: {  	s18 =	sshll.u32 s2, $0x7;
	s19 =	ssub.s32 $0x2, s2;
	[dreg:$0xe] =	wrdreg s14  }
0xe: {  	s9 =	sshll.u32 s2, $0x3;
	s2 =	smul.u32 $0x48000, s2;
	[dreg:$0xf] =	wrdreg s16  }
0xf: {  	s14 =	simm.s32 $0x15000;
	s16 =	simm.s32 $0x14000;
	s21 =	simm.s32 $0x14B80  }
0x10: {  	s23 =	simm.s32 $0x14C00;
	s24 =	simm.s32 $0x14480;
	s26 =	simm.s32 $0x14500  }
0x11: {  	s6 =	sxor.u32 $0x90, s18;
	s8 =	sshrl.u32 s19, $0x1;
	[dreg:$0x13] =	wrdreg s21  }
0x12: {  	s20 =	sxor.u32 $0x9, s9;
	s25 =	sshrl.u32 s22, $0x2;
	[dreg:$0x15] =	wrdreg s23  }
0x13: {  	s9 =	simm.s32 $0x14200;
	s18 =	simm.s32 $0x14300;
	[dreg:$0x16] =	wrdreg s24  }
0x14: {  	s22 =	simm.s32 $0x14400;
	s21 =	simm.s32 $0x2;
	[dreg:$0x18] =	wrdreg s26  }
0x15: {  	s23 =	simm.s32 $0x4;
	s24 =	simm.s32 $0x14D00;
	[dreg:$0x19] =	wrdreg s20  }
0x16: {  	s26 =	simm.s32 $0x14D80;
	s5 =	sadd.s32 s7, s5;
	[dreg:$0xc] =	wrdreg s9  }
0x17: {  	s6 =	smul.u32 s6, s10;
	s8 =	ssub.s32 s19, s8;
	[dreg:$0x10] =	wrdreg s18  }
0x18: {  	s7 =	sadd.s32 s25, s1;
	s19 =	simm.s32 $0x14B00;
	[dreg:$0x14] =	wrdreg s22  }
0x19: {  	s20 =	simm.s32 $0x14380;
	s18 =	simm.s32 $0x80;
	[dreg:$0x11] =	wrdreg s19  }
0x1a: {  	s25 =	simm.s32 $0x14C80;
	s22 =	simm.s32 $0x3;
	[dreg:$0x12] =	wrdreg s20  }
0x1b: {  	s0 =	sadd.s32 s5, s0;
	s5 =	simm.s32 $0x14180;
	[dreg:$0x17] =	wrdreg s25  }
0x1c: {  	s9 =	simm.s32 $0x14F80;
	s8 =	smax.u32 s8, $0x1;
	[dreg:$0xa] =	wrdreg s5  }
0x1d: {  	s10 =	sadd.s32 $0x4000, s7;
	s13 =	sadd.s32 $0x8000, s7;
	[dreg:$0x1b] =	wrdreg s8  }
0x1e: {  	s15 =	sadd.s32 $0xC000, s7;
	s17 =	sadd.s32 $0x10000, s7;
	[dreg:$0x1c] =	wrdreg s10  }
0x1f: {  	s19 =	simm.s32 $0x1;
	s20 =	simm.s32 $0x19000;
	[dreg:$0x1d] =	wrdreg s13  }
0x20: {  	s25 =	simm.s32 $0x14580;
	s6 =	sshll.u32 s6, $0x7;
	[dreg:$0x1e] =	wrdreg s15  }
0x21: {  	s0 =	sadd.s32 $0x6E800, s0;
	[dreg:$0x1f] =	wrdreg s17;
	s15 =	simm.s32 $0x5  }
0x22: {  	s17 =	simm.s32 $0x14800;
	s8 =	simm.s32 $0x14780;
	s10 =	simm.s32 $0x0  }
0x23: {  	s11 =	sadd.s32 s2, s6;
	[dreg:$0x1a] =	wrdreg s0;
	s6 =	simm.s32 $0x14980  }
0x24: {  	v0 =	vimm.f32 $0.0e+00;
	s0 =	simm.s32 $0x14700;
	s2 =	simm.s32 $0x14F00;
	[dreg:$0xb] =	wrdreg s6  }
.LBB2_1:
0x25: {  	s6 =	sand.u32 $0xFE00, s3  }
0x26: {  	s12 =	sand.u32 $0x70, s3;
	s13 =	sshrl.u32 s6, $0x2  }
0x27: {  	s6 =	simm.s32 $0x40;
	s13 =	sor.u32 s12, s13;
	s12 =	simm.s32 $0x0  }
.LBB2_2:
0x28: {  	p0 =	sne.s32 s6, $0xFFC0  }
0x29: {  	[tilespmem:s13+$0x15000] =	vst v0;
	s12 =	sadd.s32 $0x10, s12;
	s13 =	smov.u32 s6;
	s6 =	sadd.s32 $0x40, s6  }
.Ltmp0:
0x2a: {  	(pc) =	sbr.rel @p0 .LBB2_2-.Ltmp0, $4  }
0x2b: {  	_ = 	snop  }
0x2c: {  	s13 =	sand.u32 $0xFE00, s13  }
0x2d: {  	s5 =	sand.u32 $0x70, s12;
	s13 =	sshrl.u32 s13, $0x2  }
0x2e: {  	s13 =	sor.u32 s5, s13  }
0x2f: {  	[tilespmem:s13+$0x15000] =	vst v0  }
0x30: {  	[spmem:s7] =	stream.linear.scatter [tilespmem:s14], [sflag:$0x5], $0x4000, $0x38;
	[tilespmem:$0x1D000] =	vst v63  }
0x31: {  	_ =	swait.ge [sflag:s15], $0x4000  }
0x32: {  	[sflag:s15] =	ssyncset.done $0x0  }
0x33: {  	s5 =	rddreg [dreg:$0x1c];
	[sflag:s15] =	ssyncadd.s32 $0xFFFFC000  }
0x34: {  	[spmem:s5] =	stream.linear.scatter [tilespmem:s14], [sflag:$0x5], $0x4000, $0x38;
	[tilespmem:$0x1D000] =	vst v63  }
0x35: {  	_ =	swait.ge [sflag:s15], $0x4000  }
0x36: {  	[sflag:s15] =	ssyncset.done $0x0  }
0x37: {  	s13 =	rddreg [dreg:$0x1d];
	[sflag:s15] =	ssyncadd.s32 $0xFFFFC000  }
0x38: {  	[spmem:s13] =	stream.linear.scatter [tilespmem:s14], [sflag:$0x5], $0x4000, $0x38;
	[tilespmem:$0x1D000] =	vst v63  }
0x39: {  	_ =	swait.ge [sflag:s15], $0x4000  }
0x3a: {  	[sflag:s15] =	ssyncset.done $0x0  }
0x3b: {  	s6 =	rddreg [dreg:$0x1e];
	[sflag:s15] =	ssyncadd.s32 $0xFFFFC000  }
0x3c: {  	[spmem:s6] =	stream.linear.scatter [tilespmem:s14], [sflag:$0x5], $0x4000, $0x38;
	[tilespmem:$0x1D000] =	vst v63  }
0x3d: {  	_ =	swait.ge [sflag:s15], $0x4000  }
0x3e: {  	[sflag:s15] =	ssyncset.done $0x0  }
0x3f: {  	s12 =	rddreg [dreg:$0x1f];
	[sflag:s15] =	ssyncadd.s32 $0xFFFFC000  }
0x40: {  	[spmem:s12] =	stream.linear.scatter [tilespmem:s14], [sflag:$0x5], $0x4000, $0x38;
	[tilespmem:$0x1D000] =	vst v63  }
0x41: {  	_ =	swait.ge [sflag:s15], $0x4000  }
0x42: {  	[sflag:s15] =	ssyncset.done $0x0  }
0x43: {  	[sflag:s15] =	ssyncadd.s32 $0xFFFFC000  }
0x44: {  	[bflag:$0x0] =	sbarrier.arrive $0xFFFF  }
0x45: {  	s13 =	rddreg [dreg:$0x19]  }
0x46: {  	p1 =	sne.s32 s13, $0x1  }
.Ltmp1:
0x47: {  	_ = 	snop;
	(pc) =	sbr.rel @!p1 .LBB2_4-.Ltmp1, $2  }
0x48: {  	_ =	sdelay $0x2  }
0x49: {  	p0 =	por $0x0, $0x0;
	s6 =	sadd.s32 $0xFFFFFFFF, s13;
	s13 =	rddreg [dreg:$0x4]  }
0x4a: {  	s5 =	sshrl.u32 s11, $0x3  }
0x4b: {  	s12 =	sadd.s32 s13, s5  }
0x4c: {  	[tilespmem:s16], [sflag:$0x5] =	stream.linear.gather [hbm4b:s12+s3], $0x800, $0x38;
	[tilespmem:$0x1D000] =	vst v63  }
0x4d: {  	_ =	swait.ge [sflag:s15], $0x800  }
0x4e: {  	s13 =	rddreg [dreg:$0x5];
	[sflag:s15] =	ssyncset.done $0x0  }
0x4f: {  	[sflag:s15] =	ssyncadd.s32 $0xFFFFF800;
	s5 =	sadd.s32 s13, s5  }
0x50: {  	[tilespmem:s17], [sflag:$0x5] =	stream.linear.gather [hbm4b:s5+s3], $0x800, $0x38;
	[tilespmem:$0x1D000] =	vst v63  }
0x51: {  	_ =	swait.ge [sflag:s15], $0x800  }
0x52: {  	[sflag:s15] =	ssyncset.done $0x0  }
0x53: {  	[sflag:s15] =	ssyncadd.s32 $0xFFFFF800  }
0x54: {  	[tilespmem:s14], [sflag:$0x1] =	stream.indirect.gather [hbm4b:s4+s18], $0x80, s16, s18, $0xb8;
	[tilespmem:$0x1D000] =	vst v63  }
0x55: {  	_ =	swait.ge [sflag:s19], $0x4000  }
0x56: {  	[sflag:s19] =	ssyncset.done $0x0  }
0x57: {  	[sflag:s19] =	ssyncadd.s32 $0xFFFFC000  }
0x58: {  	[spmem:s1] =	stream.indirect.scatter.add.f32 [tilespmem:s14], [sflag:$0x3], $0x80, s17, s18, $0xb8;
	[tilespmem:$0x1D000] =	vst v63  }
0x59: {  	s13 =	rddreg [dreg:$0x6]  }
0x5a: {  	[tilespmem:s20], [sflag:$0x2] =	stream.indirect.gather [hbm4b:s4+s18], $0x80, s13, s18, $0xb8;
	[tilespmem:$0x1D000] =	vst v63  }
0x5b: {  	_ =	swait.ge [sflag:s21], $0x4000  }
0x5c: {  	[sflag:s21] =	ssyncset.done $0x0  }
0x5d: {  	s12 =	rddreg [dreg:$0x7];
	[sflag:s21] =	ssyncadd.s32 $0xFFFFC000  }
0x5e: {  	[spmem:s1] =	stream.indirect.scatter.add.f32 [tilespmem:s20], [sflag:$0x4], $0x80, s12, s18, $0xb8;
	[tilespmem:$0x1D000] =	vst v63  }
0x5f: {  	_ =	swait.ge [sflag:s22], $0x4000  }
0x60: {  	[sflag:s22] =	ssyncset.done $0x0  }
0x61: {  	s13 =	rddreg [dreg:$0x8];
	[sflag:s22] =	ssyncadd.s32 $0xFFFFC000  }
0x62: {  	[tilespmem:s14], [sflag:$0x1] =	stream.indirect.gather [hbm4b:s4+s18], $0x80, s13, s18, $0xb8;
	[tilespmem:$0x1D000] =	vst v63  }
0x63: {  	_ =	swait.ge [sflag:s19], $0x4000  }
0x64: {  	[sflag:s19] =	ssyncset.done $0x0  }
0x65: {  	s12 =	rddreg [dreg:$0x9];
	[sflag:s19] =	ssyncadd.s32 $0xFFFFC000  }
0x66: {  	[spmem:s1] =	stream.indirect.scatter.add.f32 [tilespmem:s14], [sflag:$0x3], $0x80, s12, s18, $0xb8;
	[tilespmem:$0x1D000] =	vst v63  }
0x67: {  	_ =	swait.ge [sflag:s23], $0x4000  }
0x68: {  	[sflag:s23] =	ssyncset.done $0x0  }
0x69: {  	s13 =	rddreg [dreg:$0xa];
	[sflag:s23] =	ssyncadd.s32 $0xFFFFC000  }
0x6a: {  	[tilespmem:s20], [sflag:$0x2] =	stream.indirect.gather [hbm4b:s4+s18], $0x80, s13, s18, $0xb8;
	[tilespmem:$0x1D000] =	vst v63  }
0x6b: {  	_ =	swait.ge [sflag:s21], $0x4000  }
0x6c: {  	[sflag:s21] =	ssyncset.done $0x0  }
0x6d: {  	s12 =	rddreg [dreg:$0xb];
	[sflag:s21] =	ssyncadd.s32 $0xFFFFC000  }
0x6e: {  	[spmem:s1] =	stream.indirect.scatter.add.f32 [tilespmem:s20], [sflag:$0x4], $0x80, s12, s18, $0xb8;
	[tilespmem:$0x1D000] =	vst v63  }
0x6f: {  	_ =	swait.ge [sflag:s22], $0x4000  }
0x70: {  	[sflag:s22] =	ssyncset.done $0x0  }
0x71: {  	s13 =	rddreg [dreg:$0xc];
	[sflag:s22] =	ssyncadd.s32 $0xFFFFC000  }
0x72: {  	[tilespmem:s14], [sflag:$0x1] =	stream.indirect.gather [hbm4b:s4+s18], $0x80, s13, s18, $0xb8;
	[tilespmem:$0x1D000] =	vst v63  }
0x73: {  	_ =	swait.ge [sflag:s19], $0x4000  }
0x74: {  	[sflag:s19] =	ssyncset.done $0x0  }
0x75: {  	s12 =	rddreg [dreg:$0xd];
	[sflag:s19] =	ssyncadd.s32 $0xFFFFC000  }
0x76: {  	[spmem:s1] =	stream.indirect.scatter.add.f32 [tilespmem:s14], [sflag:$0x3], $0x80, s12, s18, $0xb8;
	[tilespmem:$0x1D000] =	vst v63  }
0x77: {  	_ =	swait.ge [sflag:s23], $0x4000  }
0x78: {  	[sflag:s23] =	ssyncset.done $0x0  }
0x79: {  	s13 =	rddreg [dreg:$0xe];
	[sflag:s23] =	ssyncadd.s32 $0xFFFFC000  }
0x7a: {  	[tilespmem:s20], [sflag:$0x2] =	stream.indirect.gather [hbm4b:s4+s18], $0x80, s13, s18, $0xb8;
	[tilespmem:$0x1D000] =	vst v63  }
0x7b: {  	_ =	swait.ge [sflag:s21], $0x4000  }
0x7c: {  	[sflag:s21] =	ssyncset.done $0x0  }
0x7d: {  	s12 =	rddreg [dreg:$0xf];
	[sflag:s21] =	ssyncadd.s32 $0xFFFFC000  }
0x7e: {  	[spmem:s1] =	stream.indirect.scatter.add.f32 [tilespmem:s20], [sflag:$0x4], $0x80, s12, s18, $0xb8;
	[tilespmem:$0x1D000] =	vst v63  }
0x7f: {  	_ =	swait.ge [sflag:s22], $0x4000  }
0x80: {  	[sflag:s22] =	ssyncset.done $0x0  }
0x81: {  	s13 =	rddreg [dreg:$0x10];
	[sflag:s22] =	ssyncadd.s32 $0xFFFFC000  }
0x82: {  	[tilespmem:s14], [sflag:$0x1] =	stream.indirect.gather [hbm4b:s4+s18], $0x80, s13, s18, $0xb8;
	[tilespmem:$0x1D000] =	vst v63  }
0x83: {  	_ =	swait.ge [sflag:s19], $0x4000  }
0x84: {  	[sflag:s19] =	ssyncset.done $0x0  }
0x85: {  	s12 =	rddreg [dreg:$0x11];
	[sflag:s19] =	ssyncadd.s32 $0xFFFFC000  }
0x86: {  	[spmem:s1] =	stream.indirect.scatter.add.f32 [tilespmem:s14], [sflag:$0x3], $0x80, s12, s18, $0xb8;
	[tilespmem:$0x1D000] =	vst v63  }
0x87: {  	_ =	swait.ge [sflag:s23], $0x4000  }
0x88: {  	[sflag:s23] =	ssyncset.done $0x0  }
0x89: {  	s13 =	rddreg [dreg:$0x12];
	[sflag:s23] =	ssyncadd.s32 $0xFFFFC000  }
0x8a: {  	[tilespmem:s20], [sflag:$0x2] =	stream.indirect.gather [hbm4b:s4+s18], $0x80, s13, s18, $0xb8;
	[tilespmem:$0x1D000] =	vst v63  }
0x8b: {  	_ =	swait.ge [sflag:s21], $0x4000  }
0x8c: {  	[sflag:s21] =	ssyncset.done $0x0  }
0x8d: {  	s12 =	rddreg [dreg:$0x13];
	[sflag:s21] =	ssyncadd.s32 $0xFFFFC000  }
0x8e: {  	[spmem:s1] =	stream.indirect.scatter.add.f32 [tilespmem:s20], [sflag:$0x4], $0x80, s12, s18, $0xb8;
	[tilespmem:$0x1D000] =	vst v63  }
0x8f: {  	_ =	swait.ge [sflag:s22], $0x4000  }
0x90: {  	[sflag:s22] =	ssyncset.done $0x0  }
0x91: {  	s13 =	rddreg [dreg:$0x14];
	[sflag:s22] =	ssyncadd.s32 $0xFFFFC000  }
0x92: {  	[tilespmem:s14], [sflag:$0x1] =	stream.indirect.gather [hbm4b:s4+s18], $0x80, s13, s18, $0xb8;
	[tilespmem:$0x1D000] =	vst v63  }
0x93: {  	_ =	swait.ge [sflag:s19], $0x4000  }
0x94: {  	[sflag:s19] =	ssyncset.done $0x0  }
0x95: {  	s12 =	rddreg [dreg:$0x15];
	[sflag:s19] =	ssyncadd.s32 $0xFFFFC000  }
0x96: {  	[spmem:s1] =	stream.indirect.scatter.add.f32 [tilespmem:s14], [sflag:$0x3], $0x80, s12, s18, $0xb8;
	[tilespmem:$0x1D000] =	vst v63  }
0x97: {  	_ =	swait.ge [sflag:s23], $0x4000  }
0x98: {  	[sflag:s23] =	ssyncset.done $0x0  }
0x99: {  	s13 =	rddreg [dreg:$0x16];
	[sflag:s23] =	ssyncadd.s32 $0xFFFFC000  }
0x9a: {  	[tilespmem:s20], [sflag:$0x2] =	stream.indirect.gather [hbm4b:s4+s18], $0x80, s13, s18, $0xb8;
	[tilespmem:$0x1D000] =	vst v63  }
0x9b: {  	_ =	swait.ge [sflag:s21], $0x4000  }
0x9c: {  	[sflag:s21] =	ssyncset.done $0x0  }
0x9d: {  	s12 =	rddreg [dreg:$0x17];
	[sflag:s21] =	ssyncadd.s32 $0xFFFFC000  }
0x9e: {  	[spmem:s1] =	stream.indirect.scatter.add.f32 [tilespmem:s20], [sflag:$0x4], $0x80, s12, s18, $0xb8;
	[tilespmem:$0x1D000] =	vst v63  }
0x9f: {  	_ =	swait.ge [sflag:s22], $0x4000  }
0xa0: {  	[sflag:s22] =	ssyncset.done $0x0  }
0xa1: {  	s13 =	rddreg [dreg:$0x18];
	[sflag:s22] =	ssyncadd.s32 $0xFFFFC000  }
0xa2: {  	[tilespmem:s14], [sflag:$0x1] =	stream.indirect.gather [hbm4b:s4+s18], $0x80, s13, s18, $0xb8;
	[tilespmem:$0x1D000] =	vst v63  }
0xa3: {  	_ =	swait.ge [sflag:s19], $0x4000  }
0xa4: {  	[sflag:s19] =	ssyncset.done $0x0  }
0xa5: {  	[sflag:s19] =	ssyncadd.s32 $0xFFFFC000  }
0xa6: {  	[spmem:s1] =	stream.indirect.scatter.add.f32 [tilespmem:s14], [sflag:$0x3], $0x80, s24, s18, $0xb8;
	[tilespmem:$0x1D000] =	vst v63  }
0xa7: {  	_ =	swait.ge [sflag:s23], $0x4000  }
0xa8: {  	[sflag:s23] =	ssyncset.done $0x0  }
0xa9: {  	[sflag:s23] =	ssyncadd.s32 $0xFFFFC000  }
0xaa: {  	[tilespmem:s20], [sflag:$0x2] =	stream.indirect.gather [hbm4b:s4+s18], $0x80, s25, s18, $0xb8;
	[tilespmem:$0x1D000] =	vst v63  }
0xab: {  	_ =	swait.ge [sflag:s21], $0x4000  }
0xac: {  	[sflag:s21] =	ssyncset.done $0x0  }
0xad: {  	[sflag:s21] =	ssyncadd.s32 $0xFFFFC000  }
0xae: {  	[spmem:s1] =	stream.indirect.scatter.add.f32 [tilespmem:s20], [sflag:$0x4], $0x80, s26, s18, $0xb8;
	[tilespmem:$0x1D000] =	vst v63  }
0xaf: {  	_ =	swait.ge [sflag:s22], $0x4000  }
0xb0: {  	[sflag:s22] =	ssyncset.done $0x0  }
0xb1: {  	[sflag:s22] =	ssyncadd.s32 $0xFFFFC000  }
0xb2: {  	[tilespmem:s14], [sflag:$0x1] =	stream.indirect.gather [hbm4b:s4+s18], $0x80, s28, s18, $0xb8;
	[tilespmem:$0x1D000] =	vst v63  }
0xb3: {  	_ =	swait.ge [sflag:s19], $0x4000  }
0xb4: {  	[sflag:s19] =	ssyncset.done $0x0  }
0xb5: {  	[sflag:s19] =	ssyncadd.s32 $0xFFFFC000  }
0xb6: {  	[spmem:s1] =	stream.indirect.scatter.add.f32 [tilespmem:s14], [sflag:$0x3], $0x80, s29, s18, $0xb8;
	[tilespmem:$0x1D000] =	vst v63  }
0xb7: {  	_ =	swait.ge [sflag:s23], $0x4000  }
0xb8: {  	[sflag:s23] =	ssyncset.done $0x0  }
0xb9: {  	[sflag:s23] =	ssyncadd.s32 $0xFFFFC000  }
0xba: {  	[tilespmem:s20], [sflag:$0x2] =	stream.indirect.gather [hbm4b:s4+s18], $0x80, s30, s18, $0xb8;
	[tilespmem:$0x1D000] =	vst v63  }
0xbb: {  	_ =	swait.ge [sflag:s21], $0x4000  }
0xbc: {  	[sflag:s21] =	ssyncset.done $0x0  }
0xbd: {  	[sflag:s21] =	ssyncadd.s32 $0xFFFFC000  }
0xbe: {  	[spmem:s1] =	stream.indirect.scatter.add.f32 [tilespmem:s20], [sflag:$0x4], $0x80, s31, s18, $0xb8;
	[tilespmem:$0x1D000] =	vst v63  }
0xbf: {  	_ =	swait.ge [sflag:s22], $0x4000  }
0xc0: {  	[sflag:s22] =	ssyncset.done $0x0  }
0xc1: {  	[sflag:s22] =	ssyncadd.s32 $0xFFFFC000  }
0xc2: {  	[tilespmem:s14], [sflag:$0x1] =	stream.indirect.gather [hbm4b:s4+s18], $0x80, s0, s18, $0xb8;
	[tilespmem:$0x1D000] =	vst v63  }
0xc3: {  	_ =	swait.ge [sflag:s19], $0x4000  }
0xc4: {  	[sflag:s19] =	ssyncset.done $0x0  }
0xc5: {  	[sflag:s19] =	ssyncadd.s32 $0xFFFFC000  }
0xc6: {  	[spmem:s1] =	stream.indirect.scatter.add.f32 [tilespmem:s14], [sflag:$0x3], $0x80, s2, s18, $0xb8;
	[tilespmem:$0x1D000] =	vst v63  }
0xc7: {  	_ =	swait.ge [sflag:s23], $0x4000  }
0xc8: {  	[sflag:s23] =	ssyncset.done $0x0  }
0xc9: {  	[sflag:s23] =	ssyncadd.s32 $0xFFFFC000  }
0xca: {  	[tilespmem:s20], [sflag:$0x2] =	stream.indirect.gather [hbm4b:s4+s18], $0x80, s8, s18, $0xb8;
	[tilespmem:$0x1D000] =	vst v63  }
0xcb: {  	p1 =	sne.s32 s6, $0x1;
	_ =	swait.ge [sflag:s21], $0x4000  }
.Ltmp2:
0xcc: {  	[sflag:s21] =	ssyncset.done $0x0;
	(pc) =	sbr.rel @!p1 .LBB2_6-.Ltmp2, $4  }
0xcd: {  	[sflag:s21] =	ssyncadd.s32 $0xFFFFC000  }
0xce: {  	[spmem:s1] =	stream.indirect.scatter.add.f32 [tilespmem:s20], [sflag:$0x4], $0x80, s9, s18, $0xb8;
	[tilespmem:$0x1D000] =	vst v63  }
0xcf: {  	p0 =	por $0x1, $0x1;
	s12 =	sadd.s32 $0xFFFFFFFF, s6;
	_ =	swait.ge [sflag:s23], $0x4000  }
0xd0: {  	s6 =	smov.u32 s11;
	s13 =	rddreg [dreg:$0x4];
	[sflag:s23] =	ssyncset.done $0x0  }
.LBB2_7:
0xd1: {  	s6 =	sadd.s32 $0x800, s6  }
0xd2: {  	s5 =	sshrl.u32 s6, $0x3  }
0xd3: {  	[sflag:s23] =	ssyncadd.s32 $0xFFFFC000;
	s13 =	sadd.s32 s13, s5  }
0xd4: {  	[tilespmem:s16], [sflag:$0x5] =	stream.linear.gather [hbm4b:s13+s3], $0x800, $0x38;
	[tilespmem:$0x1D000] =	vst v63  }
0xd5: {  	_ =	swait.ge [sflag:s15], $0x800  }
0xd6: {  	s13 =	rddreg [dreg:$0x5];
	[sflag:s15] =	ssyncset.done $0x0  }
0xd7: {  	[sflag:s15] =	ssyncadd.s32 $0xFFFFF800;
	s5 =	sadd.s32 s13, s5  }
0xd8: {  	[tilespmem:s17], [sflag:$0x5] =	stream.linear.gather [hbm4b:s5+s3], $0x800, $0x38;
	[tilespmem:$0x1D000] =	vst v63  }
0xd9: {  	_ =	swait.ge [sflag:s15], $0x800  }
0xda: {  	[sflag:s15] =	ssyncset.done $0x0  }
0xdb: {  	[sflag:s15] =	ssyncadd.s32 $0xFFFFF800  }
0xdc: {  	[tilespmem:s14], [sflag:$0x1] =	stream.indirect.gather [hbm4b:s4+s18], $0x80, s16, s18, $0xb8;
	[tilespmem:$0x1D000] =	vst v63  }
0xdd: {  	_ =	swait.ge [sflag:s19], $0x4000  }
0xde: {  	[sflag:s19] =	ssyncset.done $0x0  }
0xdf: {  	[sflag:s19] =	ssyncadd.s32 $0xFFFFC000  }
0xe0: {  	[spmem:s1] =	stream.indirect.scatter.add.f32 [tilespmem:s14], [sflag:$0x3], $0x80, s17, s18, $0xb8;
	[tilespmem:$0x1D000] =	vst v63  }
0xe1: {  	s13 =	rddreg [dreg:$0x6]  }
0xe2: {  	[tilespmem:s20], [sflag:$0x2] =	stream.indirect.gather [hbm4b:s4+s18], $0x80, s13, s18, $0xb8;
	[tilespmem:$0x1D000] =	vst v63  }
0xe3: {  	_ =	swait.ge [sflag:s21], $0x4000  }
0xe4: {  	[sflag:s21] =	ssyncset.done $0x0  }
0xe5: {  	s13 =	rddreg [dreg:$0x7];
	[sflag:s21] =	ssyncadd.s32 $0xFFFFC000  }
0xe6: {  	[spmem:s1] =	stream.indirect.scatter.add.f32 [tilespmem:s20], [sflag:$0x4], $0x80, s13, s18, $0xb8;
	[tilespmem:$0x1D000] =	vst v63  }
0xe7: {  	_ =	swait.ge [sflag:s22], $0x4000  }
0xe8: {  	[sflag:s22] =	ssyncset.done $0x0  }
0xe9: {  	s13 =	rddreg [dreg:$0x8];
	[sflag:s22] =	ssyncadd.s32 $0xFFFFC000  }
0xea: {  	[tilespmem:s14], [sflag:$0x1] =	stream.indirect.gather [hbm4b:s4+s18], $0x80, s13, s18, $0xb8;
	[tilespmem:$0x1D000] =	vst v63  }
0xeb: {  	_ =	swait.ge [sflag:s19], $0x4000  }
0xec: {  	[sflag:s19] =	ssyncset.done $0x0  }
0xed: {  	s13 =	rddreg [dreg:$0x9];
	[sflag:s19] =	ssyncadd.s32 $0xFFFFC000  }
0xee: {  	[spmem:s1] =	stream.indirect.scatter.add.f32 [tilespmem:s14], [sflag:$0x3], $0x80, s13, s18, $0xb8;
	[tilespmem:$0x1D000] =	vst v63  }
0xef: {  	_ =	swait.ge [sflag:s23], $0x4000  }
0xf0: {  	[sflag:s23] =	ssyncset.done $0x0  }
0xf1: {  	s13 =	rddreg [dreg:$0xa];
	[sflag:s23] =	ssyncadd.s32 $0xFFFFC000  }
0xf2: {  	[tilespmem:s20], [sflag:$0x2] =	stream.indirect.gather [hbm4b:s4+s18], $0x80, s13, s18, $0xb8;
	[tilespmem:$0x1D000] =	vst v63  }
0xf3: {  	_ =	swait.ge [sflag:s21], $0x4000  }
0xf4: {  	[sflag:s21] =	ssyncset.done $0x0  }
0xf5: {  	s13 =	rddreg [dreg:$0xb];
	[sflag:s21] =	ssyncadd.s32 $0xFFFFC000  }
0xf6: {  	[spmem:s1] =	stream.indirect.scatter.add.f32 [tilespmem:s20], [sflag:$0x4], $0x80, s13, s18, $0xb8;
	[tilespmem:$0x1D000] =	vst v63  }
0xf7: {  	_ =	swait.ge [sflag:s22], $0x4000  }
0xf8: {  	[sflag:s22] =	ssyncset.done $0x0  }
0xf9: {  	s13 =	rddreg [dreg:$0xc];
	[sflag:s22] =	ssyncadd.s32 $0xFFFFC000  }
0xfa: {  	[tilespmem:s14], [sflag:$0x1] =	stream.indirect.gather [hbm4b:s4+s18], $0x80, s13, s18, $0xb8;
	[tilespmem:$0x1D000] =	vst v63  }
0xfb: {  	_ =	swait.ge [sflag:s19], $0x4000  }
0xfc: {  	[sflag:s19] =	ssyncset.done $0x0  }
0xfd: {  	s13 =	rddreg [dreg:$0xd];
	[sflag:s19] =	ssyncadd.s32 $0xFFFFC000  }
0xfe: {  	[spmem:s1] =	stream.indirect.scatter.add.f32 [tilespmem:s14], [sflag:$0x3], $0x80, s13, s18, $0xb8;
	[tilespmem:$0x1D000] =	vst v63  }
0xff: {  	_ =	swait.ge [sflag:s23], $0x4000  }
0x100: {  	[sflag:s23] =	ssyncset.done $0x0  }
0x101: {  	s13 =	rddreg [dreg:$0xe];
	[sflag:s23] =	ssyncadd.s32 $0xFFFFC000  }
0x102: {  	[tilespmem:s20], [sflag:$0x2] =	stream.indirect.gather [hbm4b:s4+s18], $0x80, s13, s18, $0xb8;
	[tilespmem:$0x1D000] =	vst v63  }
0x103: {  	_ =	swait.ge [sflag:s21], $0x4000  }
0x104: {  	[sflag:s21] =	ssyncset.done $0x0  }
0x105: {  	s13 =	rddreg [dreg:$0xf];
	[sflag:s21] =	ssyncadd.s32 $0xFFFFC000  }
0x106: {  	[spmem:s1] =	stream.indirect.scatter.add.f32 [tilespmem:s20], [sflag:$0x4], $0x80, s13, s18, $0xb8;
	[tilespmem:$0x1D000] =	vst v63  }
0x107: {  	_ =	swait.ge [sflag:s22], $0x4000  }
0x108: {  	[sflag:s22] =	ssyncset.done $0x0  }
0x109: {  	s13 =	rddreg [dreg:$0x10];
	[sflag:s22] =	ssyncadd.s32 $0xFFFFC000  }
0x10a: {  	[tilespmem:s14], [sflag:$0x1] =	stream.indirect.gather [hbm4b:s4+s18], $0x80, s13, s18, $0xb8;
	[tilespmem:$0x1D000] =	vst v63  }
0x10b: {  	_ =	swait.ge [sflag:s19], $0x4000  }
0x10c: {  	[sflag:s19] =	ssyncset.done $0x0  }
0x10d: {  	s13 =	rddreg [dreg:$0x11];
	[sflag:s19] =	ssyncadd.s32 $0xFFFFC000  }
0x10e: {  	[spmem:s1] =	stream.indirect.scatter.add.f32 [tilespmem:s14], [sflag:$0x3], $0x80, s13, s18, $0xb8;
	[tilespmem:$0x1D000] =	vst v63  }
0x10f: {  	_ =	swait.ge [sflag:s23], $0x4000  }
0x110: {  	[sflag:s23] =	ssyncset.done $0x0  }
0x111: {  	s13 =	rddreg [dreg:$0x12];
	[sflag:s23] =	ssyncadd.s32 $0xFFFFC000  }
0x112: {  	[tilespmem:s20], [sflag:$0x2] =	stream.indirect.gather [hbm4b:s4+s18], $0x80, s13, s18, $0xb8;
	[tilespmem:$0x1D000] =	vst v63  }
0x113: {  	_ =	swait.ge [sflag:s21], $0x4000  }
0x114: {  	[sflag:s21] =	ssyncset.done $0x0  }
0x115: {  	s13 =	rddreg [dreg:$0x13];
	[sflag:s21] =	ssyncadd.s32 $0xFFFFC000  }
0x116: {  	[spmem:s1] =	stream.indirect.scatter.add.f32 [tilespmem:s20], [sflag:$0x4], $0x80, s13, s18, $0xb8;
	[tilespmem:$0x1D000] =	vst v63  }
0x117: {  	_ =	swait.ge [sflag:s22], $0x4000  }
0x118: {  	[sflag:s22] =	ssyncset.done $0x0  }
0x119: {  	s13 =	rddreg [dreg:$0x14];
	[sflag:s22] =	ssyncadd.s32 $0xFFFFC000  }
0x11a: {  	[tilespmem:s14], [sflag:$0x1] =	stream.indirect.gather [hbm4b:s4+s18], $0x80, s13, s18, $0xb8;
	[tilespmem:$0x1D000] =	vst v63  }
0x11b: {  	_ =	swait.ge [sflag:s19], $0x4000  }
0x11c: {  	[sflag:s19] =	ssyncset.done $0x0  }
0x11d: {  	s13 =	rddreg [dreg:$0x15];
	[sflag:s19] =	ssyncadd.s32 $0xFFFFC000  }
0x11e: {  	[spmem:s1] =	stream.indirect.scatter.add.f32 [tilespmem:s14], [sflag:$0x3], $0x80, s13, s18, $0xb8;
	[tilespmem:$0x1D000] =	vst v63  }
0x11f: {  	_ =	swait.ge [sflag:s23], $0x4000  }
0x120: {  	[sflag:s23] =	ssyncset.done $0x0  }
0x121: {  	s13 =	rddreg [dreg:$0x16];
	[sflag:s23] =	ssyncadd.s32 $0xFFFFC000  }
0x122: {  	[tilespmem:s20], [sflag:$0x2] =	stream.indirect.gather [hbm4b:s4+s18], $0x80, s13, s18, $0xb8;
	[tilespmem:$0x1D000] =	vst v63  }
0x123: {  	_ =	swait.ge [sflag:s21], $0x4000  }
0x124: {  	[sflag:s21] =	ssyncset.done $0x0  }
0x125: {  	s13 =	rddreg [dreg:$0x17];
	[sflag:s21] =	ssyncadd.s32 $0xFFFFC000  }
0x126: {  	[spmem:s1] =	stream.indirect.scatter.add.f32 [tilespmem:s20], [sflag:$0x4], $0x80, s13, s18, $0xb8;
	[tilespmem:$0x1D000] =	vst v63  }
0x127: {  	_ =	swait.ge [sflag:s22], $0x4000  }
0x128: {  	[sflag:s22] =	ssyncset.done $0x0  }
0x129: {  	s13 =	rddreg [dreg:$0x18];
	[sflag:s22] =	ssyncadd.s32 $0xFFFFC000  }
0x12a: {  	[tilespmem:s14], [sflag:$0x1] =	stream.indirect.gather [hbm4b:s4+s18], $0x80, s13, s18, $0xb8;
	[tilespmem:$0x1D000] =	vst v63  }
0x12b: {  	_ =	swait.ge [sflag:s19], $0x4000  }
0x12c: {  	[sflag:s19] =	ssyncset.done $0x0  }
0x12d: {  	[sflag:s19] =	ssyncadd.s32 $0xFFFFC000  }
0x12e: {  	[spmem:s1] =	stream.indirect.scatter.add.f32 [tilespmem:s14], [sflag:$0x3], $0x80, s24, s18, $0xb8;
	[tilespmem:$0x1D000] =	vst v63  }
0x12f: {  	_ =	swait.ge [sflag:s23], $0x4000  }
0x130: {  	[sflag:s23] =	ssyncset.done $0x0  }
0x131: {  	[sflag:s23] =	ssyncadd.s32 $0xFFFFC000  }
0x132: {  	[tilespmem:s20], [sflag:$0x2] =	stream.indirect.gather [hbm4b:s4+s18], $0x80, s25, s18, $0xb8;
	[tilespmem:$0x1D000] =	vst v63  }
0x133: {  	_ =	swait.ge [sflag:s21], $0x4000  }
0x134: {  	[sflag:s21] =	ssyncset.done $0x0  }
0x135: {  	[sflag:s21] =	ssyncadd.s32 $0xFFFFC000  }
0x136: {  	[spmem:s1] =	stream.indirect.scatter.add.f32 [tilespmem:s20], [sflag:$0x4], $0x80, s26, s18, $0xb8;
	[tilespmem:$0x1D000] =	vst v63  }
0x137: {  	_ =	swait.ge [sflag:s22], $0x4000  }
0x138: {  	[sflag:s22] =	ssyncset.done $0x0  }
0x139: {  	[sflag:s22] =	ssyncadd.s32 $0xFFFFC000  }
0x13a: {  	[tilespmem:s14], [sflag:$0x1] =	stream.indirect.gather [hbm4b:s4+s18], $0x80, s28, s18, $0xb8;
	[tilespmem:$0x1D000] =	vst v63  }
0x13b: {  	_ =	swait.ge [sflag:s19], $0x4000  }
0x13c: {  	[sflag:s19] =	ssyncset.done $0x0  }
0x13d: {  	[sflag:s19] =	ssyncadd.s32 $0xFFFFC000  }
0x13e: {  	[spmem:s1] =	stream.indirect.scatter.add.f32 [tilespmem:s14], [sflag:$0x3], $0x80, s29, s18, $0xb8;
	[tilespmem:$0x1D000] =	vst v63  }
0x13f: {  	_ =	swait.ge [sflag:s23], $0x4000  }
0x140: {  	[sflag:s23] =	ssyncset.done $0x0  }
0x141: {  	[sflag:s23] =	ssyncadd.s32 $0xFFFFC000  }
0x142: {  	[tilespmem:s20], [sflag:$0x2] =	stream.indirect.gather [hbm4b:s4+s18], $0x80, s30, s18, $0xb8;
	[tilespmem:$0x1D000] =	vst v63  }
0x143: {  	_ =	swait.ge [sflag:s21], $0x4000  }
0x144: {  	[sflag:s21] =	ssyncset.done $0x0  }
0x145: {  	[sflag:s21] =	ssyncadd.s32 $0xFFFFC000  }
0x146: {  	[spmem:s1] =	stream.indirect.scatter.add.f32 [tilespmem:s20], [sflag:$0x4], $0x80, s31, s18, $0xb8;
	[tilespmem:$0x1D000] =	vst v63  }
0x147: {  	_ =	swait.ge [sflag:s22], $0x4000  }
0x148: {  	[sflag:s22] =	ssyncset.done $0x0  }
0x149: {  	[sflag:s22] =	ssyncadd.s32 $0xFFFFC000  }
0x14a: {  	[tilespmem:s14], [sflag:$0x1] =	stream.indirect.gather [hbm4b:s4+s18], $0x80, s0, s18, $0xb8;
	[tilespmem:$0x1D000] =	vst v63  }
0x14b: {  	_ =	swait.ge [sflag:s19], $0x4000  }
0x14c: {  	[sflag:s19] =	ssyncset.done $0x0  }
0x14d: {  	[sflag:s19] =	ssyncadd.s32 $0xFFFFC000  }
0x14e: {  	[spmem:s1] =	stream.indirect.scatter.add.f32 [tilespmem:s14], [sflag:$0x3], $0x80, s2, s18, $0xb8;
	[tilespmem:$0x1D000] =	vst v63  }
0x14f: {  	_ =	swait.ge [sflag:s23], $0x4000  }
0x150: {  	[sflag:s23] =	ssyncset.done $0x0  }
0x151: {  	[sflag:s23] =	ssyncadd.s32 $0xFFFFC000  }
0x152: {  	[tilespmem:s20], [sflag:$0x2] =	stream.indirect.gather [hbm4b:s4+s18], $0x80, s8, s18, $0xb8;
	[tilespmem:$0x1D000] =	vst v63  }
0x153: {  	p1 =	sne.s32 s12, $0x1;
	_ =	swait.ge [sflag:s21], $0x4000  }
.Ltmp3:
0x154: {  	[sflag:s21] =	ssyncset.done $0x0;
	(pc) =	sbr.rel @p1 .LBB2_7-.Ltmp3, $4  }
0x155: {  	[sflag:s21] =	ssyncadd.s32 $0xFFFFC000  }
0x156: {  	[spmem:s1] =	stream.indirect.scatter.add.f32 [tilespmem:s20], [sflag:$0x4], $0x80, s9, s18, $0xb8;
	[tilespmem:$0x1D000] =	vst v63  }
0x157: {  	_ =	swait.ge [sflag:s23], $0x4000  }
0x158: {  	s12 =	sadd.s32 $0xFFFFFFFF, s12;
	s13 =	rddreg [dreg:$0x4];
	[sflag:s23] =	ssyncset.done $0x0  }
.LBB2_8:
0x159: {  	s5 =	sadd.s32 @p0 $0x800, s6;
	s6 =	smov.u32 s11  }
0x15a: {  	s6 =	smov.u32 @p0 s5  }
0x15b: {  	s5 =	sshrl.u32 s6, $0x3  }
0x15c: {  	[sflag:s23] =	ssyncadd.s32 @p0 $0xFFFFC000;
	s6 =	sadd.s32 s13, s5  }
0x15d: {  	[tilespmem:s16], [sflag:$0x5] =	stream.linear.gather [hbm4b:s6+s3], $0x800, $0x38;
	[tilespmem:$0x1D000] =	vst v63  }
0x15e: {  	_ =	swait.ge [sflag:s15], $0x800  }
0x15f: {  	s13 =	rddreg [dreg:$0x5];
	[sflag:s15] =	ssyncset.done $0x0  }
0x160: {  	[sflag:s15] =	ssyncadd.s32 $0xFFFFF800;
	s5 =	sadd.s32 s13, s5  }
0x161: {  	[tilespmem:s17], [sflag:$0x5] =	stream.linear.gather [hbm4b:s5+s3], $0x800, $0x38;
	[tilespmem:$0x1D000] =	vst v63  }
0x162: {  	_ =	swait.ge [sflag:s15], $0x800  }
0x163: {  	[sflag:s15] =	ssyncset.done $0x0  }
0x164: {  	[sflag:s15] =	ssyncadd.s32 $0xFFFFF800  }
0x165: {  	[tilespmem:s14], [sflag:$0x1] =	stream.indirect.gather [hbm4b:s4+s18], $0x80, s16, s18, $0xb8;
	[tilespmem:$0x1D000] =	vst v63  }
0x166: {  	_ =	swait.ge [sflag:s19], $0x4000  }
0x167: {  	[sflag:s19] =	ssyncset.done $0x0  }
0x168: {  	[sflag:s19] =	ssyncadd.s32 $0xFFFFC000  }
0x169: {  	[spmem:s1] =	stream.indirect.scatter.add.f32 [tilespmem:s14], [sflag:$0x3], $0x80, s17, s18, $0xb8;
	[tilespmem:$0x1D000] =	vst v63  }
0x16a: {  	s6 =	rddreg [dreg:$0x6]  }
0x16b: {  	[tilespmem:s20], [sflag:$0x2] =	stream.indirect.gather [hbm4b:s4+s18], $0x80, s6, s18, $0xb8;
	[tilespmem:$0x1D000] =	vst v63  }
0x16c: {  	_ =	swait.ge [sflag:s21], $0x4000  }
0x16d: {  	[sflag:s21] =	ssyncset.done $0x0  }
0x16e: {  	s12 =	rddreg [dreg:$0x7];
	[sflag:s21] =	ssyncadd.s32 $0xFFFFC000  }
0x16f: {  	[spmem:s1] =	stream.indirect.scatter.add.f32 [tilespmem:s20], [sflag:$0x4], $0x80, s12, s18, $0xb8;
	[tilespmem:$0x1D000] =	vst v63  }
0x170: {  	_ =	swait.ge [sflag:s22], $0x4000  }
0x171: {  	[sflag:s22] =	ssyncset.done $0x0  }
0x172: {  	s13 =	rddreg [dreg:$0x8];
	[sflag:s22] =	ssyncadd.s32 $0xFFFFC000  }
0x173: {  	[tilespmem:s14], [sflag:$0x1] =	stream.indirect.gather [hbm4b:s4+s18], $0x80, s13, s18, $0xb8;
	[tilespmem:$0x1D000] =	vst v63  }
0x174: {  	_ =	swait.ge [sflag:s19], $0x4000  }
0x175: {  	[sflag:s19] =	ssyncset.done $0x0  }
0x176: {  	s6 =	rddreg [dreg:$0x9];
	[sflag:s19] =	ssyncadd.s32 $0xFFFFC000  }
0x177: {  	[spmem:s1] =	stream.indirect.scatter.add.f32 [tilespmem:s14], [sflag:$0x3], $0x80, s6, s18, $0xb8;
	[tilespmem:$0x1D000] =	vst v63  }
0x178: {  	_ =	swait.ge [sflag:s23], $0x4000  }
0x179: {  	[sflag:s23] =	ssyncset.done $0x0  }
0x17a: {  	s12 =	rddreg [dreg:$0xa];
	[sflag:s23] =	ssyncadd.s32 $0xFFFFC000  }
0x17b: {  	[tilespmem:s20], [sflag:$0x2] =	stream.indirect.gather [hbm4b:s4+s18], $0x80, s12, s18, $0xb8;
	[tilespmem:$0x1D000] =	vst v63  }
0x17c: {  	_ =	swait.ge [sflag:s21], $0x4000  }
0x17d: {  	[sflag:s21] =	ssyncset.done $0x0  }
0x17e: {  	s13 =	rddreg [dreg:$0xb];
	[sflag:s21] =	ssyncadd.s32 $0xFFFFC000  }
0x17f: {  	[spmem:s1] =	stream.indirect.scatter.add.f32 [tilespmem:s20], [sflag:$0x4], $0x80, s13, s18, $0xb8;
	[tilespmem:$0x1D000] =	vst v63  }
0x180: {  	_ =	swait.ge [sflag:s22], $0x4000  }
0x181: {  	[sflag:s22] =	ssyncset.done $0x0  }
0x182: {  	s6 =	rddreg [dreg:$0xc];
	[sflag:s22] =	ssyncadd.s32 $0xFFFFC000  }
0x183: {  	[tilespmem:s14], [sflag:$0x1] =	stream.indirect.gather [hbm4b:s4+s18], $0x80, s6, s18, $0xb8;
	[tilespmem:$0x1D000] =	vst v63  }
0x184: {  	_ =	swait.ge [sflag:s19], $0x4000  }
0x185: {  	[sflag:s19] =	ssyncset.done $0x0  }
0x186: {  	s12 =	rddreg [dreg:$0xd];
	[sflag:s19] =	ssyncadd.s32 $0xFFFFC000  }
0x187: {  	[spmem:s1] =	stream.indirect.scatter.add.f32 [tilespmem:s14], [sflag:$0x3], $0x80, s12, s18, $0xb8;
	[tilespmem:$0x1D000] =	vst v63  }
0x188: {  	_ =	swait.ge [sflag:s23], $0x4000  }
0x189: {  	[sflag:s23] =	ssyncset.done $0x0  }
0x18a: {  	s13 =	rddreg [dreg:$0xe];
	[sflag:s23] =	ssyncadd.s32 $0xFFFFC000  }
0x18b: {  	[tilespmem:s20], [sflag:$0x2] =	stream.indirect.gather [hbm4b:s4+s18], $0x80, s13, s18, $0xb8;
	[tilespmem:$0x1D000] =	vst v63  }
0x18c: {  	_ =	swait.ge [sflag:s21], $0x4000  }
0x18d: {  	[sflag:s21] =	ssyncset.done $0x0  }
0x18e: {  	s6 =	rddreg [dreg:$0xf];
	[sflag:s21] =	ssyncadd.s32 $0xFFFFC000  }
0x18f: {  	[spmem:s1] =	stream.indirect.scatter.add.f32 [tilespmem:s20], [sflag:$0x4], $0x80, s6, s18, $0xb8;
	[tilespmem:$0x1D000] =	vst v63  }
0x190: {  	_ =	swait.ge [sflag:s22], $0x4000  }
0x191: {  	[sflag:s22] =	ssyncset.done $0x0  }
0x192: {  	s12 =	rddreg [dreg:$0x10];
	[sflag:s22] =	ssyncadd.s32 $0xFFFFC000  }
0x193: {  	[tilespmem:s14], [sflag:$0x1] =	stream.indirect.gather [hbm4b:s4+s18], $0x80, s12, s18, $0xb8;
	[tilespmem:$0x1D000] =	vst v63  }
0x194: {  	_ =	swait.ge [sflag:s19], $0x4000  }
0x195: {  	[sflag:s19] =	ssyncset.done $0x0  }
0x196: {  	s13 =	rddreg [dreg:$0x11];
	[sflag:s19] =	ssyncadd.s32 $0xFFFFC000  }
0x197: {  	[spmem:s1] =	stream.indirect.scatter.add.f32 [tilespmem:s14], [sflag:$0x3], $0x80, s13, s18, $0xb8;
	[tilespmem:$0x1D000] =	vst v63  }
0x198: {  	_ =	swait.ge [sflag:s23], $0x4000  }
0x199: {  	[sflag:s23] =	ssyncset.done $0x0  }
0x19a: {  	s6 =	rddreg [dreg:$0x12];
	[sflag:s23] =	ssyncadd.s32 $0xFFFFC000  }
0x19b: {  	[tilespmem:s20], [sflag:$0x2] =	stream.indirect.gather [hbm4b:s4+s18], $0x80, s6, s18, $0xb8;
	[tilespmem:$0x1D000] =	vst v63  }
0x19c: {  	_ =	swait.ge [sflag:s21], $0x4000  }
0x19d: {  	[sflag:s21] =	ssyncset.done $0x0  }
0x19e: {  	s12 =	rddreg [dreg:$0x13];
	[sflag:s21] =	ssyncadd.s32 $0xFFFFC000  }
0x19f: {  	[spmem:s1] =	stream.indirect.scatter.add.f32 [tilespmem:s20], [sflag:$0x4], $0x80, s12, s18, $0xb8;
	[tilespmem:$0x1D000] =	vst v63  }
0x1a0: {  	_ =	swait.ge [sflag:s22], $0x4000  }
0x1a1: {  	[sflag:s22] =	ssyncset.done $0x0  }
0x1a2: {  	s13 =	rddreg [dreg:$0x14];
	[sflag:s22] =	ssyncadd.s32 $0xFFFFC000  }
0x1a3: {  	[tilespmem:s14], [sflag:$0x1] =	stream.indirect.gather [hbm4b:s4+s18], $0x80, s13, s18, $0xb8;
	[tilespmem:$0x1D000] =	vst v63  }
0x1a4: {  	_ =	swait.ge [sflag:s19], $0x4000  }
0x1a5: {  	[sflag:s19] =	ssyncset.done $0x0  }
0x1a6: {  	s6 =	rddreg [dreg:$0x15];
	[sflag:s19] =	ssyncadd.s32 $0xFFFFC000  }
0x1a7: {  	[spmem:s1] =	stream.indirect.scatter.add.f32 [tilespmem:s14], [sflag:$0x3], $0x80, s6, s18, $0xb8;
	[tilespmem:$0x1D000] =	vst v63  }
0x1a8: {  	_ =	swait.ge [sflag:s23], $0x4000  }
0x1a9: {  	[sflag:s23] =	ssyncset.done $0x0  }
0x1aa: {  	s12 =	rddreg [dreg:$0x16];
	[sflag:s23] =	ssyncadd.s32 $0xFFFFC000  }
0x1ab: {  	[tilespmem:s20], [sflag:$0x2] =	stream.indirect.gather [hbm4b:s4+s18], $0x80, s12, s18, $0xb8;
	[tilespmem:$0x1D000] =	vst v63  }
0x1ac: {  	_ =	swait.ge [sflag:s21], $0x4000  }
0x1ad: {  	[sflag:s21] =	ssyncset.done $0x0  }
0x1ae: {  	s13 =	rddreg [dreg:$0x17];
	[sflag:s21] =	ssyncadd.s32 $0xFFFFC000  }
0x1af: {  	[spmem:s1] =	stream.indirect.scatter.add.f32 [tilespmem:s20], [sflag:$0x4], $0x80, s13, s18, $0xb8;
	[tilespmem:$0x1D000] =	vst v63  }
0x1b0: {  	_ =	swait.ge [sflag:s22], $0x4000  }
0x1b1: {  	[sflag:s22] =	ssyncset.done $0x0  }
0x1b2: {  	s6 =	rddreg [dreg:$0x18];
	[sflag:s22] =	ssyncadd.s32 $0xFFFFC000  }
0x1b3: {  	[tilespmem:s14], [sflag:$0x1] =	stream.indirect.gather [hbm4b:s4+s18], $0x80, s6, s18, $0xb8;
	[tilespmem:$0x1D000] =	vst v63  }
0x1b4: {  	_ =	swait.ge [sflag:s19], $0x4000  }
0x1b5: {  	[sflag:s19] =	ssyncset.done $0x0  }
0x1b6: {  	[sflag:s19] =	ssyncadd.s32 $0xFFFFC000  }
0x1b7: {  	[spmem:s1] =	stream.indirect.scatter.add.f32 [tilespmem:s14], [sflag:$0x3], $0x80, s24, s18, $0xb8;
	[tilespmem:$0x1D000] =	vst v63  }
0x1b8: {  	_ =	swait.ge [sflag:s23], $0x4000  }
0x1b9: {  	[sflag:s23] =	ssyncset.done $0x0  }
0x1ba: {  	[sflag:s23] =	ssyncadd.s32 $0xFFFFC000  }
0x1bb: {  	[tilespmem:s20], [sflag:$0x2] =	stream.indirect.gather [hbm4b:s4+s18], $0x80, s25, s18, $0xb8;
	[tilespmem:$0x1D000] =	vst v63  }
0x1bc: {  	_ =	swait.ge [sflag:s21], $0x4000  }
0x1bd: {  	[sflag:s21] =	ssyncset.done $0x0  }
0x1be: {  	[sflag:s21] =	ssyncadd.s32 $0xFFFFC000  }
0x1bf: {  	[spmem:s1] =	stream.indirect.scatter.add.f32 [tilespmem:s20], [sflag:$0x4], $0x80, s26, s18, $0xb8;
	[tilespmem:$0x1D000] =	vst v63  }
0x1c0: {  	_ =	swait.ge [sflag:s22], $0x4000  }
0x1c1: {  	[sflag:s22] =	ssyncset.done $0x0  }
0x1c2: {  	[sflag:s22] =	ssyncadd.s32 $0xFFFFC000  }
0x1c3: {  	[tilespmem:s14], [sflag:$0x1] =	stream.indirect.gather [hbm4b:s4+s18], $0x80, s28, s18, $0xb8;
	[tilespmem:$0x1D000] =	vst v63  }
0x1c4: {  	_ =	swait.ge [sflag:s19], $0x4000  }
0x1c5: {  	[sflag:s19] =	ssyncset.done $0x0  }
0x1c6: {  	[sflag:s19] =	ssyncadd.s32 $0xFFFFC000  }
0x1c7: {  	[spmem:s1] =	stream.indirect.scatter.add.f32 [tilespmem:s14], [sflag:$0x3], $0x80, s29, s18, $0xb8;
	[tilespmem:$0x1D000] =	vst v63  }
0x1c8: {  	_ =	swait.ge [sflag:s23], $0x4000  }
0x1c9: {  	[sflag:s23] =	ssyncset.done $0x0  }
0x1ca: {  	[sflag:s23] =	ssyncadd.s32 $0xFFFFC000  }
0x1cb: {  	[tilespmem:s20], [sflag:$0x2] =	stream.indirect.gather [hbm4b:s4+s18], $0x80, s30, s18, $0xb8;
	[tilespmem:$0x1D000] =	vst v63  }
0x1cc: {  	_ =	swait.ge [sflag:s21], $0x4000  }
0x1cd: {  	[sflag:s21] =	ssyncset.done $0x0  }
0x1ce: {  	[sflag:s21] =	ssyncadd.s32 $0xFFFFC000  }
0x1cf: {  	[spmem:s1] =	stream.indirect.scatter.add.f32 [tilespmem:s20], [sflag:$0x4], $0x80, s31, s18, $0xb8;
	[tilespmem:$0x1D000] =	vst v63  }
0x1d0: {  	_ =	swait.ge [sflag:s22], $0x4000  }
0x1d1: {  	[sflag:s22] =	ssyncset.done $0x0  }
0x1d2: {  	[sflag:s22] =	ssyncadd.s32 $0xFFFFC000  }
0x1d3: {  	[tilespmem:s14], [sflag:$0x1] =	stream.indirect.gather [hbm4b:s4+s18], $0x80, s0, s18, $0xb8;
	[tilespmem:$0x1D000] =	vst v63  }
0x1d4: {  	_ =	swait.ge [sflag:s19], $0x4000  }
0x1d5: {  	[sflag:s19] =	ssyncset.done $0x0  }
0x1d6: {  	[sflag:s19] =	ssyncadd.s32 $0xFFFFC000  }
0x1d7: {  	[spmem:s1] =	stream.indirect.scatter.add.f32 [tilespmem:s14], [sflag:$0x3], $0x80, s2, s18, $0xb8;
	[tilespmem:$0x1D000] =	vst v63  }
0x1d8: {  	_ =	swait.ge [sflag:s23], $0x4000  }
0x1d9: {  	[sflag:s23] =	ssyncset.done $0x0  }
0x1da: {  	[sflag:s23] =	ssyncadd.s32 $0xFFFFC000  }
0x1db: {  	[tilespmem:s20], [sflag:$0x2] =	stream.indirect.gather [hbm4b:s4+s18], $0x80, s8, s18, $0xb8;
	[tilespmem:$0x1D000] =	vst v63  }
0x1dc: {  	_ =	swait.ge [sflag:s21], $0x4000  }
0x1dd: {  	[sflag:s21] =	ssyncset.done $0x0  }
0x1de: {  	[sflag:s21] =	ssyncadd.s32 $0xFFFFC000  }
0x1df: {  	[spmem:s1] =	stream.indirect.scatter.add.f32 [tilespmem:s20], [sflag:$0x4], $0x80, s9, s18, $0xb8;
	[tilespmem:$0x1D000] =	vst v63  }
0x1e0: {  	_ =	swait.ge [sflag:s23], $0x4000  }
0x1e1: {  	[sflag:s23] =	ssyncset.done $0x0  }
0x1e2: {  	s12 =	stileid.u32;
	[sflag:s23] =	ssyncadd.s32 $0xFFFFC000  }
0x1e3: {  	s5 =	sshll.u32 s12, $0x6;
	[bflag:$0x0] =	sbarrier.arrive $0xFFFF  }
0x1e4: {  	s5 =	sor.u32 $0x1C05, s5;
	s13 =	sshrl.u32 s7, $0x3;
	s12 =	rddreg [dreg:$0x1a]  }
0x1e5: {  	[hbm:s12], [sflag:s5] =	dma.local [spmem:s13], $0x2800  }
0x1e6: {  	_ =	swait.ge [sflag:s15], $0x2800  }
0x1e7: {  	s10 =	sadd.s32 $0x1, s10;
	s13 =	rddreg [dreg:$0x1b]  }
0x1e8: {  	p0 =	sne.s32 s10, s13  }
.Ltmp4:
0x1e9: {  	_ = 	snop;
	(pc) =	sbr.rel @p0 .LBB2_1-.Ltmp4, $4  }
.Ltmp5:
0x1ea: {  	_ = 	snop;
	(pc) =	sbr.rel @!p0 .LBB2_9-.Ltmp5, $4  }
0x1eb: {  	_ = 	snop  }
0x1ec: {  	[sflag:s15] =	ssyncset.done $0x0  }
0x1ed: {  	[sflag:s15] =	ssyncadd.s32 $0xFFFFD800  }
0x1ee: {  	_ = 	snop  }
.LBB2_4:
.Ltmp6:
0x1ef: {  	(pc) =	sbr.rel .LBB2_8-.Ltmp6, $2  }
0x1f0: {  	_ =	sdelay $0x2  }
0x1f1: {  	s6 =	smov.u32 s11  }
.LBB2_6:
.Ltmp7:
0x1f2: {  	(pc) =	sbr.rel .LBB2_8-.Ltmp7, $2  }
0x1f3: {  	_ =	sdelay $0x2  }
0x1f4: {  	s6 =	smov.u32 s11  }
.LBB2_9:
0x1f5: {  	_ =	sfence.sel $0x180000  }
0x1f6: {  	[bflag:$0x0] =	sbarrier.arrive $0xFFFF  }
0x1f7: {  	_ =	strace $0x9000004A  }
0x1f8: {  	s0 =	stileid.u32;
	[bflag:$0x2] =	sbarrier.arrive $0xFFFF  }
0x1f9: {  	p0 =	sne.s32 s0, $0x0;
	s0 =	rddreg [dreg:$0x3]  }
0x1fa: {  	s0 =	sadd.s32 @!p0 $0x100000, s0  }
0x1fb: {  	[sflag:s0] =	ssyncadd.tile.s32 @!p0 $0x1;
	_ =	shalt  }
.Lfunc_end2:
_tile_overlayer_lowered:
.L_overlay_start_2:
0x1fc: {  	(tag) =	ssettag $0x2  }
0x1fd: {  	s0 =	rddreg [dreg:$0x0];
	s2 =	stileid.u32  }
0x1fe: {  	s1 =	rddreg [dreg:$0x1];
	p0 =	sne.s32 s2, $0x0  }
0x1ff: {  	s3 =	rddreg [dreg:$0x2];
	[bflag:$0x3] =	sbarrier.arrive $0xFFFF;
	s2 =	simm.s32 @!p0 $0x1C05  }
0x200: {  	[timem:s3], [sflag:s2] =	dma.local @!p0 [hbm:s0], s1  }
0x201: {  	s0 =	simm.s32 @!p0 $0x5  }
0x202: {  	_ =	swait.ge @!p0 [sflag:s0], s1  }
0x203: {  	s1 =	ssub.s32 @!p0 $0x0, s1;
	[sflag:s0] =	ssyncset.done @!p0 $0x0  }
0x204: {  	[sflag:s0] =	ssyncadd.s32 @!p0 s1  }
0x205: {  	[bflag:$0x3] =	sbarrier.arrive $0xFFFF  }
0x206: {  	_ =	shalt  }

// kernel: kernel.15.cloned.1.call-start
scs
__scs_entry_jumppad:
0x0: {  	(pc) =	sbr.rel $0x88, $3  }
0x1: {  	(tag) =	ssettag $0x0;
	lr =	simm.s32 $0x1  }
0x2: {  	[smem:$0x3F9B] =	sst lr;
	_ =	strace $0xD0000000  }
0x3: {  	_ = 	snop  }
0x4: {  	_ = 	snop  }
0x5: {  	_ = 	snop  }
0x6: {  	_ = 	snop  }
0x7: {  	_ = 	snop  }
__scs_overlays_trampoline_lowered:
0x8: {  	[smem:$0x3FAA] =	sst s0  }
0x9: {  	[smem:$0x3FAB] =	sst s1  }
0xa: {  	[smem:$0x3FAC] =	sst s2  }
0xb: {  	[smem:$0x3FAD] =	sst s3  }
0xc: {  	[smem:$0x3FAE] =	sst s4  }
0xd: {  	[smem:$0x3FAF] =	sst s5  }
0xe: {  	[smem:$0x3FB0] =	sst s6  }
0xf: {  	[smem:$0x3FB1] =	sst s7  }
0x10: {  	[smem:$0x3FB2] =	sst s8  }
0x11: {  	[smem:$0x3FB3] =	sst s9;
	s0 =	simm.s32 @!p0 $0x0  }
0x12: {  	s1 =	sld [smem:$0x3F99];
	s0 =	simm.s32 @p0 $0x1  }
0x13: {  	[smem:$0x3FB4] =	sst s0;
	s0 =	simm.s32 @!p1 $0x0  }
0x14: {  	s2 =	sld [smem:$0x3F98];
	s0 =	simm.s32 @p1 $0x1  }
0x15: {  	[smem:$0x3FB5] =	sst s0;
	s0 =	simm.s32 @!p2 $0x0  }
0x16: {  	s3 =	sld [smem:$0x3FDB];
	s0 =	simm.s32 @p2 $0x1  }
0x17: {  	s4 =	simm.s32 $0x1BF5;
	[smem:$0x3FB7] =	sst s0  }
0x18: {  	s0 =	sld [smem:$0x3F9A];
	_ =	swait.ge [sflag:s4], $0x0  }
0x19: {  	s7 =	sld [smem:$0x3F9B]  }
0x1a: {  	s8 =	sadd.s32 $0xFFFFE003, lr  }
0x1b: {  	s9 =	sadd.s32 $0xFFFFFEF7, lr;
	s5 =	simm.s32 $0xFFFFFFFF;
	p2 =	slt.u32 s8, $0xFFFFF086  }
0x1c: {  	p1 =	slt.u32 s9, $0xF7A;
	s5 =	simm.s32 @!p2 $0x0  }
0x1d: {  	s5 =	simm.s32 @p1 $0x1;
	p0 =	seq.s32 s7, s2  }
0x1e: {  	s7 =	smul.u32 @!p0 $0xF7A, s2;
	p2 =	seq.s32 @!p0 s5, $0x0  }
0x1f: {  	s9 =	smul.u32 $0xF7A, s1;
	s8 =	simm.s32 @!p0 $0x1BF5;
	p2 =	por !p2, p0  }
0x20: {  	[sflag:s8] =	ssyncset.s32 @!p0 $0xFFFFF086;
	s6 =	sadd.s32 @!p0 s3, s7;
	s7 =	simm.s32 @!p0 $0x108  }
0x21: {  	s3 =	sadd.s32 s3, s9;
	s6 =	sadd.s32 @!p0 $0x88, s6;
	s7 =	simm.s32 @p2 $0x1082  }
0x22: {  	[simem:s7], [sflag:s8] =	dma.local @!p0 [hbm:s6], $0xF7A  }
0x23: {  	s9 =	sor.u32 $0xD0000000, s2;
	s6 =	simm.s32 $0x108;
	_ =	swait.ge @!p0 [sflag:s8], $0x0  }
0x24: {  	s3 =	sadd.s32 $0x88, s3;
	s6 =	simm.s32 @!p1 $0x1082;
	[sflag:s4] =	ssyncset.s32 $0xFFFFF086  }
0x25: {  	[simem:s6], [sflag:s4] =	dma.local [hbm:s3], $0xF7A  }
0x26: {  	[smem:$0x3F9B] =	sst s1;
	(tag) =	ssettag s2;
	_ =	strace s9  }
0x27: {  	s1 =	sld [smem:$0x3FAB]  }
0x28: {  	s2 =	sld [smem:$0x3FAC]  }
0x29: {  	s4 =	sld [smem:$0x3FAE]  }
0x2a: {  	p0 =	seq.s32 s5, $0x0;
	s5 =	sld [smem:$0x3FAF]  }
0x2b: {  	s6 =	sld [smem:$0x3FB0]  }
0x2c: {  	s7 =	sld [smem:$0x3FB1]  }
0x2d: {  	s3 =	simm.s32 $0x108;
	s8 =	sld [smem:$0x3FB2]  }
0x2e: {  	s3 =	simm.s32 @!p0 $0x1082;
	s9 =	sld [smem:$0x3FB3]  }
0x2f: {  	lr =	sadd.s32 s0, s3;
	s0 =	sld [smem:$0x3FAA]  }
0x30: {  	s3 =	sld [smem:$0x3FAD]  }
0x31: {  	[smem:$0x3FB6] =	sst s10  }
0x32: {  	s10 =	sld [smem:$0x3FB4];
	_ =	sdelay $0x3  }
0x33: {  	p0 =	seq.s32 s10, $0x1;
	s10 =	sld [smem:$0x3FB6];
	_ =	sdelay $0x3  }
0x34: {  	[smem:$0x3FB6] =	sst s10  }
0x35: {  	s10 =	sld [smem:$0x3FB5];
	_ =	sdelay $0x3  }
0x36: {  	p1 =	seq.s32 s10, $0x1;
	s10 =	sld [smem:$0x3FB6];
	_ =	sdelay $0x3  }
0x37: {  	[smem:$0x3FB6] =	sst s10  }
0x38: {  	s10 =	sld [smem:$0x3FB7]  }
0x39: {  	_ = 	snop;
	(pc) =	sbr.ind lr, $3  }
0x3a: {  	_ = 	snop  }
0x3b: {  	_ = 	snop  }
0x3c: {  	p2 =	seq.s32 s10, $0x1;
	s10 =	sld [smem:$0x3FB6]  }
0x3d: {  	_ =	shalt  }
0x3e: {  	_ =	shalt  }
0x3f: {  	_ =	shalt  }
0x40: {  	_ =	shalt  }
0x41: {  	_ =	shalt  }
0x42: {  	_ =	shalt  }
0x43: {  	_ =	shalt  }
0x44: {  	_ =	shalt  }
0x45: {  	_ =	shalt  }
0x46: {  	_ =	shalt  }
0x47: {  	_ =	shalt  }
0x48: {  	_ =	shalt  }
0x49: {  	_ =	shalt  }
0x4a: {  	_ =	shalt  }
0x4b: {  	_ =	shalt  }
0x4c: {  	_ =	shalt  }
0x4d: {  	_ =	shalt  }
0x4e: {  	_ =	shalt  }
0x4f: {  	_ =	shalt  }
0x50: {  	_ =	shalt  }
0x51: {  	_ =	shalt  }
0x52: {  	_ =	shalt  }
0x53: {  	_ =	shalt  }
0x54: {  	_ =	shalt  }
0x55: {  	_ =	shalt  }
0x56: {  	_ =	shalt  }
0x57: {  	_ =	shalt  }
0x58: {  	_ =	shalt  }
0x59: {  	_ =	shalt  }
0x5a: {  	_ =	shalt  }
0x5b: {  	_ =	shalt  }
0x5c: {  	_ =	shalt  }
0x5d: {  	_ =	shalt  }
0x5e: {  	_ =	shalt  }
0x5f: {  	_ =	shalt  }
0x60: {  	_ =	shalt  }
0x61: {  	_ =	shalt  }
0x62: {  	_ =	shalt  }
0x63: {  	_ =	shalt  }
0x64: {  	_ =	shalt  }
0x65: {  	_ =	shalt  }
0x66: {  	_ =	shalt  }
0x67: {  	_ =	shalt  }
0x68: {  	_ =	shalt  }
0x69: {  	_ =	shalt  }
0x6a: {  	_ =	shalt  }
0x6b: {  	_ =	shalt  }
0x6c: {  	_ =	shalt  }
0x6d: {  	_ =	shalt  }
0x6e: {  	_ =	shalt  }
0x6f: {  	_ =	shalt  }
0x70: {  	_ =	shalt  }
0x71: {  	_ =	shalt  }
0x72: {  	_ =	shalt  }
0x73: {  	_ =	shalt  }
0x74: {  	_ =	shalt  }
0x75: {  	_ =	shalt  }
0x76: {  	_ =	shalt  }
0x77: {  	_ =	shalt  }
0x78: {  	_ =	shalt  }
0x79: {  	_ =	shalt  }
0x7a: {  	_ =	shalt  }
0x7b: {  	_ =	shalt  }
0x7c: {  	_ =	shalt  }
0x7d: {  	_ =	shalt  }
0x7e: {  	_ =	shalt  }
0x7f: {  	_ =	shalt  }
0x80: {  	_ =	shalt  }
0x81: {  	_ =	shalt  }
0x82: {  	_ =	shalt  }
0x83: {  	_ =	shalt  }
0x84: {  	_ =	shalt  }
0x85: {  	_ =	shalt  }
0x86: {  	_ =	shalt  }
0x87: {  	_ =	shalt  }
.Lfunc_end0:
.L_simem_size_0:
called_computation.2_lowered:
.L_overlay_start_0:
0x88: {  	s2 =	sld [smem:$0x3FD9]  }
0x89: {  	s3 =	sld [smem:$0x3FFE];
	_ =	sdelay $0x1  }
0x8a: {  	s1 =	srdreg.scid  }
0x8b: {  	s0 =	sand.u32 $0x1, s1  }
0x8c: {  	s17 =	sshll.u32 s0, $0xA;
	s2 =	sadd.s32 s3, s2  }
0x8d: {  	s2 =	sadd.s32 s2, s17  }
0x8e: {  	[smem:$0x3FC2] =	sst s2  }
0x8f: {  	_ = 	snop  }
0x90: {  	s2 =	sld [smem:$0x3FD0];
	(tm) =	ssettm $0x1  }
0x91: {  	s18 =	sld [smem:$0x3FFB];
	_ =	sdelay $0x3  }
0x92: {  	_ =	strace s18  }
0x93: {  	s3 =	sld [smem:$0x3FFC];
	_ =	sdelay $0x3  }
0x94: {  	_ =	strace s3  }
0x95: {  	s3 =	sld [smem:$0x3FFD];
	_ =	sdelay $0x3  }
0x96: {  	_ =	strace s3  }
0x97: {  	_ =	strace $0x8FFFFFFF  }
0x98: {  	s19 =	sld [smem:$0x3FDB];
	_ =	sdelay $0x1  }
0x99: {  	s4 =	simm.s32 $_scs_section_size  }
0x9a: {  	s5 =	simm.s32 $_size__tile_overlayer_lowered;
	s6 =	simm.s32 $_tile_overlayer_lowered  }
0x9b: {  	s22 =	simm.s32 $0x1BFF;
	s21 =	sshll.u32 s6, $0x1;
	s3 =	sadd.s32 s4, s19  }
0x9c: {  	s7 =	simm.s32 $0x0;
	s20 =	sshll.u32 s5, $0x1;
	s5 =	sadd.s32 s21, s3  }
0x9d: {  	[timem:s7], [sflag:s22] =	dma.local [hbm:s5], s20  }
0x9e: {  	_ =	swait.ge [sflag:s22], s20  }
0x9f: {  	s4 =	ssub.s32 $0x0, s20;
	[sflag:s22] =	ssyncset.done $0x0  }
0xa0: {  	[sflag:s22] =	ssyncadd.s32 s4;
	_ =	sdelay $0x1  }
0xa1: {  	s23 =	simm.s32 $0x1B8B  }
0xa2: {  	_ =	swait.ge [sflag:s23], $0x1  }
0xa3: {  	[sflag:s23] =	ssyncset.done $0x0  }
0xa4: {  	s25 =	simm.s32 $0x1B8E;
	s24 =	sld [smem:$0x3FFE];
	[sflag:s23] =	ssyncadd.s32 $0xFFFFFFFF  }
0xa5: {  	s26 =	simm.s32 $execute0_lowered;
	[smem:$0x3FD2] =	sst s25  }
0xa6: {  	s5 =	sshll.u32 s26, $0x1;
	_ =	strace $0x8000004C;
	[dreg:$0x1] =	wrdreg $0xFFFFFFFF  }
0xa7: {  	s28 =	simm.s32 $_size_execute0_lowered;
	s3 =	sadd.s32 s3, s5;
	[dreg:$0x0] =	wrdreg $0x0  }
0xa8: {  	s5 =	sshll.u32 s28, $0x1;
	[dreg:$0x2] =	wrdreg s3  }
0xa9: {  	[dreg:$0x3] =	wrdreg s5  }
0xaa: {  	[dreg:$0x4] =	wrdreg $0xC0  }
0xab: {  	_ =	task [dreg:s7], $0x5FFFF  }
0xac: {  	[dreg:$0x1] =	wrdreg $0xFFFFFFFF  }
0xad: {  	[dreg:$0x0] =	wrdreg $0x60  }
0xae: {  	[dreg:$0x2] =	wrdreg s24  }
0xaf: {  	[dreg:$0x3] =	wrdreg s2  }
0xb0: {  	[dreg:$0x4] =	wrdreg $0x0  }
0xb1: {  	[dreg:$0x5] =	wrdreg $0x9  }
0xb2: {  	_ =	task.clear_ibuf [dreg:s7], $0x6FFFF;
	_ =	strace $0x9000004C  }
0xb3: {  	s29 =	simm.s32 $0x9;
	_ =	strace $0x8000004E  }
0xb4: {  	_ =	swait.ge [sflag:s29], $0x1  }
0xb5: {  	[sflag:s29] =	ssyncadd.s32 $0xFFFFFFFF  }
0xb6: {  	_ =	strace $0x9000004E  }
0xb7: {  	_ =	sfence  }
0xb8: {  	s30 =	sld [smem:$0x0];
	_ =	sdelay $0x2  }
0xb9: {  	s31 =	sshll.u32 s1, $0xD;
	s1 =	sshrl.u32 s1, $0x2  }
0xba: {  	s3 =	sand.u32 $0x4000, s31;
	s1 =	sadd.s32 s1, s30  }
0xbb: {  	s0 =	sor.u32 s3, s0;
	s1 =	sshll.u32 s1, $0x11  }
0xbc: {  	s0 =	sor.u32 s1, s0  }
0xbd: {  	s0 =	sadd.s32 $0x8F2B, s0  }
0xbe: {  	[sflag:s0] =	ssyncadd.remote.s32 $0x1  }
0xbf: {  	_ =	sfence.sel $0xFFFF  }
0xc0: {  	[dreg:$0x0] =	wrdreg $0xFFFFFFFF;
	(pc) =	sbr.abs _section_cstart, $3  }
0xc1: {  	[dreg:$0x1] =	wrdreg $0xFFFFFFFF  }
0xc2: {  	_ =	task.clear_ibuf [dreg:s7], $0x2FFFF;
	_ =	strace $0x9FFFFFFF  }
0xc3: {  	(tm) =	ssettm $0x7FFFFFFF  }
tec
execute0_lowered:
.L_overlay_start_1:
0x0: {  	(tag) =	ssettag $0x1  }
0x1: {  	s0 =	rddreg [dreg:$0x0]  }
0x2: {  	s1 =	rddreg [dreg:$0x1]  }
0x3: {  	s3 =	simm.s32 $0x0;
	s2 =	srdreg.scid;
	s10 =	stileid.u32  }
0x4: {  	s21 =	simm.s32 $0x14080;
	s23 =	simm.s32 $0x14880;
	[dreg:$0x5] =	wrdreg s1  }
0x5: {  	s24 =	simm.s32 $0x14100;
	s26 =	simm.s32 $0x14900;
	s1 =	rddreg [dreg:$0x2]  }
0x6: {  	s12 =	simm.s32 $0x14A00;
	[smem:$0x7FF] =	sst s3;
	s6 =	sadd.s32 $0x16400, s0  }
0x7: {  	s14 =	simm.s32 $0x14280;
	_ =	strace $0x8000004D;
	[dreg:$0x4] =	wrdreg s6  }
0x8: {  	s16 =	simm.s32 $0x14A80;
	s28 =	simm.s32 $0x14600;
	[dreg:$0x6] =	wrdreg s21  }
0x9: {  	s29 =	simm.s32 $0x14E00;
	s30 =	simm.s32 $0x14680;
	[dreg:$0x7] =	wrdreg s23  }
0xa: {  	s31 =	simm.s32 $0x14E80;
	s7 =	smul.u32 $0x2800, s10;
	[dreg:$0x8] =	wrdreg s24  }
0xb: {  	s2 =	sand.u32 $0x1, s2;
	s22 =	smul.u32 $0x50000, s10;
	[dreg:$0x9] =	wrdreg s26  }
0xc: {  	s4 =	sadd.s32 $0x47600, s0;
	s5 =	smul.u32 $0x28000, s2;
	[dreg:$0xd] =	wrdreg s12  }
0xd: {  	s18 =	sshll.u32 s2, $0x7;
	s19 =	ssub.s32 $0x2, s2;
	[dreg:$0xe] =	wrdreg s14  }
0xe: {  	s9 =	sshll.u32 s2, $0x3;
	s2 =	smul.u32 $0x48000, s2;
	[dreg:$0xf] =	wrdreg s16  }
0xf: {  	s14 =	simm.s32 $0x15000;
	s16 =	simm.s32 $0x14000;
	s21 =	simm.s32 $0x14B80  }
0x10: {  	s23 =	simm.s32 $0x14C00;
	s24 =	simm.s32 $0x14480;
	s26 =	simm.s32 $0x14500  }
0x11: {  	s6 =	sxor.u32 $0x90, s18;
	s8 =	sshrl.u32 s19, $0x1;
	[dreg:$0x13] =	wrdreg s21  }
0x12: {  	s20 =	sxor.u32 $0x9, s9;
	s25 =	sshrl.u32 s22, $0x2;
	[dreg:$0x15] =	wrdreg s23  }
0x13: {  	s9 =	simm.s32 $0x14200;
	s18 =	simm.s32 $0x14300;
	[dreg:$0x16] =	wrdreg s24  }
0x14: {  	s22 =	simm.s32 $0x14400;
	s21 =	simm.s32 $0x2;
	[dreg:$0x18] =	wrdreg s26  }
0x15: {  	s23 =	simm.s32 $0x4;
	s24 =	simm.s32 $0x14D00;
	[dreg:$0x19] =	wrdreg s20  }
0x16: {  	s26 =	simm.s32 $0x14D80;
	s5 =	sadd.s32 s7, s5;
	[dreg:$0xc] =	wrdreg s9  }
0x17: {  	s6 =	smul.u32 s6, s10;
	s8 =	ssub.s32 s19, s8;
	[dreg:$0x10] =	wrdreg s18  }
0x18: {  	s7 =	sadd.s32 s25, s1;
	s19 =	simm.s32 $0x14B00;
	[dreg:$0x14] =	wrdreg s22  }
0x19: {  	s20 =	simm.s32 $0x14380;
	s18 =	simm.s32 $0x80;
	[dreg:$0x11] =	wrdreg s19  }
0x1a: {  	s25 =	simm.s32 $0x14C80;
	s22 =	simm.s32 $0x3;
	[dreg:$0x12] =	wrdreg s20  }
0x1b: {  	s0 =	sadd.s32 s5, s0;
	s5 =	simm.s32 $0x14180;
	[dreg:$0x17] =	wrdreg s25  }
0x1c: {  	s9 =	simm.s32 $0x14F80;
	s8 =	smax.u32 s8, $0x1;
	[dreg:$0xa] =	wrdreg s5  }
0x1d: {  	s10 =	sadd.s32 $0x4000, s7;
	s13 =	sadd.s32 $0x8000, s7;
	[dreg:$0x1b] =	wrdreg s8  }
0x1e: {  	s15 =	sadd.s32 $0xC000, s7;
	s17 =	sadd.s32 $0x10000, s7;
	[dreg:$0x1c] =	wrdreg s10  }
0x1f: {  	s19 =	simm.s32 $0x1;
	s20 =	simm.s32 $0x19000;
	[dreg:$0x1d] =	wrdreg s13  }
0x20: {  	s25 =	simm.s32 $0x14580;
	s6 =	sshll.u32 s6, $0x7;
	[dreg:$0x1e] =	wrdreg s15  }
0x21: {  	s0 =	sadd.s32 $0x6E800, s0;
	[dreg:$0x1f] =	wrdreg s17;
	s15 =	simm.s32 $0x5  }
0x22: {  	s17 =	simm.s32 $0x14800;
	s8 =	simm.s32 $0x14780;
	s10 =	simm.s32 $0x0  }
0x23: {  	s11 =	sadd.s32 s2, s6;
	[dreg:$0x1a] =	wrdreg s0;
	s6 =	simm.s32 $0x14980  }
0x24: {  	v0 =	vimm.f32 $0.0e+00;
	s0 =	simm.s32 $0x14700;
	s2 =	simm.s32 $0x14F00;
	[dreg:$0xb] =	wrdreg s6  }
.LBB2_1:
0x25: {  	s6 =	sand.u32 $0xFE00, s3  }
0x26: {  	s12 =	sand.u32 $0x70, s3;
	s13 =	sshrl.u32 s6, $0x2  }
0x27: {  	s6 =	simm.s32 $0x40;
	s13 =	sor.u32 s12, s13;
	s12 =	simm.s32 $0x0  }
.LBB2_2:
0x28: {  	p0 =	sne.s32 s6, $0xFFC0  }
0x29: {  	[tilespmem:s13+$0x15000] =	vst v0;
	s12 =	sadd.s32 $0x10, s12;
	s13 =	smov.u32 s6;
	s6 =	sadd.s32 $0x40, s6  }
.Ltmp0:
0x2a: {  	(pc) =	sbr.rel @p0 .LBB2_2-.Ltmp0, $4  }
0x2b: {  	_ = 	snop  }
0x2c: {  	s13 =	sand.u32 $0xFE00, s13  }
0x2d: {  	s5 =	sand.u32 $0x70, s12;
	s13 =	sshrl.u32 s13, $0x2  }
0x2e: {  	s13 =	sor.u32 s5, s13  }
0x2f: {  	[tilespmem:s13+$0x15000] =	vst v0  }
0x30: {  	[spmem:s7] =	stream.linear.scatter [tilespmem:s14], [sflag:$0x5], $0x4000, $0x38;
	[tilespmem:$0x1D000] =	vst v63  }
0x31: {  	_ =	swait.ge [sflag:s15], $0x4000  }
0x32: {  	[sflag:s15] =	ssyncset.done $0x0  }
0x33: {  	s5 =	rddreg [dreg:$0x1c];
	[sflag:s15] =	ssyncadd.s32 $0xFFFFC000  }
0x34: {  	[spmem:s5] =	stream.linear.scatter [tilespmem:s14], [sflag:$0x5], $0x4000, $0x38;
	[tilespmem:$0x1D000] =	vst v63  }
0x35: {  	_ =	swait.ge [sflag:s15], $0x4000  }
0x36: {  	[sflag:s15] =	ssyncset.done $0x0  }
0x37: {  	s13 =	rddreg [dreg:$0x1d];
	[sflag:s15] =	ssyncadd.s32 $0xFFFFC000  }
0x38: {  	[spmem:s13] =	stream.linear.scatter [tilespmem:s14], [sflag:$0x5], $0x4000, $0x38;
	[tilespmem:$0x1D000] =	vst v63  }
0x39: {  	_ =	swait.ge [sflag:s15], $0x4000  }
0x3a: {  	[sflag:s15] =	ssyncset.done $0x0  }
0x3b: {  	s6 =	rddreg [dreg:$0x1e];
	[sflag:s15] =	ssyncadd.s32 $0xFFFFC000  }
0x3c: {  	[spmem:s6] =	stream.linear.scatter [tilespmem:s14], [sflag:$0x5], $0x4000, $0x38;
	[tilespmem:$0x1D000] =	vst v63  }
0x3d: {  	_ =	swait.ge [sflag:s15], $0x4000  }
0x3e: {  	[sflag:s15] =	ssyncset.done $0x0  }
0x3f: {  	s12 =	rddreg [dreg:$0x1f];
	[sflag:s15] =	ssyncadd.s32 $0xFFFFC000  }
0x40: {  	[spmem:s12] =	stream.linear.scatter [tilespmem:s14], [sflag:$0x5], $0x4000, $0x38;
	[tilespmem:$0x1D000] =	vst v63  }
0x41: {  	_ =	swait.ge [sflag:s15], $0x4000  }
0x42: {  	[sflag:s15] =	ssyncset.done $0x0  }
0x43: {  	[sflag:s15] =	ssyncadd.s32 $0xFFFFC000  }
0x44: {  	[bflag:$0x0] =	sbarrier.arrive $0xFFFF  }
0x45: {  	s13 =	rddreg [dreg:$0x19]  }
0x46: {  	p1 =	sne.s32 s13, $0x1  }
.Ltmp1:
0x47: {  	_ = 	snop;
	(pc) =	sbr.rel @!p1 .LBB2_4-.Ltmp1, $2  }
0x48: {  	_ =	sdelay $0x2  }
0x49: {  	p0 =	por $0x0, $0x0;
	s6 =	sadd.s32 $0xFFFFFFFF, s13;
	s13 =	rddreg [dreg:$0x4]  }
0x4a: {  	s5 =	sshrl.u32 s11, $0x3  }
0x4b: {  	s12 =	sadd.s32 s13, s5  }
0x4c: {  	[tilespmem:s16], [sflag:$0x5] =	stream.linear.gather [hbm4b:s12+s3], $0x800, $0x38;
	[tilespmem:$0x1D000] =	vst v63  }
0x4d: {  	_ =	swait.ge [sflag:s15], $0x800  }
0x4e: {  	s13 =	rddreg [dreg:$0x5];
	[sflag:s15] =	ssyncset.done $0x0  }
0x4f: {  	[sflag:s15] =	ssyncadd.s32 $0xFFFFF800;
	s5 =	sadd.s32 s13, s5  }
0x50: {  	[tilespmem:s17], [sflag:$0x5] =	stream.linear.gather [hbm4b:s5+s3], $0x800, $0x38;
	[tilespmem:$0x1D000] =	vst v63  }
0x51: {  	_ =	swait.ge [sflag:s15], $0x800  }
0x52: {  	[sflag:s15] =	ssyncset.done $0x0  }
0x53: {  	[sflag:s15] =	ssyncadd.s32 $0xFFFFF800  }
0x54: {  	[tilespmem:s14], [sflag:$0x1] =	stream.indirect.gather [hbm4b:s4+s18], $0x80, s16, s18, $0xb8;
	[tilespmem:$0x1D000] =	vst v63  }
0x55: {  	_ =	swait.ge [sflag:s19], $0x4000  }
0x56: {  	[sflag:s19] =	ssyncset.done $0x0  }
0x57: {  	[sflag:s19] =	ssyncadd.s32 $0xFFFFC000  }
0x58: {  	[spmem:s1] =	stream.indirect.scatter.add.f32 [tilespmem:s14], [sflag:$0x3], $0x80, s17, s18, $0xb8;
	[tilespmem:$0x1D000] =	vst v63  }
0x59: {  	s13 =	rddreg [dreg:$0x6]  }
0x5a: {  	[tilespmem:s20], [sflag:$0x2] =	stream.indirect.gather [hbm4b:s4+s18], $0x80, s13, s18, $0xb8;
	[tilespmem:$0x1D000] =	vst v63  }
0x5b: {  	_ =	swait.ge [sflag:s21], $0x4000  }
0x5c: {  	[sflag:s21] =	ssyncset.done $0x0  }
0x5d: {  	s12 =	rddreg [dreg:$0x7];
	[sflag:s21] =	ssyncadd.s32 $0xFFFFC000  }
0x5e: {  	[spmem:s1] =	stream.indirect.scatter.add.f32 [tilespmem:s20], [sflag:$0x4], $0x80, s12, s18, $0xb8;
	[tilespmem:$0x1D000] =	vst v63  }
0x5f: {  	_ =	swait.ge [sflag:s22], $0x4000  }
0x60: {  	[sflag:s22] =	ssyncset.done $0x0  }
0x61: {  	s13 =	rddreg [dreg:$0x8];
	[sflag:s22] =	ssyncadd.s32 $0xFFFFC000  }
0x62: {  	[tilespmem:s14], [sflag:$0x1] =	stream.indirect.gather [hbm4b:s4+s18], $0x80, s13, s18, $0xb8;
	[tilespmem:$0x1D000] =	vst v63  }
0x63: {  	_ =	swait.ge [sflag:s19], $0x4000  }
0x64: {  	[sflag:s19] =	ssyncset.done $0x0  }
0x65: {  	s12 =	rddreg [dreg:$0x9];
	[sflag:s19] =	ssyncadd.s32 $0xFFFFC000  }
0x66: {  	[spmem:s1] =	stream.indirect.scatter.add.f32 [tilespmem:s14], [sflag:$0x3], $0x80, s12, s18, $0xb8;
	[tilespmem:$0x1D000] =	vst v63  }
0x67: {  	_ =	swait.ge [sflag:s23], $0x4000  }
0x68: {  	[sflag:s23] =	ssyncset.done $0x0  }
0x69: {  	s13 =	rddreg [dreg:$0xa];
	[sflag:s23] =	ssyncadd.s32 $0xFFFFC000  }
0x6a: {  	[tilespmem:s20], [sflag:$0x2] =	stream.indirect.gather [hbm4b:s4+s18], $0x80, s13, s18, $0xb8;
	[tilespmem:$0x1D000] =	vst v63  }
0x6b: {  	_ =	swait.ge [sflag:s21], $0x4000  }
0x6c: {  	[sflag:s21] =	ssyncset.done $0x0  }
0x6d: {  	s12 =	rddreg [dreg:$0xb];
	[sflag:s21] =	ssyncadd.s32 $0xFFFFC000  }
0x6e: {  	[spmem:s1] =	stream.indirect.scatter.add.f32 [tilespmem:s20], [sflag:$0x4], $0x80, s12, s18, $0xb8;
	[tilespmem:$0x1D000] =	vst v63  }
0x6f: {  	_ =	swait.ge [sflag:s22], $0x4000  }
0x70: {  	[sflag:s22] =	ssyncset.done $0x0  }
0x71: {  	s13 =	rddreg [dreg:$0xc];
	[sflag:s22] =	ssyncadd.s32 $0xFFFFC000  }
0x72: {  	[tilespmem:s14], [sflag:$0x1] =	stream.indirect.gather [hbm4b:s4+s18], $0x80, s13, s18, $0xb8;
	[tilespmem:$0x1D000] =	vst v63  }
0x73: {  	_ =	swait.ge [sflag:s19], $0x4000  }
0x74: {  	[sflag:s19] =	ssyncset.done $0x0  }
0x75: {  	s12 =	rddreg [dreg:$0xd];
	[sflag:s19] =	ssyncadd.s32 $0xFFFFC000  }
0x76: {  	[spmem:s1] =	stream.indirect.scatter.add.f32 [tilespmem:s14], [sflag:$0x3], $0x80, s12, s18, $0xb8;
	[tilespmem:$0x1D000] =	vst v63  }
0x77: {  	_ =	swait.ge [sflag:s23], $0x4000  }
0x78: {  	[sflag:s23] =	ssyncset.done $0x0  }
0x79: {  	s13 =	rddreg [dreg:$0xe];
	[sflag:s23] =	ssyncadd.s32 $0xFFFFC000  }
0x7a: {  	[tilespmem:s20], [sflag:$0x2] =	stream.indirect.gather [hbm4b:s4+s18], $0x80, s13, s18, $0xb8;
	[tilespmem:$0x1D000] =	vst v63  }
0x7b: {  	_ =	swait.ge [sflag:s21], $0x4000  }
0x7c: {  	[sflag:s21] =	ssyncset.done $0x0  }
0x7d: {  	s12 =	rddreg [dreg:$0xf];
	[sflag:s21] =	ssyncadd.s32 $0xFFFFC000  }
0x7e: {  	[spmem:s1] =	stream.indirect.scatter.add.f32 [tilespmem:s20], [sflag:$0x4], $0x80, s12, s18, $0xb8;
	[tilespmem:$0x1D000] =	vst v63  }
0x7f: {  	_ =	swait.ge [sflag:s22], $0x4000  }
0x80: {  	[sflag:s22] =	ssyncset.done $0x0  }
0x81: {  	s13 =	rddreg [dreg:$0x10];
	[sflag:s22] =	ssyncadd.s32 $0xFFFFC000  }
0x82: {  	[tilespmem:s14], [sflag:$0x1] =	stream.indirect.gather [hbm4b:s4+s18], $0x80, s13, s18, $0xb8;
	[tilespmem:$0x1D000] =	vst v63  }
0x83: {  	_ =	swait.ge [sflag:s19], $0x4000  }
0x84: {  	[sflag:s19] =	ssyncset.done $0x0  }
0x85: {  	s12 =	rddreg [dreg:$0x11];
	[sflag:s19] =	ssyncadd.s32 $0xFFFFC000  }
0x86: {  	[spmem:s1] =	stream.indirect.scatter.add.f32 [tilespmem:s14], [sflag:$0x3], $0x80, s12, s18, $0xb8;
	[tilespmem:$0x1D000] =	vst v63  }
0x87: {  	_ =	swait.ge [sflag:s23], $0x4000  }
0x88: {  	[sflag:s23] =	ssyncset.done $0x0  }
0x89: {  	s13 =	rddreg [dreg:$0x12];
	[sflag:s23] =	ssyncadd.s32 $0xFFFFC000  }
0x8a: {  	[tilespmem:s20], [sflag:$0x2] =	stream.indirect.gather [hbm4b:s4+s18], $0x80, s13, s18, $0xb8;
	[tilespmem:$0x1D000] =	vst v63  }
0x8b: {  	_ =	swait.ge [sflag:s21], $0x4000  }
0x8c: {  	[sflag:s21] =	ssyncset.done $0x0  }
0x8d: {  	s12 =	rddreg [dreg:$0x13];
	[sflag:s21] =	ssyncadd.s32 $0xFFFFC000  }
0x8e: {  	[spmem:s1] =	stream.indirect.scatter.add.f32 [tilespmem:s20], [sflag:$0x4], $0x80, s12, s18, $0xb8;
	[tilespmem:$0x1D000] =	vst v63  }
0x8f: {  	_ =	swait.ge [sflag:s22], $0x4000  }
0x90: {  	[sflag:s22] =	ssyncset.done $0x0  }
0x91: {  	s13 =	rddreg [dreg:$0x14];
	[sflag:s22] =	ssyncadd.s32 $0xFFFFC000  }
0x92: {  	[tilespmem:s14], [sflag:$0x1] =	stream.indirect.gather [hbm4b:s4+s18], $0x80, s13, s18, $0xb8;
	[tilespmem:$0x1D000] =	vst v63  }
0x93: {  	_ =	swait.ge [sflag:s19], $0x4000  }
0x94: {  	[sflag:s19] =	ssyncset.done $0x0  }
0x95: {  	s12 =	rddreg [dreg:$0x15];
	[sflag:s19] =	ssyncadd.s32 $0xFFFFC000  }
0x96: {  	[spmem:s1] =	stream.indirect.scatter.add.f32 [tilespmem:s14], [sflag:$0x3], $0x80, s12, s18, $0xb8;
	[tilespmem:$0x1D000] =	vst v63  }
0x97: {  	_ =	swait.ge [sflag:s23], $0x4000  }
0x98: {  	[sflag:s23] =	ssyncset.done $0x0  }
0x99: {  	s13 =	rddreg [dreg:$0x16];
	[sflag:s23] =	ssyncadd.s32 $0xFFFFC000  }
0x9a: {  	[tilespmem:s20], [sflag:$0x2] =	stream.indirect.gather [hbm4b:s4+s18], $0x80, s13, s18, $0xb8;
	[tilespmem:$0x1D000] =	vst v63  }
0x9b: {  	_ =	swait.ge [sflag:s21], $0x4000  }
0x9c: {  	[sflag:s21] =	ssyncset.done $0x0  }
0x9d: {  	s12 =	rddreg [dreg:$0x17];
	[sflag:s21] =	ssyncadd.s32 $0xFFFFC000  }
0x9e: {  	[spmem:s1] =	stream.indirect.scatter.add.f32 [tilespmem:s20], [sflag:$0x4], $0x80, s12, s18, $0xb8;
	[tilespmem:$0x1D000] =	vst v63  }
0x9f: {  	_ =	swait.ge [sflag:s22], $0x4000  }
0xa0: {  	[sflag:s22] =	ssyncset.done $0x0  }
0xa1: {  	s13 =	rddreg [dreg:$0x18];
	[sflag:s22] =	ssyncadd.s32 $0xFFFFC000  }
0xa2: {  	[tilespmem:s14], [sflag:$0x1] =	stream.indirect.gather [hbm4b:s4+s18], $0x80, s13, s18, $0xb8;
	[tilespmem:$0x1D000] =	vst v63  }
0xa3: {  	_ =	swait.ge [sflag:s19], $0x4000  }
0xa4: {  	[sflag:s19] =	ssyncset.done $0x0  }
0xa5: {  	[sflag:s19] =	ssyncadd.s32 $0xFFFFC000  }
0xa6: {  	[spmem:s1] =	stream.indirect.scatter.add.f32 [tilespmem:s14], [sflag:$0x3], $0x80, s24, s18, $0xb8;
	[tilespmem:$0x1D000] =	vst v63  }
0xa7: {  	_ =	swait.ge [sflag:s23], $0x4000  }
0xa8: {  	[sflag:s23] =	ssyncset.done $0x0  }
0xa9: {  	[sflag:s23] =	ssyncadd.s32 $0xFFFFC000  }
0xaa: {  	[tilespmem:s20], [sflag:$0x2] =	stream.indirect.gather [hbm4b:s4+s18], $0x80, s25, s18, $0xb8;
	[tilespmem:$0x1D000] =	vst v63  }
0xab: {  	_ =	swait.ge [sflag:s21], $0x4000  }
0xac: {  	[sflag:s21] =	ssyncset.done $0x0  }
0xad: {  	[sflag:s21] =	ssyncadd.s32 $0xFFFFC000  }
0xae: {  	[spmem:s1] =	stream.indirect.scatter.add.f32 [tilespmem:s20], [sflag:$0x4], $0x80, s26, s18, $0xb8;
	[tilespmem:$0x1D000] =	vst v63  }
0xaf: {  	_ =	swait.ge [sflag:s22], $0x4000  }
0xb0: {  	[sflag:s22] =	ssyncset.done $0x0  }
0xb1: {  	[sflag:s22] =	ssyncadd.s32 $0xFFFFC000  }
0xb2: {  	[tilespmem:s14], [sflag:$0x1] =	stream.indirect.gather [hbm4b:s4+s18], $0x80, s28, s18, $0xb8;
	[tilespmem:$0x1D000] =	vst v63  }
0xb3: {  	_ =	swait.ge [sflag:s19], $0x4000  }
0xb4: {  	[sflag:s19] =	ssyncset.done $0x0  }
0xb5: {  	[sflag:s19] =	ssyncadd.s32 $0xFFFFC000  }
0xb6: {  	[spmem:s1] =	stream.indirect.scatter.add.f32 [tilespmem:s14], [sflag:$0x3], $0x80, s29, s18, $0xb8;
	[tilespmem:$0x1D000] =	vst v63  }
0xb7: {  	_ =	swait.ge [sflag:s23], $0x4000  }
0xb8: {  	[sflag:s23] =	ssyncset.done $0x0  }
0xb9: {  	[sflag:s23] =	ssyncadd.s32 $0xFFFFC000  }
0xba: {  	[tilespmem:s20], [sflag:$0x2] =	stream.indirect.gather [hbm4b:s4+s18], $0x80, s30, s18, $0xb8;
	[tilespmem:$0x1D000] =	vst v63  }
0xbb: {  	_ =	swait.ge [sflag:s21], $0x4000  }
0xbc: {  	[sflag:s21] =	ssyncset.done $0x0  }
0xbd: {  	[sflag:s21] =	ssyncadd.s32 $0xFFFFC000  }
0xbe: {  	[spmem:s1] =	stream.indirect.scatter.add.f32 [tilespmem:s20], [sflag:$0x4], $0x80, s31, s18, $0xb8;
	[tilespmem:$0x1D000] =	vst v63  }
0xbf: {  	_ =	swait.ge [sflag:s22], $0x4000  }
0xc0: {  	[sflag:s22] =	ssyncset.done $0x0  }
0xc1: {  	[sflag:s22] =	ssyncadd.s32 $0xFFFFC000  }
0xc2: {  	[tilespmem:s14], [sflag:$0x1] =	stream.indirect.gather [hbm4b:s4+s18], $0x80, s0, s18, $0xb8;
	[tilespmem:$0x1D000] =	vst v63  }
0xc3: {  	_ =	swait.ge [sflag:s19], $0x4000  }
0xc4: {  	[sflag:s19] =	ssyncset.done $0x0  }
0xc5: {  	[sflag:s19] =	ssyncadd.s32 $0xFFFFC000  }
0xc6: {  	[spmem:s1] =	stream.indirect.scatter.add.f32 [tilespmem:s14], [sflag:$0x3], $0x80, s2, s18, $0xb8;
	[tilespmem:$0x1D000] =	vst v63  }
0xc7: {  	_ =	swait.ge [sflag:s23], $0x4000  }
0xc8: {  	[sflag:s23] =	ssyncset.done $0x0  }
0xc9: {  	[sflag:s23] =	ssyncadd.s32 $0xFFFFC000  }
0xca: {  	[tilespmem:s20], [sflag:$0x2] =	stream.indirect.gather [hbm4b:s4+s18], $0x80, s8, s18, $0xb8;
	[tilespmem:$0x1D000] =	vst v63  }
0xcb: {  	p1 =	sne.s32 s6, $0x1;
	_ =	swait.ge [sflag:s21], $0x4000  }
.Ltmp2:
0xcc: {  	[sflag:s21] =	ssyncset.done $0x0;
	(pc) =	sbr.rel @!p1 .LBB2_6-.Ltmp2, $4  }
0xcd: {  	[sflag:s21] =	ssyncadd.s32 $0xFFFFC000  }
0xce: {  	[spmem:s1] =	stream.indirect.scatter.add.f32 [tilespmem:s20], [sflag:$0x4], $0x80, s9, s18, $0xb8;
	[tilespmem:$0x1D000] =	vst v63  }
0xcf: {  	p0 =	por $0x1, $0x1;
	s12 =	sadd.s32 $0xFFFFFFFF, s6;
	_ =	swait.ge [sflag:s23], $0x4000  }
0xd0: {  	s6 =	smov.u32 s11;
	s13 =	rddreg [dreg:$0x4];
	[sflag:s23] =	ssyncset.done $0x0  }
.LBB2_7:
0xd1: {  	s6 =	sadd.s32 $0x800, s6  }
0xd2: {  	s5 =	sshrl.u32 s6, $0x3  }
0xd3: {  	[sflag:s23] =	ssyncadd.s32 $0xFFFFC000;
	s13 =	sadd.s32 s13, s5  }
0xd4: {  	[tilespmem:s16], [sflag:$0x5] =	stream.linear.gather [hbm4b:s13+s3], $0x800, $0x38;
	[tilespmem:$0x1D000] =	vst v63  }
0xd5: {  	_ =	swait.ge [sflag:s15], $0x800  }
0xd6: {  	s13 =	rddreg [dreg:$0x5];
	[sflag:s15] =	ssyncset.done $0x0  }
0xd7: {  	[sflag:s15] =	ssyncadd.s32 $0xFFFFF800;
	s5 =	sadd.s32 s13, s5  }
0xd8: {  	[tilespmem:s17], [sflag:$0x5] =	stream.linear.gather [hbm4b:s5+s3], $0x800, $0x38;
	[tilespmem:$0x1D000] =	vst v63  }
0xd9: {  	_ =	swait.ge [sflag:s15], $0x800  }
0xda: {  	[sflag:s15] =	ssyncset.done $0x0  }
0xdb: {  	[sflag:s15] =	ssyncadd.s32 $0xFFFFF800  }
0xdc: {  	[tilespmem:s14], [sflag:$0x1] =	stream.indirect.gather [hbm4b:s4+s18], $0x80, s16, s18, $0xb8;
	[tilespmem:$0x1D000] =	vst v63  }
0xdd: {  	_ =	swait.ge [sflag:s19], $0x4000  }
0xde: {  	[sflag:s19] =	ssyncset.done $0x0  }
0xdf: {  	[sflag:s19] =	ssyncadd.s32 $0xFFFFC000  }
0xe0: {  	[spmem:s1] =	stream.indirect.scatter.add.f32 [tilespmem:s14], [sflag:$0x3], $0x80, s17, s18, $0xb8;
	[tilespmem:$0x1D000] =	vst v63  }
0xe1: {  	s13 =	rddreg [dreg:$0x6]  }
0xe2: {  	[tilespmem:s20], [sflag:$0x2] =	stream.indirect.gather [hbm4b:s4+s18], $0x80, s13, s18, $0xb8;
	[tilespmem:$0x1D000] =	vst v63  }
0xe3: {  	_ =	swait.ge [sflag:s21], $0x4000  }
0xe4: {  	[sflag:s21] =	ssyncset.done $0x0  }
0xe5: {  	s13 =	rddreg [dreg:$0x7];
	[sflag:s21] =	ssyncadd.s32 $0xFFFFC000  }
0xe6: {  	[spmem:s1] =	stream.indirect.scatter.add.f32 [tilespmem:s20], [sflag:$0x4], $0x80, s13, s18, $0xb8;
	[tilespmem:$0x1D000] =	vst v63  }
0xe7: {  	_ =	swait.ge [sflag:s22], $0x4000  }
0xe8: {  	[sflag:s22] =	ssyncset.done $0x0  }
0xe9: {  	s13 =	rddreg [dreg:$0x8];
	[sflag:s22] =	ssyncadd.s32 $0xFFFFC000  }
0xea: {  	[tilespmem:s14], [sflag:$0x1] =	stream.indirect.gather [hbm4b:s4+s18], $0x80, s13, s18, $0xb8;
	[tilespmem:$0x1D000] =	vst v63  }
0xeb: {  	_ =	swait.ge [sflag:s19], $0x4000  }
0xec: {  	[sflag:s19] =	ssyncset.done $0x0  }
0xed: {  	s13 =	rddreg [dreg:$0x9];
	[sflag:s19] =	ssyncadd.s32 $0xFFFFC000  }
0xee: {  	[spmem:s1] =	stream.indirect.scatter.add.f32 [tilespmem:s14], [sflag:$0x3], $0x80, s13, s18, $0xb8;
	[tilespmem:$0x1D000] =	vst v63  }
0xef: {  	_ =	swait.ge [sflag:s23], $0x4000  }
0xf0: {  	[sflag:s23] =	ssyncset.done $0x0  }
0xf1: {  	s13 =	rddreg [dreg:$0xa];
	[sflag:s23] =	ssyncadd.s32 $0xFFFFC000  }
0xf2: {  	[tilespmem:s20], [sflag:$0x2] =	stream.indirect.gather [hbm4b:s4+s18], $0x80, s13, s18, $0xb8;
	[tilespmem:$0x1D000] =	vst v63  }
0xf3: {  	_ =	swait.ge [sflag:s21], $0x4000  }
0xf4: {  	[sflag:s21] =	ssyncset.done $0x0  }
0xf5: {  	s13 =	rddreg [dreg:$0xb];
	[sflag:s21] =	ssyncadd.s32 $0xFFFFC000  }
0xf6: {  	[spmem:s1] =	stream.indirect.scatter.add.f32 [tilespmem:s20], [sflag:$0x4], $0x80, s13, s18, $0xb8;
	[tilespmem:$0x1D000] =	vst v63  }
0xf7: {  	_ =	swait.ge [sflag:s22], $0x4000  }
0xf8: {  	[sflag:s22] =	ssyncset.done $0x0  }
0xf9: {  	s13 =	rddreg [dreg:$0xc];
	[sflag:s22] =	ssyncadd.s32 $0xFFFFC000  }
0xfa: {  	[tilespmem:s14], [sflag:$0x1] =	stream.indirect.gather [hbm4b:s4+s18], $0x80, s13, s18, $0xb8;
	[tilespmem:$0x1D000] =	vst v63  }
0xfb: {  	_ =	swait.ge [sflag:s19], $0x4000  }
0xfc: {  	[sflag:s19] =	ssyncset.done $0x0  }
0xfd: {  	s13 =	rddreg [dreg:$0xd];
	[sflag:s19] =	ssyncadd.s32 $0xFFFFC000  }
0xfe: {  	[spmem:s1] =	stream.indirect.scatter.add.f32 [tilespmem:s14], [sflag:$0x3], $0x80, s13, s18, $0xb8;
	[tilespmem:$0x1D000] =	vst v63  }
0xff: {  	_ =	swait.ge [sflag:s23], $0x4000  }
0x100: {  	[sflag:s23] =	ssyncset.done $0x0  }
0x101: {  	s13 =	rddreg [dreg:$0xe];
	[sflag:s23] =	ssyncadd.s32 $0xFFFFC000  }
0x102: {  	[tilespmem:s20], [sflag:$0x2] =	stream.indirect.gather [hbm4b:s4+s18], $0x80, s13, s18, $0xb8;
	[tilespmem:$0x1D000] =	vst v63  }
0x103: {  	_ =	swait.ge [sflag:s21], $0x4000  }
0x104: {  	[sflag:s21] =	ssyncset.done $0x0  }
0x105: {  	s13 =	rddreg [dreg:$0xf];
	[sflag:s21] =	ssyncadd.s32 $0xFFFFC000  }
0x106: {  	[spmem:s1] =	stream.indirect.scatter.add.f32 [tilespmem:s20], [sflag:$0x4], $0x80, s13, s18, $0xb8;
	[tilespmem:$0x1D000] =	vst v63  }
0x107: {  	_ =	swait.ge [sflag:s22], $0x4000  }
0x108: {  	[sflag:s22] =	ssyncset.done $0x0  }
0x109: {  	s13 =	rddreg [dreg:$0x10];
	[sflag:s22] =	ssyncadd.s32 $0xFFFFC000  }
0x10a: {  	[tilespmem:s14], [sflag:$0x1] =	stream.indirect.gather [hbm4b:s4+s18], $0x80, s13, s18, $0xb8;
	[tilespmem:$0x1D000] =	vst v63  }
0x10b: {  	_ =	swait.ge [sflag:s19], $0x4000  }
0x10c: {  	[sflag:s19] =	ssyncset.done $0x0  }
0x10d: {  	s13 =	rddreg [dreg:$0x11];
	[sflag:s19] =	ssyncadd.s32 $0xFFFFC000  }
0x10e: {  	[spmem:s1] =	stream.indirect.scatter.add.f32 [tilespmem:s14], [sflag:$0x3], $0x80, s13, s18, $0xb8;
	[tilespmem:$0x1D000] =	vst v63  }
0x10f: {  	_ =	swait.ge [sflag:s23], $0x4000  }
0x110: {  	[sflag:s23] =	ssyncset.done $0x0  }
0x111: {  	s13 =	rddreg [dreg:$0x12];
	[sflag:s23] =	ssyncadd.s32 $0xFFFFC000  }
0x112: {  	[tilespmem:s20], [sflag:$0x2] =	stream.indirect.gather [hbm4b:s4+s18], $0x80, s13, s18, $0xb8;
	[tilespmem:$0x1D000] =	vst v63  }
0x113: {  	_ =	swait.ge [sflag:s21], $0x4000  }
0x114: {  	[sflag:s21] =	ssyncset.done $0x0  }
0x115: {  	s13 =	rddreg [dreg:$0x13];
	[sflag:s21] =	ssyncadd.s32 $0xFFFFC000  }
0x116: {  	[spmem:s1] =	stream.indirect.scatter.add.f32 [tilespmem:s20], [sflag:$0x4], $0x80, s13, s18, $0xb8;
	[tilespmem:$0x1D000] =	vst v63  }
0x117: {  	_ =	swait.ge [sflag:s22], $0x4000  }
0x118: {  	[sflag:s22] =	ssyncset.done $0x0  }
0x119: {  	s13 =	rddreg [dreg:$0x14];
	[sflag:s22] =	ssyncadd.s32 $0xFFFFC000  }
0x11a: {  	[tilespmem:s14], [sflag:$0x1] =	stream.indirect.gather [hbm4b:s4+s18], $0x80, s13, s18, $0xb8;
	[tilespmem:$0x1D000] =	vst v63  }
0x11b: {  	_ =	swait.ge [sflag:s19], $0x4000  }
0x11c: {  	[sflag:s19] =	ssyncset.done $0x0  }
0x11d: {  	s13 =	rddreg [dreg:$0x15];
	[sflag:s19] =	ssyncadd.s32 $0xFFFFC000  }
0x11e: {  	[spmem:s1] =	stream.indirect.scatter.add.f32 [tilespmem:s14], [sflag:$0x3], $0x80, s13, s18, $0xb8;
	[tilespmem:$0x1D000] =	vst v63  }
0x11f: {  	_ =	swait.ge [sflag:s23], $0x4000  }
0x120: {  	[sflag:s23] =	ssyncset.done $0x0  }
0x121: {  	s13 =	rddreg [dreg:$0x16];
	[sflag:s23] =	ssyncadd.s32 $0xFFFFC000  }
0x122: {  	[tilespmem:s20], [sflag:$0x2] =	stream.indirect.gather [hbm4b:s4+s18], $0x80, s13, s18, $0xb8;
	[tilespmem:$0x1D000] =	vst v63  }
0x123: {  	_ =	swait.ge [sflag:s21], $0x4000  }
0x124: {  	[sflag:s21] =	ssyncset.done $0x0  }
0x125: {  	s13 =	rddreg [dreg:$0x17];
	[sflag:s21] =	ssyncadd.s32 $0xFFFFC000  }
0x126: {  	[spmem:s1] =	stream.indirect.scatter.add.f32 [tilespmem:s20], [sflag:$0x4], $0x80, s13, s18, $0xb8;
	[tilespmem:$0x1D000] =	vst v63  }
0x127: {  	_ =	swait.ge [sflag:s22], $0x4000  }
0x128: {  	[sflag:s22] =	ssyncset.done $0x0  }
0x129: {  	s13 =	rddreg [dreg:$0x18];
	[sflag:s22] =	ssyncadd.s32 $0xFFFFC000  }
0x12a: {  	[tilespmem:s14], [sflag:$0x1] =	stream.indirect.gather [hbm4b:s4+s18], $0x80, s13, s18, $0xb8;
	[tilespmem:$0x1D000] =	vst v63  }
0x12b: {  	_ =	swait.ge [sflag:s19], $0x4000  }
0x12c: {  	[sflag:s19] =	ssyncset.done $0x0  }
0x12d: {  	[sflag:s19] =	ssyncadd.s32 $0xFFFFC000  }
0x12e: {  	[spmem:s1] =	stream.indirect.scatter.add.f32 [tilespmem:s14], [sflag:$0x3], $0x80, s24, s18, $0xb8;
	[tilespmem:$0x1D000] =	vst v63  }
0x12f: {  	_ =	swait.ge [sflag:s23], $0x4000  }
0x130: {  	[sflag:s23] =	ssyncset.done $0x0  }
0x131: {  	[sflag:s23] =	ssyncadd.s32 $0xFFFFC000  }
0x132: {  	[tilespmem:s20], [sflag:$0x2] =	stream.indirect.gather [hbm4b:s4+s18], $0x80, s25, s18, $0xb8;
	[tilespmem:$0x1D000] =	vst v63  }
0x133: {  	_ =	swait.ge [sflag:s21], $0x4000  }
0x134: {  	[sflag:s21] =	ssyncset.done $0x0  }
0x135: {  	[sflag:s21] =	ssyncadd.s32 $0xFFFFC000  }
0x136: {  	[spmem:s1] =	stream.indirect.scatter.add.f32 [tilespmem:s20], [sflag:$0x4], $0x80, s26, s18, $0xb8;
	[tilespmem:$0x1D000] =	vst v63  }
0x137: {  	_ =	swait.ge [sflag:s22], $0x4000  }
0x138: {  	[sflag:s22] =	ssyncset.done $0x0  }
0x139: {  	[sflag:s22] =	ssyncadd.s32 $0xFFFFC000  }
0x13a: {  	[tilespmem:s14], [sflag:$0x1] =	stream.indirect.gather [hbm4b:s4+s18], $0x80, s28, s18, $0xb8;
	[tilespmem:$0x1D000] =	vst v63  }
0x13b: {  	_ =	swait.ge [sflag:s19], $0x4000  }
0x13c: {  	[sflag:s19] =	ssyncset.done $0x0  }
0x13d: {  	[sflag:s19] =	ssyncadd.s32 $0xFFFFC000  }
0x13e: {  	[spmem:s1] =	stream.indirect.scatter.add.f32 [tilespmem:s14], [sflag:$0x3], $0x80, s29, s18, $0xb8;
	[tilespmem:$0x1D000] =	vst v63  }
0x13f: {  	_ =	swait.ge [sflag:s23], $0x4000  }
0x140: {  	[sflag:s23] =	ssyncset.done $0x0  }
0x141: {  	[sflag:s23] =	ssyncadd.s32 $0xFFFFC000  }
0x142: {  	[tilespmem:s20], [sflag:$0x2] =	stream.indirect.gather [hbm4b:s4+s18], $0x80, s30, s18, $0xb8;
	[tilespmem:$0x1D000] =	vst v63  }
0x143: {  	_ =	swait.ge [sflag:s21], $0x4000  }
0x144: {  	[sflag:s21] =	ssyncset.done $0x0  }
0x145: {  	[sflag:s21] =	ssyncadd.s32 $0xFFFFC000  }
0x146: {  	[spmem:s1] =	stream.indirect.scatter.add.f32 [tilespmem:s20], [sflag:$0x4], $0x80, s31, s18, $0xb8;
	[tilespmem:$0x1D000] =	vst v63  }
0x147: {  	_ =	swait.ge [sflag:s22], $0x4000  }
0x148: {  	[sflag:s22] =	ssyncset.done $0x0  }
0x149: {  	[sflag:s22] =	ssyncadd.s32 $0xFFFFC000  }
0x14a: {  	[tilespmem:s14], [sflag:$0x1] =	stream.indirect.gather [hbm4b:s4+s18], $0x80, s0, s18, $0xb8;
	[tilespmem:$0x1D000] =	vst v63  }
0x14b: {  	_ =	swait.ge [sflag:s19], $0x4000  }
0x14c: {  	[sflag:s19] =	ssyncset.done $0x0  }
0x14d: {  	[sflag:s19] =	ssyncadd.s32 $0xFFFFC000  }
0x14e: {  	[spmem:s1] =	stream.indirect.scatter.add.f32 [tilespmem:s14], [sflag:$0x3], $0x80, s2, s18, $0xb8;
	[tilespmem:$0x1D000] =	vst v63  }
0x14f: {  	_ =	swait.ge [sflag:s23], $0x4000  }
0x150: {  	[sflag:s23] =	ssyncset.done $0x0  }
0x151: {  	[sflag:s23] =	ssyncadd.s32 $0xFFFFC000  }
0x152: {  	[tilespmem:s20], [sflag:$0x2] =	stream.indirect.gather [hbm4b:s4+s18], $0x80, s8, s18, $0xb8;
	[tilespmem:$0x1D000] =	vst v63  }
0x153: {  	p1 =	sne.s32 s12, $0x1;
	_ =	swait.ge [sflag:s21], $0x4000  }
.Ltmp3:
0x154: {  	[sflag:s21] =	ssyncset.done $0x0;
	(pc) =	sbr.rel @p1 .LBB2_7-.Ltmp3, $4  }
0x155: {  	[sflag:s21] =	ssyncadd.s32 $0xFFFFC000  }
0x156: {  	[spmem:s1] =	stream.indirect.scatter.add.f32 [tilespmem:s20], [sflag:$0x4], $0x80, s9, s18, $0xb8;
	[tilespmem:$0x1D000] =	vst v63  }
0x157: {  	_ =	swait.ge [sflag:s23], $0x4000  }
0x158: {  	s12 =	sadd.s32 $0xFFFFFFFF, s12;
	s13 =	rddreg [dreg:$0x4];
	[sflag:s23] =	ssyncset.done $0x0  }
.LBB2_8:
0x159: {  	s5 =	sadd.s32 @p0 $0x800, s6;
	s6 =	smov.u32 s11  }
0x15a: {  	s6 =	smov.u32 @p0 s5  }
0x15b: {  	s5 =	sshrl.u32 s6, $0x3  }
0x15c: {  	[sflag:s23] =	ssyncadd.s32 @p0 $0xFFFFC000;
	s6 =	sadd.s32 s13, s5  }
0x15d: {  	[tilespmem:s16], [sflag:$0x5] =	stream.linear.gather [hbm4b:s6+s3], $0x800, $0x38;
	[tilespmem:$0x1D000] =	vst v63  }
0x15e: {  	_ =	swait.ge [sflag:s15], $0x800  }
0x15f: {  	s13 =	rddreg [dreg:$0x5];
	[sflag:s15] =	ssyncset.done $0x0  }
0x160: {  	[sflag:s15] =	ssyncadd.s32 $0xFFFFF800;
	s5 =	sadd.s32 s13, s5  }
0x161: {  	[tilespmem:s17], [sflag:$0x5] =	stream.linear.gather [hbm4b:s5+s3], $0x800, $0x38;
	[tilespmem:$0x1D000] =	vst v63  }
0x162: {  	_ =	swait.ge [sflag:s15], $0x800  }
0x163: {  	[sflag:s15] =	ssyncset.done $0x0  }
0x164: {  	[sflag:s15] =	ssyncadd.s32 $0xFFFFF800  }
0x165: {  	[tilespmem:s14], [sflag:$0x1] =	stream.indirect.gather [hbm4b:s4+s18], $0x80, s16, s18, $0xb8;
	[tilespmem:$0x1D000] =	vst v63  }
0x166: {  	_ =	swait.ge [sflag:s19], $0x4000  }
0x167: {  	[sflag:s19] =	ssyncset.done $0x0  }
0x168: {  	[sflag:s19] =	ssyncadd.s32 $0xFFFFC000  }
0x169: {  	[spmem:s1] =	stream.indirect.scatter.add.f32 [tilespmem:s14], [sflag:$0x3], $0x80, s17, s18, $0xb8;
	[tilespmem:$0x1D000] =	vst v63  }
0x16a: {  	s6 =	rddreg [dreg:$0x6]  }
0x16b: {  	[tilespmem:s20], [sflag:$0x2] =	stream.indirect.gather [hbm4b:s4+s18], $0x80, s6, s18, $0xb8;
	[tilespmem:$0x1D000] =	vst v63  }
0x16c: {  	_ =	swait.ge [sflag:s21], $0x4000  }
0x16d: {  	[sflag:s21] =	ssyncset.done $0x0  }
0x16e: {  	s12 =	rddreg [dreg:$0x7];
	[sflag:s21] =	ssyncadd.s32 $0xFFFFC000  }
0x16f: {  	[spmem:s1] =	stream.indirect.scatter.add.f32 [tilespmem:s20], [sflag:$0x4], $0x80, s12, s18, $0xb8;
	[tilespmem:$0x1D000] =	vst v63  }
0x170: {  	_ =	swait.ge [sflag:s22], $0x4000  }
0x171: {  	[sflag:s22] =	ssyncset.done $0x0  }
0x172: {  	s13 =	rddreg [dreg:$0x8];
	[sflag:s22] =	ssyncadd.s32 $0xFFFFC000  }
0x173: {  	[tilespmem:s14], [sflag:$0x1] =	stream.indirect.gather [hbm4b:s4+s18], $0x80, s13, s18, $0xb8;
	[tilespmem:$0x1D000] =	vst v63  }
0x174: {  	_ =	swait.ge [sflag:s19], $0x4000  }
0x175: {  	[sflag:s19] =	ssyncset.done $0x0  }
0x176: {  	s6 =	rddreg [dreg:$0x9];
	[sflag:s19] =	ssyncadd.s32 $0xFFFFC000  }
0x177: {  	[spmem:s1] =	stream.indirect.scatter.add.f32 [tilespmem:s14], [sflag:$0x3], $0x80, s6, s18, $0xb8;
	[tilespmem:$0x1D000] =	vst v63  }
0x178: {  	_ =	swait.ge [sflag:s23], $0x4000  }
0x179: {  	[sflag:s23] =	ssyncset.done $0x0  }
0x17a: {  	s12 =	rddreg [dreg:$0xa];
	[sflag:s23] =	ssyncadd.s32 $0xFFFFC000  }
0x17b: {  	[tilespmem:s20], [sflag:$0x2] =	stream.indirect.gather [hbm4b:s4+s18], $0x80, s12, s18, $0xb8;
	[tilespmem:$0x1D000] =	vst v63  }
0x17c: {  	_ =	swait.ge [sflag:s21], $0x4000  }
0x17d: {  	[sflag:s21] =	ssyncset.done $0x0  }
0x17e: {  	s13 =	rddreg [dreg:$0xb];
	[sflag:s21] =	ssyncadd.s32 $0xFFFFC000  }
0x17f: {  	[spmem:s1] =	stream.indirect.scatter.add.f32 [tilespmem:s20], [sflag:$0x4], $0x80, s13, s18, $0xb8;
	[tilespmem:$0x1D000] =	vst v63  }
0x180: {  	_ =	swait.ge [sflag:s22], $0x4000  }
0x181: {  	[sflag:s22] =	ssyncset.done $0x0  }
0x182: {  	s6 =	rddreg [dreg:$0xc];
	[sflag:s22] =	ssyncadd.s32 $0xFFFFC000  }
0x183: {  	[tilespmem:s14], [sflag:$0x1] =	stream.indirect.gather [hbm4b:s4+s18], $0x80, s6, s18, $0xb8;
	[tilespmem:$0x1D000] =	vst v63  }
0x184: {  	_ =	swait.ge [sflag:s19], $0x4000  }
0x185: {  	[sflag:s19] =	ssyncset.done $0x0  }
0x186: {  	s12 =	rddreg [dreg:$0xd];
	[sflag:s19] =	ssyncadd.s32 $0xFFFFC000  }
0x187: {  	[spmem:s1] =	stream.indirect.scatter.add.f32 [tilespmem:s14], [sflag:$0x3], $0x80, s12, s18, $0xb8;
	[tilespmem:$0x1D000] =	vst v63  }
0x188: {  	_ =	swait.ge [sflag:s23], $0x4000  }
0x189: {  	[sflag:s23] =	ssyncset.done $0x0  }
0x18a: {  	s13 =	rddreg [dreg:$0xe];
	[sflag:s23] =	ssyncadd.s32 $0xFFFFC000  }
0x18b: {  	[tilespmem:s20], [sflag:$0x2] =	stream.indirect.gather [hbm4b:s4+s18], $0x80, s13, s18, $0xb8;
	[tilespmem:$0x1D000] =	vst v63  }
0x18c: {  	_ =	swait.ge [sflag:s21], $0x4000  }
0x18d: {  	[sflag:s21] =	ssyncset.done $0x0  }
0x18e: {  	s6 =	rddreg [dreg:$0xf];
	[sflag:s21] =	ssyncadd.s32 $0xFFFFC000  }
0x18f: {  	[spmem:s1] =	stream.indirect.scatter.add.f32 [tilespmem:s20], [sflag:$0x4], $0x80, s6, s18, $0xb8;
	[tilespmem:$0x1D000] =	vst v63  }
0x190: {  	_ =	swait.ge [sflag:s22], $0x4000  }
0x191: {  	[sflag:s22] =	ssyncset.done $0x0  }
0x192: {  	s12 =	rddreg [dreg:$0x10];
	[sflag:s22] =	ssyncadd.s32 $0xFFFFC000  }
0x193: {  	[tilespmem:s14], [sflag:$0x1] =	stream.indirect.gather [hbm4b:s4+s18], $0x80, s12, s18, $0xb8;
	[tilespmem:$0x1D000] =	vst v63  }
0x194: {  	_ =	swait.ge [sflag:s19], $0x4000  }
0x195: {  	[sflag:s19] =	ssyncset.done $0x0  }
0x196: {  	s13 =	rddreg [dreg:$0x11];
	[sflag:s19] =	ssyncadd.s32 $0xFFFFC000  }
0x197: {  	[spmem:s1] =	stream.indirect.scatter.add.f32 [tilespmem:s14], [sflag:$0x3], $0x80, s13, s18, $0xb8;
	[tilespmem:$0x1D000] =	vst v63  }
0x198: {  	_ =	swait.ge [sflag:s23], $0x4000  }
0x199: {  	[sflag:s23] =	ssyncset.done $0x0  }
0x19a: {  	s6 =	rddreg [dreg:$0x12];
	[sflag:s23] =	ssyncadd.s32 $0xFFFFC000  }
0x19b: {  	[tilespmem:s20], [sflag:$0x2] =	stream.indirect.gather [hbm4b:s4+s18], $0x80, s6, s18, $0xb8;
	[tilespmem:$0x1D000] =	vst v63  }
0x19c: {  	_ =	swait.ge [sflag:s21], $0x4000  }
0x19d: {  	[sflag:s21] =	ssyncset.done $0x0  }
0x19e: {  	s12 =	rddreg [dreg:$0x13];
	[sflag:s21] =	ssyncadd.s32 $0xFFFFC000  }
0x19f: {  	[spmem:s1] =	stream.indirect.scatter.add.f32 [tilespmem:s20], [sflag:$0x4], $0x80, s12, s18, $0xb8;
	[tilespmem:$0x1D000] =	vst v63  }
0x1a0: {  	_ =	swait.ge [sflag:s22], $0x4000  }
0x1a1: {  	[sflag:s22] =	ssyncset.done $0x0  }
0x1a2: {  	s13 =	rddreg [dreg:$0x14];
	[sflag:s22] =	ssyncadd.s32 $0xFFFFC000  }
0x1a3: {  	[tilespmem:s14], [sflag:$0x1] =	stream.indirect.gather [hbm4b:s4+s18], $0x80, s13, s18, $0xb8;
	[tilespmem:$0x1D000] =	vst v63  }
0x1a4: {  	_ =	swait.ge [sflag:s19], $0x4000  }
0x1a5: {  	[sflag:s19] =	ssyncset.done $0x0  }
0x1a6: {  	s6 =	rddreg [dreg:$0x15];
	[sflag:s19] =	ssyncadd.s32 $0xFFFFC000  }
0x1a7: {  	[spmem:s1] =	stream.indirect.scatter.add.f32 [tilespmem:s14], [sflag:$0x3], $0x80, s6, s18, $0xb8;
	[tilespmem:$0x1D000] =	vst v63  }
0x1a8: {  	_ =	swait.ge [sflag:s23], $0x4000  }
0x1a9: {  	[sflag:s23] =	ssyncset.done $0x0  }
0x1aa: {  	s12 =	rddreg [dreg:$0x16];
	[sflag:s23] =	ssyncadd.s32 $0xFFFFC000  }
0x1ab: {  	[tilespmem:s20], [sflag:$0x2] =	stream.indirect.gather [hbm4b:s4+s18], $0x80, s12, s18, $0xb8;
	[tilespmem:$0x1D000] =	vst v63  }
0x1ac: {  	_ =	swait.ge [sflag:s21], $0x4000  }
0x1ad: {  	[sflag:s21] =	ssyncset.done $0x0  }
0x1ae: {  	s13 =	rddreg [dreg:$0x17];
	[sflag:s21] =	ssyncadd.s32 $0xFFFFC000  }
0x1af: {  	[spmem:s1] =	stream.indirect.scatter.add.f32 [tilespmem:s20], [sflag:$0x4], $0x80, s13, s18, $0xb8;
	[tilespmem:$0x1D000] =	vst v63  }
0x1b0: {  	_ =	swait.ge [sflag:s22], $0x4000  }
0x1b1: {  	[sflag:s22] =	ssyncset.done $0x0  }
0x1b2: {  	s6 =	rddreg [dreg:$0x18];
	[sflag:s22] =	ssyncadd.s32 $0xFFFFC000  }
0x1b3: {  	[tilespmem:s14], [sflag:$0x1] =	stream.indirect.gather [hbm4b:s4+s18], $0x80, s6, s18, $0xb8;
	[tilespmem:$0x1D000] =	vst v63  }
0x1b4: {  	_ =	swait.ge [sflag:s19], $0x4000  }
0x1b5: {  	[sflag:s19] =	ssyncset.done $0x0  }
0x1b6: {  	[sflag:s19] =	ssyncadd.s32 $0xFFFFC000  }
0x1b7: {  	[spmem:s1] =	stream.indirect.scatter.add.f32 [tilespmem:s14], [sflag:$0x3], $0x80, s24, s18, $0xb8;
	[tilespmem:$0x1D000] =	vst v63  }
0x1b8: {  	_ =	swait.ge [sflag:s23], $0x4000  }
0x1b9: {  	[sflag:s23] =	ssyncset.done $0x0  }
0x1ba: {  	[sflag:s23] =	ssyncadd.s32 $0xFFFFC000  }
0x1bb: {  	[tilespmem:s20], [sflag:$0x2] =	stream.indirect.gather [hbm4b:s4+s18], $0x80, s25, s18, $0xb8;
	[tilespmem:$0x1D000] =	vst v63  }
0x1bc: {  	_ =	swait.ge [sflag:s21], $0x4000  }
0x1bd: {  	[sflag:s21] =	ssyncset.done $0x0  }
0x1be: {  	[sflag:s21] =	ssyncadd.s32 $0xFFFFC000  }
0x1bf: {  	[spmem:s1] =	stream.indirect.scatter.add.f32 [tilespmem:s20], [sflag:$0x4], $0x80, s26, s18, $0xb8;
	[tilespmem:$0x1D000] =	vst v63  }
0x1c0: {  	_ =	swait.ge [sflag:s22], $0x4000  }
0x1c1: {  	[sflag:s22] =	ssyncset.done $0x0  }
0x1c2: {  	[sflag:s22] =	ssyncadd.s32 $0xFFFFC000  }
0x1c3: {  	[tilespmem:s14], [sflag:$0x1] =	stream.indirect.gather [hbm4b:s4+s18], $0x80, s28, s18, $0xb8;
	[tilespmem:$0x1D000] =	vst v63  }
0x1c4: {  	_ =	swait.ge [sflag:s19], $0x4000  }
0x1c5: {  	[sflag:s19] =	ssyncset.done $0x0  }
0x1c6: {  	[sflag:s19] =	ssyncadd.s32 $0xFFFFC000  }
0x1c7: {  	[spmem:s1] =	stream.indirect.scatter.add.f32 [tilespmem:s14], [sflag:$0x3], $0x80, s29, s18, $0xb8;
	[tilespmem:$0x1D000] =	vst v63  }
0x1c8: {  	_ =	swait.ge [sflag:s23], $0x4000  }
0x1c9: {  	[sflag:s23] =	ssyncset.done $0x0  }
0x1ca: {  	[sflag:s23] =	ssyncadd.s32 $0xFFFFC000  }
0x1cb: {  	[tilespmem:s20], [sflag:$0x2] =	stream.indirect.gather [hbm4b:s4+s18], $0x80, s30, s18, $0xb8;
	[tilespmem:$0x1D000] =	vst v63  }
0x1cc: {  	_ =	swait.ge [sflag:s21], $0x4000  }
0x1cd: {  	[sflag:s21] =	ssyncset.done $0x0  }
0x1ce: {  	[sflag:s21] =	ssyncadd.s32 $0xFFFFC000  }
0x1cf: {  	[spmem:s1] =	stream.indirect.scatter.add.f32 [tilespmem:s20], [sflag:$0x4], $0x80, s31, s18, $0xb8;
	[tilespmem:$0x1D000] =	vst v63  }
0x1d0: {  	_ =	swait.ge [sflag:s22], $0x4000  }
0x1d1: {  	[sflag:s22] =	ssyncset.done $0x0  }
0x1d2: {  	[sflag:s22] =	ssyncadd.s32 $0xFFFFC000  }
0x1d3: {  	[tilespmem:s14], [sflag:$0x1] =	stream.indirect.gather [hbm4b:s4+s18], $0x80, s0, s18, $0xb8;
	[tilespmem:$0x1D000] =	vst v63  }
0x1d4: {  	_ =	swait.ge [sflag:s19], $0x4000  }
0x1d5: {  	[sflag:s19] =	ssyncset.done $0x0  }
0x1d6: {  	[sflag:s19] =	ssyncadd.s32 $0xFFFFC000  }
0x1d7: {  	[spmem:s1] =	stream.indirect.scatter.add.f32 [tilespmem:s14], [sflag:$0x3], $0x80, s2, s18, $0xb8;
	[tilespmem:$0x1D000] =	vst v63  }
0x1d8: {  	_ =	swait.ge [sflag:s23], $0x4000  }
0x1d9: {  	[sflag:s23] =	ssyncset.done $0x0  }
0x1da: {  	[sflag:s23] =	ssyncadd.s32 $0xFFFFC000  }
0x1db: {  	[tilespmem:s20], [sflag:$0x2] =	stream.indirect.gather [hbm4b:s4+s18], $0x80, s8, s18, $0xb8;
	[tilespmem:$0x1D000] =	vst v63  }
0x1dc: {  	_ =	swait.ge [sflag:s21], $0x4000  }
0x1dd: {  	[sflag:s21] =	ssyncset.done $0x0  }
0x1de: {  	[sflag:s21] =	ssyncadd.s32 $0xFFFFC000  }
0x1df: {  	[spmem:s1] =	stream.indirect.scatter.add.f32 [tilespmem:s20], [sflag:$0x4], $0x80, s9, s18, $0xb8;
	[tilespmem:$0x1D000] =	vst v63  }
0x1e0: {  	_ =	swait.ge [sflag:s23], $0x4000  }
0x1e1: {  	[sflag:s23] =	ssyncset.done $0x0  }
0x1e2: {  	s12 =	stileid.u32;
	[sflag:s23] =	ssyncadd.s32 $0xFFFFC000  }
0x1e3: {  	s5 =	sshll.u32 s12, $0x6;
	[bflag:$0x0] =	sbarrier.arrive $0xFFFF  }
0x1e4: {  	s5 =	sor.u32 $0x1C05, s5;
	s13 =	sshrl.u32 s7, $0x3;
	s12 =	rddreg [dreg:$0x1a]  }
0x1e5: {  	[hbm:s12], [sflag:s5] =	dma.local [spmem:s13], $0x2800  }
0x1e6: {  	_ =	swait.ge [sflag:s15], $0x2800  }
0x1e7: {  	s10 =	sadd.s32 $0x1, s10;
	s13 =	rddreg [dreg:$0x1b]  }
0x1e8: {  	p0 =	sne.s32 s10, s13  }
.Ltmp4:
0x1e9: {  	_ = 	snop;
	(pc) =	sbr.rel @p0 .LBB2_1-.Ltmp4, $4  }
.Ltmp5:
0x1ea: {  	_ = 	snop;
	(pc) =	sbr.rel @!p0 .LBB2_9-.Ltmp5, $4  }
0x1eb: {  	_ = 	snop  }
0x1ec: {  	[sflag:s15] =	ssyncset.done $0x0  }
0x1ed: {  	[sflag:s15] =	ssyncadd.s32 $0xFFFFD800  }
0x1ee: {  	_ = 	snop  }
.LBB2_4:
.Ltmp6:
0x1ef: {  	(pc) =	sbr.rel .LBB2_8-.Ltmp6, $2  }
0x1f0: {  	_ =	sdelay $0x2  }
0x1f1: {  	s6 =	smov.u32 s11  }
.LBB2_6:
.Ltmp7:
0x1f2: {  	(pc) =	sbr.rel .LBB2_8-.Ltmp7, $2  }
0x1f3: {  	_ =	sdelay $0x2  }
0x1f4: {  	s6 =	smov.u32 s11  }
.LBB2_9:
0x1f5: {  	_ =	sfence.sel $0x180000  }
0x1f6: {  	[bflag:$0x0] =	sbarrier.arrive $0xFFFF  }
0x1f7: {  	_ =	strace $0x9000004D  }
0x1f8: {  	s0 =	stileid.u32;
	[bflag:$0x2] =	sbarrier.arrive $0xFFFF  }
0x1f9: {  	p0 =	sne.s32 s0, $0x0;
	s0 =	rddreg [dreg:$0x3]  }
0x1fa: {  	s0 =	sadd.s32 @!p0 $0x100000, s0  }
0x1fb: {  	[sflag:s0] =	ssyncadd.tile.s32 @!p0 $0x1;
	_ =	shalt  }
.Lfunc_end2:
_tile_overlayer_lowered:
.L_overlay_start_2:
0x1fc: {  	(tag) =	ssettag $0x2  }
0x1fd: {  	s0 =	rddreg [dreg:$0x0];
	s2 =	stileid.u32  }
0x1fe: {  	s1 =	rddreg [dreg:$0x1];
	p0 =	sne.s32 s2, $0x0  }
0x1ff: {  	s3 =	rddreg [dreg:$0x2];
	[bflag:$0x3] =	sbarrier.arrive $0xFFFF;
	s2 =	simm.s32 @!p0 $0x1C05  }
0x200: {  	[timem:s3], [sflag:s2] =	dma.local @!p0 [hbm:s0], s1  }
0x201: {  	s0 =	simm.s32 @!p0 $0x5  }
0x202: {  	_ =	swait.ge @!p0 [sflag:s0], s1  }
0x203: {  	s1 =	ssub.s32 @!p0 $0x0, s1;
	[sflag:s0] =	ssyncset.done @!p0 $0x0  }
0x204: {  	[sflag:s0] =	ssyncadd.s32 @!p0 s1  }
0x205: {  	[bflag:$0x3] =	sbarrier.arrive $0xFFFF  }
0x206: {  	_ =	shalt  }

// kernel: kernel.9.cloned.1.call-start
scs
__scs_entry_jumppad:
0x0: {  	(pc) =	sbr.rel $0x88, $3  }
0x1: {  	(tag) =	ssettag $0x0;
	lr =	simm.s32 $0x1  }
0x2: {  	[smem:$0x3F9B] =	sst lr;
	_ =	strace $0xD0000000  }
0x3: {  	_ = 	snop  }
0x4: {  	_ = 	snop  }
0x5: {  	_ = 	snop  }
0x6: {  	_ = 	snop  }
0x7: {  	_ = 	snop  }
__scs_overlays_trampoline_lowered:
0x8: {  	[smem:$0x3FAA] =	sst s0  }
0x9: {  	[smem:$0x3FAB] =	sst s1  }
0xa: {  	[smem:$0x3FAC] =	sst s2  }
0xb: {  	[smem:$0x3FAD] =	sst s3  }
0xc: {  	[smem:$0x3FAE] =	sst s4  }
0xd: {  	[smem:$0x3FAF] =	sst s5  }
0xe: {  	[smem:$0x3FB0] =	sst s6  }
0xf: {  	[smem:$0x3FB1] =	sst s7  }
0x10: {  	[smem:$0x3FB2] =	sst s8  }
0x11: {  	[smem:$0x3FB3] =	sst s9;
	s0 =	simm.s32 @!p0 $0x0  }
0x12: {  	s1 =	sld [smem:$0x3F99];
	s0 =	simm.s32 @p0 $0x1  }
0x13: {  	[smem:$0x3FB4] =	sst s0;
	s0 =	simm.s32 @!p1 $0x0  }
0x14: {  	s2 =	sld [smem:$0x3F98];
	s0 =	simm.s32 @p1 $0x1  }
0x15: {  	[smem:$0x3FB5] =	sst s0;
	s0 =	simm.s32 @!p2 $0x0  }
0x16: {  	s3 =	sld [smem:$0x3FDB];
	s0 =	simm.s32 @p2 $0x1  }
0x17: {  	s4 =	simm.s32 $0x1BF5;
	[smem:$0x3FB7] =	sst s0  }
0x18: {  	s0 =	sld [smem:$0x3F9A];
	_ =	swait.ge [sflag:s4], $0x0  }
0x19: {  	s7 =	sld [smem:$0x3F9B]  }
0x1a: {  	s8 =	sadd.s32 $0xFFFFE003, lr  }
0x1b: {  	s9 =	sadd.s32 $0xFFFFFEF7, lr;
	s5 =	simm.s32 $0xFFFFFFFF;
	p2 =	slt.u32 s8, $0xFFFFF086  }
0x1c: {  	p1 =	slt.u32 s9, $0xF7A;
	s5 =	simm.s32 @!p2 $0x0  }
0x1d: {  	s5 =	simm.s32 @p1 $0x1;
	p0 =	seq.s32 s7, s2  }
0x1e: {  	s7 =	smul.u32 @!p0 $0xF7A, s2;
	p2 =	seq.s32 @!p0 s5, $0x0  }
0x1f: {  	s9 =	smul.u32 $0xF7A, s1;
	s8 =	simm.s32 @!p0 $0x1BF5;
	p2 =	por !p2, p0  }
0x20: {  	[sflag:s8] =	ssyncset.s32 @!p0 $0xFFFFF086;
	s6 =	sadd.s32 @!p0 s3, s7;
	s7 =	simm.s32 @!p0 $0x108  }
0x21: {  	s3 =	sadd.s32 s3, s9;
	s6 =	sadd.s32 @!p0 $0x88, s6;
	s7 =	simm.s32 @p2 $0x1082  }
0x22: {  	[simem:s7], [sflag:s8] =	dma.local @!p0 [hbm:s6], $0xF7A  }
0x23: {  	s9 =	sor.u32 $0xD0000000, s2;
	s6 =	simm.s32 $0x108;
	_ =	swait.ge @!p0 [sflag:s8], $0x0  }
0x24: {  	s3 =	sadd.s32 $0x88, s3;
	s6 =	simm.s32 @!p1 $0x1082;
	[sflag:s4] =	ssyncset.s32 $0xFFFFF086  }
0x25: {  	[simem:s6], [sflag:s4] =	dma.local [hbm:s3], $0xF7A  }
0x26: {  	[smem:$0x3F9B] =	sst s1;
	(tag) =	ssettag s2;
	_ =	strace s9  }
0x27: {  	s1 =	sld [smem:$0x3FAB]  }
0x28: {  	s2 =	sld [smem:$0x3FAC]  }
0x29: {  	s4 =	sld [smem:$0x3FAE]  }
0x2a: {  	p0 =	seq.s32 s5, $0x0;
	s5 =	sld [smem:$0x3FAF]  }
0x2b: {  	s6 =	sld [smem:$0x3FB0]  }
0x2c: {  	s7 =	sld [smem:$0x3FB1]  }
0x2d: {  	s3 =	simm.s32 $0x108;
	s8 =	sld [smem:$0x3FB2]  }
0x2e: {  	s3 =	simm.s32 @!p0 $0x1082;
	s9 =	sld [smem:$0x3FB3]  }
0x2f: {  	lr =	sadd.s32 s0, s3;
	s0 =	sld [smem:$0x3FAA]  }
0x30: {  	s3 =	sld [smem:$0x3FAD]  }
0x31: {  	[smem:$0x3FB6] =	sst s10  }
0x32: {  	s10 =	sld [smem:$0x3FB4];
	_ =	sdelay $0x3  }
0x33: {  	p0 =	seq.s32 s10, $0x1;
	s10 =	sld [smem:$0x3FB6];
	_ =	sdelay $0x3  }
0x34: {  	[smem:$0x3FB6] =	sst s10  }
0x35: {  	s10 =	sld [smem:$0x3FB5];
	_ =	sdelay $0x3  }
0x36: {  	p1 =	seq.s32 s10, $0x1;
	s10 =	sld [smem:$0x3FB6];
	_ =	sdelay $0x3  }
0x37: {  	[smem:$0x3FB6] =	sst s10  }
0x38: {  	s10 =	sld [smem:$0x3FB7]  }
0x39: {  	_ = 	snop;
	(pc) =	sbr.ind lr, $3  }
0x3a: {  	_ = 	snop  }
0x3b: {  	_ = 	snop  }
0x3c: {  	p2 =	seq.s32 s10, $0x1;
	s10 =	sld [smem:$0x3FB6]  }
0x3d: {  	_ =	shalt  }
0x3e: {  	_ =	shalt  }
0x3f: {  	_ =	shalt  }
0x40: {  	_ =	shalt  }
0x41: {  	_ =	shalt  }
0x42: {  	_ =	shalt  }
0x43: {  	_ =	shalt  }
0x44: {  	_ =	shalt  }
0x45: {  	_ =	shalt  }
0x46: {  	_ =	shalt  }
0x47: {  	_ =	shalt  }
0x48: {  	_ =	shalt  }
0x49: {  	_ =	shalt  }
0x4a: {  	_ =	shalt  }
0x4b: {  	_ =	shalt  }
0x4c: {  	_ =	shalt  }
0x4d: {  	_ =	shalt  }
0x4e: {  	_ =	shalt  }
0x4f: {  	_ =	shalt  }
0x50: {  	_ =	shalt  }
0x51: {  	_ =	shalt  }
0x52: {  	_ =	shalt  }
0x53: {  	_ =	shalt  }
0x54: {  	_ =	shalt  }
0x55: {  	_ =	shalt  }
0x56: {  	_ =	shalt  }
0x57: {  	_ =	shalt  }
0x58: {  	_ =	shalt  }
0x59: {  	_ =	shalt  }
0x5a: {  	_ =	shalt  }
0x5b: {  	_ =	shalt  }
0x5c: {  	_ =	shalt  }
0x5d: {  	_ =	shalt  }
0x5e: {  	_ =	shalt  }
0x5f: {  	_ =	shalt  }
0x60: {  	_ =	shalt  }
0x61: {  	_ =	shalt  }
0x62: {  	_ =	shalt  }
0x63: {  	_ =	shalt  }
0x64: {  	_ =	shalt  }
0x65: {  	_ =	shalt  }
0x66: {  	_ =	shalt  }
0x67: {  	_ =	shalt  }
0x68: {  	_ =	shalt  }
0x69: {  	_ =	shalt  }
0x6a: {  	_ =	shalt  }
0x6b: {  	_ =	shalt  }
0x6c: {  	_ =	shalt  }
0x6d: {  	_ =	shalt  }
0x6e: {  	_ =	shalt  }
0x6f: {  	_ =	shalt  }
0x70: {  	_ =	shalt  }
0x71: {  	_ =	shalt  }
0x72: {  	_ =	shalt  }
0x73: {  	_ =	shalt  }
0x74: {  	_ =	shalt  }
0x75: {  	_ =	shalt  }
0x76: {  	_ =	shalt  }
0x77: {  	_ =	shalt  }
0x78: {  	_ =	shalt  }
0x79: {  	_ =	shalt  }
0x7a: {  	_ =	shalt  }
0x7b: {  	_ =	shalt  }
0x7c: {  	_ =	shalt  }
0x7d: {  	_ =	shalt  }
0x7e: {  	_ =	shalt  }
0x7f: {  	_ =	shalt  }
0x80: {  	_ =	shalt  }
0x81: {  	_ =	shalt  }
0x82: {  	_ =	shalt  }
0x83: {  	_ =	shalt  }
0x84: {  	_ =	shalt  }
0x85: {  	_ =	shalt  }
0x86: {  	_ =	shalt  }
0x87: {  	_ =	shalt  }
.Lfunc_end0:
.L_simem_size_0:
called_computation_lowered:
.L_overlay_start_0:
0x88: {  	s2 =	sld [smem:$0x3FD9]  }
0x89: {  	s3 =	sld [smem:$0x3FFE];
	_ =	sdelay $0x1  }
0x8a: {  	s1 =	srdreg.scid  }
0x8b: {  	s0 =	sand.u32 $0x1, s1  }
0x8c: {  	s16 =	sshll.u32 s0, $0xA;
	s2 =	sadd.s32 s3, s2  }
0x8d: {  	s2 =	sadd.s32 s2, s16  }
0x8e: {  	[smem:$0x3FC2] =	sst s2  }
0x8f: {  	_ = 	snop  }
0x90: {  	(tm) =	ssettm $0x1  }
0x91: {  	s17 =	sld [smem:$0x3FFB];
	_ =	sdelay $0x3  }
0x92: {  	_ =	strace s17  }
0x93: {  	s2 =	sld [smem:$0x3FFC];
	_ =	sdelay $0x3  }
0x94: {  	_ =	strace s2  }
0x95: {  	s2 =	sld [smem:$0x3FFD];
	_ =	sdelay $0x3  }
0x96: {  	_ =	strace s2  }
0x97: {  	_ =	strace $0x8FFFFFFF  }
0x98: {  	s18 =	sld [smem:$0x3FDB];
	_ =	sdelay $0x1  }
0x99: {  	s19 =	simm.s32 $_scs_section_size  }
0x9a: {  	s4 =	simm.s32 $_size__tile_overlayer_lowered;
	s5 =	simm.s32 $_tile_overlayer_lowered  }
0x9b: {  	s22 =	simm.s32 $0x1BFF;
	s21 =	sshll.u32 s5, $0x1;
	s2 =	sadd.s32 s19, s18  }
0x9c: {  	s6 =	simm.s32 $0x0;
	s20 =	sshll.u32 s4, $0x1;
	s4 =	sadd.s32 s21, s2  }
0x9d: {  	[timem:s6], [sflag:s22] =	dma.local [hbm:s4], s20  }
0x9e: {  	_ =	swait.ge [sflag:s22], s20  }
0x9f: {  	s3 =	ssub.s32 $0x0, s20;
	[sflag:s22] =	ssyncset.done $0x0  }
0xa0: {  	[sflag:s22] =	ssyncadd.s32 s3;
	_ =	sdelay $0x1  }
0xa1: {  	s23 =	simm.s32 $0x1B8B  }
0xa2: {  	_ =	swait.ge [sflag:s23], $0x1  }
0xa3: {  	[sflag:s23] =	ssyncset.done $0x0  }
0xa4: {  	s25 =	simm.s32 $0x1B8E;
	s24 =	sld [smem:$0x3FFE];
	[sflag:s23] =	ssyncadd.s32 $0xFFFFFFFF  }
0xa5: {  	s26 =	simm.s32 $execute0_lowered;
	[smem:$0x3FD2] =	sst s25  }
0xa6: {  	s4 =	sshll.u32 s26, $0x1;
	_ =	strace $0x80000046;
	[dreg:$0x1] =	wrdreg $0xFFFFFFFF  }
0xa7: {  	s28 =	simm.s32 $_size_execute0_lowered;
	s2 =	sadd.s32 s2, s4;
	[dreg:$0x0] =	wrdreg $0x0  }
0xa8: {  	s4 =	sshll.u32 s28, $0x1;
	[dreg:$0x2] =	wrdreg s2  }
0xa9: {  	[dreg:$0x3] =	wrdreg s4  }
0xaa: {  	[dreg:$0x4] =	wrdreg $0xC0  }
0xab: {  	_ =	task [dreg:s6], $0x5FFFF  }
0xac: {  	[dreg:$0x1] =	wrdreg $0xFFFFFFFF  }
0xad: {  	[dreg:$0x0] =	wrdreg $0x60  }
0xae: {  	[dreg:$0x2] =	wrdreg s24  }
0xaf: {  	[dreg:$0x3] =	wrdreg $0x9  }
0xb0: {  	_ =	task.clear_ibuf [dreg:s6], $0x4FFFF;
	_ =	strace $0x90000046  }
0xb1: {  	s29 =	simm.s32 $0x9;
	_ =	strace $0x80000048  }
0xb2: {  	_ =	swait.ge [sflag:s29], $0x1  }
0xb3: {  	[sflag:s29] =	ssyncadd.s32 $0xFFFFFFFF  }
0xb4: {  	_ =	strace $0x90000048  }
0xb5: {  	_ =	sfence  }
0xb6: {  	s30 =	sld [smem:$0x0];
	_ =	sdelay $0x2  }
0xb7: {  	s31 =	sshll.u32 s1, $0xD;
	s1 =	sshrl.u32 s1, $0x2  }
0xb8: {  	s3 =	sand.u32 $0x4000, s31;
	s1 =	sadd.s32 s1, s30  }
0xb9: {  	s0 =	sor.u32 s3, s0;
	s1 =	sshll.u32 s1, $0x11  }
0xba: {  	s0 =	sor.u32 s1, s0  }
0xbb: {  	s0 =	sadd.s32 $0x8F2B, s0  }
0xbc: {  	[sflag:s0] =	ssyncadd.remote.s32 $0x1  }
0xbd: {  	_ =	sfence.sel $0xFFFF  }
0xbe: {  	[dreg:$0x0] =	wrdreg $0xFFFFFFFF;
	(pc) =	sbr.abs _section_cstart, $3  }
0xbf: {  	[dreg:$0x1] =	wrdreg $0xFFFFFFFF  }
0xc0: {  	_ =	task.clear_ibuf [dreg:s6], $0x2FFFF;
	_ =	strace $0x9FFFFFFF  }
0xc1: {  	(tm) =	ssettm $0x7FFFFFFF  }
tec
execute0_lowered:
.L_overlay_start_1:
0x0: {  	(tag) =	ssettag $0x1  }
0x1: {  	s1 =	srdreg.scid;
	s0 =	stileid.u32  }
0x2: {  	s4 =	sand.u32 $0x1, s1;
	s2 =	sshll.u32 s0, $0x1  }
0x3: {  	s3 =	rddreg [dreg:$0x0];
	s5 =	sor.u32 s4, s2  }
0x4: {  	s7 =	simm.s32 $0x1;
	s8 =	simm.s32 $0x0;
	s5 =	smul.u32 $0x500, s5  }
0x5: {  	s1 =	rddreg [dreg:$0x1];
	s2 =	simm.s32 $0x0;
	s4 =	ssub.s32 $0x2, s4  }
0x6: {  	[smem:$0x7FF] =	sst s2;
	s6 =	sshrl.u32 s4, $0x1;
	s5 =	sadd.s32 s5, s3  }
0x7: {  	_ =	strace $0x80000047;
	s6 =	ssub.s32 s4, s6;
	s3 =	sadd.s32 $0x2400, s5  }
0x8: {  	v0 =	vimm.f32 $0.0e+00;
	v1 =	vimm.f32 $1.000000000e+00;
	s4 =	sadd.s32 $0xC400, s5;
	s5 =	smax.u32 s6, $0x1;
	s6 =	simm.s32 $0x2800  }
.LBB2_1:
0x9: {  	[tilespmem:s6], [sflag:$0x1] =	stream.linear.gather [hbm4b:s3+s2], $0x2800, $0x38;
	[tilespmem:$0x5000] =	vst v63  }
0xa: {  	_ =	swait.ge [sflag:s7], $0x2800  }
0xb: {  	[sflag:s7] =	ssyncset.done $0x0  }
0xc: {  	s9 =	simm.s32 $0x0;
	[sflag:s7] =	ssyncadd.s32 $0xFFFFD800  }
.LBB2_2:
0xd: {  	p0 =	sne.s32 s9, $0x9FC0  }
.Ltmp0:
0xe: {  	_ = 	snop;
	(pc) =	sbr.rel @p0 .LBB2_2-.Ltmp0, $3  }
0xf: {  	_ =	sdelay $0x1  }
0x10: {  	s10 =	sshra.s32 s9, $0x2  }
0x11: {  	s9 =	sadd.s32 $0x40, s9;
	[tilespmem:s10+$0x0] =	vst v0  }
0x12: {  	s9 =	simm.s32 $0x1C0  }
.LBB2_4:
0x13: {  	s10 =	sshra.s32 s9, $0x2  }
0x14: {  	v2 =	vld [tilespmem:s10+$0x2790];
	_ =	sdelay $0x7  }
0x15: {  	[tilespmem:v2+s2+$0x0] =	vst.idx.add.f32.msk $0xffff, v1  }
0x16: {  	v2 =	vld [tilespmem:s10+$0x27A0];
	_ =	sdelay $0x7  }
0x17: {  	[tilespmem:v2+s2+$0x0] =	vst.idx.add.f32.msk $0xffff, v1  }
0x18: {  	v2 =	vld [tilespmem:s10+$0x27B0];
	_ =	sdelay $0x7  }
0x19: {  	[tilespmem:v2+s2+$0x0] =	vst.idx.add.f32.msk $0xffff, v1  }
0x1a: {  	v2 =	vld [tilespmem:s10+$0x27C0];
	_ =	sdelay $0x7  }
0x1b: {  	[tilespmem:v2+s2+$0x0] =	vst.idx.add.f32.msk $0xffff, v1  }
0x1c: {  	v2 =	vld [tilespmem:s10+$0x27D0];
	_ =	sdelay $0x7  }
0x1d: {  	[tilespmem:v2+s2+$0x0] =	vst.idx.add.f32.msk $0xffff, v1  }
0x1e: {  	v2 =	vld [tilespmem:s10+$0x27E0];
	_ =	sdelay $0x7  }
0x1f: {  	[tilespmem:v2+s2+$0x0] =	vst.idx.add.f32.msk $0xffff, v1  }
0x20: {  	v2 =	vld [tilespmem:s10+$0x27F0];
	_ =	sdelay $0x7  }
0x21: {  	[tilespmem:v2+s2+$0x0] =	vst.idx.add.f32.msk $0xffff, v1  }
0x22: {  	v2 =	vld [tilespmem:s10+$0x2800];
	_ =	sdelay $0x2  }
0x23: {  	p0 =	sne.s32 s9, $0x9FC0  }
.Ltmp1:
0x24: {  	_ = 	snop;
	(pc) =	sbr.rel @p0 .LBB2_4-.Ltmp1, $2  }
0x25: {  	_ =	sdelay $0x2  }
0x26: {  	s9 =	sadd.s32 $0x200, s9;
	[tilespmem:v2+s2+$0x0] =	vst.idx.add.f32.msk $0xffff, v1  }
0x27: {  	s8 =	sadd.s32 $0x1, s8  }
0x28: {  	p0 =	sne.s32 s8, s5  }
.Ltmp2:
0x29: {  	_ = 	snop;
	(pc) =	sbr.rel @p0 .LBB2_1-.Ltmp2, $4  }
0x2a: {  	[hbm4b:s4+s2] =	stream.linear.scatter [tilespmem:s2], [sflag:$0x1], $0x2800, $0x38;
	[tilespmem:$0x5000] =	vst v63  }
0x2b: {  	_ =	swait.ge [sflag:s7], $0x2800  }
0x2c: {  	[sflag:s7] =	ssyncset.done $0x0  }
0x2d: {  	[sflag:s7] =	ssyncadd.s32 $0xFFFFD800  }
0x2e: {  	_ =	sfence.sel $0x180000  }
0x2f: {  	[bflag:$0x0] =	sbarrier.arrive $0xFFFF  }
0x30: {  	p0 =	sne.s32 s0, $0x0;
	_ =	strace $0x90000047  }
0x31: {  	s0 =	sadd.s32 @!p0 $0x100000, s1;
	[bflag:$0x2] =	sbarrier.arrive $0xFFFF  }
0x32: {  	[sflag:s0] =	ssyncadd.tile.s32 @!p0 $0x1;
	_ =	shalt  }
.Lfunc_end2:
_tile_overlayer_lowered:
.L_overlay_start_2:
0x33: {  	(tag) =	ssettag $0x2  }
0x34: {  	s0 =	rddreg [dreg:$0x0];
	s2 =	stileid.u32  }
0x35: {  	s1 =	rddreg [dreg:$0x1];
	p0 =	sne.s32 s2, $0x0  }
0x36: {  	s3 =	rddreg [dreg:$0x2];
	[bflag:$0x3] =	sbarrier.arrive $0xFFFF;
	s2 =	simm.s32 @!p0 $0x1C01  }
0x37: {  	[timem:s3], [sflag:s2] =	dma.local @!p0 [hbm:s0], s1  }
0x38: {  	s0 =	simm.s32 @!p0 $0x1  }
0x39: {  	_ =	swait.ge @!p0 [sflag:s0], s1  }
0x3a: {  	s1 =	ssub.s32 @!p0 $0x0, s1;
	[sflag:s0] =	ssyncset.done @!p0 $0x0  }
0x3b: {  	[sflag:s0] =	ssyncadd.s32 @!p0 s1  }
0x3c: {  	[bflag:$0x3] =	sbarrier.arrive $0xFFFF  }
0x3d: {  	_ =	shalt  }

</sc_bundles>
